<compile_context>
chip_gen: v7x
topology: tpu7x:2x2x1
jax: 0.10.2.dev20260603
libtpu: 0.0.44.dev20260713+nightly
codegen_flags: <defaults>
</compile_context>

<pallas_src>
import functools

import jax
import jax.numpy as jnp
from jax import lax
from jax.experimental import pallas as pl
from jax.experimental.pallas import tpu as pltpu
from jax.experimental.pallas import tpu_sc as plsc

N = 10000
E = 320000
D_IN = 128
H = 32
B = 16
A_DIM = 8
R_DIM = 4
NET = 256
W128 = 128
DW = 8

NC = 2
NS = 16
NW = NC * NS
CH = 128
NCHUNK = 80
EPT = NCHUNK * CH
EPAD = NW * EPT
NP = 10112
RZ = NP // NS
NLAST = N - (NS - 1) * RZ

NBUF = 8
LA = 3

RB = 2000
NG = N // RB
EROWS = E // CH
SROWS = NW * NCHUNK
ERB = EROWS // NG
SRB = SROWS // NG

_MESH = plsc.VectorSubcoreMesh(
    core_axis_name="c", subcore_axis_name="s", num_cores=NC, num_subcores=NS)


def _sc_edge_body(with_deg, src_hbm, dst_hbm, g_hbm, zeros_hbm, *rest):
    if with_deg:
        (ones_hbm, out_hbm,
         acc_sp, deg_sp, g_sp, src_v, dst_v, rows_v, ones_v, sems, dsem) = rest
    else:
        (out_hbm, acc_sp, g_sp, src_v, dst_v, rows_v, sems) = rest
    c = lax.axis_index("c")
    s = lax.axis_index("s")
    wid = c * NS + s

    gsems, ssems = sems
    psem = gsems.at[NBUF - 1]
    pro = [
        pltpu.async_copy(zeros_hbm.at[pl.ds(s * RZ, RZ)],
                         acc_sp.at[pl.ds(s * RZ, RZ)], psem),
        pltpu.async_copy(src_hbm.at[pl.ds(wid * NCHUNK, NCHUNK)], src_v, psem),
        pltpu.async_copy(dst_hbm.at[pl.ds(wid * NCHUNK, NCHUNK)], dst_v, psem),
    ]

    @pl.when(s < NS - 1)
    def _stage():
        pltpu.async_copy(g_hbm.at[pl.ds(s * RZ, RZ), pl.ds(0, H)],
                         g_sp.at[pl.ds(s * RZ, RZ)], psem)

    @pl.when(s == NS - 1)
    def _stage_last():
        pltpu.async_copy(g_hbm.at[pl.ds((NS - 1) * RZ, NLAST), pl.ds(0, H)],
                         g_sp.at[pl.ds((NS - 1) * RZ, NLAST)], psem)

    if with_deg:
        pro.append(pltpu.async_copy(zeros_hbm.at[pl.ds(s * RZ, RZ), pl.ds(0, DW)],
                                    deg_sp.at[pl.ds(s * RZ, RZ)], psem))
        pro.append(pltpu.async_copy(ones_hbm, ones_v, psem))
    for d in pro:
        d.wait()

    @pl.when(s < NS - 1)
    def _stage_wait():
        pltpu.make_async_copy(g_hbm.at[pl.ds(s * RZ, RZ), pl.ds(0, H)],
                              g_sp.at[pl.ds(s * RZ, RZ)], psem).wait()

    @pl.when(s == NS - 1)
    def _stage_wait_last():
        pltpu.make_async_copy(
            g_hbm.at[pl.ds((NS - 1) * RZ, NLAST), pl.ds(0, H)],
            g_sp.at[pl.ds((NS - 1) * RZ, NLAST)], psem).wait()
    plsc.subcore_barrier()

    for p in range(LA):
        pltpu.async_copy(g_sp.at[src_v.at[p]], rows_v.at[p], gsems.at[p])

    def outer(jj, carry):
        for b in range(NBUF):
            i = jj * NBUF + b
            bn = (b + LA) % NBUF

            @pl.when(jnp.logical_and(i >= NBUF - LA, i + LA < NCHUNK))
            def _drain():
                pltpu.make_async_copy(
                    rows_v.at[bn], acc_sp.at[dst_v.at[i]], ssems.at[bn]).wait()

            @pl.when(i + LA < NCHUNK)
            def _fire():
                pltpu.async_copy(
                    g_sp.at[src_v.at[i + LA]], rows_v.at[bn], gsems.at[bn])

            pltpu.make_async_copy(
                g_sp.at[src_v.at[i]], rows_v.at[b], gsems.at[b]).wait()
            pltpu.async_copy(rows_v.at[b], acc_sp.at[dst_v.at[i]],
                             ssems.at[b], add=True)
            if with_deg:
                pltpu.async_copy(ones_v, deg_sp.at[dst_v.at[i]],
                                 dsem, add=True)
        return carry

    lax.fori_loop(0, NCHUNK // NBUF, outer, 0)

    for b in range(NBUF):
        pltpu.make_async_copy(
            rows_v.at[b], acc_sp.at[dst_v.at[0]], ssems.at[b]).wait()
    if with_deg:
        def drain_deg(i, carry):
            pltpu.make_async_copy(
                ones_v, deg_sp.at[dst_v.at[0]], dsem).wait()
            return carry
        lax.fori_loop(0, NCHUNK, drain_deg, 0)
    plsc.subcore_barrier()

    for cc in range(NC):
        @pl.when(c == cc)
        def _copy_out(cc=cc):
            pltpu.sync_copy(acc_sp.at[pl.ds(s * RZ, RZ)],
                            out_hbm.at[pl.ds(s * RZ, RZ), pl.ds(cc * 64, H)])
            if with_deg:
                pltpu.sync_copy(
                    deg_sp.at[pl.ds(s * RZ, RZ)],
                    out_hbm.at[pl.ds(s * RZ, RZ), pl.ds(cc * 64 + H, DW)])


_sc_scatter_deg = pl.kernel(
    functools.partial(_sc_edge_body, True),
    out_type=jax.ShapeDtypeStruct((NP, W128), jnp.float32),
    mesh=_MESH,
    compiler_params=pltpu.CompilerParams(use_tc_tiling_on_sc=False),
    scratch_types=[
        pltpu.VMEM_SHARED((NP, H), jnp.float32),
        pltpu.VMEM_SHARED((NP, DW), jnp.float32),
        pltpu.VMEM_SHARED((N, H), jnp.float32),
        pltpu.VMEM((NCHUNK, CH), jnp.int32),
        pltpu.VMEM((NCHUNK, CH), jnp.int32),
        pltpu.VMEM((NBUF, CH, H), jnp.float32),
        pltpu.VMEM((CH, DW), jnp.float32),
        (pltpu.SemaphoreType.DMA((NBUF,)), pltpu.SemaphoreType.DMA((NBUF,))),
        pltpu.SemaphoreType.DMA,
    ],
)

_sc_scatter = pl.kernel(
    functools.partial(_sc_edge_body, False),
    out_type=jax.ShapeDtypeStruct((NP, W128), jnp.float32),
    mesh=_MESH,
    compiler_params=pltpu.CompilerParams(use_tc_tiling_on_sc=False),
    scratch_types=[
        pltpu.VMEM_SHARED((NP, H), jnp.float32),
        pltpu.VMEM_SHARED((N, H), jnp.float32),
        pltpu.VMEM((NCHUNK, CH), jnp.int32),
        pltpu.VMEM((NCHUNK, CH), jnp.int32),
        pltpu.VMEM((NBUF, CH, H), jnp.float32),
        (pltpu.SemaphoreType.DMA((NBUF,)), pltpu.SemaphoreType.DMA((NBUF,))),
    ],
)



def _col32():
    return (lax.broadcasted_iota(jnp.int32, (1, W128), 1) == H).astype(
        jnp.float32)


def _tc1_body(x_ref, wn_ref, es_ref, ed_ref, g_ref, so_ref, do_ref):
    g_ref[...] = jnp.dot(x_ref[...], wn_ref[...],
                         preferred_element_type=jnp.float32)
    row = (lax.broadcasted_iota(jnp.int32, (SRB, CH), 0)
           + pl.program_id(0) * SRB)
    lane = lax.broadcasted_iota(jnp.int32, (SRB, CH), 1)
    valid = row < EROWS
    so_ref[...] = jnp.where(valid, es_ref[...], 0)
    do_ref[...] = jnp.where(valid, ed_ref[...], N + (lane % 16))


def _tc2_body(x_ref, sd_ref, ws0_ref, b_ref, wsn_ref, wnn_ref, hs_ref, g_ref):
    ssum = sd_ref[:, :H] + sd_ref[:, 64:64 + H]
    deg = sd_ref[:, H:H + 1] + sd_ref[:, 96:97]
    dinv = 1.0 / jnp.maximum(deg, 1.0)
    xs = jnp.dot(x_ref[...], ws0_ref[...], preferred_element_type=jnp.float32)
    h = jnp.maximum(xs + ssum * dinv + b_ref[...], 0.0)
    hs_ref[...] = (jnp.dot(h, wsn_ref[...], preferred_element_type=jnp.float32)
                   + dinv * _col32())
    g_ref[...] = jnp.dot(h, wnn_ref[...], preferred_element_type=jnp.float32)


def _tc3_body(hs_ref, sp_ref, b_ref, wsn_ref, wnn_ref, hs2_ref, g2_ref):
    ssum = sp_ref[:, :H] + sp_ref[:, 64:64 + H]
    dinv = hs_ref[:, H:H + 1]
    h = jnp.maximum(hs_ref[:, :H] + ssum * dinv + b_ref[...], 0.0)
    hs2_ref[...] = (jnp.dot(h, wsn_ref[...], preferred_element_type=jnp.float32)
                    + dinv * _col32())
    g2_ref[...] = jnp.dot(h, wnn_ref[...], preferred_element_type=jnp.float32)


def _tc4_body(hs_ref, sp_ref, b_ref, mask_ref, a2_ref,
              wc1h_ref, wc1a_ref, bc1_ref, wc2_ref, bc2_ref, wc3_ref, bc3_ref,
              q_ref, acc_ref, cnt_ref):
    i = pl.program_id(0)
    ssum = sp_ref[:, :H] + sp_ref[:, 64:64 + H]
    dinv = hs_ref[:, H:H + 1]
    h3 = jnp.maximum(hs_ref[:, :H] + ssum * dinv + b_ref[...], 0.0)
    m = mask_ref[:, :B]
    dn = (((0,), (0,)), ((), ()))
    pacc = lax.dot_general(m, h3, dn,
                           preferred_element_type=jnp.float32)
    pcnt = lax.dot_general(m, jnp.ones((RB, 1), jnp.float32), dn,
                           preferred_element_type=jnp.float32)

    @pl.when(i == 0)
    def _init():
        acc_ref[...] = pacc
        cnt_ref[...] = pcnt

    @pl.when(i > 0)
    def _accum():
        acc_ref[...] += pacc
        cnt_ref[...] += pcnt

    @pl.when(i == NG - 1)
    def _finish():
        nf = acc_ref[...] / jnp.maximum(cnt_ref[...], 1.0)
        z = jnp.dot(nf, wc1h_ref[...], preferred_element_type=jnp.float32)
        z = z + jnp.dot(a2_ref[...], wc1a_ref[...],
                        preferred_element_type=jnp.float32) + bc1_ref[...]
        z = jnp.maximum(z, 0.0)
        z = jnp.maximum(jnp.dot(z, wc2_ref[...],
                                preferred_element_type=jnp.float32)
                        + bc2_ref[...], 0.0)
        q_ref[...] = jnp.dot(z, wc3_ref[...],
                             preferred_element_type=jnp.float32) + bc3_ref[...]


def _row_spec(cols):
    return pl.BlockSpec((RB, cols), lambda i: (i, 0))


def _full_spec(shape):
    nd = len(shape)
    return pl.BlockSpec(shape, lambda i, _nd=nd: (0,) * _nd)


def _part_spec():
    return pl.BlockSpec((RB, W128), lambda i: (i, 0))


_tc1 = pl.pallas_call(
    _tc1_body,
    grid=(NG,),
    in_specs=[_row_spec(D_IN), _full_spec((D_IN, W128)),
              pl.BlockSpec((SRB, CH), lambda i: (i, 0)),
              pl.BlockSpec((SRB, CH), lambda i: (i, 0))],
    out_specs=(_row_spec(W128),
               pl.BlockSpec((SRB, CH), lambda i: (i, 0)),
               pl.BlockSpec((SRB, CH), lambda i: (i, 0))),
    out_shape=(jax.ShapeDtypeStruct((N, W128), jnp.float32),
               jax.ShapeDtypeStruct((SROWS, CH), jnp.int32),
               jax.ShapeDtypeStruct((SROWS, CH), jnp.int32)),
    compiler_params=pltpu.CompilerParams(
        dimension_semantics=("parallel",)),
)

_tc2 = pl.pallas_call(
    _tc2_body,
    grid=(NG,),
    in_specs=[_row_spec(D_IN), _part_spec(), _full_spec((D_IN, H)),
              _full_spec((1, H)),
              _full_spec((H, W128)), _full_spec((H, W128))],
    out_specs=(_row_spec(W128), _row_spec(W128)),
    out_shape=(jax.ShapeDtypeStruct((N, W128), jnp.float32),
               jax.ShapeDtypeStruct((N, W128), jnp.float32)),
    compiler_params=pltpu.CompilerParams(
        dimension_semantics=("parallel",)),
)

_tc3 = pl.pallas_call(
    _tc3_body,
    grid=(NG,),
    in_specs=[_row_spec(W128), _part_spec(), _full_spec((1, H)),
              _full_spec((H, W128)), _full_spec((H, W128))],
    out_specs=(_row_spec(W128), _row_spec(W128)),
    out_shape=(jax.ShapeDtypeStruct((N, W128), jnp.float32),
               jax.ShapeDtypeStruct((N, W128), jnp.float32)),
    compiler_params=pltpu.CompilerParams(
        dimension_semantics=("parallel",)),
)

_tc4 = pl.pallas_call(
    _tc4_body,
    grid=(NG,),
    in_specs=[_row_spec(W128), _part_spec(), _full_spec((1, H)),
              _row_spec(W128), _full_spec((B, A_DIM)),
              _full_spec((H, NET)), _full_spec((A_DIM, NET)),
              _full_spec((1, NET)), _full_spec((NET, NET)),
              _full_spec((1, NET)), _full_spec((NET, R_DIM)),
              _full_spec((1, R_DIM))],
    out_specs=_full_spec((B, R_DIM)),
    out_shape=jax.ShapeDtypeStruct((B, R_DIM), jnp.float32),
    scratch_shapes=[pltpu.VMEM((B, H), jnp.float32),
                    pltpu.VMEM((B, 1), jnp.float32)],
    compiler_params=pltpu.CompilerParams(
        dimension_semantics=("arbitrary",)),
)


def _pad128(w):
    return jnp.pad(w, ((0, 0), (0, W128 - w.shape[1])))


def kernel(x, edge_index, node_graph_ids, a,
           Wself0, Wneigh0, b0, Wself1, Wneigh1, b1, Wself2, Wneigh2, b2,
           Wc1, bc1, Wc2, bc2, Wc3, bc3):
    zeros = jnp.zeros((NP, H), jnp.float32)
    ones = jnp.ones((CH, DW), jnp.float32)

    g0, src, dst = _tc1(x, _pad128(Wneigh0),
                        edge_index[0].reshape(EROWS, CH),
                        edge_index[1].reshape(EROWS, CH))
    sd0 = _sc_scatter_deg(src, dst, g0, zeros, ones)
    h1s, g1 = _tc2(x, sd0, Wself0, b0.reshape(1, H),
                   _pad128(Wself1), _pad128(Wneigh1))
    s1 = _sc_scatter(src, dst, g1, zeros)
    h2s, g2 = _tc3(h1s, s1, b1.reshape(1, H),
                   _pad128(Wself2), _pad128(Wneigh2))
    s2 = _sc_scatter(src, dst, g2, zeros)

    mask = (node_graph_ids[:, None]
            == jnp.arange(W128, dtype=jnp.int32)[None, :]).astype(jnp.float32)
    a2 = jnp.squeeze(a, -1)
    q = _tc4(h2s, s2, b2.reshape(1, H), mask, a2,
             Wc1[:H], Wc1[H:], bc1.reshape(1, NET), Wc2,
             bc2.reshape(1, NET), Wc3, bc3.reshape(1, R_DIM))
    return q

# --- scband reference (transcript-rebuilt; emitter-appended) ---
"""Pipeline reference for scband-mosoft-qnetwork-75935021793657 (READ-ONLY COPY).

The authoritative reference and input builder live on the scoring server;
editing this copy changes nothing except your own understanding.
"""

import jax, jax.numpy as jnp
import numpy as np

N = 10000
E = 320000
D_IN = 128
H = 32
B = 16
A_DIM = 8
R_DIM = 4
NET = 256


def _init_w(key, fan_in, fan_out):
    return jax.random.normal(key, (fan_in, fan_out), dtype=jnp.float32) * (1.0 / np.sqrt(fan_in))


def setup_inputs(seed: int = 0) -> dict:
    key = jax.random.key(seed)
    ks = jax.random.split(key, 20)
    x = jax.random.normal(ks[0], (N, D_IN), dtype=jnp.float32)
    edge_index = jax.random.randint(ks[1], (2, E), 0, N, dtype=jnp.int32)
    node_graph_ids = jnp.sort(jax.random.randint(ks[2], (N,), 0, B, dtype=jnp.int32))
    a = jax.random.normal(ks[3], (B, A_DIM, 1), dtype=jnp.float32)
    # MultiLayerTimingGNN(3, 32): 3 message-passing layers with hidden width 32
    Wself0 = _init_w(ks[4], D_IN, H); Wneigh0 = _init_w(ks[5], D_IN, H); b0 = jnp.zeros((H,), jnp.float32)
    Wself1 = _init_w(ks[6], H, H); Wneigh1 = _init_w(ks[7], H, H); b1 = jnp.zeros((H,), jnp.float32)
    Wself2 = _init_w(ks[8], H, H); Wneigh2 = _init_w(ks[9], H, H); b2 = jnp.zeros((H,), jnp.float32)
    # critic MLP: (32 + action_dim) -> 256 -> 256 -> reward_dim
    Wc1 = _init_w(ks[10], H + A_DIM, NET); bc1 = jnp.zeros((NET,), jnp.float32)
    Wc2 = _init_w(ks[11], NET, NET); bc2 = jnp.zeros((NET,), jnp.float32)
    Wc3 = _init_w(ks[12], NET, R_DIM); bc3 = jnp.zeros((R_DIM,), jnp.float32)
    return {
        "x": x, "edge_index": edge_index, "node_graph_ids": node_graph_ids, "a": a,
        "Wself0": Wself0, "Wneigh0": Wneigh0, "b0": b0,
        "Wself1": Wself1, "Wneigh1": Wneigh1, "b1": b1,
        "Wself2": Wself2, "Wneigh2": Wneigh2, "b2": b2,
        "Wc1": Wc1, "bc1": bc1, "Wc2": Wc2, "bc2": bc2, "Wc3": Wc3, "bc3": bc3,
    }


def reference(x, edge_index, node_graph_ids, a,
              Wself0, Wneigh0, b0, Wself1, Wneigh1, b1, Wself2, Wneigh2, b2,
              Wc1, bc1, Wc2, bc2, Wc3, bc3):
    src = edge_index[0]
    dst = edge_index[1]
    deg = jax.ops.segment_sum(jnp.ones((E,), jnp.float32), dst, num_segments=N)
    deg = jnp.maximum(deg, 1.0)[:, None]
    h = x
    for Ws, Wn, b in ((Wself0, Wneigh0, b0), (Wself1, Wneigh1, b1), (Wself2, Wneigh2, b2)):
        msgs = jnp.take(h, src, axis=0)
        agg = jax.ops.segment_sum(msgs, dst, num_segments=N) / deg
        h = jax.nn.relu(h @ Ws + agg @ Wn + b)
    # dgl.mean_nodes: per-graph mean over nodes
    cnt = jax.ops.segment_sum(jnp.ones((N,), jnp.float32), node_graph_ids, num_segments=B)
    cnt = jnp.maximum(cnt, 1.0)[:, None]
    nf = jax.ops.segment_sum(h, node_graph_ids, num_segments=B) / cnt
    a2 = jnp.squeeze(a, -1)
    z = jnp.concatenate([nf, a2], axis=1)
    z = jax.nn.relu(z @ Wc1 + bc1)
    z = jax.nn.relu(z @ Wc2 + bc2)
    q = z @ Wc3 + bc3
    return q

if __name__ == "__main__":
    import jax
    _d = setup_inputs()
    print(jax.jit(kernel)(*tuple(_d.values())))

</pallas_src>

<mosaic_0001>
#map = affine_map<(d0, d1) -> (0, 0)>
module attributes {stable_mosaic.version = 14 : i64} {
  func.func @_sc_edge_body(%arg0: i32, %arg1: i32, %arg2: memref<2560x128xi32, #tpu.memory_space<hbm>>, %arg3: memref<2560x128xi32, #tpu.memory_space<hbm>>, %arg4: memref<10000x128xf32, #tpu.memory_space<hbm>>, %arg5: memref<10112x32xf32, #tpu.memory_space<hbm>>, %arg6: memref<128x8xf32, #tpu.memory_space<hbm>>, %arg7: memref<10112x128xf32, #tpu.memory_space<hbm>>, %arg8: memref<10112x32xf32, #tpu.memory_space<vmem_shared>>, %arg9: memref<10112x8xf32, #tpu.memory_space<vmem_shared>>, %arg10: memref<10000x32xf32, #tpu.memory_space<vmem_shared>>, %arg11: memref<80x128xi32, #tpu.memory_space<vmem>>, %arg12: memref<80x128xi32, #tpu.memory_space<vmem>>, %arg13: memref<8x128x32xf32, #tpu.memory_space<vmem>>, %arg14: memref<128x8xf32, #tpu.memory_space<vmem>>, %arg15: memref<8x!tpu.dma_semaphore, #tpu.memory_space<semaphore_mem>>, %arg16: memref<8x!tpu.dma_semaphore, #tpu.memory_space<semaphore_mem>>, %arg17: memref<!tpu.dma_semaphore, #tpu.memory_space<semaphore_mem>>) attributes {dimension_semantics = [#tpu.dimension_semantics<core_parallel>, #tpu.dimension_semantics<subcore_parallel>], iteration_bounds = array<i64: 2, 16>, scalar_prefetch = 0 : i64, scratch_operands = 10 : i64, tpu.core_type = #tpu.core_type<sc_vector_subcore>, window_params = [{transform_indices = #map}, {transform_indices = #map}, {transform_indices = #map}, {transform_indices = #map}, {transform_indices = #map}, {transform_indices = #map}]} {
    %mul3A = arith.constant 16 : i32
    %mul3A_0 = arith.muli %arg0, %mul3A : i32
    %add3A = arith.addi %mul3A_0, %arg1 : i32
    %mul3A_1 = arith.constant 632 : i32
    %mul3A_2 = arith.muli %arg1, %mul3A_1 : i32
    %mul3A_3 = arith.constant 632 : i32
    %mul3A_4 = arith.muli %arg1, %mul3A_3 : i32
    %dma_start3A = arith.constant 7 : i32
    %dma_start3A_5 = tpu.memref_slice %arg15[%dma_start3A] : memref<8x!tpu.dma_semaphore, #tpu.memory_space<semaphore_mem>> -> memref<1x!tpu.dma_semaphore, #tpu.memory_space<semaphore_mem>>
    %dma_start3A_6 = tpu.memref_squeeze %dma_start3A_5 : memref<1x!tpu.dma_semaphore, #tpu.memory_space<semaphore_mem>> -> memref<!tpu.dma_semaphore, #tpu.memory_space<semaphore_mem>>
    %dma_start3A_7 = arith.constant 0 : i32
    %dma_start3A_8 = tpu.memref_slice %arg8[%mul3A_4, %dma_start3A_7] : memref<10112x32xf32, #tpu.memory_space<vmem_shared>> -> memref<632x32xf32, #tpu.memory_space<vmem_shared>>
    %dma_start3A_9 = arith.constant 0 : i32
    %dma_start3A_10 = tpu.memref_slice %arg5[%mul3A_2, %dma_start3A_9] : memref<10112x32xf32, #tpu.memory_space<hbm>> -> memref<632x32xf32, #tpu.memory_space<hbm>>
    tpu.enqueue_dma source(%dma_start3A_10 : memref<632x32xf32, #tpu.memory_space<hbm>>) target(%dma_start3A_8 : memref<632x32xf32, #tpu.memory_space<vmem_shared>>) target_semaphore(%dma_start3A_6 : memref<!tpu.dma_semaphore, #tpu.memory_space<semaphore_mem>>)
    %mul3A_11 = arith.constant 80 : i32
    %mul3A_12 = arith.muli %add3A, %mul3A_11 : i32
    %dma_start3A_13 = arith.constant 7 : i32
    %dma_start3A_14 = arith.constant 0 : i32
    %dma_start3A_15 = tpu.memref_slice %arg2[%mul3A_12, %dma_start3A_14] : memref<2560x128xi32, #tpu.memory_space<hbm>> -> memref<80x128xi32, #tpu.memory_space<hbm>>
    %dma_start3A_16 = tpu.memref_slice %arg15[%dma_start3A_13] : memref<8x!tpu.dma_semaphore, #tpu.memory_space<semaphore_mem>> -> memref<1x!tpu.dma_semaphore, #tpu.memory_space<semaphore_mem>>
    %dma_start3A_17 = tpu.memref_squeeze %dma_start3A_16 : memref<1x!tpu.dma_semaphore, #tpu.memory_space<semaphore_mem>> -> memref<!tpu.dma_semaphore, #tpu.memory_space<semaphore_mem>>
    %dma_start3A_18 = arith.constant 0 : i32
    %dma_start3A_19 = tpu.memref_slice %arg2[%mul3A_12, %dma_start3A_18] : memref<2560x128xi32, #tpu.memory_space<hbm>> -> memref<80x128xi32, #tpu.memory_space<hbm>>
    tpu.enqueue_dma source(%dma_start3A_19 : memref<80x128xi32, #tpu.memory_space<hbm>>) target(%arg11 : memref<80x128xi32, #tpu.memory_space<vmem>>) target_semaphore(%dma_start3A_17 : memref<!tpu.dma_semaphore, #tpu.memory_space<semaphore_mem>>)
    %mul3A_20 = arith.constant 80 : i32
    %mul3A_21 = arith.muli %add3A, %mul3A_20 : i32
    %dma_start3A_22 = arith.constant 7 : i32
    %dma_start3A_23 = arith.constant 0 : i32
    %dma_start3A_24 = tpu.memref_slice %arg3[%mul3A_21, %dma_start3A_23] : memref<2560x128xi32, #tpu.memory_space<hbm>> -> memref<80x128xi32, #tpu.memory_space<hbm>>
    %dma_start3A_25 = tpu.memref_slice %arg15[%dma_start3A_22] : memref<8x!tpu.dma_semaphore, #tpu.memory_space<semaphore_mem>> -> memref<1x!tpu.dma_semaphore, #tpu.memory_space<semaphore_mem>>
    %dma_start3A_26 = tpu.memref_squeeze %dma_start3A_25 : memref<1x!tpu.dma_semaphore, #tpu.memory_space<semaphore_mem>> -> memref<!tpu.dma_semaphore, #tpu.memory_space<semaphore_mem>>
    %dma_start3A_27 = arith.constant 0 : i32
    %dma_start3A_28 = tpu.memref_slice %arg3[%mul3A_21, %dma_start3A_27] : memref<2560x128xi32, #tpu.memory_space<hbm>> -> memref<80x128xi32, #tpu.memory_space<hbm>>
    tpu.enqueue_dma source(%dma_start3A_28 : memref<80x128xi32, #tpu.memory_space<hbm>>) target(%arg12 : memref<80x128xi32, #tpu.memory_space<vmem>>) target_semaphore(%dma_start3A_26 : memref<!tpu.dma_semaphore, #tpu.memory_space<semaphore_mem>>)
    %lt3A = arith.constant 15 : i32
    %lt3A_29 = arith.cmpi slt, %arg1, %lt3A : i32
    %convert_element_type3A = arith.extui %lt3A_29 : i1 to i32
    %cond3A = arith.constant 7 : i32
    %cond3A_30 = arith.constant 0 : i32
    %cond3A_31 = arith.cmpi ne, %convert_element_type3A, %cond3A_30 : i32
    scf.if %cond3A_31 {
      %mul3A_280 = arith.constant 632 : i32
      %mul3A_281 = arith.muli %arg1, %mul3A_280 : i32
      %mul3A_282 = arith.constant 632 : i32
      %mul3A_283 = arith.muli %arg1, %mul3A_282 : i32
      %dma_start3A_284 = tpu.memref_slice %arg15[%cond3A] : memref<8x!tpu.dma_semaphore, #tpu.memory_space<semaphore_mem>> -> memref<1x!tpu.dma_semaphore, #tpu.memory_space<semaphore_mem>>
      %dma_start3A_285 = tpu.memref_squeeze %dma_start3A_284 : memref<1x!tpu.dma_semaphore, #tpu.memory_space<semaphore_mem>> -> memref<!tpu.dma_semaphore, #tpu.memory_space<semaphore_mem>>
      %dma_start3A_286 = arith.constant 0 : i32
      %dma_start3A_287 = tpu.memref_slice %arg10[%mul3A_283, %dma_start3A_286] : memref<10000x32xf32, #tpu.memory_space<vmem_shared>> -> memref<632x32xf32, #tpu.memory_space<vmem_shared>>
      %dma_start3A_288 = arith.constant 0 : i32
      %dma_start3A_289 = tpu.memref_slice %arg4[%mul3A_281, %dma_start3A_288] : memref<10000x128xf32, #tpu.memory_space<hbm>> -> memref<632x32xf32, #tpu.memory_space<hbm>>
      tpu.enqueue_dma source(%dma_start3A_289 : memref<632x32xf32, #tpu.memory_space<hbm>>) target(%dma_start3A_287 : memref<632x32xf32, #tpu.memory_space<vmem_shared>>) target_semaphore(%dma_start3A_285 : memref<!tpu.dma_semaphore, #tpu.memory_space<semaphore_mem>>)
    } else {
    }
    %eq3A = arith.constant 15 : i32
    %eq3A_32 = arith.cmpi eq, %arg1, %eq3A : i32
    %convert_element_type3A_33 = arith.extui %eq3A_32 : i1 to i32
    %cond3A_34 = arith.constant 7 : i32
    %cond3A_35 = arith.constant 0 : i32
    %cond3A_36 = arith.cmpi ne, %convert_element_type3A_33, %cond3A_35 : i32
    scf.if %cond3A_36 {
      %dma_start3A_280 = tpu.memref_slice %arg15[%cond3A_34] : memref<8x!tpu.dma_semaphore, #tpu.memory_space<semaphore_mem>> -> memref<1x!tpu.dma_semaphore, #tpu.memory_space<semaphore_mem>>
      %dma_start3A_281 = tpu.memref_squeeze %dma_start3A_280 : memref<1x!tpu.dma_semaphore, #tpu.memory_space<semaphore_mem>> -> memref<!tpu.dma_semaphore, #tpu.memory_space<semaphore_mem>>
      %dma_start3A_282 = arith.constant 9480 : i32
      %dma_start3A_283 = arith.constant 0 : i32
      %dma_start3A_284 = tpu.memref_slice %arg10[%dma_start3A_282, %dma_start3A_283] : memref<10000x32xf32, #tpu.memory_space<vmem_shared>> -> memref<520x32xf32, #tpu.memory_space<vmem_shared>>
      %dma_start3A_285 = arith.constant 9480 : i32
      %dma_start3A_286 = arith.constant 0 : i32
      %dma_start3A_287 = tpu.memref_slice %arg4[%dma_start3A_285, %dma_start3A_286] : memref<10000x128xf32, #tpu.memory_space<hbm>> -> memref<520x32xf32, #tpu.memory_space<hbm>>
      tpu.enqueue_dma source(%dma_start3A_287 : memref<520x32xf32, #tpu.memory_space<hbm>>) target(%dma_start3A_284 : memref<520x32xf32, #tpu.memory_space<vmem_shared>>) target_semaphore(%dma_start3A_281 : memref<!tpu.dma_semaphore, #tpu.memory_space<semaphore_mem>>)
    } else {
    }
    %mul3A_37 = arith.constant 632 : i32
    %mul3A_38 = arith.muli %arg1, %mul3A_37 : i32
    %mul3A_39 = arith.constant 632 : i32
    %mul3A_40 = arith.muli %arg1, %mul3A_39 : i32
    %dma_start3A_41 = arith.constant 7 : i32
    %dma_start3A_42 = tpu.memref_slice %arg15[%dma_start3A_41] : memref<8x!tpu.dma_semaphore, #tpu.memory_space<semaphore_mem>> -> memref<1x!tpu.dma_semaphore, #tpu.memory_space<semaphore_mem>>
    %dma_start3A_43 = tpu.memref_squeeze %dma_start3A_42 : memref<1x!tpu.dma_semaphore, #tpu.memory_space<semaphore_mem>> -> memref<!tpu.dma_semaphore, #tpu.memory_space<semaphore_mem>>
    %dma_start3A_44 = arith.constant 0 : i32
    %dma_start3A_45 = tpu.memref_slice %arg9[%mul3A_40, %dma_start3A_44] : memref<10112x8xf32, #tpu.memory_space<vmem_shared>> -> memref<632x8xf32, #tpu.memory_space<vmem_shared>>
    %dma_start3A_46 = arith.constant 0 : i32
    %dma_start3A_47 = tpu.memref_slice %arg5[%mul3A_38, %dma_start3A_46] : memref<10112x32xf32, #tpu.memory_space<hbm>> -> memref<632x8xf32, #tpu.memory_space<hbm>>
    tpu.enqueue_dma source(%dma_start3A_47 : memref<632x8xf32, #tpu.memory_space<hbm>>) target(%dma_start3A_45 : memref<632x8xf32, #tpu.memory_space<vmem_shared>>) target_semaphore(%dma_start3A_43 : memref<!tpu.dma_semaphore, #tpu.memory_space<semaphore_mem>>)
    %dma_start3A_48 = arith.constant 7 : i32
    %dma_start3A_49 = tpu.memref_slice %arg15[%dma_start3A_48] : memref<8x!tpu.dma_semaphore, #tpu.memory_space<semaphore_mem>> -> memref<1x!tpu.dma_semaphore, #tpu.memory_space<semaphore_mem>>
    %dma_start3A_50 = tpu.memref_squeeze %dma_start3A_49 : memref<1x!tpu.dma_semaphore, #tpu.memory_space<semaphore_mem>> -> memref<!tpu.dma_semaphore, #tpu.memory_space<semaphore_mem>>
    tpu.enqueue_dma source(%arg6 : memref<128x8xf32, #tpu.memory_space<hbm>>) target(%arg14 : memref<128x8xf32, #tpu.memory_space<vmem>>) target_semaphore(%dma_start3A_50 : memref<!tpu.dma_semaphore, #tpu.memory_space<semaphore_mem>>)
    %dma_wait3A = arith.constant 7 : i32
    %dma_wait3A_51 = tpu.memref_slice %arg15[%dma_wait3A] : memref<8x!tpu.dma_semaphore, #tpu.memory_space<semaphore_mem>> -> memref<1x!tpu.dma_semaphore, #tpu.memory_space<semaphore_mem>>
    %dma_wait3A_52 = tpu.memref_squeeze %dma_wait3A_51 : memref<1x!tpu.dma_semaphore, #tpu.memory_space<semaphore_mem>> -> memref<!tpu.dma_semaphore, #tpu.memory_space<semaphore_mem>>
    %dma_wait3A_53 = arith.constant 0 : i32
    %dma_wait3A_54 = tpu.memref_slice %arg8[%mul3A_4, %dma_wait3A_53] : memref<10112x32xf32, #tpu.memory_space<vmem_shared>> -> memref<632x32xf32, #tpu.memory_space<vmem_shared>>
    %dma_wait3A_55 = arith.constant 0 : i32
    %dma_wait3A_56 = tpu.memref_slice %arg5[%mul3A_2, %dma_wait3A_55] : memref<10112x32xf32, #tpu.memory_space<hbm>> -> memref<632x32xf32, #tpu.memory_space<hbm>>
    tpu.wait_dma2 semaphore(%dma_wait3A_52 : memref<!tpu.dma_semaphore, #tpu.memory_space<semaphore_mem>>) src(%dma_wait3A_56 : memref<632x32xf32, #tpu.memory_space<hbm>>) dst(%dma_wait3A_54 : memref<632x32xf32, #tpu.memory_space<vmem_shared>>)
    %dma_wait3A_57 = arith.constant 7 : i32
    %dma_wait3A_58 = arith.constant 0 : i32
    %dma_wait3A_59 = tpu.memref_slice %arg2[%mul3A_12, %dma_wait3A_58] : memref<2560x128xi32, #tpu.memory_space<hbm>> -> memref<80x128xi32, #tpu.memory_space<hbm>>
    %dma_wait3A_60 = tpu.memref_slice %arg15[%dma_wait3A_57] : memref<8x!tpu.dma_semaphore, #tpu.memory_space<semaphore_mem>> -> memref<1x!tpu.dma_semaphore, #tpu.memory_space<semaphore_mem>>
    %dma_wait3A_61 = tpu.memref_squeeze %dma_wait3A_60 : memref<1x!tpu.dma_semaphore, #tpu.memory_space<semaphore_mem>> -> memref<!tpu.dma_semaphore, #tpu.memory_space<semaphore_mem>>
    %dma_wait3A_62 = arith.constant 0 : i32
    %dma_wait3A_63 = tpu.memref_slice %arg2[%mul3A_12, %dma_wait3A_62] : memref<2560x128xi32, #tpu.memory_space<hbm>> -> memref<80x128xi32, #tpu.memory_space<hbm>>
    tpu.wait_dma2 semaphore(%dma_wait3A_61 : memref<!tpu.dma_semaphore, #tpu.memory_space<semaphore_mem>>) src(%dma_wait3A_63 : memref<80x128xi32, #tpu.memory_space<hbm>>) dst(%arg11 : memref<80x128xi32, #tpu.memory_space<vmem>>)
    %dma_wait3A_64 = arith.constant 7 : i32
    %dma_wait3A_65 = arith.constant 0 : i32
    %dma_wait3A_66 = tpu.memref_slice %arg3[%mul3A_21, %dma_wait3A_65] : memref<2560x128xi32, #tpu.memory_space<hbm>> -> memref<80x128xi32, #tpu.memory_space<hbm>>
    %dma_wait3A_67 = tpu.memref_slice %arg15[%dma_wait3A_64] : memref<8x!tpu.dma_semaphore, #tpu.memory_space<semaphore_mem>> -> memref<1x!tpu.dma_semaphore, #tpu.memory_space<semaphore_mem>>
    %dma_wait3A_68 = tpu.memref_squeeze %dma_wait3A_67 : memref<1x!tpu.dma_semaphore, #tpu.memory_space<semaphore_mem>> -> memref<!tpu.dma_semaphore, #tpu.memory_space<semaphore_mem>>
    %dma_wait3A_69 = arith.constant 0 : i32
    %dma_wait3A_70 = tpu.memref_slice %arg3[%mul3A_21, %dma_wait3A_69] : memref<2560x128xi32, #tpu.memory_space<hbm>> -> memref<80x128xi32, #tpu.memory_space<hbm>>
    tpu.wait_dma2 semaphore(%dma_wait3A_68 : memref<!tpu.dma_semaphore, #tpu.memory_space<semaphore_mem>>) src(%dma_wait3A_70 : memref<80x128xi32, #tpu.memory_space<hbm>>) dst(%arg12 : memref<80x128xi32, #tpu.memory_space<vmem>>)
    %dma_wait3A_71 = arith.constant 7 : i32
    %dma_wait3A_72 = tpu.memref_slice %arg15[%dma_wait3A_71] : memref<8x!tpu.dma_semaphore, #tpu.memory_space<semaphore_mem>> -> memref<1x!tpu.dma_semaphore, #tpu.memory_space<semaphore_mem>>
    %dma_wait3A_73 = tpu.memref_squeeze %dma_wait3A_72 : memref<1x!tpu.dma_semaphore, #tpu.memory_space<semaphore_mem>> -> memref<!tpu.dma_semaphore, #tpu.memory_space<semaphore_mem>>
    %dma_wait3A_74 = arith.constant 0 : i32
    %dma_wait3A_75 = tpu.memref_slice %arg9[%mul3A_40, %dma_wait3A_74] : memref<10112x8xf32, #tpu.memory_space<vmem_shared>> -> memref<632x8xf32, #tpu.memory_space<vmem_shared>>
    %dma_wait3A_76 = arith.constant 0 : i32
    %dma_wait3A_77 = tpu.memref_slice %arg5[%mul3A_38, %dma_wait3A_76] : memref<10112x32xf32, #tpu.memory_space<hbm>> -> memref<632x8xf32, #tpu.memory_space<hbm>>
    tpu.wait_dma2 semaphore(%dma_wait3A_73 : memref<!tpu.dma_semaphore, #tpu.memory_space<semaphore_mem>>) src(%dma_wait3A_77 : memref<632x8xf32, #tpu.memory_space<hbm>>) dst(%dma_wait3A_75 : memref<632x8xf32, #tpu.memory_space<vmem_shared>>)
    %dma_wait3A_78 = arith.constant 7 : i32
    %dma_wait3A_79 = tpu.memref_slice %arg15[%dma_wait3A_78] : memref<8x!tpu.dma_semaphore, #tpu.memory_space<semaphore_mem>> -> memref<1x!tpu.dma_semaphore, #tpu.memory_space<semaphore_mem>>
    %dma_wait3A_80 = tpu.memref_squeeze %dma_wait3A_79 : memref<1x!tpu.dma_semaphore, #tpu.memory_space<semaphore_mem>> -> memref<!tpu.dma_semaphore, #tpu.memory_space<semaphore_mem>>
    tpu.wait_dma2 semaphore(%dma_wait3A_80 : memref<!tpu.dma_semaphore, #tpu.memory_space<semaphore_mem>>) src(%arg6 : memref<128x8xf32, #tpu.memory_space<hbm>>) dst(%arg14 : memref<128x8xf32, #tpu.memory_space<vmem>>)
    %lt3A_81 = arith.constant 15 : i32
    %lt3A_82 = arith.cmpi slt, %arg1, %lt3A_81 : i32
    %convert_element_type3A_83 = arith.extui %lt3A_82 : i1 to i32
    %cond3A_84 = arith.constant 7 : i32
    %cond3A_85 = arith.constant 0 : i32
    %cond3A_86 = arith.cmpi ne, %convert_element_type3A_83, %cond3A_85 : i32
    scf.if %cond3A_86 {
      %mul3A_280 = arith.constant 632 : i32
      %mul3A_281 = arith.muli %arg1, %mul3A_280 : i32
      %mul3A_282 = arith.constant 632 : i32
      %mul3A_283 = arith.muli %arg1, %mul3A_282 : i32
      %dma_wait3A_284 = tpu.memref_slice %arg15[%cond3A_84] : memref<8x!tpu.dma_semaphore, #tpu.memory_space<semaphore_mem>> -> memref<1x!tpu.dma_semaphore, #tpu.memory_space<semaphore_mem>>
      %dma_wait3A_285 = tpu.memref_squeeze %dma_wait3A_284 : memref<1x!tpu.dma_semaphore, #tpu.memory_space<semaphore_mem>> -> memref<!tpu.dma_semaphore, #tpu.memory_space<semaphore_mem>>
      %dma_wait3A_286 = arith.constant 0 : i32
      %dma_wait3A_287 = tpu.memref_slice %arg10[%mul3A_283, %dma_wait3A_286] : memref<10000x32xf32, #tpu.memory_space<vmem_shared>> -> memref<632x32xf32, #tpu.memory_space<vmem_shared>>
      %dma_wait3A_288 = arith.constant 0 : i32
      %dma_wait3A_289 = tpu.memref_slice %arg4[%mul3A_281, %dma_wait3A_288] : memref<10000x128xf32, #tpu.memory_space<hbm>> -> memref<632x32xf32, #tpu.memory_space<hbm>>
      tpu.wait_dma2 semaphore(%dma_wait3A_285 : memref<!tpu.dma_semaphore, #tpu.memory_space<semaphore_mem>>) src(%dma_wait3A_289 : memref<632x32xf32, #tpu.memory_space<hbm>>) dst(%dma_wait3A_287 : memref<632x32xf32, #tpu.memory_space<vmem_shared>>)
    } else {
    }
    %eq3A_87 = arith.constant 15 : i32
    %eq3A_88 = arith.cmpi eq, %arg1, %eq3A_87 : i32
    %convert_element_type3A_89 = arith.extui %eq3A_88 : i1 to i32
    %cond3A_90 = arith.constant 7 : i32
    %cond3A_91 = arith.constant 0 : i32
    %cond3A_92 = arith.cmpi ne, %convert_element_type3A_89, %cond3A_91 : i32
    scf.if %cond3A_92 {
      %dma_wait3A_280 = tpu.memref_slice %arg15[%cond3A_90] : memref<8x!tpu.dma_semaphore, #tpu.memory_space<semaphore_mem>> -> memref<1x!tpu.dma_semaphore, #tpu.memory_space<semaphore_mem>>
      %dma_wait3A_281 = tpu.memref_squeeze %dma_wait3A_280 : memref<1x!tpu.dma_semaphore, #tpu.memory_space<semaphore_mem>> -> memref<!tpu.dma_semaphore, #tpu.memory_space<semaphore_mem>>
      %dma_wait3A_282 = arith.constant 9480 : i32
      %dma_wait3A_283 = arith.constant 0 : i32
      %dma_wait3A_284 = tpu.memref_slice %arg10[%dma_wait3A_282, %dma_wait3A_283] : memref<10000x32xf32, #tpu.memory_space<vmem_shared>> -> memref<520x32xf32, #tpu.memory_space<vmem_shared>>
      %dma_wait3A_285 = arith.constant 9480 : i32
      %dma_wait3A_286 = arith.constant 0 : i32
      %dma_wait3A_287 = tpu.memref_slice %arg4[%dma_wait3A_285, %dma_wait3A_286] : memref<10000x128xf32, #tpu.memory_space<hbm>> -> memref<520x32xf32, #tpu.memory_space<hbm>>
      tpu.wait_dma2 semaphore(%dma_wait3A_281 : memref<!tpu.dma_semaphore, #tpu.memory_space<semaphore_mem>>) src(%dma_wait3A_287 : memref<520x32xf32, #tpu.memory_space<hbm>>) dst(%dma_wait3A_284 : memref<520x32xf32, #tpu.memory_space<vmem_shared>>)
    } else {
    }
    %barrier3A = arith.constant 0 : index
    tpu.barrier barrier_id(%barrier3A)
    %dma_start3A_93 = arith.constant 0 : i32
    %dma_start3A_94 = arith.constant 0 : i32
    %dma_start3A_95 = arith.constant 0 : i32
    %dma_start3A_96 = arith.constant 0 : i32
    %dma_start3A_97 = arith.constant 0 : i32
    %dma_start3A_98 = tpu.memref_slice %arg13[%dma_start3A_94, %dma_start3A_96, %dma_start3A_97] : memref<8x128x32xf32, #tpu.memory_space<vmem>> -> memref<1x128x32xf32, #tpu.memory_space<vmem>>
    %dma_start3A_99 = tpu.memref_squeeze %dma_start3A_98 : memref<1x128x32xf32, #tpu.memory_space<vmem>> -> memref<128x32xf32, #tpu.memory_space<vmem>>
    %dma_start3A_100 = arith.constant 0 : i32
    %dma_start3A_101 = tpu.memref_slice %arg11[%dma_start3A_93, %dma_start3A_100] : memref<80x128xi32, #tpu.memory_space<vmem>> -> memref<1x128xi32, #tpu.memory_space<vmem>>
    %dma_start3A_102 = tpu.memref_squeeze %dma_start3A_101 : memref<1x128xi32, #tpu.memory_space<vmem>> -> memref<128xi32, #tpu.memory_space<vmem>>
    %dma_start3A_103 = arith.constant 0 : i32
    %dma_start3A_104 = arith.constant 0 : i32
    %dma_start3A_105 = tpu.memref_slice %arg10[%dma_start3A_103, %dma_start3A_104] : memref<10000x32xf32, #tpu.memory_space<vmem_shared>> -> memref<10000x32xf32, #tpu.memory_space<vmem_shared>>
    %dma_start3A_106 = tpu.memref_slice %arg15[%dma_start3A_95] : memref<8x!tpu.dma_semaphore, #tpu.memory_space<semaphore_mem>> -> memref<1x!tpu.dma_semaphore, #tpu.memory_space<semaphore_mem>>
    %dma_start3A_107 = tpu.memref_squeeze %dma_start3A_106 : memref<1x!tpu.dma_semaphore, #tpu.memory_space<semaphore_mem>> -> memref<!tpu.dma_semaphore, #tpu.memory_space<semaphore_mem>>
    tpu.enqueue_indirect_dma source(%dma_start3A_105 : memref<10000x32xf32, #tpu.memory_space<vmem_shared>>) target(%dma_start3A_99 : memref<128x32xf32, #tpu.memory_space<vmem>>) offsets(%dma_start3A_102 : memref<128xi32, #tpu.memory_space<vmem>>) semaphore(%dma_start3A_107 : memref<!tpu.dma_semaphore, #tpu.memory_space<semaphore_mem>>)
    %dma_start3A_108 = arith.constant 1 : i32
    %dma_start3A_109 = arith.constant 1 : i32
    %dma_start3A_110 = arith.constant 1 : i32
    %dma_start3A_111 = arith.constant 0 : i32
    %dma_start3A_112 = arith.constant 0 : i32
    %dma_start3A_113 = tpu.memref_slice %arg13[%dma_start3A_109, %dma_start3A_111, %dma_start3A_112] : memref<8x128x32xf32, #tpu.memory_space<vmem>> -> memref<1x128x32xf32, #tpu.memory_space<vmem>>
    %dma_start3A_114 = tpu.memref_squeeze %dma_start3A_113 : memref<1x128x32xf32, #tpu.memory_space<vmem>> -> memref<128x32xf32, #tpu.memory_space<vmem>>
    %dma_start3A_115 = arith.constant 0 : i32
    %dma_start3A_116 = tpu.memref_slice %arg11[%dma_start3A_108, %dma_start3A_115] : memref<80x128xi32, #tpu.memory_space<vmem>> -> memref<1x128xi32, #tpu.memory_space<vmem>>
    %dma_start3A_117 = tpu.memref_squeeze %dma_start3A_116 : memref<1x128xi32, #tpu.memory_space<vmem>> -> memref<128xi32, #tpu.memory_space<vmem>>
    %dma_start3A_118 = arith.constant 0 : i32
    %dma_start3A_119 = arith.constant 0 : i32
    %dma_start3A_120 = tpu.memref_slice %arg10[%dma_start3A_118, %dma_start3A_119] : memref<10000x32xf32, #tpu.memory_space<vmem_shared>> -> memref<10000x32xf32, #tpu.memory_space<vmem_shared>>
    %dma_start3A_121 = tpu.memref_slice %arg15[%dma_start3A_110] : memref<8x!tpu.dma_semaphore, #tpu.memory_space<semaphore_mem>> -> memref<1x!tpu.dma_semaphore, #tpu.memory_space<semaphore_mem>>
    %dma_start3A_122 = tpu.memref_squeeze %dma_start3A_121 : memref<1x!tpu.dma_semaphore, #tpu.memory_space<semaphore_mem>> -> memref<!tpu.dma_semaphore, #tpu.memory_space<semaphore_mem>>
    tpu.enqueue_indirect_dma source(%dma_start3A_120 : memref<10000x32xf32, #tpu.memory_space<vmem_shared>>) target(%dma_start3A_114 : memref<128x32xf32, #tpu.memory_space<vmem>>) offsets(%dma_start3A_117 : memref<128xi32, #tpu.memory_space<vmem>>) semaphore(%dma_start3A_122 : memref<!tpu.dma_semaphore, #tpu.memory_space<semaphore_mem>>)
    %dma_start3A_123 = arith.constant 2 : i32
    %dma_start3A_124 = arith.constant 2 : i32
    %dma_start3A_125 = arith.constant 2 : i32
    %dma_start3A_126 = arith.constant 0 : i32
    %dma_start3A_127 = arith.constant 0 : i32
    %dma_start3A_128 = tpu.memref_slice %arg13[%dma_start3A_124, %dma_start3A_126, %dma_start3A_127] : memref<8x128x32xf32, #tpu.memory_space<vmem>> -> memref<1x128x32xf32, #tpu.memory_space<vmem>>
    %dma_start3A_129 = tpu.memref_squeeze %dma_start3A_128 : memref<1x128x32xf32, #tpu.memory_space<vmem>> -> memref<128x32xf32, #tpu.memory_space<vmem>>
    %dma_start3A_130 = arith.constant 0 : i32
    %dma_start3A_131 = tpu.memref_slice %arg11[%dma_start3A_123, %dma_start3A_130] : memref<80x128xi32, #tpu.memory_space<vmem>> -> memref<1x128xi32, #tpu.memory_space<vmem>>
    %dma_start3A_132 = tpu.memref_squeeze %dma_start3A_131 : memref<1x128xi32, #tpu.memory_space<vmem>> -> memref<128xi32, #tpu.memory_space<vmem>>
    %dma_start3A_133 = arith.constant 0 : i32
    %dma_start3A_134 = arith.constant 0 : i32
    %dma_start3A_135 = tpu.memref_slice %arg10[%dma_start3A_133, %dma_start3A_134] : memref<10000x32xf32, #tpu.memory_space<vmem_shared>> -> memref<10000x32xf32, #tpu.memory_space<vmem_shared>>
    %dma_start3A_136 = tpu.memref_slice %arg15[%dma_start3A_125] : memref<8x!tpu.dma_semaphore, #tpu.memory_space<semaphore_mem>> -> memref<1x!tpu.dma_semaphore, #tpu.memory_space<semaphore_mem>>
    %dma_start3A_137 = tpu.memref_squeeze %dma_start3A_136 : memref<1x!tpu.dma_semaphore, #tpu.memory_space<semaphore_mem>> -> memref<!tpu.dma_semaphore, #tpu.memory_space<semaphore_mem>>
    tpu.enqueue_indirect_dma source(%dma_start3A_135 : memref<10000x32xf32, #tpu.memory_space<vmem_shared>>) target(%dma_start3A_129 : memref<128x32xf32, #tpu.memory_space<vmem>>) offsets(%dma_start3A_132 : memref<128xi32, #tpu.memory_space<vmem>>) semaphore(%dma_start3A_137 : memref<!tpu.dma_semaphore, #tpu.memory_space<semaphore_mem>>)
    %scan3A = arith.constant 0 : i32
    %scan3A_138 = arith.constant 0 : i32
    %scan3A_139 = arith.constant 10 : i32
    %scan3A_140 = arith.addi %scan3A_138, %scan3A_139 : i32
    %scan3A_141 = arith.constant 1 : i32
    scf.for %scan3A_280 = %scan3A_138 to %scan3A_140 step %scan3A_141  : i32 {
      %mul3A_281 = arith.constant 8 : i32
      %mul3A_282 = arith.muli %scan3A_280, %mul3A_281 : i32
      %add3A_283 = arith.constant 0 : i32
      %add3A_284 = arith.addi %mul3A_282, %add3A_283 : i32
      %ge3A = arith.constant 5 : i32
      %ge3A_285 = arith.cmpi sge, %add3A_284, %ge3A : i32
      %add3A_286 = arith.constant 3 : i32
      %add3A_287 = arith.addi %add3A_284, %add3A_286 : i32
      %lt3A_288 = arith.constant 80 : i32
      %lt3A_289 = arith.cmpi slt, %add3A_287, %lt3A_288 : i32
      %and3A = arith.andi %ge3A_285, %lt3A_289 : i1
      %convert_element_type3A_290 = arith.extui %and3A : i1 to i32
      %cond3A_291 = arith.constant 0 : i32
      %cond3A_292 = arith.cmpi ne, %convert_element_type3A_290, %cond3A_291 : i32
      scf.if %cond3A_292 {
        %dma_wait3A_719 = arith.constant 3 : i32
        %dma_wait3A_720 = arith.constant 3 : i32
        %dma_wait3A_721 = arith.constant 0 : i32
        %dma_wait3A_722 = arith.constant 0 : i32
        %dma_wait3A_723 = tpu.memref_slice %arg13[%dma_wait3A_719, %dma_wait3A_721, %dma_wait3A_722] : memref<8x128x32xf32, #tpu.memory_space<vmem>> -> memref<1x128x32xf32, #tpu.memory_space<vmem>>
        %dma_wait3A_724 = tpu.memref_squeeze %dma_wait3A_723 : memref<1x128x32xf32, #tpu.memory_space<vmem>> -> memref<128x32xf32, #tpu.memory_space<vmem>>
        %dma_wait3A_725 = arith.constant 0 : i32
        %dma_wait3A_726 = tpu.memref_slice %arg12[%add3A_284, %dma_wait3A_725] : memref<80x128xi32, #tpu.memory_space<vmem>> -> memref<1x128xi32, #tpu.memory_space<vmem>>
        %dma_wait3A_727 = tpu.memref_squeeze %dma_wait3A_726 : memref<1x128xi32, #tpu.memory_space<vmem>> -> memref<128xi32, #tpu.memory_space<vmem>>
        %dma_wait3A_728 = arith.constant 0 : i32
        %dma_wait3A_729 = arith.constant 0 : i32
        %dma_wait3A_730 = tpu.memref_slice %arg8[%dma_wait3A_728, %dma_wait3A_729] : memref<10112x32xf32, #tpu.memory_space<vmem_shared>> -> memref<10112x32xf32, #tpu.memory_space<vmem_shared>>
        %dma_wait3A_731 = tpu.memref_slice %arg16[%dma_wait3A_720] : memref<8x!tpu.dma_semaphore, #tpu.memory_space<semaphore_mem>> -> memref<1x!tpu.dma_semaphore, #tpu.memory_space<semaphore_mem>>
        %dma_wait3A_732 = tpu.memref_squeeze %dma_wait3A_731 : memref<1x!tpu.dma_semaphore, #tpu.memory_space<semaphore_mem>> -> memref<!tpu.dma_semaphore, #tpu.memory_space<semaphore_mem>>
        tpu.wait_indirect_dma semaphore(%dma_wait3A_732 : memref<!tpu.dma_semaphore, #tpu.memory_space<semaphore_mem>>) src(%dma_wait3A_724 : memref<128x32xf32, #tpu.memory_space<vmem>>) dst(%dma_wait3A_730 : memref<10112x32xf32, #tpu.memory_space<vmem_shared>>)
      } else {
      }
      %add3A_293 = arith.constant 3 : i32
      %add3A_294 = arith.addi %add3A_284, %add3A_293 : i32
      %lt3A_295 = arith.constant 80 : i32
      %lt3A_296 = arith.cmpi slt, %add3A_294, %lt3A_295 : i32
      %convert_element_type3A_297 = arith.extui %lt3A_296 : i1 to i32
      %cond3A_298 = arith.constant 0 : i32
      %cond3A_299 = arith.cmpi ne, %convert_element_type3A_297, %cond3A_298 : i32
      scf.if %cond3A_299 {
        %add3A_719 = arith.constant 3 : i32
        %add3A_720 = arith.addi %add3A_284, %add3A_719 : i32
        %dma_start3A_721 = arith.constant 3 : i32
        %dma_start3A_722 = arith.constant 3 : i32
        %dma_start3A_723 = arith.constant 0 : i32
        %dma_start3A_724 = arith.constant 0 : i32
        %dma_start3A_725 = tpu.memref_slice %arg13[%dma_start3A_721, %dma_start3A_723, %dma_start3A_724] : memref<8x128x32xf32, #tpu.memory_space<vmem>> -> memref<1x128x32xf32, #tpu.memory_space<vmem>>
        %dma_start3A_726 = tpu.memref_squeeze %dma_start3A_725 : memref<1x128x32xf32, #tpu.memory_space<vmem>> -> memref<128x32xf32, #tpu.memory_space<vmem>>
        %dma_start3A_727 = arith.constant 0 : i32
        %dma_start3A_728 = tpu.memref_slice %arg11[%add3A_720, %dma_start3A_727] : memref<80x128xi32, #tpu.memory_space<vmem>> -> memref<1x128xi32, #tpu.memory_space<vmem>>
        %dma_start3A_729 = tpu.memref_squeeze %dma_start3A_728 : memref<1x128xi32, #tpu.memory_space<vmem>> -> memref<128xi32, #tpu.memory_space<vmem>>
        %dma_start3A_730 = arith.constant 0 : i32
        %dma_start3A_731 = arith.constant 0 : i32
        %dma_start3A_732 = tpu.memref_slice %arg10[%dma_start3A_730, %dma_start3A_731] : memref<10000x32xf32, #tpu.memory_space<vmem_shared>> -> memref<10000x32xf32, #tpu.memory_space<vmem_shared>>
        %dma_start3A_733 = tpu.memref_slice %arg15[%dma_start3A_722] : memref<8x!tpu.dma_semaphore, #tpu.memory_space<semaphore_mem>> -> memref<1x!tpu.dma_semaphore, #tpu.memory_space<semaphore_mem>>
        %dma_start3A_734 = tpu.memref_squeeze %dma_start3A_733 : memref<1x!tpu.dma_semaphore, #tpu.memory_space<semaphore_mem>> -> memref<!tpu.dma_semaphore, #tpu.memory_space<semaphore_mem>>
        tpu.enqueue_indirect_dma source(%dma_start3A_732 : memref<10000x32xf32, #tpu.memory_space<vmem_shared>>) target(%dma_start3A_726 : memref<128x32xf32, #tpu.memory_space<vmem>>) offsets(%dma_start3A_729 : memref<128xi32, #tpu.memory_space<vmem>>) semaphore(%dma_start3A_734 : memref<!tpu.dma_semaphore, #tpu.memory_space<semaphore_mem>>)
      } else {
      }
      %dma_wait3A_300 = arith.constant 0 : i32
      %dma_wait3A_301 = arith.constant 0 : i32
      %dma_wait3A_302 = arith.constant 0 : i32
      %dma_wait3A_303 = arith.constant 0 : i32
      %dma_wait3A_304 = tpu.memref_slice %arg13[%dma_wait3A_300, %dma_wait3A_302, %dma_wait3A_303] : memref<8x128x32xf32, #tpu.memory_space<vmem>> -> memref<1x128x32xf32, #tpu.memory_space<vmem>>
      %dma_wait3A_305 = tpu.memref_squeeze %dma_wait3A_304 : memref<1x128x32xf32, #tpu.memory_space<vmem>> -> memref<128x32xf32, #tpu.memory_space<vmem>>
      %dma_wait3A_306 = arith.constant 0 : i32
      %dma_wait3A_307 = tpu.memref_slice %arg11[%add3A_284, %dma_wait3A_306] : memref<80x128xi32, #tpu.memory_space<vmem>> -> memref<1x128xi32, #tpu.memory_space<vmem>>
      %dma_wait3A_308 = tpu.memref_squeeze %dma_wait3A_307 : memref<1x128xi32, #tpu.memory_space<vmem>> -> memref<128xi32, #tpu.memory_space<vmem>>
      %dma_wait3A_309 = arith.constant 0 : i32
      %dma_wait3A_310 = arith.constant 0 : i32
      %dma_wait3A_311 = tpu.memref_slice %arg10[%dma_wait3A_309, %dma_wait3A_310] : memref<10000x32xf32, #tpu.memory_space<vmem_shared>> -> memref<10000x32xf32, #tpu.memory_space<vmem_shared>>
      %dma_wait3A_312 = tpu.memref_slice %arg15[%dma_wait3A_301] : memref<8x!tpu.dma_semaphore, #tpu.memory_space<semaphore_mem>> -> memref<1x!tpu.dma_semaphore, #tpu.memory_space<semaphore_mem>>
      %dma_wait3A_313 = tpu.memref_squeeze %dma_wait3A_312 : memref<1x!tpu.dma_semaphore, #tpu.memory_space<semaphore_mem>> -> memref<!tpu.dma_semaphore, #tpu.memory_space<semaphore_mem>>
      tpu.wait_indirect_dma semaphore(%dma_wait3A_313 : memref<!tpu.dma_semaphore, #tpu.memory_space<semaphore_mem>>) src(%dma_wait3A_311 : memref<10000x32xf32, #tpu.memory_space<vmem_shared>>) dst(%dma_wait3A_305 : memref<128x32xf32, #tpu.memory_space<vmem>>)
      %dma_start3A_314 = arith.constant 0 : i32
      %dma_start3A_315 = arith.constant 0 : i32
      %dma_start3A_316 = arith.constant 0 : i32
      %dma_start3A_317 = arith.constant 0 : i32
      %dma_start3A_318 = tpu.memref_slice %arg13[%dma_start3A_314, %dma_start3A_316, %dma_start3A_317] : memref<8x128x32xf32, #tpu.memory_space<vmem>> -> memref<1x128x32xf32, #tpu.memory_space<vmem>>
      %dma_start3A_319 = tpu.memref_squeeze %dma_start3A_318 : memref<1x128x32xf32, #tpu.memory_space<vmem>> -> memref<128x32xf32, #tpu.memory_space<vmem>>
      %dma_start3A_320 = arith.constant 0 : i32
      %dma_start3A_321 = tpu.memref_slice %arg12[%add3A_284, %dma_start3A_320] : memref<80x128xi32, #tpu.memory_space<vmem>> -> memref<1x128xi32, #tpu.memory_space<vmem>>
      %dma_start3A_322 = tpu.memref_squeeze %dma_start3A_321 : memref<1x128xi32, #tpu.memory_space<vmem>> -> memref<128xi32, #tpu.memory_space<vmem>>
      %dma_start3A_323 = arith.constant 0 : i32
      %dma_start3A_324 = arith.constant 0 : i32
      %dma_start3A_325 = tpu.memref_slice %arg8[%dma_start3A_323, %dma_start3A_324] : memref<10112x32xf32, #tpu.memory_space<vmem_shared>> -> memref<10112x32xf32, #tpu.memory_space<vmem_shared>>
      %dma_start3A_326 = tpu.memref_slice %arg16[%dma_start3A_315] : memref<8x!tpu.dma_semaphore, #tpu.memory_space<semaphore_mem>> -> memref<1x!tpu.dma_semaphore, #tpu.memory_space<semaphore_mem>>
      %dma_start3A_327 = tpu.memref_squeeze %dma_start3A_326 : memref<1x!tpu.dma_semaphore, #tpu.memory_space<semaphore_mem>> -> memref<!tpu.dma_semaphore, #tpu.memory_space<semaphore_mem>>
      tpu.enqueue_indirect_dma source(%dma_start3A_319 : memref<128x32xf32, #tpu.memory_space<vmem>>) target(%dma_start3A_325 : memref<10112x32xf32, #tpu.memory_space<vmem_shared>>) offsets(%dma_start3A_322 : memref<128xi32, #tpu.memory_space<vmem>>) semaphore(%dma_start3A_327 : memref<!tpu.dma_semaphore, #tpu.memory_space<semaphore_mem>>) {add = true}
      %dma_start3A_328 = arith.constant 0 : i32
      %dma_start3A_329 = tpu.memref_slice %arg12[%add3A_284, %dma_start3A_328] : memref<80x128xi32, #tpu.memory_space<vmem>> -> memref<1x128xi32, #tpu.memory_space<vmem>>
      %dma_start3A_330 = tpu.memref_squeeze %dma_start3A_329 : memref<1x128xi32, #tpu.memory_space<vmem>> -> memref<128xi32, #tpu.memory_space<vmem>>
      %dma_start3A_331 = arith.constant 0 : i32
      %dma_start3A_332 = arith.constant 0 : i32
      %dma_start3A_333 = tpu.memref_slice %arg9[%dma_start3A_331, %dma_start3A_332] : memref<10112x8xf32, #tpu.memory_space<vmem_shared>> -> memref<10112x8xf32, #tpu.memory_space<vmem_shared>>
      tpu.enqueue_indirect_dma source(%arg14 : memref<128x8xf32, #tpu.memory_space<vmem>>) target(%dma_start3A_333 : memref<10112x8xf32, #tpu.memory_space<vmem_shared>>) offsets(%dma_start3A_330 : memref<128xi32, #tpu.memory_space<vmem>>) semaphore(%arg17 : memref<!tpu.dma_semaphore, #tpu.memory_space<semaphore_mem>>) {add = true}
      %mul3A_334 = arith.constant 8 : i32
      %mul3A_335 = arith.muli %scan3A_280, %mul3A_334 : i32
      %add3A_336 = arith.constant 1 : i32
      %add3A_337 = arith.addi %mul3A_335, %add3A_336 : i32
      %ge3A_338 = arith.constant 5 : i32
      %ge3A_339 = arith.cmpi sge, %add3A_337, %ge3A_338 : i32
      %add3A_340 = arith.constant 3 : i32
      %add3A_341 = arith.addi %add3A_337, %add3A_340 : i32
      %lt3A_342 = arith.constant 80 : i32
      %lt3A_343 = arith.cmpi slt, %add3A_341, %lt3A_342 : i32
      %and3A_344 = arith.andi %ge3A_339, %lt3A_343 : i1
      %convert_element_type3A_345 = arith.extui %and3A_344 : i1 to i32
      %cond3A_346 = arith.constant 0 : i32
      %cond3A_347 = arith.cmpi ne, %convert_element_type3A_345, %cond3A_346 : i32
      scf.if %cond3A_347 {
        %dma_wait3A_719 = arith.constant 4 : i32
        %dma_wait3A_720 = arith.constant 4 : i32
        %dma_wait3A_721 = arith.constant 0 : i32
        %dma_wait3A_722 = arith.constant 0 : i32
        %dma_wait3A_723 = tpu.memref_slice %arg13[%dma_wait3A_719, %dma_wait3A_721, %dma_wait3A_722] : memref<8x128x32xf32, #tpu.memory_space<vmem>> -> memref<1x128x32xf32, #tpu.memory_space<vmem>>
        %dma_wait3A_724 = tpu.memref_squeeze %dma_wait3A_723 : memref<1x128x32xf32, #tpu.memory_space<vmem>> -> memref<128x32xf32, #tpu.memory_space<vmem>>
        %dma_wait3A_725 = arith.constant 0 : i32
        %dma_wait3A_726 = tpu.memref_slice %arg12[%add3A_337, %dma_wait3A_725] : memref<80x128xi32, #tpu.memory_space<vmem>> -> memref<1x128xi32, #tpu.memory_space<vmem>>
        %dma_wait3A_727 = tpu.memref_squeeze %dma_wait3A_726 : memref<1x128xi32, #tpu.memory_space<vmem>> -> memref<128xi32, #tpu.memory_space<vmem>>
        %dma_wait3A_728 = arith.constant 0 : i32
        %dma_wait3A_729 = arith.constant 0 : i32
        %dma_wait3A_730 = tpu.memref_slice %arg8[%dma_wait3A_728, %dma_wait3A_729] : memref<10112x32xf32, #tpu.memory_space<vmem_shared>> -> memref<10112x32xf32, #tpu.memory_space<vmem_shared>>
        %dma_wait3A_731 = tpu.memref_slice %arg16[%dma_wait3A_720] : memref<8x!tpu.dma_semaphore, #tpu.memory_space<semaphore_mem>> -> memref<1x!tpu.dma_semaphore, #tpu.memory_space<semaphore_mem>>
        %dma_wait3A_732 = tpu.memref_squeeze %dma_wait3A_731 : memref<1x!tpu.dma_semaphore, #tpu.memory_space<semaphore_mem>> -> memref<!tpu.dma_semaphore, #tpu.memory_space<semaphore_mem>>
        tpu.wait_indirect_dma semaphore(%dma_wait3A_732 : memref<!tpu.dma_semaphore, #tpu.memory_space<semaphore_mem>>) src(%dma_wait3A_724 : memref<128x32xf32, #tpu.memory_space<vmem>>) dst(%dma_wait3A_730 : memref<10112x32xf32, #tpu.memory_space<vmem_shared>>)
      } else {
      }
      %add3A_348 = arith.constant 3 : i32
      %add3A_349 = arith.addi %add3A_337, %add3A_348 : i32
      %lt3A_350 = arith.constant 80 : i32
      %lt3A_351 = arith.cmpi slt, %add3A_349, %lt3A_350 : i32
      %convert_element_type3A_352 = arith.extui %lt3A_351 : i1 to i32
      %cond3A_353 = arith.constant 0 : i32
      %cond3A_354 = arith.cmpi ne, %convert_element_type3A_352, %cond3A_353 : i32
      scf.if %cond3A_354 {
        %add3A_719 = arith.constant 3 : i32
        %add3A_720 = arith.addi %add3A_337, %add3A_719 : i32
        %dma_start3A_721 = arith.constant 4 : i32
        %dma_start3A_722 = arith.constant 4 : i32
        %dma_start3A_723 = arith.constant 0 : i32
        %dma_start3A_724 = arith.constant 0 : i32
        %dma_start3A_725 = tpu.memref_slice %arg13[%dma_start3A_721, %dma_start3A_723, %dma_start3A_724] : memref<8x128x32xf32, #tpu.memory_space<vmem>> -> memref<1x128x32xf32, #tpu.memory_space<vmem>>
        %dma_start3A_726 = tpu.memref_squeeze %dma_start3A_725 : memref<1x128x32xf32, #tpu.memory_space<vmem>> -> memref<128x32xf32, #tpu.memory_space<vmem>>
        %dma_start3A_727 = arith.constant 0 : i32
        %dma_start3A_728 = tpu.memref_slice %arg11[%add3A_720, %dma_start3A_727] : memref<80x128xi32, #tpu.memory_space<vmem>> -> memref<1x128xi32, #tpu.memory_space<vmem>>
        %dma_start3A_729 = tpu.memref_squeeze %dma_start3A_728 : memref<1x128xi32, #tpu.memory_space<vmem>> -> memref<128xi32, #tpu.memory_space<vmem>>
        %dma_start3A_730 = arith.constant 0 : i32
        %dma_start3A_731 = arith.constant 0 : i32
        %dma_start3A_732 = tpu.memref_slice %arg10[%dma_start3A_730, %dma_start3A_731] : memref<10000x32xf32, #tpu.memory_space<vmem_shared>> -> memref<10000x32xf32, #tpu.memory_space<vmem_shared>>
        %dma_start3A_733 = tpu.memref_slice %arg15[%dma_start3A_722] : memref<8x!tpu.dma_semaphore, #tpu.memory_space<semaphore_mem>> -> memref<1x!tpu.dma_semaphore, #tpu.memory_space<semaphore_mem>>
        %dma_start3A_734 = tpu.memref_squeeze %dma_start3A_733 : memref<1x!tpu.dma_semaphore, #tpu.memory_space<semaphore_mem>> -> memref<!tpu.dma_semaphore, #tpu.memory_space<semaphore_mem>>
        tpu.enqueue_indirect_dma source(%dma_start3A_732 : memref<10000x32xf32, #tpu.memory_space<vmem_shared>>) target(%dma_start3A_726 : memref<128x32xf32, #tpu.memory_space<vmem>>) offsets(%dma_start3A_729 : memref<128xi32, #tpu.memory_space<vmem>>) semaphore(%dma_start3A_734 : memref<!tpu.dma_semaphore, #tpu.memory_space<semaphore_mem>>)
      } else {
      }
      %dma_wait3A_355 = arith.constant 1 : i32
      %dma_wait3A_356 = arith.constant 1 : i32
      %dma_wait3A_357 = arith.constant 0 : i32
      %dma_wait3A_358 = arith.constant 0 : i32
      %dma_wait3A_359 = tpu.memref_slice %arg13[%dma_wait3A_355, %dma_wait3A_357, %dma_wait3A_358] : memref<8x128x32xf32, #tpu.memory_space<vmem>> -> memref<1x128x32xf32, #tpu.memory_space<vmem>>
      %dma_wait3A_360 = tpu.memref_squeeze %dma_wait3A_359 : memref<1x128x32xf32, #tpu.memory_space<vmem>> -> memref<128x32xf32, #tpu.memory_space<vmem>>
      %dma_wait3A_361 = arith.constant 0 : i32
      %dma_wait3A_362 = tpu.memref_slice %arg11[%add3A_337, %dma_wait3A_361] : memref<80x128xi32, #tpu.memory_space<vmem>> -> memref<1x128xi32, #tpu.memory_space<vmem>>
      %dma_wait3A_363 = tpu.memref_squeeze %dma_wait3A_362 : memref<1x128xi32, #tpu.memory_space<vmem>> -> memref<128xi32, #tpu.memory_space<vmem>>
      %dma_wait3A_364 = arith.constant 0 : i32
      %dma_wait3A_365 = arith.constant 0 : i32
      %dma_wait3A_366 = tpu.memref_slice %arg10[%dma_wait3A_364, %dma_wait3A_365] : memref<10000x32xf32, #tpu.memory_space<vmem_shared>> -> memref<10000x32xf32, #tpu.memory_space<vmem_shared>>
      %dma_wait3A_367 = tpu.memref_slice %arg15[%dma_wait3A_356] : memref<8x!tpu.dma_semaphore, #tpu.memory_space<semaphore_mem>> -> memref<1x!tpu.dma_semaphore, #tpu.memory_space<semaphore_mem>>
      %dma_wait3A_368 = tpu.memref_squeeze %dma_wait3A_367 : memref<1x!tpu.dma_semaphore, #tpu.memory_space<semaphore_mem>> -> memref<!tpu.dma_semaphore, #tpu.memory_space<semaphore_mem>>
      tpu.wait_indirect_dma semaphore(%dma_wait3A_368 : memref<!tpu.dma_semaphore, #tpu.memory_space<semaphore_mem>>) src(%dma_wait3A_366 : memref<10000x32xf32, #tpu.memory_space<vmem_shared>>) dst(%dma_wait3A_360 : memref<128x32xf32, #tpu.memory_space<vmem>>)
      %dma_start3A_369 = arith.constant 1 : i32
      %dma_start3A_370 = arith.constant 1 : i32
      %dma_start3A_371 = arith.constant 0 : i32
      %dma_start3A_372 = arith.constant 0 : i32
      %dma_start3A_373 = tpu.memref_slice %arg13[%dma_start3A_369, %dma_start3A_371, %dma_start3A_372] : memref<8x128x32xf32, #tpu.memory_space<vmem>> -> memref<1x128x32xf32, #tpu.memory_space<vmem>>
      %dma_start3A_374 = tpu.memref_squeeze %dma_start3A_373 : memref<1x128x32xf32, #tpu.memory_space<vmem>> -> memref<128x32xf32, #tpu.memory_space<vmem>>
      %dma_start3A_375 = arith.constant 0 : i32
      %dma_start3A_376 = tpu.memref_slice %arg12[%add3A_337, %dma_start3A_375] : memref<80x128xi32, #tpu.memory_space<vmem>> -> memref<1x128xi32, #tpu.memory_space<vmem>>
      %dma_start3A_377 = tpu.memref_squeeze %dma_start3A_376 : memref<1x128xi32, #tpu.memory_space<vmem>> -> memref<128xi32, #tpu.memory_space<vmem>>
      %dma_start3A_378 = arith.constant 0 : i32
      %dma_start3A_379 = arith.constant 0 : i32
      %dma_start3A_380 = tpu.memref_slice %arg8[%dma_start3A_378, %dma_start3A_379] : memref<10112x32xf32, #tpu.memory_space<vmem_shared>> -> memref<10112x32xf32, #tpu.memory_space<vmem_shared>>
      %dma_start3A_381 = tpu.memref_slice %arg16[%dma_start3A_370] : memref<8x!tpu.dma_semaphore, #tpu.memory_space<semaphore_mem>> -> memref<1x!tpu.dma_semaphore, #tpu.memory_space<semaphore_mem>>
      %dma_start3A_382 = tpu.memref_squeeze %dma_start3A_381 : memref<1x!tpu.dma_semaphore, #tpu.memory_space<semaphore_mem>> -> memref<!tpu.dma_semaphore, #tpu.memory_space<semaphore_mem>>
      tpu.enqueue_indirect_dma source(%dma_start3A_374 : memref<128x32xf32, #tpu.memory_space<vmem>>) target(%dma_start3A_380 : memref<10112x32xf32, #tpu.memory_space<vmem_shared>>) offsets(%dma_start3A_377 : memref<128xi32, #tpu.memory_space<vmem>>) semaphore(%dma_start3A_382 : memref<!tpu.dma_semaphore, #tpu.memory_space<semaphore_mem>>) {add = true}
      %dma_start3A_383 = arith.constant 0 : i32
      %dma_start3A_384 = tpu.memref_slice %arg12[%add3A_337, %dma_start3A_383] : memref<80x128xi32, #tpu.memory_space<vmem>> -> memref<1x128xi32, #tpu.memory_space<vmem>>
      %dma_start3A_385 = tpu.memref_squeeze %dma_start3A_384 : memref<1x128xi32, #tpu.memory_space<vmem>> -> memref<128xi32, #tpu.memory_space<vmem>>
      %dma_start3A_386 = arith.constant 0 : i32
      %dma_start3A_387 = arith.constant 0 : i32
      %dma_start3A_388 = tpu.memref_slice %arg9[%dma_start3A_386, %dma_start3A_387] : memref<10112x8xf32, #tpu.memory_space<vmem_shared>> -> memref<10112x8xf32, #tpu.memory_space<vmem_shared>>
      tpu.enqueue_indirect_dma source(%arg14 : memref<128x8xf32, #tpu.memory_space<vmem>>) target(%dma_start3A_388 : memref<10112x8xf32, #tpu.memory_space<vmem_shared>>) offsets(%dma_start3A_385 : memref<128xi32, #tpu.memory_space<vmem>>) semaphore(%arg17 : memref<!tpu.dma_semaphore, #tpu.memory_space<semaphore_mem>>) {add = true}
      %mul3A_389 = arith.constant 8 : i32
      %mul3A_390 = arith.muli %scan3A_280, %mul3A_389 : i32
      %add3A_391 = arith.constant 2 : i32
      %add3A_392 = arith.addi %mul3A_390, %add3A_391 : i32
      %ge3A_393 = arith.constant 5 : i32
      %ge3A_394 = arith.cmpi sge, %add3A_392, %ge3A_393 : i32
      %add3A_395 = arith.constant 3 : i32
      %add3A_396 = arith.addi %add3A_392, %add3A_395 : i32
      %lt3A_397 = arith.constant 80 : i32
      %lt3A_398 = arith.cmpi slt, %add3A_396, %lt3A_397 : i32
      %and3A_399 = arith.andi %ge3A_394, %lt3A_398 : i1
      %convert_element_type3A_400 = arith.extui %and3A_399 : i1 to i32
      %cond3A_401 = arith.constant 0 : i32
      %cond3A_402 = arith.cmpi ne, %convert_element_type3A_400, %cond3A_401 : i32
      scf.if %cond3A_402 {
        %dma_wait3A_719 = arith.constant 5 : i32
        %dma_wait3A_720 = arith.constant 5 : i32
        %dma_wait3A_721 = arith.constant 0 : i32
        %dma_wait3A_722 = arith.constant 0 : i32
        %dma_wait3A_723 = tpu.memref_slice %arg13[%dma_wait3A_719, %dma_wait3A_721, %dma_wait3A_722] : memref<8x128x32xf32, #tpu.memory_space<vmem>> -> memref<1x128x32xf32, #tpu.memory_space<vmem>>
        %dma_wait3A_724 = tpu.memref_squeeze %dma_wait3A_723 : memref<1x128x32xf32, #tpu.memory_space<vmem>> -> memref<128x32xf32, #tpu.memory_space<vmem>>
        %dma_wait3A_725 = arith.constant 0 : i32
        %dma_wait3A_726 = tpu.memref_slice %arg12[%add3A_392, %dma_wait3A_725] : memref<80x128xi32, #tpu.memory_space<vmem>> -> memref<1x128xi32, #tpu.memory_space<vmem>>
        %dma_wait3A_727 = tpu.memref_squeeze %dma_wait3A_726 : memref<1x128xi32, #tpu.memory_space<vmem>> -> memref<128xi32, #tpu.memory_space<vmem>>
        %dma_wait3A_728 = arith.constant 0 : i32
        %dma_wait3A_729 = arith.constant 0 : i32
        %dma_wait3A_730 = tpu.memref_slice %arg8[%dma_wait3A_728, %dma_wait3A_729] : memref<10112x32xf32, #tpu.memory_space<vmem_shared>> -> memref<10112x32xf32, #tpu.memory_space<vmem_shared>>
        %dma_wait3A_731 = tpu.memref_slice %arg16[%dma_wait3A_720] : memref<8x!tpu.dma_semaphore, #tpu.memory_space<semaphore_mem>> -> memref<1x!tpu.dma_semaphore, #tpu.memory_space<semaphore_mem>>
        %dma_wait3A_732 = tpu.memref_squeeze %dma_wait3A_731 : memref<1x!tpu.dma_semaphore, #tpu.memory_space<semaphore_mem>> -> memref<!tpu.dma_semaphore, #tpu.memory_space<semaphore_mem>>
        tpu.wait_indirect_dma semaphore(%dma_wait3A_732 : memref<!tpu.dma_semaphore, #tpu.memory_space<semaphore_mem>>) src(%dma_wait3A_724 : memref<128x32xf32, #tpu.memory_space<vmem>>) dst(%dma_wait3A_730 : memref<10112x32xf32, #tpu.memory_space<vmem_shared>>)
      } else {
      }
      %add3A_403 = arith.constant 3 : i32
      %add3A_404 = arith.addi %add3A_392, %add3A_403 : i32
      %lt3A_405 = arith.constant 80 : i32
      %lt3A_406 = arith.cmpi slt, %add3A_404, %lt3A_405 : i32
      %convert_element_type3A_407 = arith.extui %lt3A_406 : i1 to i32
      %cond3A_408 = arith.constant 0 : i32
      %cond3A_409 = arith.cmpi ne, %convert_element_type3A_407, %cond3A_408 : i32
      scf.if %cond3A_409 {
        %add3A_719 = arith.constant 3 : i32
        %add3A_720 = arith.addi %add3A_392, %add3A_719 : i32
        %dma_start3A_721 = arith.constant 5 : i32
        %dma_start3A_722 = arith.constant 5 : i32
        %dma_start3A_723 = arith.constant 0 : i32
        %dma_start3A_724 = arith.constant 0 : i32
        %dma_start3A_725 = tpu.memref_slice %arg13[%dma_start3A_721, %dma_start3A_723, %dma_start3A_724] : memref<8x128x32xf32, #tpu.memory_space<vmem>> -> memref<1x128x32xf32, #tpu.memory_space<vmem>>
        %dma_start3A_726 = tpu.memref_squeeze %dma_start3A_725 : memref<1x128x32xf32, #tpu.memory_space<vmem>> -> memref<128x32xf32, #tpu.memory_space<vmem>>
        %dma_start3A_727 = arith.constant 0 : i32
        %dma_start3A_728 = tpu.memref_slice %arg11[%add3A_720, %dma_start3A_727] : memref<80x128xi32, #tpu.memory_space<vmem>> -> memref<1x128xi32, #tpu.memory_space<vmem>>
        %dma_start3A_729 = tpu.memref_squeeze %dma_start3A_728 : memref<1x128xi32, #tpu.memory_space<vmem>> -> memref<128xi32, #tpu.memory_space<vmem>>
        %dma_start3A_730 = arith.constant 0 : i32
        %dma_start3A_731 = arith.constant 0 : i32
        %dma_start3A_732 = tpu.memref_slice %arg10[%dma_start3A_730, %dma_start3A_731] : memref<10000x32xf32, #tpu.memory_space<vmem_shared>> -> memref<10000x32xf32, #tpu.memory_space<vmem_shared>>
        %dma_start3A_733 = tpu.memref_slice %arg15[%dma_start3A_722] : memref<8x!tpu.dma_semaphore, #tpu.memory_space<semaphore_mem>> -> memref<1x!tpu.dma_semaphore, #tpu.memory_space<semaphore_mem>>
        %dma_start3A_734 = tpu.memref_squeeze %dma_start3A_733 : memref<1x!tpu.dma_semaphore, #tpu.memory_space<semaphore_mem>> -> memref<!tpu.dma_semaphore, #tpu.memory_space<semaphore_mem>>
        tpu.enqueue_indirect_dma source(%dma_start3A_732 : memref<10000x32xf32, #tpu.memory_space<vmem_shared>>) target(%dma_start3A_726 : memref<128x32xf32, #tpu.memory_space<vmem>>) offsets(%dma_start3A_729 : memref<128xi32, #tpu.memory_space<vmem>>) semaphore(%dma_start3A_734 : memref<!tpu.dma_semaphore, #tpu.memory_space<semaphore_mem>>)
      } else {
      }
      %dma_wait3A_410 = arith.constant 2 : i32
      %dma_wait3A_411 = arith.constant 2 : i32
      %dma_wait3A_412 = arith.constant 0 : i32
      %dma_wait3A_413 = arith.constant 0 : i32
      %dma_wait3A_414 = tpu.memref_slice %arg13[%dma_wait3A_410, %dma_wait3A_412, %dma_wait3A_413] : memref<8x128x32xf32, #tpu.memory_space<vmem>> -> memref<1x128x32xf32, #tpu.memory_space<vmem>>
      %dma_wait3A_415 = tpu.memref_squeeze %dma_wait3A_414 : memref<1x128x32xf32, #tpu.memory_space<vmem>> -> memref<128x32xf32, #tpu.memory_space<vmem>>
      %dma_wait3A_416 = arith.constant 0 : i32
      %dma_wait3A_417 = tpu.memref_slice %arg11[%add3A_392, %dma_wait3A_416] : memref<80x128xi32, #tpu.memory_space<vmem>> -> memref<1x128xi32, #tpu.memory_space<vmem>>
      %dma_wait3A_418 = tpu.memref_squeeze %dma_wait3A_417 : memref<1x128xi32, #tpu.memory_space<vmem>> -> memref<128xi32, #tpu.memory_space<vmem>>
      %dma_wait3A_419 = arith.constant 0 : i32
      %dma_wait3A_420 = arith.constant 0 : i32
      %dma_wait3A_421 = tpu.memref_slice %arg10[%dma_wait3A_419, %dma_wait3A_420] : memref<10000x32xf32, #tpu.memory_space<vmem_shared>> -> memref<10000x32xf32, #tpu.memory_space<vmem_shared>>
      %dma_wait3A_422 = tpu.memref_slice %arg15[%dma_wait3A_411] : memref<8x!tpu.dma_semaphore, #tpu.memory_space<semaphore_mem>> -> memref<1x!tpu.dma_semaphore, #tpu.memory_space<semaphore_mem>>
      %dma_wait3A_423 = tpu.memref_squeeze %dma_wait3A_422 : memref<1x!tpu.dma_semaphore, #tpu.memory_space<semaphore_mem>> -> memref<!tpu.dma_semaphore, #tpu.memory_space<semaphore_mem>>
      tpu.wait_indirect_dma semaphore(%dma_wait3A_423 : memref<!tpu.dma_semaphore, #tpu.memory_space<semaphore_mem>>) src(%dma_wait3A_421 : memref<10000x32xf32, #tpu.memory_space<vmem_shared>>) dst(%dma_wait3A_415 : memref<128x32xf32, #tpu.memory_space<vmem>>)
      %dma_start3A_424 = arith.constant 2 : i32
      %dma_start3A_425 = arith.constant 2 : i32
      %dma_start3A_426 = arith.constant 0 : i32
      %dma_start3A_427 = arith.constant 0 : i32
      %dma_start3A_428 = tpu.memref_slice %arg13[%dma_start3A_424, %dma_start3A_426, %dma_start3A_427] : memref<8x128x32xf32, #tpu.memory_space<vmem>> -> memref<1x128x32xf32, #tpu.memory_space<vmem>>
      %dma_start3A_429 = tpu.memref_squeeze %dma_start3A_428 : memref<1x128x32xf32, #tpu.memory_space<vmem>> -> memref<128x32xf32, #tpu.memory_space<vmem>>
      %dma_start3A_430 = arith.constant 0 : i32
      %dma_start3A_431 = tpu.memref_slice %arg12[%add3A_392, %dma_start3A_430] : memref<80x128xi32, #tpu.memory_space<vmem>> -> memref<1x128xi32, #tpu.memory_space<vmem>>
      %dma_start3A_432 = tpu.memref_squeeze %dma_start3A_431 : memref<1x128xi32, #tpu.memory_space<vmem>> -> memref<128xi32, #tpu.memory_space<vmem>>
      %dma_start3A_433 = arith.constant 0 : i32
      %dma_start3A_434 = arith.constant 0 : i32
      %dma_start3A_435 = tpu.memref_slice %arg8[%dma_start3A_433, %dma_start3A_434] : memref<10112x32xf32, #tpu.memory_space<vmem_shared>> -> memref<10112x32xf32, #tpu.memory_space<vmem_shared>>
      %dma_start3A_436 = tpu.memref_slice %arg16[%dma_start3A_425] : memref<8x!tpu.dma_semaphore, #tpu.memory_space<semaphore_mem>> -> memref<1x!tpu.dma_semaphore, #tpu.memory_space<semaphore_mem>>
      %dma_start3A_437 = tpu.memref_squeeze %dma_start3A_436 : memref<1x!tpu.dma_semaphore, #tpu.memory_space<semaphore_mem>> -> memref<!tpu.dma_semaphore, #tpu.memory_space<semaphore_mem>>
      tpu.enqueue_indirect_dma source(%dma_start3A_429 : memref<128x32xf32, #tpu.memory_space<vmem>>) target(%dma_start3A_435 : memref<10112x32xf32, #tpu.memory_space<vmem_shared>>) offsets(%dma_start3A_432 : memref<128xi32, #tpu.memory_space<vmem>>) semaphore(%dma_start3A_437 : memref<!tpu.dma_semaphore, #tpu.memory_space<semaphore_mem>>) {add = true}
      %dma_start3A_438 = arith.constant 0 : i32
      %dma_start3A_439 = tpu.memref_slice %arg12[%add3A_392, %dma_start3A_438] : memref<80x128xi32, #tpu.memory_space<vmem>> -> memref<1x128xi32, #tpu.memory_space<vmem>>
      %dma_start3A_440 = tpu.memref_squeeze %dma_start3A_439 : memref<1x128xi32, #tpu.memory_space<vmem>> -> memref<128xi32, #tpu.memory_space<vmem>>
      %dma_start3A_441 = arith.constant 0 : i32
      %dma_start3A_442 = arith.constant 0 : i32
      %dma_start3A_443 = tpu.memref_slice %arg9[%dma_start3A_441, %dma_start3A_442] : memref<10112x8xf32, #tpu.memory_space<vmem_shared>> -> memref<10112x8xf32, #tpu.memory_space<vmem_shared>>
      tpu.enqueue_indirect_dma source(%arg14 : memref<128x8xf32, #tpu.memory_space<vmem>>) target(%dma_start3A_443 : memref<10112x8xf32, #tpu.memory_space<vmem_shared>>) offsets(%dma_start3A_440 : memref<128xi32, #tpu.memory_space<vmem>>) semaphore(%arg17 : memref<!tpu.dma_semaphore, #tpu.memory_space<semaphore_mem>>) {add = true}
      %mul3A_444 = arith.constant 8 : i32
      %mul3A_445 = arith.muli %scan3A_280, %mul3A_444 : i32
      %add3A_446 = arith.constant 3 : i32
      %add3A_447 = arith.addi %mul3A_445, %add3A_446 : i32
      %ge3A_448 = arith.constant 5 : i32
      %ge3A_449 = arith.cmpi sge, %add3A_447, %ge3A_448 : i32
      %add3A_450 = arith.constant 3 : i32
      %add3A_451 = arith.addi %add3A_447, %add3A_450 : i32
      %lt3A_452 = arith.constant 80 : i32
      %lt3A_453 = arith.cmpi slt, %add3A_451, %lt3A_452 : i32
      %and3A_454 = arith.andi %ge3A_449, %lt3A_453 : i1
      %convert_element_type3A_455 = arith.extui %and3A_454 : i1 to i32
      %cond3A_456 = arith.constant 0 : i32
      %cond3A_457 = arith.cmpi ne, %convert_element_type3A_455, %cond3A_456 : i32
      scf.if %cond3A_457 {
        %dma_wait3A_719 = arith.constant 6 : i32
        %dma_wait3A_720 = arith.constant 6 : i32
        %dma_wait3A_721 = arith.constant 0 : i32
        %dma_wait3A_722 = arith.constant 0 : i32
        %dma_wait3A_723 = tpu.memref_slice %arg13[%dma_wait3A_719, %dma_wait3A_721, %dma_wait3A_722] : memref<8x128x32xf32, #tpu.memory_space<vmem>> -> memref<1x128x32xf32, #tpu.memory_space<vmem>>
        %dma_wait3A_724 = tpu.memref_squeeze %dma_wait3A_723 : memref<1x128x32xf32, #tpu.memory_space<vmem>> -> memref<128x32xf32, #tpu.memory_space<vmem>>
        %dma_wait3A_725 = arith.constant 0 : i32
        %dma_wait3A_726 = tpu.memref_slice %arg12[%add3A_447, %dma_wait3A_725] : memref<80x128xi32, #tpu.memory_space<vmem>> -> memref<1x128xi32, #tpu.memory_space<vmem>>
        %dma_wait3A_727 = tpu.memref_squeeze %dma_wait3A_726 : memref<1x128xi32, #tpu.memory_space<vmem>> -> memref<128xi32, #tpu.memory_space<vmem>>
        %dma_wait3A_728 = arith.constant 0 : i32
        %dma_wait3A_729 = arith.constant 0 : i32
        %dma_wait3A_730 = tpu.memref_slice %arg8[%dma_wait3A_728, %dma_wait3A_729] : memref<10112x32xf32, #tpu.memory_space<vmem_shared>> -> memref<10112x32xf32, #tpu.memory_space<vmem_shared>>
        %dma_wait3A_731 = tpu.memref_slice %arg16[%dma_wait3A_720] : memref<8x!tpu.dma_semaphore, #tpu.memory_space<semaphore_mem>> -> memref<1x!tpu.dma_semaphore, #tpu.memory_space<semaphore_mem>>
        %dma_wait3A_732 = tpu.memref_squeeze %dma_wait3A_731 : memref<1x!tpu.dma_semaphore, #tpu.memory_space<semaphore_mem>> -> memref<!tpu.dma_semaphore, #tpu.memory_space<semaphore_mem>>
        tpu.wait_indirect_dma semaphore(%dma_wait3A_732 : memref<!tpu.dma_semaphore, #tpu.memory_space<semaphore_mem>>) src(%dma_wait3A_724 : memref<128x32xf32, #tpu.memory_space<vmem>>) dst(%dma_wait3A_730 : memref<10112x32xf32, #tpu.memory_space<vmem_shared>>)
      } else {
      }
      %add3A_458 = arith.constant 3 : i32
      %add3A_459 = arith.addi %add3A_447, %add3A_458 : i32
      %lt3A_460 = arith.constant 80 : i32
      %lt3A_461 = arith.cmpi slt, %add3A_459, %lt3A_460 : i32
      %convert_element_type3A_462 = arith.extui %lt3A_461 : i1 to i32
      %cond3A_463 = arith.constant 0 : i32
      %cond3A_464 = arith.cmpi ne, %convert_element_type3A_462, %cond3A_463 : i32
      scf.if %cond3A_464 {
        %add3A_719 = arith.constant 3 : i32
        %add3A_720 = arith.addi %add3A_447, %add3A_719 : i32
        %dma_start3A_721 = arith.constant 6 : i32
        %dma_start3A_722 = arith.constant 6 : i32
        %dma_start3A_723 = arith.constant 0 : i32
        %dma_start3A_724 = arith.constant 0 : i32
        %dma_start3A_725 = tpu.memref_slice %arg13[%dma_start3A_721, %dma_start3A_723, %dma_start3A_724] : memref<8x128x32xf32, #tpu.memory_space<vmem>> -> memref<1x128x32xf32, #tpu.memory_space<vmem>>
        %dma_start3A_726 = tpu.memref_squeeze %dma_start3A_725 : memref<1x128x32xf32, #tpu.memory_space<vmem>> -> memref<128x32xf32, #tpu.memory_space<vmem>>
        %dma_start3A_727 = arith.constant 0 : i32
        %dma_start3A_728 = tpu.memref_slice %arg11[%add3A_720, %dma_start3A_727] : memref<80x128xi32, #tpu.memory_space<vmem>> -> memref<1x128xi32, #tpu.memory_space<vmem>>
        %dma_start3A_729 = tpu.memref_squeeze %dma_start3A_728 : memref<1x128xi32, #tpu.memory_space<vmem>> -> memref<128xi32, #tpu.memory_space<vmem>>
        %dma_start3A_730 = arith.constant 0 : i32
        %dma_start3A_731 = arith.constant 0 : i32
        %dma_start3A_732 = tpu.memref_slice %arg10[%dma_start3A_730, %dma_start3A_731] : memref<10000x32xf32, #tpu.memory_space<vmem_shared>> -> memref<10000x32xf32, #tpu.memory_space<vmem_shared>>
        %dma_start3A_733 = tpu.memref_slice %arg15[%dma_start3A_722] : memref<8x!tpu.dma_semaphore, #tpu.memory_space<semaphore_mem>> -> memref<1x!tpu.dma_semaphore, #tpu.memory_space<semaphore_mem>>
        %dma_start3A_734 = tpu.memref_squeeze %dma_start3A_733 : memref<1x!tpu.dma_semaphore, #tpu.memory_space<semaphore_mem>> -> memref<!tpu.dma_semaphore, #tpu.memory_space<semaphore_mem>>
        tpu.enqueue_indirect_dma source(%dma_start3A_732 : memref<10000x32xf32, #tpu.memory_space<vmem_shared>>) target(%dma_start3A_726 : memref<128x32xf32, #tpu.memory_space<vmem>>) offsets(%dma_start3A_729 : memref<128xi32, #tpu.memory_space<vmem>>) semaphore(%dma_start3A_734 : memref<!tpu.dma_semaphore, #tpu.memory_space<semaphore_mem>>)
      } else {
      }
      %dma_wait3A_465 = arith.constant 3 : i32
      %dma_wait3A_466 = arith.constant 3 : i32
      %dma_wait3A_467 = arith.constant 0 : i32
      %dma_wait3A_468 = arith.constant 0 : i32
      %dma_wait3A_469 = tpu.memref_slice %arg13[%dma_wait3A_465, %dma_wait3A_467, %dma_wait3A_468] : memref<8x128x32xf32, #tpu.memory_space<vmem>> -> memref<1x128x32xf32, #tpu.memory_space<vmem>>
      %dma_wait3A_470 = tpu.memref_squeeze %dma_wait3A_469 : memref<1x128x32xf32, #tpu.memory_space<vmem>> -> memref<128x32xf32, #tpu.memory_space<vmem>>
      %dma_wait3A_471 = arith.constant 0 : i32
      %dma_wait3A_472 = tpu.memref_slice %arg11[%add3A_447, %dma_wait3A_471] : memref<80x128xi32, #tpu.memory_space<vmem>> -> memref<1x128xi32, #tpu.memory_space<vmem>>
      %dma_wait3A_473 = tpu.memref_squeeze %dma_wait3A_472 : memref<1x128xi32, #tpu.memory_space<vmem>> -> memref<128xi32, #tpu.memory_space<vmem>>
      %dma_wait3A_474 = arith.constant 0 : i32
      %dma_wait3A_475 = arith.constant 0 : i32
      %dma_wait3A_476 = tpu.memref_slice %arg10[%dma_wait3A_474, %dma_wait3A_475] : memref<10000x32xf32, #tpu.memory_space<vmem_shared>> -> memref<10000x32xf32, #tpu.memory_space<vmem_shared>>
      %dma_wait3A_477 = tpu.memref_slice %arg15[%dma_wait3A_466] : memref<8x!tpu.dma_semaphore, #tpu.memory_space<semaphore_mem>> -> memref<1x!tpu.dma_semaphore, #tpu.memory_space<semaphore_mem>>
      %dma_wait3A_478 = tpu.memref_squeeze %dma_wait3A_477 : memref<1x!tpu.dma_semaphore, #tpu.memory_space<semaphore_mem>> -> memref<!tpu.dma_semaphore, #tpu.memory_space<semaphore_mem>>
      tpu.wait_indirect_dma semaphore(%dma_wait3A_478 : memref<!tpu.dma_semaphore, #tpu.memory_space<semaphore_mem>>) src(%dma_wait3A_476 : memref<10000x32xf32, #tpu.memory_space<vmem_shared>>) dst(%dma_wait3A_470 : memref<128x32xf32, #tpu.memory_space<vmem>>)
      %dma_start3A_479 = arith.constant 3 : i32
      %dma_start3A_480 = arith.constant 3 : i32
      %dma_start3A_481 = arith.constant 0 : i32
      %dma_start3A_482 = arith.constant 0 : i32
      %dma_start3A_483 = tpu.memref_slice %arg13[%dma_start3A_479, %dma_start3A_481, %dma_start3A_482] : memref<8x128x32xf32, #tpu.memory_space<vmem>> -> memref<1x128x32xf32, #tpu.memory_space<vmem>>
      %dma_start3A_484 = tpu.memref_squeeze %dma_start3A_483 : memref<1x128x32xf32, #tpu.memory_space<vmem>> -> memref<128x32xf32, #tpu.memory_space<vmem>>
      %dma_start3A_485 = arith.constant 0 : i32
      %dma_start3A_486 = tpu.memref_slice %arg12[%add3A_447, %dma_start3A_485] : memref<80x128xi32, #tpu.memory_space<vmem>> -> memref<1x128xi32, #tpu.memory_space<vmem>>
      %dma_start3A_487 = tpu.memref_squeeze %dma_start3A_486 : memref<1x128xi32, #tpu.memory_space<vmem>> -> memref<128xi32, #tpu.memory_space<vmem>>
      %dma_start3A_488 = arith.constant 0 : i32
      %dma_start3A_489 = arith.constant 0 : i32
      %dma_start3A_490 = tpu.memref_slice %arg8[%dma_start3A_488, %dma_start3A_489] : memref<10112x32xf32, #tpu.memory_space<vmem_shared>> -> memref<10112x32xf32, #tpu.memory_space<vmem_shared>>
      %dma_start3A_491 = tpu.memref_slice %arg16[%dma_start3A_480] : memref<8x!tpu.dma_semaphore, #tpu.memory_space<semaphore_mem>> -> memref<1x!tpu.dma_semaphore, #tpu.memory_space<semaphore_mem>>
      %dma_start3A_492 = tpu.memref_squeeze %dma_start3A_491 : memref<1x!tpu.dma_semaphore, #tpu.memory_space<semaphore_mem>> -> memref<!tpu.dma_semaphore, #tpu.memory_space<semaphore_mem>>
      tpu.enqueue_indirect_dma source(%dma_start3A_484 : memref<128x32xf32, #tpu.memory_space<vmem>>) target(%dma_start3A_490 : memref<10112x32xf32, #tpu.memory_space<vmem_shared>>) offsets(%dma_start3A_487 : memref<128xi32, #tpu.memory_space<vmem>>) semaphore(%dma_start3A_492 : memref<!tpu.dma_semaphore, #tpu.memory_space<semaphore_mem>>) {add = true}
      %dma_start3A_493 = arith.constant 0 : i32
      %dma_start3A_494 = tpu.memref_slice %arg12[%add3A_447, %dma_start3A_493] : memref<80x128xi32, #tpu.memory_space<vmem>> -> memref<1x128xi32, #tpu.memory_space<vmem>>
      %dma_start3A_495 = tpu.memref_squeeze %dma_start3A_494 : memref<1x128xi32, #tpu.memory_space<vmem>> -> memref<128xi32, #tpu.memory_space<vmem>>
      %dma_start3A_496 = arith.constant 0 : i32
      %dma_start3A_497 = arith.constant 0 : i32
      %dma_start3A_498 = tpu.memref_slice %arg9[%dma_start3A_496, %dma_start3A_497] : memref<10112x8xf32, #tpu.memory_space<vmem_shared>> -> memref<10112x8xf32, #tpu.memory_space<vmem_shared>>
      tpu.enqueue_indirect_dma source(%arg14 : memref<128x8xf32, #tpu.memory_space<vmem>>) target(%dma_start3A_498 : memref<10112x8xf32, #tpu.memory_space<vmem_shared>>) offsets(%dma_start3A_495 : memref<128xi32, #tpu.memory_space<vmem>>) semaphore(%arg17 : memref<!tpu.dma_semaphore, #tpu.memory_space<semaphore_mem>>) {add = true}
      %mul3A_499 = arith.constant 8 : i32
      %mul3A_500 = arith.muli %scan3A_280, %mul3A_499 : i32
      %add3A_501 = arith.constant 4 : i32
      %add3A_502 = arith.addi %mul3A_500, %add3A_501 : i32
      %ge3A_503 = arith.constant 5 : i32
      %ge3A_504 = arith.cmpi sge, %add3A_502, %ge3A_503 : i32
      %add3A_505 = arith.constant 3 : i32
      %add3A_506 = arith.addi %add3A_502, %add3A_505 : i32
      %lt3A_507 = arith.constant 80 : i32
      %lt3A_508 = arith.cmpi slt, %add3A_506, %lt3A_507 : i32
      %and3A_509 = arith.andi %ge3A_504, %lt3A_508 : i1
      %convert_element_type3A_510 = arith.extui %and3A_509 : i1 to i32
      %cond3A_511 = arith.constant 0 : i32
      %cond3A_512 = arith.cmpi ne, %convert_element_type3A_510, %cond3A_511 : i32
      scf.if %cond3A_512 {
        %dma_wait3A_719 = arith.constant 7 : i32
        %dma_wait3A_720 = arith.constant 7 : i32
        %dma_wait3A_721 = arith.constant 0 : i32
        %dma_wait3A_722 = arith.constant 0 : i32
        %dma_wait3A_723 = tpu.memref_slice %arg13[%dma_wait3A_719, %dma_wait3A_721, %dma_wait3A_722] : memref<8x128x32xf32, #tpu.memory_space<vmem>> -> memref<1x128x32xf32, #tpu.memory_space<vmem>>
        %dma_wait3A_724 = tpu.memref_squeeze %dma_wait3A_723 : memref<1x128x32xf32, #tpu.memory_space<vmem>> -> memref<128x32xf32, #tpu.memory_space<vmem>>
        %dma_wait3A_725 = arith.constant 0 : i32
        %dma_wait3A_726 = tpu.memref_slice %arg12[%add3A_502, %dma_wait3A_725] : memref<80x128xi32, #tpu.memory_space<vmem>> -> memref<1x128xi32, #tpu.memory_space<vmem>>
        %dma_wait3A_727 = tpu.memref_squeeze %dma_wait3A_726 : memref<1x128xi32, #tpu.memory_space<vmem>> -> memref<128xi32, #tpu.memory_space<vmem>>
        %dma_wait3A_728 = arith.constant 0 : i32
        %dma_wait3A_729 = arith.constant 0 : i32
        %dma_wait3A_730 = tpu.memref_slice %arg8[%dma_wait3A_728, %dma_wait3A_729] : memref<10112x32xf32, #tpu.memory_space<vmem_shared>> -> memref<10112x32xf32, #tpu.memory_space<vmem_shared>>
        %dma_wait3A_731 = tpu.memref_slice %arg16[%dma_wait3A_720] : memref<8x!tpu.dma_semaphore, #tpu.memory_space<semaphore_mem>> -> memref<1x!tpu.dma_semaphore, #tpu.memory_space<semaphore_mem>>
        %dma_wait3A_732 = tpu.memref_squeeze %dma_wait3A_731 : memref<1x!tpu.dma_semaphore, #tpu.memory_space<semaphore_mem>> -> memref<!tpu.dma_semaphore, #tpu.memory_space<semaphore_mem>>
        tpu.wait_indirect_dma semaphore(%dma_wait3A_732 : memref<!tpu.dma_semaphore, #tpu.memory_space<semaphore_mem>>) src(%dma_wait3A_724 : memref<128x32xf32, #tpu.memory_space<vmem>>) dst(%dma_wait3A_730 : memref<10112x32xf32, #tpu.memory_space<vmem_shared>>)
      } else {
      }
      %add3A_513 = arith.constant 3 : i32
      %add3A_514 = arith.addi %add3A_502, %add3A_513 : i32
      %lt3A_515 = arith.constant 80 : i32
      %lt3A_516 = arith.cmpi slt, %add3A_514, %lt3A_515 : i32
      %convert_element_type3A_517 = arith.extui %lt3A_516 : i1 to i32
      %cond3A_518 = arith.constant 0 : i32
      %cond3A_519 = arith.cmpi ne, %convert_element_type3A_517, %cond3A_518 : i32
      scf.if %cond3A_519 {
        %add3A_719 = arith.constant 3 : i32
        %add3A_720 = arith.addi %add3A_502, %add3A_719 : i32
        %dma_start3A_721 = arith.constant 7 : i32
        %dma_start3A_722 = arith.constant 7 : i32
        %dma_start3A_723 = arith.constant 0 : i32
        %dma_start3A_724 = arith.constant 0 : i32
        %dma_start3A_725 = tpu.memref_slice %arg13[%dma_start3A_721, %dma_start3A_723, %dma_start3A_724] : memref<8x128x32xf32, #tpu.memory_space<vmem>> -> memref<1x128x32xf32, #tpu.memory_space<vmem>>
        %dma_start3A_726 = tpu.memref_squeeze %dma_start3A_725 : memref<1x128x32xf32, #tpu.memory_space<vmem>> -> memref<128x32xf32, #tpu.memory_space<vmem>>
        %dma_start3A_727 = arith.constant 0 : i32
        %dma_start3A_728 = tpu.memref_slice %arg11[%add3A_720, %dma_start3A_727] : memref<80x128xi32, #tpu.memory_space<vmem>> -> memref<1x128xi32, #tpu.memory_space<vmem>>
        %dma_start3A_729 = tpu.memref_squeeze %dma_start3A_728 : memref<1x128xi32, #tpu.memory_space<vmem>> -> memref<128xi32, #tpu.memory_space<vmem>>
        %dma_start3A_730 = arith.constant 0 : i32
        %dma_start3A_731 = arith.constant 0 : i32
        %dma_start3A_732 = tpu.memref_slice %arg10[%dma_start3A_730, %dma_start3A_731] : memref<10000x32xf32, #tpu.memory_space<vmem_shared>> -> memref<10000x32xf32, #tpu.memory_space<vmem_shared>>
        %dma_start3A_733 = tpu.memref_slice %arg15[%dma_start3A_722] : memref<8x!tpu.dma_semaphore, #tpu.memory_space<semaphore_mem>> -> memref<1x!tpu.dma_semaphore, #tpu.memory_space<semaphore_mem>>
        %dma_start3A_734 = tpu.memref_squeeze %dma_start3A_733 : memref<1x!tpu.dma_semaphore, #tpu.memory_space<semaphore_mem>> -> memref<!tpu.dma_semaphore, #tpu.memory_space<semaphore_mem>>
        tpu.enqueue_indirect_dma source(%dma_start3A_732 : memref<10000x32xf32, #tpu.memory_space<vmem_shared>>) target(%dma_start3A_726 : memref<128x32xf32, #tpu.memory_space<vmem>>) offsets(%dma_start3A_729 : memref<128xi32, #tpu.memory_space<vmem>>) semaphore(%dma_start3A_734 : memref<!tpu.dma_semaphore, #tpu.memory_space<semaphore_mem>>)
      } else {
      }
      %dma_wait3A_520 = arith.constant 4 : i32
      %dma_wait3A_521 = arith.constant 4 : i32
      %dma_wait3A_522 = arith.constant 0 : i32
      %dma_wait3A_523 = arith.constant 0 : i32
      %dma_wait3A_524 = tpu.memref_slice %arg13[%dma_wait3A_520, %dma_wait3A_522, %dma_wait3A_523] : memref<8x128x32xf32, #tpu.memory_space<vmem>> -> memref<1x128x32xf32, #tpu.memory_space<vmem>>
      %dma_wait3A_525 = tpu.memref_squeeze %dma_wait3A_524 : memref<1x128x32xf32, #tpu.memory_space<vmem>> -> memref<128x32xf32, #tpu.memory_space<vmem>>
      %dma_wait3A_526 = arith.constant 0 : i32
      %dma_wait3A_527 = tpu.memref_slice %arg11[%add3A_502, %dma_wait3A_526] : memref<80x128xi32, #tpu.memory_space<vmem>> -> memref<1x128xi32, #tpu.memory_space<vmem>>
      %dma_wait3A_528 = tpu.memref_squeeze %dma_wait3A_527 : memref<1x128xi32, #tpu.memory_space<vmem>> -> memref<128xi32, #tpu.memory_space<vmem>>
      %dma_wait3A_529 = arith.constant 0 : i32
      %dma_wait3A_530 = arith.constant 0 : i32
      %dma_wait3A_531 = tpu.memref_slice %arg10[%dma_wait3A_529, %dma_wait3A_530] : memref<10000x32xf32, #tpu.memory_space<vmem_shared>> -> memref<10000x32xf32, #tpu.memory_space<vmem_shared>>
      %dma_wait3A_532 = tpu.memref_slice %arg15[%dma_wait3A_521] : memref<8x!tpu.dma_semaphore, #tpu.memory_space<semaphore_mem>> -> memref<1x!tpu.dma_semaphore, #tpu.memory_space<semaphore_mem>>
      %dma_wait3A_533 = tpu.memref_squeeze %dma_wait3A_532 : memref<1x!tpu.dma_semaphore, #tpu.memory_space<semaphore_mem>> -> memref<!tpu.dma_semaphore, #tpu.memory_space<semaphore_mem>>
      tpu.wait_indirect_dma semaphore(%dma_wait3A_533 : memref<!tpu.dma_semaphore, #tpu.memory_space<semaphore_mem>>) src(%dma_wait3A_531 : memref<10000x32xf32, #tpu.memory_space<vmem_shared>>) dst(%dma_wait3A_525 : memref<128x32xf32, #tpu.memory_space<vmem>>)
      %dma_start3A_534 = arith.constant 4 : i32
      %dma_start3A_535 = arith.constant 4 : i32
      %dma_start3A_536 = arith.constant 0 : i32
      %dma_start3A_537 = arith.constant 0 : i32
      %dma_start3A_538 = tpu.memref_slice %arg13[%dma_start3A_534, %dma_start3A_536, %dma_start3A_537] : memref<8x128x32xf32, #tpu.memory_space<vmem>> -> memref<1x128x32xf32, #tpu.memory_space<vmem>>
      %dma_start3A_539 = tpu.memref_squeeze %dma_start3A_538 : memref<1x128x32xf32, #tpu.memory_space<vmem>> -> memref<128x32xf32, #tpu.memory_space<vmem>>
      %dma_start3A_540 = arith.constant 0 : i32
      %dma_start3A_541 = tpu.memref_slice %arg12[%add3A_502, %dma_start3A_540] : memref<80x128xi32, #tpu.memory_space<vmem>> -> memref<1x128xi32, #tpu.memory_space<vmem>>
      %dma_start3A_542 = tpu.memref_squeeze %dma_start3A_541 : memref<1x128xi32, #tpu.memory_space<vmem>> -> memref<128xi32, #tpu.memory_space<vmem>>
      %dma_start3A_543 = arith.constant 0 : i32
      %dma_start3A_544 = arith.constant 0 : i32
      %dma_start3A_545 = tpu.memref_slice %arg8[%dma_start3A_543, %dma_start3A_544] : memref<10112x32xf32, #tpu.memory_space<vmem_shared>> -> memref<10112x32xf32, #tpu.memory_space<vmem_shared>>
      %dma_start3A_546 = tpu.memref_slice %arg16[%dma_start3A_535] : memref<8x!tpu.dma_semaphore, #tpu.memory_space<semaphore_mem>> -> memref<1x!tpu.dma_semaphore, #tpu.memory_space<semaphore_mem>>
      %dma_start3A_547 = tpu.memref_squeeze %dma_start3A_546 : memref<1x!tpu.dma_semaphore, #tpu.memory_space<semaphore_mem>> -> memref<!tpu.dma_semaphore, #tpu.memory_space<semaphore_mem>>
      tpu.enqueue_indirect_dma source(%dma_start3A_539 : memref<128x32xf32, #tpu.memory_space<vmem>>) target(%dma_start3A_545 : memref<10112x32xf32, #tpu.memory_space<vmem_shared>>) offsets(%dma_start3A_542 : memref<128xi32, #tpu.memory_space<vmem>>) semaphore(%dma_start3A_547 : memref<!tpu.dma_semaphore, #tpu.memory_space<semaphore_mem>>) {add = true}
      %dma_start3A_548 = arith.constant 0 : i32
      %dma_start3A_549 = tpu.memref_slice %arg12[%add3A_502, %dma_start3A_548] : memref<80x128xi32, #tpu.memory_space<vmem>> -> memref<1x128xi32, #tpu.memory_space<vmem>>
      %dma_start3A_550 = tpu.memref_squeeze %dma_start3A_549 : memref<1x128xi32, #tpu.memory_space<vmem>> -> memref<128xi32, #tpu.memory_space<vmem>>
      %dma_start3A_551 = arith.constant 0 : i32
      %dma_start3A_552 = arith.constant 0 : i32
      %dma_start3A_553 = tpu.memref_slice %arg9[%dma_start3A_551, %dma_start3A_552] : memref<10112x8xf32, #tpu.memory_space<vmem_shared>> -> memref<10112x8xf32, #tpu.memory_space<vmem_shared>>
      tpu.enqueue_indirect_dma source(%arg14 : memref<128x8xf32, #tpu.memory_space<vmem>>) target(%dma_start3A_553 : memref<10112x8xf32, #tpu.memory_space<vmem_shared>>) offsets(%dma_start3A_550 : memref<128xi32, #tpu.memory_space<vmem>>) semaphore(%arg17 : memref<!tpu.dma_semaphore, #tpu.memory_space<semaphore_mem>>) {add = true}
      %mul3A_554 = arith.constant 8 : i32
      %mul3A_555 = arith.muli %scan3A_280, %mul3A_554 : i32
      %add3A_556 = arith.constant 5 : i32
      %add3A_557 = arith.addi %mul3A_555, %add3A_556 : i32
      %ge3A_558 = arith.constant 5 : i32
      %ge3A_559 = arith.cmpi sge, %add3A_557, %ge3A_558 : i32
      %add3A_560 = arith.constant 3 : i32
      %add3A_561 = arith.addi %add3A_557, %add3A_560 : i32
      %lt3A_562 = arith.constant 80 : i32
      %lt3A_563 = arith.cmpi slt, %add3A_561, %lt3A_562 : i32
      %and3A_564 = arith.andi %ge3A_559, %lt3A_563 : i1
      %convert_element_type3A_565 = arith.extui %and3A_564 : i1 to i32
      %cond3A_566 = arith.constant 0 : i32
      %cond3A_567 = arith.cmpi ne, %convert_element_type3A_565, %cond3A_566 : i32
      scf.if %cond3A_567 {
        %dma_wait3A_719 = arith.constant 0 : i32
        %dma_wait3A_720 = arith.constant 0 : i32
        %dma_wait3A_721 = arith.constant 0 : i32
        %dma_wait3A_722 = arith.constant 0 : i32
        %dma_wait3A_723 = tpu.memref_slice %arg13[%dma_wait3A_719, %dma_wait3A_721, %dma_wait3A_722] : memref<8x128x32xf32, #tpu.memory_space<vmem>> -> memref<1x128x32xf32, #tpu.memory_space<vmem>>
        %dma_wait3A_724 = tpu.memref_squeeze %dma_wait3A_723 : memref<1x128x32xf32, #tpu.memory_space<vmem>> -> memref<128x32xf32, #tpu.memory_space<vmem>>
        %dma_wait3A_725 = arith.constant 0 : i32
        %dma_wait3A_726 = tpu.memref_slice %arg12[%add3A_557, %dma_wait3A_725] : memref<80x128xi32, #tpu.memory_space<vmem>> -> memref<1x128xi32, #tpu.memory_space<vmem>>
        %dma_wait3A_727 = tpu.memref_squeeze %dma_wait3A_726 : memref<1x128xi32, #tpu.memory_space<vmem>> -> memref<128xi32, #tpu.memory_space<vmem>>
        %dma_wait3A_728 = arith.constant 0 : i32
        %dma_wait3A_729 = arith.constant 0 : i32
        %dma_wait3A_730 = tpu.memref_slice %arg8[%dma_wait3A_728, %dma_wait3A_729] : memref<10112x32xf32, #tpu.memory_space<vmem_shared>> -> memref<10112x32xf32, #tpu.memory_space<vmem_shared>>
        %dma_wait3A_731 = tpu.memref_slice %arg16[%dma_wait3A_720] : memref<8x!tpu.dma_semaphore, #tpu.memory_space<semaphore_mem>> -> memref<1x!tpu.dma_semaphore, #tpu.memory_space<semaphore_mem>>
        %dma_wait3A_732 = tpu.memref_squeeze %dma_wait3A_731 : memref<1x!tpu.dma_semaphore, #tpu.memory_space<semaphore_mem>> -> memref<!tpu.dma_semaphore, #tpu.memory_space<semaphore_mem>>
        tpu.wait_indirect_dma semaphore(%dma_wait3A_732 : memref<!tpu.dma_semaphore, #tpu.memory_space<semaphore_mem>>) src(%dma_wait3A_724 : memref<128x32xf32, #tpu.memory_space<vmem>>) dst(%dma_wait3A_730 : memref<10112x32xf32, #tpu.memory_space<vmem_shared>>)
      } else {
      }
      %add3A_568 = arith.constant 3 : i32
      %add3A_569 = arith.addi %add3A_557, %add3A_568 : i32
      %lt3A_570 = arith.constant 80 : i32
      %lt3A_571 = arith.cmpi slt, %add3A_569, %lt3A_570 : i32
      %convert_element_type3A_572 = arith.extui %lt3A_571 : i1 to i32
      %cond3A_573 = arith.constant 0 : i32
      %cond3A_574 = arith.cmpi ne, %convert_element_type3A_572, %cond3A_573 : i32
      scf.if %cond3A_574 {
        %add3A_719 = arith.constant 3 : i32
        %add3A_720 = arith.addi %add3A_557, %add3A_719 : i32
        %dma_start3A_721 = arith.constant 0 : i32
        %dma_start3A_722 = arith.constant 0 : i32
        %dma_start3A_723 = arith.constant 0 : i32
        %dma_start3A_724 = arith.constant 0 : i32
        %dma_start3A_725 = tpu.memref_slice %arg13[%dma_start3A_721, %dma_start3A_723, %dma_start3A_724] : memref<8x128x32xf32, #tpu.memory_space<vmem>> -> memref<1x128x32xf32, #tpu.memory_space<vmem>>
        %dma_start3A_726 = tpu.memref_squeeze %dma_start3A_725 : memref<1x128x32xf32, #tpu.memory_space<vmem>> -> memref<128x32xf32, #tpu.memory_space<vmem>>
        %dma_start3A_727 = arith.constant 0 : i32
        %dma_start3A_728 = tpu.memref_slice %arg11[%add3A_720, %dma_start3A_727] : memref<80x128xi32, #tpu.memory_space<vmem>> -> memref<1x128xi32, #tpu.memory_space<vmem>>
        %dma_start3A_729 = tpu.memref_squeeze %dma_start3A_728 : memref<1x128xi32, #tpu.memory_space<vmem>> -> memref<128xi32, #tpu.memory_space<vmem>>
        %dma_start3A_730 = arith.constant 0 : i32
        %dma_start3A_731 = arith.constant 0 : i32
        %dma_start3A_732 = tpu.memref_slice %arg10[%dma_start3A_730, %dma_start3A_731] : memref<10000x32xf32, #tpu.memory_space<vmem_shared>> -> memref<10000x32xf32, #tpu.memory_space<vmem_shared>>
        %dma_start3A_733 = tpu.memref_slice %arg15[%dma_start3A_722] : memref<8x!tpu.dma_semaphore, #tpu.memory_space<semaphore_mem>> -> memref<1x!tpu.dma_semaphore, #tpu.memory_space<semaphore_mem>>
        %dma_start3A_734 = tpu.memref_squeeze %dma_start3A_733 : memref<1x!tpu.dma_semaphore, #tpu.memory_space<semaphore_mem>> -> memref<!tpu.dma_semaphore, #tpu.memory_space<semaphore_mem>>
        tpu.enqueue_indirect_dma source(%dma_start3A_732 : memref<10000x32xf32, #tpu.memory_space<vmem_shared>>) target(%dma_start3A_726 : memref<128x32xf32, #tpu.memory_space<vmem>>) offsets(%dma_start3A_729 : memref<128xi32, #tpu.memory_space<vmem>>) semaphore(%dma_start3A_734 : memref<!tpu.dma_semaphore, #tpu.memory_space<semaphore_mem>>)
      } else {
      }
      %dma_wait3A_575 = arith.constant 5 : i32
      %dma_wait3A_576 = arith.constant 5 : i32
      %dma_wait3A_577 = arith.constant 0 : i32
      %dma_wait3A_578 = arith.constant 0 : i32
      %dma_wait3A_579 = tpu.memref_slice %arg13[%dma_wait3A_575, %dma_wait3A_577, %dma_wait3A_578] : memref<8x128x32xf32, #tpu.memory_space<vmem>> -> memref<1x128x32xf32, #tpu.memory_space<vmem>>
      %dma_wait3A_580 = tpu.memref_squeeze %dma_wait3A_579 : memref<1x128x32xf32, #tpu.memory_space<vmem>> -> memref<128x32xf32, #tpu.memory_space<vmem>>
      %dma_wait3A_581 = arith.constant 0 : i32
      %dma_wait3A_582 = tpu.memref_slice %arg11[%add3A_557, %dma_wait3A_581] : memref<80x128xi32, #tpu.memory_space<vmem>> -> memref<1x128xi32, #tpu.memory_space<vmem>>
      %dma_wait3A_583 = tpu.memref_squeeze %dma_wait3A_582 : memref<1x128xi32, #tpu.memory_space<vmem>> -> memref<128xi32, #tpu.memory_space<vmem>>
      %dma_wait3A_584 = arith.constant 0 : i32
      %dma_wait3A_585 = arith.constant 0 : i32
      %dma_wait3A_586 = tpu.memref_slice %arg10[%dma_wait3A_584, %dma_wait3A_585] : memref<10000x32xf32, #tpu.memory_space<vmem_shared>> -> memref<10000x32xf32, #tpu.memory_space<vmem_shared>>
      %dma_wait3A_587 = tpu.memref_slice %arg15[%dma_wait3A_576] : memref<8x!tpu.dma_semaphore, #tpu.memory_space<semaphore_mem>> -> memref<1x!tpu.dma_semaphore, #tpu.memory_space<semaphore_mem>>
      %dma_wait3A_588 = tpu.memref_squeeze %dma_wait3A_587 : memref<1x!tpu.dma_semaphore, #tpu.memory_space<semaphore_mem>> -> memref<!tpu.dma_semaphore, #tpu.memory_space<semaphore_mem>>
      tpu.wait_indirect_dma semaphore(%dma_wait3A_588 : memref<!tpu.dma_semaphore, #tpu.memory_space<semaphore_mem>>) src(%dma_wait3A_586 : memref<10000x32xf32, #tpu.memory_space<vmem_shared>>) dst(%dma_wait3A_580 : memref<128x32xf32, #tpu.memory_space<vmem>>)
      %dma_start3A_589 = arith.constant 5 : i32
      %dma_start3A_590 = arith.constant 5 : i32
      %dma_start3A_591 = arith.constant 0 : i32
      %dma_start3A_592 = arith.constant 0 : i32
      %dma_start3A_593 = tpu.memref_slice %arg13[%dma_start3A_589, %dma_start3A_591, %dma_start3A_592] : memref<8x128x32xf32, #tpu.memory_space<vmem>> -> memref<1x128x32xf32, #tpu.memory_space<vmem>>
      %dma_start3A_594 = tpu.memref_squeeze %dma_start3A_593 : memref<1x128x32xf32, #tpu.memory_space<vmem>> -> memref<128x32xf32, #tpu.memory_space<vmem>>
      %dma_start3A_595 = arith.constant 0 : i32
      %dma_start3A_596 = tpu.memref_slice %arg12[%add3A_557, %dma_start3A_595] : memref<80x128xi32, #tpu.memory_space<vmem>> -> memref<1x128xi32, #tpu.memory_space<vmem>>
      %dma_start3A_597 = tpu.memref_squeeze %dma_start3A_596 : memref<1x128xi32, #tpu.memory_space<vmem>> -> memref<128xi32, #tpu.memory_space<vmem>>
      %dma_start3A_598 = arith.constant 0 : i32
      %dma_start3A_599 = arith.constant 0 : i32
      %dma_start3A_600 = tpu.memref_slice %arg8[%dma_start3A_598, %dma_start3A_599] : memref<10112x32xf32, #tpu.memory_space<vmem_shared>> -> memref<10112x32xf32, #tpu.memory_space<vmem_shared>>
      %dma_start3A_601 = tpu.memref_slice %arg16[%dma_start3A_590] : memref<8x!tpu.dma_semaphore, #tpu.memory_space<semaphore_mem>> -> memref<1x!tpu.dma_semaphore, #tpu.memory_space<semaphore_mem>>
      %dma_start3A_602 = tpu.memref_squeeze %dma_start3A_601 : memref<1x!tpu.dma_semaphore, #tpu.memory_space<semaphore_mem>> -> memref<!tpu.dma_semaphore, #tpu.memory_space<semaphore_mem>>
      tpu.enqueue_indirect_dma source(%dma_start3A_594 : memref<128x32xf32, #tpu.memory_space<vmem>>) target(%dma_start3A_600 : memref<10112x32xf32, #tpu.memory_space<vmem_shared>>) offsets(%dma_start3A_597 : memref<128xi32, #tpu.memory_space<vmem>>) semaphore(%dma_start3A_602 : memref<!tpu.dma_semaphore, #tpu.memory_space<semaphore_mem>>) {add = true}
      %dma_start3A_603 = arith.constant 0 : i32
      %dma_start3A_604 = tpu.memref_slice %arg12[%add3A_557, %dma_start3A_603] : memref<80x128xi32, #tpu.memory_space<vmem>> -> memref<1x128xi32, #tpu.memory_space<vmem>>
      %dma_start3A_605 = tpu.memref_squeeze %dma_start3A_604 : memref<1x128xi32, #tpu.memory_space<vmem>> -> memref<128xi32, #tpu.memory_space<vmem>>
      %dma_start3A_606 = arith.constant 0 : i32
      %dma_start3A_607 = arith.constant 0 : i32
      %dma_start3A_608 = tpu.memref_slice %arg9[%dma_start3A_606, %dma_start3A_607] : memref<10112x8xf32, #tpu.memory_space<vmem_shared>> -> memref<10112x8xf32, #tpu.memory_space<vmem_shared>>
      tpu.enqueue_indirect_dma source(%arg14 : memref<128x8xf32, #tpu.memory_space<vmem>>) target(%dma_start3A_608 : memref<10112x8xf32, #tpu.memory_space<vmem_shared>>) offsets(%dma_start3A_605 : memref<128xi32, #tpu.memory_space<vmem>>) semaphore(%arg17 : memref<!tpu.dma_semaphore, #tpu.memory_space<semaphore_mem>>) {add = true}
      %mul3A_609 = arith.constant 8 : i32
      %mul3A_610 = arith.muli %scan3A_280, %mul3A_609 : i32
      %add3A_611 = arith.constant 6 : i32
      %add3A_612 = arith.addi %mul3A_610, %add3A_611 : i32
      %ge3A_613 = arith.constant 5 : i32
      %ge3A_614 = arith.cmpi sge, %add3A_612, %ge3A_613 : i32
      %add3A_615 = arith.constant 3 : i32
      %add3A_616 = arith.addi %add3A_612, %add3A_615 : i32
      %lt3A_617 = arith.constant 80 : i32
      %lt3A_618 = arith.cmpi slt, %add3A_616, %lt3A_617 : i32
      %and3A_619 = arith.andi %ge3A_614, %lt3A_618 : i1
      %convert_element_type3A_620 = arith.extui %and3A_619 : i1 to i32
      %cond3A_621 = arith.constant 0 : i32
      %cond3A_622 = arith.cmpi ne, %convert_element_type3A_620, %cond3A_621 : i32
      scf.if %cond3A_622 {
        %dma_wait3A_719 = arith.constant 1 : i32
        %dma_wait3A_720 = arith.constant 1 : i32
        %dma_wait3A_721 = arith.constant 0 : i32
        %dma_wait3A_722 = arith.constant 0 : i32
        %dma_wait3A_723 = tpu.memref_slice %arg13[%dma_wait3A_719, %dma_wait3A_721, %dma_wait3A_722] : memref<8x128x32xf32, #tpu.memory_space<vmem>> -> memref<1x128x32xf32, #tpu.memory_space<vmem>>
        %dma_wait3A_724 = tpu.memref_squeeze %dma_wait3A_723 : memref<1x128x32xf32, #tpu.memory_space<vmem>> -> memref<128x32xf32, #tpu.memory_space<vmem>>
        %dma_wait3A_725 = arith.constant 0 : i32
        %dma_wait3A_726 = tpu.memref_slice %arg12[%add3A_612, %dma_wait3A_725] : memref<80x128xi32, #tpu.memory_space<vmem>> -> memref<1x128xi32, #tpu.memory_space<vmem>>
        %dma_wait3A_727 = tpu.memref_squeeze %dma_wait3A_726 : memref<1x128xi32, #tpu.memory_space<vmem>> -> memref<128xi32, #tpu.memory_space<vmem>>
        %dma_wait3A_728 = arith.constant 0 : i32
        %dma_wait3A_729 = arith.constant 0 : i32
        %dma_wait3A_730 = tpu.memref_slice %arg8[%dma_wait3A_728, %dma_wait3A_729] : memref<10112x32xf32, #tpu.memory_space<vmem_shared>> -> memref<10112x32xf32, #tpu.memory_space<vmem_shared>>
        %dma_wait3A_731 = tpu.memref_slice %arg16[%dma_wait3A_720] : memref<8x!tpu.dma_semaphore, #tpu.memory_space<semaphore_mem>> -> memref<1x!tpu.dma_semaphore, #tpu.memory_space<semaphore_mem>>
        %dma_wait3A_732 = tpu.memref_squeeze %dma_wait3A_731 : memref<1x!tpu.dma_semaphore, #tpu.memory_space<semaphore_mem>> -> memref<!tpu.dma_semaphore, #tpu.memory_space<semaphore_mem>>
        tpu.wait_indirect_dma semaphore(%dma_wait3A_732 : memref<!tpu.dma_semaphore, #tpu.memory_space<semaphore_mem>>) src(%dma_wait3A_724 : memref<128x32xf32, #tpu.memory_space<vmem>>) dst(%dma_wait3A_730 : memref<10112x32xf32, #tpu.memory_space<vmem_shared>>)
      } else {
      }
      %add3A_623 = arith.constant 3 : i32
      %add3A_624 = arith.addi %add3A_612, %add3A_623 : i32
      %lt3A_625 = arith.constant 80 : i32
      %lt3A_626 = arith.cmpi slt, %add3A_624, %lt3A_625 : i32
      %convert_element_type3A_627 = arith.extui %lt3A_626 : i1 to i32
      %cond3A_628 = arith.constant 0 : i32
      %cond3A_629 = arith.cmpi ne, %convert_element_type3A_627, %cond3A_628 : i32
      scf.if %cond3A_629 {
        %add3A_719 = arith.constant 3 : i32
        %add3A_720 = arith.addi %add3A_612, %add3A_719 : i32
        %dma_start3A_721 = arith.constant 1 : i32
        %dma_start3A_722 = arith.constant 1 : i32
        %dma_start3A_723 = arith.constant 0 : i32
        %dma_start3A_724 = arith.constant 0 : i32
        %dma_start3A_725 = tpu.memref_slice %arg13[%dma_start3A_721, %dma_start3A_723, %dma_start3A_724] : memref<8x128x32xf32, #tpu.memory_space<vmem>> -> memref<1x128x32xf32, #tpu.memory_space<vmem>>
        %dma_start3A_726 = tpu.memref_squeeze %dma_start3A_725 : memref<1x128x32xf32, #tpu.memory_space<vmem>> -> memref<128x32xf32, #tpu.memory_space<vmem>>
        %dma_start3A_727 = arith.constant 0 : i32
        %dma_start3A_728 = tpu.memref_slice %arg11[%add3A_720, %dma_start3A_727] : memref<80x128xi32, #tpu.memory_space<vmem>> -> memref<1x128xi32, #tpu.memory_space<vmem>>
        %dma_start3A_729 = tpu.memref_squeeze %dma_start3A_728 : memref<1x128xi32, #tpu.memory_space<vmem>> -> memref<128xi32, #tpu.memory_space<vmem>>
        %dma_start3A_730 = arith.constant 0 : i32
        %dma_start3A_731 = arith.constant 0 : i32
        %dma_start3A_732 = tpu.memref_slice %arg10[%dma_start3A_730, %dma_start3A_731] : memref<10000x32xf32, #tpu.memory_space<vmem_shared>> -> memref<10000x32xf32, #tpu.memory_space<vmem_shared>>
        %dma_start3A_733 = tpu.memref_slice %arg15[%dma_start3A_722] : memref<8x!tpu.dma_semaphore, #tpu.memory_space<semaphore_mem>> -> memref<1x!tpu.dma_semaphore, #tpu.memory_space<semaphore_mem>>
        %dma_start3A_734 = tpu.memref_squeeze %dma_start3A_733 : memref<1x!tpu.dma_semaphore, #tpu.memory_space<semaphore_mem>> -> memref<!tpu.dma_semaphore, #tpu.memory_space<semaphore_mem>>
        tpu.enqueue_indirect_dma source(%dma_start3A_732 : memref<10000x32xf32, #tpu.memory_space<vmem_shared>>) target(%dma_start3A_726 : memref<128x32xf32, #tpu.memory_space<vmem>>) offsets(%dma_start3A_729 : memref<128xi32, #tpu.memory_space<vmem>>) semaphore(%dma_start3A_734 : memref<!tpu.dma_semaphore, #tpu.memory_space<semaphore_mem>>)
      } else {
      }
      %dma_wait3A_630 = arith.constant 6 : i32
      %dma_wait3A_631 = arith.constant 6 : i32
      %dma_wait3A_632 = arith.constant 0 : i32
      %dma_wait3A_633 = arith.constant 0 : i32
      %dma_wait3A_634 = tpu.memref_slice %arg13[%dma_wait3A_630, %dma_wait3A_632, %dma_wait3A_633] : memref<8x128x32xf32, #tpu.memory_space<vmem>> -> memref<1x128x32xf32, #tpu.memory_space<vmem>>
      %dma_wait3A_635 = tpu.memref_squeeze %dma_wait3A_634 : memref<1x128x32xf32, #tpu.memory_space<vmem>> -> memref<128x32xf32, #tpu.memory_space<vmem>>
      %dma_wait3A_636 = arith.constant 0 : i32
      %dma_wait3A_637 = tpu.memref_slice %arg11[%add3A_612, %dma_wait3A_636] : memref<80x128xi32, #tpu.memory_space<vmem>> -> memref<1x128xi32, #tpu.memory_space<vmem>>
      %dma_wait3A_638 = tpu.memref_squeeze %dma_wait3A_637 : memref<1x128xi32, #tpu.memory_space<vmem>> -> memref<128xi32, #tpu.memory_space<vmem>>
      %dma_wait3A_639 = arith.constant 0 : i32
      %dma_wait3A_640 = arith.constant 0 : i32
      %dma_wait3A_641 = tpu.memref_slice %arg10[%dma_wait3A_639, %dma_wait3A_640] : memref<10000x32xf32, #tpu.memory_space<vmem_shared>> -> memref<10000x32xf32, #tpu.memory_space<vmem_shared>>
      %dma_wait3A_642 = tpu.memref_slice %arg15[%dma_wait3A_631] : memref<8x!tpu.dma_semaphore, #tpu.memory_space<semaphore_mem>> -> memref<1x!tpu.dma_semaphore, #tpu.memory_space<semaphore_mem>>
      %dma_wait3A_643 = tpu.memref_squeeze %dma_wait3A_642 : memref<1x!tpu.dma_semaphore, #tpu.memory_space<semaphore_mem>> -> memref<!tpu.dma_semaphore, #tpu.memory_space<semaphore_mem>>
      tpu.wait_indirect_dma semaphore(%dma_wait3A_643 : memref<!tpu.dma_semaphore, #tpu.memory_space<semaphore_mem>>) src(%dma_wait3A_641 : memref<10000x32xf32, #tpu.memory_space<vmem_shared>>) dst(%dma_wait3A_635 : memref<128x32xf32, #tpu.memory_space<vmem>>)
      %dma_start3A_644 = arith.constant 6 : i32
      %dma_start3A_645 = arith.constant 6 : i32
      %dma_start3A_646 = arith.constant 0 : i32
      %dma_start3A_647 = arith.constant 0 : i32
      %dma_start3A_648 = tpu.memref_slice %arg13[%dma_start3A_644, %dma_start3A_646, %dma_start3A_647] : memref<8x128x32xf32, #tpu.memory_space<vmem>> -> memref<1x128x32xf32, #tpu.memory_space<vmem>>
      %dma_start3A_649 = tpu.memref_squeeze %dma_start3A_648 : memref<1x128x32xf32, #tpu.memory_space<vmem>> -> memref<128x32xf32, #tpu.memory_space<vmem>>
      %dma_start3A_650 = arith.constant 0 : i32
      %dma_start3A_651 = tpu.memref_slice %arg12[%add3A_612, %dma_start3A_650] : memref<80x128xi32, #tpu.memory_space<vmem>> -> memref<1x128xi32, #tpu.memory_space<vmem>>
      %dma_start3A_652 = tpu.memref_squeeze %dma_start3A_651 : memref<1x128xi32, #tpu.memory_space<vmem>> -> memref<128xi32, #tpu.memory_space<vmem>>
      %dma_start3A_653 = arith.constant 0 : i32
      %dma_start3A_654 = arith.constant 0 : i32
      %dma_start3A_655 = tpu.memref_slice %arg8[%dma_start3A_653, %dma_start3A_654] : memref<10112x32xf32, #tpu.memory_space<vmem_shared>> -> memref<10112x32xf32, #tpu.memory_space<vmem_shared>>
      %dma_start3A_656 = tpu.memref_slice %arg16[%dma_start3A_645] : memref<8x!tpu.dma_semaphore, #tpu.memory_space<semaphore_mem>> -> memref<1x!tpu.dma_semaphore, #tpu.memory_space<semaphore_mem>>
      %dma_start3A_657 = tpu.memref_squeeze %dma_start3A_656 : memref<1x!tpu.dma_semaphore, #tpu.memory_space<semaphore_mem>> -> memref<!tpu.dma_semaphore, #tpu.memory_space<semaphore_mem>>
      tpu.enqueue_indirect_dma source(%dma_start3A_649 : memref<128x32xf32, #tpu.memory_space<vmem>>) target(%dma_start3A_655 : memref<10112x32xf32, #tpu.memory_space<vmem_shared>>) offsets(%dma_start3A_652 : memref<128xi32, #tpu.memory_space<vmem>>) semaphore(%dma_start3A_657 : memref<!tpu.dma_semaphore, #tpu.memory_space<semaphore_mem>>) {add = true}
      %dma_start3A_658 = arith.constant 0 : i32
      %dma_start3A_659 = tpu.memref_slice %arg12[%add3A_612, %dma_start3A_658] : memref<80x128xi32, #tpu.memory_space<vmem>> -> memref<1x128xi32, #tpu.memory_space<vmem>>
      %dma_start3A_660 = tpu.memref_squeeze %dma_start3A_659 : memref<1x128xi32, #tpu.memory_space<vmem>> -> memref<128xi32, #tpu.memory_space<vmem>>
      %dma_start3A_661 = arith.constant 0 : i32
      %dma_start3A_662 = arith.constant 0 : i32
      %dma_start3A_663 = tpu.memref_slice %arg9[%dma_start3A_661, %dma_start3A_662] : memref<10112x8xf32, #tpu.memory_space<vmem_shared>> -> memref<10112x8xf32, #tpu.memory_space<vmem_shared>>
      tpu.enqueue_indirect_dma source(%arg14 : memref<128x8xf32, #tpu.memory_space<vmem>>) target(%dma_start3A_663 : memref<10112x8xf32, #tpu.memory_space<vmem_shared>>) offsets(%dma_start3A_660 : memref<128xi32, #tpu.memory_space<vmem>>) semaphore(%arg17 : memref<!tpu.dma_semaphore, #tpu.memory_space<semaphore_mem>>) {add = true}
      %mul3A_664 = arith.constant 8 : i32
      %mul3A_665 = arith.muli %scan3A_280, %mul3A_664 : i32
      %add3A_666 = arith.constant 7 : i32
      %add3A_667 = arith.addi %mul3A_665, %add3A_666 : i32
      %ge3A_668 = arith.constant 5 : i32
      %ge3A_669 = arith.cmpi sge, %add3A_667, %ge3A_668 : i32
      %add3A_670 = arith.constant 3 : i32
      %add3A_671 = arith.addi %add3A_667, %add3A_670 : i32
      %lt3A_672 = arith.constant 80 : i32
      %lt3A_673 = arith.cmpi slt, %add3A_671, %lt3A_672 : i32
      %and3A_674 = arith.andi %ge3A_669, %lt3A_673 : i1
      %convert_element_type3A_675 = arith.extui %and3A_674 : i1 to i32
      %cond3A_676 = arith.constant 0 : i32
      %cond3A_677 = arith.cmpi ne, %convert_element_type3A_675, %cond3A_676 : i32
      scf.if %cond3A_677 {
        %dma_wait3A_719 = arith.constant 2 : i32
        %dma_wait3A_720 = arith.constant 2 : i32
        %dma_wait3A_721 = arith.constant 0 : i32
        %dma_wait3A_722 = arith.constant 0 : i32
        %dma_wait3A_723 = tpu.memref_slice %arg13[%dma_wait3A_719, %dma_wait3A_721, %dma_wait3A_722] : memref<8x128x32xf32, #tpu.memory_space<vmem>> -> memref<1x128x32xf32, #tpu.memory_space<vmem>>
        %dma_wait3A_724 = tpu.memref_squeeze %dma_wait3A_723 : memref<1x128x32xf32, #tpu.memory_space<vmem>> -> memref<128x32xf32, #tpu.memory_space<vmem>>
        %dma_wait3A_725 = arith.constant 0 : i32
        %dma_wait3A_726 = tpu.memref_slice %arg12[%add3A_667, %dma_wait3A_725] : memref<80x128xi32, #tpu.memory_space<vmem>> -> memref<1x128xi32, #tpu.memory_space<vmem>>
        %dma_wait3A_727 = tpu.memref_squeeze %dma_wait3A_726 : memref<1x128xi32, #tpu.memory_space<vmem>> -> memref<128xi32, #tpu.memory_space<vmem>>
        %dma_wait3A_728 = arith.constant 0 : i32
        %dma_wait3A_729 = arith.constant 0 : i32
        %dma_wait3A_730 = tpu.memref_slice %arg8[%dma_wait3A_728, %dma_wait3A_729] : memref<10112x32xf32, #tpu.memory_space<vmem_shared>> -> memref<10112x32xf32, #tpu.memory_space<vmem_shared>>
        %dma_wait3A_731 = tpu.memref_slice %arg16[%dma_wait3A_720] : memref<8x!tpu.dma_semaphore, #tpu.memory_space<semaphore_mem>> -> memref<1x!tpu.dma_semaphore, #tpu.memory_space<semaphore_mem>>
        %dma_wait3A_732 = tpu.memref_squeeze %dma_wait3A_731 : memref<1x!tpu.dma_semaphore, #tpu.memory_space<semaphore_mem>> -> memref<!tpu.dma_semaphore, #tpu.memory_space<semaphore_mem>>
        tpu.wait_indirect_dma semaphore(%dma_wait3A_732 : memref<!tpu.dma_semaphore, #tpu.memory_space<semaphore_mem>>) src(%dma_wait3A_724 : memref<128x32xf32, #tpu.memory_space<vmem>>) dst(%dma_wait3A_730 : memref<10112x32xf32, #tpu.memory_space<vmem_shared>>)
      } else {
      }
      %add3A_678 = arith.constant 3 : i32
      %add3A_679 = arith.addi %add3A_667, %add3A_678 : i32
      %lt3A_680 = arith.constant 80 : i32
      %lt3A_681 = arith.cmpi slt, %add3A_679, %lt3A_680 : i32
      %convert_element_type3A_682 = arith.extui %lt3A_681 : i1 to i32
      %cond3A_683 = arith.constant 0 : i32
      %cond3A_684 = arith.cmpi ne, %convert_element_type3A_682, %cond3A_683 : i32
      scf.if %cond3A_684 {
        %add3A_719 = arith.constant 3 : i32
        %add3A_720 = arith.addi %add3A_667, %add3A_719 : i32
        %dma_start3A_721 = arith.constant 2 : i32
        %dma_start3A_722 = arith.constant 2 : i32
        %dma_start3A_723 = arith.constant 0 : i32
        %dma_start3A_724 = arith.constant 0 : i32
        %dma_start3A_725 = tpu.memref_slice %arg13[%dma_start3A_721, %dma_start3A_723, %dma_start3A_724] : memref<8x128x32xf32, #tpu.memory_space<vmem>> -> memref<1x128x32xf32, #tpu.memory_space<vmem>>
        %dma_start3A_726 = tpu.memref_squeeze %dma_start3A_725 : memref<1x128x32xf32, #tpu.memory_space<vmem>> -> memref<128x32xf32, #tpu.memory_space<vmem>>
        %dma_start3A_727 = arith.constant 0 : i32
        %dma_start3A_728 = tpu.memref_slice %arg11[%add3A_720, %dma_start3A_727] : memref<80x128xi32, #tpu.memory_space<vmem>> -> memref<1x128xi32, #tpu.memory_space<vmem>>
        %dma_start3A_729 = tpu.memref_squeeze %dma_start3A_728 : memref<1x128xi32, #tpu.memory_space<vmem>> -> memref<128xi32, #tpu.memory_space<vmem>>
        %dma_start3A_730 = arith.constant 0 : i32
        %dma_start3A_731 = arith.constant 0 : i32
        %dma_start3A_732 = tpu.memref_slice %arg10[%dma_start3A_730, %dma_start3A_731] : memref<10000x32xf32, #tpu.memory_space<vmem_shared>> -> memref<10000x32xf32, #tpu.memory_space<vmem_shared>>
        %dma_start3A_733 = tpu.memref_slice %arg15[%dma_start3A_722] : memref<8x!tpu.dma_semaphore, #tpu.memory_space<semaphore_mem>> -> memref<1x!tpu.dma_semaphore, #tpu.memory_space<semaphore_mem>>
        %dma_start3A_734 = tpu.memref_squeeze %dma_start3A_733 : memref<1x!tpu.dma_semaphore, #tpu.memory_space<semaphore_mem>> -> memref<!tpu.dma_semaphore, #tpu.memory_space<semaphore_mem>>
        tpu.enqueue_indirect_dma source(%dma_start3A_732 : memref<10000x32xf32, #tpu.memory_space<vmem_shared>>) target(%dma_start3A_726 : memref<128x32xf32, #tpu.memory_space<vmem>>) offsets(%dma_start3A_729 : memref<128xi32, #tpu.memory_space<vmem>>) semaphore(%dma_start3A_734 : memref<!tpu.dma_semaphore, #tpu.memory_space<semaphore_mem>>)
      } else {
      }
      %dma_wait3A_685 = arith.constant 7 : i32
      %dma_wait3A_686 = arith.constant 7 : i32
      %dma_wait3A_687 = arith.constant 0 : i32
      %dma_wait3A_688 = arith.constant 0 : i32
      %dma_wait3A_689 = tpu.memref_slice %arg13[%dma_wait3A_685, %dma_wait3A_687, %dma_wait3A_688] : memref<8x128x32xf32, #tpu.memory_space<vmem>> -> memref<1x128x32xf32, #tpu.memory_space<vmem>>
      %dma_wait3A_690 = tpu.memref_squeeze %dma_wait3A_689 : memref<1x128x32xf32, #tpu.memory_space<vmem>> -> memref<128x32xf32, #tpu.memory_space<vmem>>
      %dma_wait3A_691 = arith.constant 0 : i32
      %dma_wait3A_692 = tpu.memref_slice %arg11[%add3A_667, %dma_wait3A_691] : memref<80x128xi32, #tpu.memory_space<vmem>> -> memref<1x128xi32, #tpu.memory_space<vmem>>
      %dma_wait3A_693 = tpu.memref_squeeze %dma_wait3A_692 : memref<1x128xi32, #tpu.memory_space<vmem>> -> memref<128xi32, #tpu.memory_space<vmem>>
      %dma_wait3A_694 = arith.constant 0 : i32
      %dma_wait3A_695 = arith.constant 0 : i32
      %dma_wait3A_696 = tpu.memref_slice %arg10[%dma_wait3A_694, %dma_wait3A_695] : memref<10000x32xf32, #tpu.memory_space<vmem_shared>> -> memref<10000x32xf32, #tpu.memory_space<vmem_shared>>
      %dma_wait3A_697 = tpu.memref_slice %arg15[%dma_wait3A_686] : memref<8x!tpu.dma_semaphore, #tpu.memory_space<semaphore_mem>> -> memref<1x!tpu.dma_semaphore, #tpu.memory_space<semaphore_mem>>
      %dma_wait3A_698 = tpu.memref_squeeze %dma_wait3A_697 : memref<1x!tpu.dma_semaphore, #tpu.memory_space<semaphore_mem>> -> memref<!tpu.dma_semaphore, #tpu.memory_space<semaphore_mem>>
      tpu.wait_indirect_dma semaphore(%dma_wait3A_698 : memref<!tpu.dma_semaphore, #tpu.memory_space<semaphore_mem>>) src(%dma_wait3A_696 : memref<10000x32xf32, #tpu.memory_space<vmem_shared>>) dst(%dma_wait3A_690 : memref<128x32xf32, #tpu.memory_space<vmem>>)
      %dma_start3A_699 = arith.constant 7 : i32
      %dma_start3A_700 = arith.constant 7 : i32
      %dma_start3A_701 = arith.constant 0 : i32
      %dma_start3A_702 = arith.constant 0 : i32
      %dma_start3A_703 = tpu.memref_slice %arg13[%dma_start3A_699, %dma_start3A_701, %dma_start3A_702] : memref<8x128x32xf32, #tpu.memory_space<vmem>> -> memref<1x128x32xf32, #tpu.memory_space<vmem>>
      %dma_start3A_704 = tpu.memref_squeeze %dma_start3A_703 : memref<1x128x32xf32, #tpu.memory_space<vmem>> -> memref<128x32xf32, #tpu.memory_space<vmem>>
      %dma_start3A_705 = arith.constant 0 : i32
      %dma_start3A_706 = tpu.memref_slice %arg12[%add3A_667, %dma_start3A_705] : memref<80x128xi32, #tpu.memory_space<vmem>> -> memref<1x128xi32, #tpu.memory_space<vmem>>
      %dma_start3A_707 = tpu.memref_squeeze %dma_start3A_706 : memref<1x128xi32, #tpu.memory_space<vmem>> -> memref<128xi32, #tpu.memory_space<vmem>>
      %dma_start3A_708 = arith.constant 0 : i32
      %dma_start3A_709 = arith.constant 0 : i32
      %dma_start3A_710 = tpu.memref_slice %arg8[%dma_start3A_708, %dma_start3A_709] : memref<10112x32xf32, #tpu.memory_space<vmem_shared>> -> memref<10112x32xf32, #tpu.memory_space<vmem_shared>>
      %dma_start3A_711 = tpu.memref_slice %arg16[%dma_start3A_700] : memref<8x!tpu.dma_semaphore, #tpu.memory_space<semaphore_mem>> -> memref<1x!tpu.dma_semaphore, #tpu.memory_space<semaphore_mem>>
      %dma_start3A_712 = tpu.memref_squeeze %dma_start3A_711 : memref<1x!tpu.dma_semaphore, #tpu.memory_space<semaphore_mem>> -> memref<!tpu.dma_semaphore, #tpu.memory_space<semaphore_mem>>
      tpu.enqueue_indirect_dma source(%dma_start3A_704 : memref<128x32xf32, #tpu.memory_space<vmem>>) target(%dma_start3A_710 : memref<10112x32xf32, #tpu.memory_space<vmem_shared>>) offsets(%dma_start3A_707 : memref<128xi32, #tpu.memory_space<vmem>>) semaphore(%dma_start3A_712 : memref<!tpu.dma_semaphore, #tpu.memory_space<semaphore_mem>>) {add = true}
      %dma_start3A_713 = arith.constant 0 : i32
      %dma_start3A_714 = tpu.memref_slice %arg12[%add3A_667, %dma_start3A_713] : memref<80x128xi32, #tpu.memory_space<vmem>> -> memref<1x128xi32, #tpu.memory_space<vmem>>
      %dma_start3A_715 = tpu.memref_squeeze %dma_start3A_714 : memref<1x128xi32, #tpu.memory_space<vmem>> -> memref<128xi32, #tpu.memory_space<vmem>>
      %dma_start3A_716 = arith.constant 0 : i32
      %dma_start3A_717 = arith.constant 0 : i32
      %dma_start3A_718 = tpu.memref_slice %arg9[%dma_start3A_716, %dma_start3A_717] : memref<10112x8xf32, #tpu.memory_space<vmem_shared>> -> memref<10112x8xf32, #tpu.memory_space<vmem_shared>>
      tpu.enqueue_indirect_dma source(%arg14 : memref<128x8xf32, #tpu.memory_space<vmem>>) target(%dma_start3A_718 : memref<10112x8xf32, #tpu.memory_space<vmem_shared>>) offsets(%dma_start3A_715 : memref<128xi32, #tpu.memory_space<vmem>>) semaphore(%arg17 : memref<!tpu.dma_semaphore, #tpu.memory_space<semaphore_mem>>) {add = true}
    }
    %scan3A_142 = arith.constant 10 : i32
    %dma_wait3A_143 = arith.constant 0 : i32
    %dma_wait3A_144 = arith.constant 0 : i32
    %dma_wait3A_145 = arith.constant 0 : i32
    %dma_wait3A_146 = arith.constant 0 : i32
    %dma_wait3A_147 = arith.constant 0 : i32
    %dma_wait3A_148 = tpu.memref_slice %arg13[%dma_wait3A_143, %dma_wait3A_146, %dma_wait3A_147] : memref<8x128x32xf32, #tpu.memory_space<vmem>> -> memref<1x128x32xf32, #tpu.memory_space<vmem>>
    %dma_wait3A_149 = tpu.memref_squeeze %dma_wait3A_148 : memref<1x128x32xf32, #tpu.memory_space<vmem>> -> memref<128x32xf32, #tpu.memory_space<vmem>>
    %dma_wait3A_150 = arith.constant 0 : i32
    %dma_wait3A_151 = tpu.memref_slice %arg12[%dma_wait3A_144, %dma_wait3A_150] : memref<80x128xi32, #tpu.memory_space<vmem>> -> memref<1x128xi32, #tpu.memory_space<vmem>>
    %dma_wait3A_152 = tpu.memref_squeeze %dma_wait3A_151 : memref<1x128xi32, #tpu.memory_space<vmem>> -> memref<128xi32, #tpu.memory_space<vmem>>
    %dma_wait3A_153 = arith.constant 0 : i32
    %dma_wait3A_154 = arith.constant 0 : i32
    %dma_wait3A_155 = tpu.memref_slice %arg8[%dma_wait3A_153, %dma_wait3A_154] : memref<10112x32xf32, #tpu.memory_space<vmem_shared>> -> memref<10112x32xf32, #tpu.memory_space<vmem_shared>>
    %dma_wait3A_156 = tpu.memref_slice %arg16[%dma_wait3A_145] : memref<8x!tpu.dma_semaphore, #tpu.memory_space<semaphore_mem>> -> memref<1x!tpu.dma_semaphore, #tpu.memory_space<semaphore_mem>>
    %dma_wait3A_157 = tpu.memref_squeeze %dma_wait3A_156 : memref<1x!tpu.dma_semaphore, #tpu.memory_space<semaphore_mem>> -> memref<!tpu.dma_semaphore, #tpu.memory_space<semaphore_mem>>
    tpu.wait_indirect_dma semaphore(%dma_wait3A_157 : memref<!tpu.dma_semaphore, #tpu.memory_space<semaphore_mem>>) src(%dma_wait3A_149 : memref<128x32xf32, #tpu.memory_space<vmem>>) dst(%dma_wait3A_155 : memref<10112x32xf32, #tpu.memory_space<vmem_shared>>)
    %dma_wait3A_158 = arith.constant 1 : i32
    %dma_wait3A_159 = arith.constant 0 : i32
    %dma_wait3A_160 = arith.constant 1 : i32
    %dma_wait3A_161 = arith.constant 0 : i32
    %dma_wait3A_162 = arith.constant 0 : i32
    %dma_wait3A_163 = tpu.memref_slice %arg13[%dma_wait3A_158, %dma_wait3A_161, %dma_wait3A_162] : memref<8x128x32xf32, #tpu.memory_space<vmem>> -> memref<1x128x32xf32, #tpu.memory_space<vmem>>
    %dma_wait3A_164 = tpu.memref_squeeze %dma_wait3A_163 : memref<1x128x32xf32, #tpu.memory_space<vmem>> -> memref<128x32xf32, #tpu.memory_space<vmem>>
    %dma_wait3A_165 = arith.constant 0 : i32
    %dma_wait3A_166 = tpu.memref_slice %arg12[%dma_wait3A_159, %dma_wait3A_165] : memref<80x128xi32, #tpu.memory_space<vmem>> -> memref<1x128xi32, #tpu.memory_space<vmem>>
    %dma_wait3A_167 = tpu.memref_squeeze %dma_wait3A_166 : memref<1x128xi32, #tpu.memory_space<vmem>> -> memref<128xi32, #tpu.memory_space<vmem>>
    %dma_wait3A_168 = arith.constant 0 : i32
    %dma_wait3A_169 = arith.constant 0 : i32
    %dma_wait3A_170 = tpu.memref_slice %arg8[%dma_wait3A_168, %dma_wait3A_169] : memref<10112x32xf32, #tpu.memory_space<vmem_shared>> -> memref<10112x32xf32, #tpu.memory_space<vmem_shared>>
    %dma_wait3A_171 = tpu.memref_slice %arg16[%dma_wait3A_160] : memref<8x!tpu.dma_semaphore, #tpu.memory_space<semaphore_mem>> -> memref<1x!tpu.dma_semaphore, #tpu.memory_space<semaphore_mem>>
    %dma_wait3A_172 = tpu.memref_squeeze %dma_wait3A_171 : memref<1x!tpu.dma_semaphore, #tpu.memory_space<semaphore_mem>> -> memref<!tpu.dma_semaphore, #tpu.memory_space<semaphore_mem>>
    tpu.wait_indirect_dma semaphore(%dma_wait3A_172 : memref<!tpu.dma_semaphore, #tpu.memory_space<semaphore_mem>>) src(%dma_wait3A_164 : memref<128x32xf32, #tpu.memory_space<vmem>>) dst(%dma_wait3A_170 : memref<10112x32xf32, #tpu.memory_space<vmem_shared>>)
    %dma_wait3A_173 = arith.constant 2 : i32
    %dma_wait3A_174 = arith.constant 0 : i32
    %dma_wait3A_175 = arith.constant 2 : i32
    %dma_wait3A_176 = arith.constant 0 : i32
    %dma_wait3A_177 = arith.constant 0 : i32
    %dma_wait3A_178 = tpu.memref_slice %arg13[%dma_wait3A_173, %dma_wait3A_176, %dma_wait3A_177] : memref<8x128x32xf32, #tpu.memory_space<vmem>> -> memref<1x128x32xf32, #tpu.memory_space<vmem>>
    %dma_wait3A_179 = tpu.memref_squeeze %dma_wait3A_178 : memref<1x128x32xf32, #tpu.memory_space<vmem>> -> memref<128x32xf32, #tpu.memory_space<vmem>>
    %dma_wait3A_180 = arith.constant 0 : i32
    %dma_wait3A_181 = tpu.memref_slice %arg12[%dma_wait3A_174, %dma_wait3A_180] : memref<80x128xi32, #tpu.memory_space<vmem>> -> memref<1x128xi32, #tpu.memory_space<vmem>>
    %dma_wait3A_182 = tpu.memref_squeeze %dma_wait3A_181 : memref<1x128xi32, #tpu.memory_space<vmem>> -> memref<128xi32, #tpu.memory_space<vmem>>
    %dma_wait3A_183 = arith.constant 0 : i32
    %dma_wait3A_184 = arith.constant 0 : i32
    %dma_wait3A_185 = tpu.memref_slice %arg8[%dma_wait3A_183, %dma_wait3A_184] : memref<10112x32xf32, #tpu.memory_space<vmem_shared>> -> memref<10112x32xf32, #tpu.memory_space<vmem_shared>>
    %dma_wait3A_186 = tpu.memref_slice %arg16[%dma_wait3A_175] : memref<8x!tpu.dma_semaphore, #tpu.memory_space<semaphore_mem>> -> memref<1x!tpu.dma_semaphore, #tpu.memory_space<semaphore_mem>>
    %dma_wait3A_187 = tpu.memref_squeeze %dma_wait3A_186 : memref<1x!tpu.dma_semaphore, #tpu.memory_space<semaphore_mem>> -> memref<!tpu.dma_semaphore, #tpu.memory_space<semaphore_mem>>
    tpu.wait_indirect_dma semaphore(%dma_wait3A_187 : memref<!tpu.dma_semaphore, #tpu.memory_space<semaphore_mem>>) src(%dma_wait3A_179 : memref<128x32xf32, #tpu.memory_space<vmem>>) dst(%dma_wait3A_185 : memref<10112x32xf32, #tpu.memory_space<vmem_shared>>)
    %dma_wait3A_188 = arith.constant 3 : i32
    %dma_wait3A_189 = arith.constant 0 : i32
    %dma_wait3A_190 = arith.constant 3 : i32
    %dma_wait3A_191 = arith.constant 0 : i32
    %dma_wait3A_192 = arith.constant 0 : i32
    %dma_wait3A_193 = tpu.memref_slice %arg13[%dma_wait3A_188, %dma_wait3A_191, %dma_wait3A_192] : memref<8x128x32xf32, #tpu.memory_space<vmem>> -> memref<1x128x32xf32, #tpu.memory_space<vmem>>
    %dma_wait3A_194 = tpu.memref_squeeze %dma_wait3A_193 : memref<1x128x32xf32, #tpu.memory_space<vmem>> -> memref<128x32xf32, #tpu.memory_space<vmem>>
    %dma_wait3A_195 = arith.constant 0 : i32
    %dma_wait3A_196 = tpu.memref_slice %arg12[%dma_wait3A_189, %dma_wait3A_195] : memref<80x128xi32, #tpu.memory_space<vmem>> -> memref<1x128xi32, #tpu.memory_space<vmem>>
    %dma_wait3A_197 = tpu.memref_squeeze %dma_wait3A_196 : memref<1x128xi32, #tpu.memory_space<vmem>> -> memref<128xi32, #tpu.memory_space<vmem>>
    %dma_wait3A_198 = arith.constant 0 : i32
    %dma_wait3A_199 = arith.constant 0 : i32
    %dma_wait3A_200 = tpu.memref_slice %arg8[%dma_wait3A_198, %dma_wait3A_199] : memref<10112x32xf32, #tpu.memory_space<vmem_shared>> -> memref<10112x32xf32, #tpu.memory_space<vmem_shared>>
    %dma_wait3A_201 = tpu.memref_slice %arg16[%dma_wait3A_190] : memref<8x!tpu.dma_semaphore, #tpu.memory_space<semaphore_mem>> -> memref<1x!tpu.dma_semaphore, #tpu.memory_space<semaphore_mem>>
    %dma_wait3A_202 = tpu.memref_squeeze %dma_wait3A_201 : memref<1x!tpu.dma_semaphore, #tpu.memory_space<semaphore_mem>> -> memref<!tpu.dma_semaphore, #tpu.memory_space<semaphore_mem>>
    tpu.wait_indirect_dma semaphore(%dma_wait3A_202 : memref<!tpu.dma_semaphore, #tpu.memory_space<semaphore_mem>>) src(%dma_wait3A_194 : memref<128x32xf32, #tpu.memory_space<vmem>>) dst(%dma_wait3A_200 : memref<10112x32xf32, #tpu.memory_space<vmem_shared>>)
    %dma_wait3A_203 = arith.constant 4 : i32
    %dma_wait3A_204 = arith.constant 0 : i32
    %dma_wait3A_205 = arith.constant 4 : i32
    %dma_wait3A_206 = arith.constant 0 : i32
    %dma_wait3A_207 = arith.constant 0 : i32
    %dma_wait3A_208 = tpu.memref_slice %arg13[%dma_wait3A_203, %dma_wait3A_206, %dma_wait3A_207] : memref<8x128x32xf32, #tpu.memory_space<vmem>> -> memref<1x128x32xf32, #tpu.memory_space<vmem>>
    %dma_wait3A_209 = tpu.memref_squeeze %dma_wait3A_208 : memref<1x128x32xf32, #tpu.memory_space<vmem>> -> memref<128x32xf32, #tpu.memory_space<vmem>>
    %dma_wait3A_210 = arith.constant 0 : i32
    %dma_wait3A_211 = tpu.memref_slice %arg12[%dma_wait3A_204, %dma_wait3A_210] : memref<80x128xi32, #tpu.memory_space<vmem>> -> memref<1x128xi32, #tpu.memory_space<vmem>>
    %dma_wait3A_212 = tpu.memref_squeeze %dma_wait3A_211 : memref<1x128xi32, #tpu.memory_space<vmem>> -> memref<128xi32, #tpu.memory_space<vmem>>
    %dma_wait3A_213 = arith.constant 0 : i32
    %dma_wait3A_214 = arith.constant 0 : i32
    %dma_wait3A_215 = tpu.memref_slice %arg8[%dma_wait3A_213, %dma_wait3A_214] : memref<10112x32xf32, #tpu.memory_space<vmem_shared>> -> memref<10112x32xf32, #tpu.memory_space<vmem_shared>>
    %dma_wait3A_216 = tpu.memref_slice %arg16[%dma_wait3A_205] : memref<8x!tpu.dma_semaphore, #tpu.memory_space<semaphore_mem>> -> memref<1x!tpu.dma_semaphore, #tpu.memory_space<semaphore_mem>>
    %dma_wait3A_217 = tpu.memref_squeeze %dma_wait3A_216 : memref<1x!tpu.dma_semaphore, #tpu.memory_space<semaphore_mem>> -> memref<!tpu.dma_semaphore, #tpu.memory_space<semaphore_mem>>
    tpu.wait_indirect_dma semaphore(%dma_wait3A_217 : memref<!tpu.dma_semaphore, #tpu.memory_space<semaphore_mem>>) src(%dma_wait3A_209 : memref<128x32xf32, #tpu.memory_space<vmem>>) dst(%dma_wait3A_215 : memref<10112x32xf32, #tpu.memory_space<vmem_shared>>)
    %dma_wait3A_218 = arith.constant 5 : i32
    %dma_wait3A_219 = arith.constant 0 : i32
    %dma_wait3A_220 = arith.constant 5 : i32
    %dma_wait3A_221 = arith.constant 0 : i32
    %dma_wait3A_222 = arith.constant 0 : i32
    %dma_wait3A_223 = tpu.memref_slice %arg13[%dma_wait3A_218, %dma_wait3A_221, %dma_wait3A_222] : memref<8x128x32xf32, #tpu.memory_space<vmem>> -> memref<1x128x32xf32, #tpu.memory_space<vmem>>
    %dma_wait3A_224 = tpu.memref_squeeze %dma_wait3A_223 : memref<1x128x32xf32, #tpu.memory_space<vmem>> -> memref<128x32xf32, #tpu.memory_space<vmem>>
    %dma_wait3A_225 = arith.constant 0 : i32
    %dma_wait3A_226 = tpu.memref_slice %arg12[%dma_wait3A_219, %dma_wait3A_225] : memref<80x128xi32, #tpu.memory_space<vmem>> -> memref<1x128xi32, #tpu.memory_space<vmem>>
    %dma_wait3A_227 = tpu.memref_squeeze %dma_wait3A_226 : memref<1x128xi32, #tpu.memory_space<vmem>> -> memref<128xi32, #tpu.memory_space<vmem>>
    %dma_wait3A_228 = arith.constant 0 : i32
    %dma_wait3A_229 = arith.constant 0 : i32
    %dma_wait3A_230 = tpu.memref_slice %arg8[%dma_wait3A_228, %dma_wait3A_229] : memref<10112x32xf32, #tpu.memory_space<vmem_shared>> -> memref<10112x32xf32, #tpu.memory_space<vmem_shared>>
    %dma_wait3A_231 = tpu.memref_slice %arg16[%dma_wait3A_220] : memref<8x!tpu.dma_semaphore, #tpu.memory_space<semaphore_mem>> -> memref<1x!tpu.dma_semaphore, #tpu.memory_space<semaphore_mem>>
    %dma_wait3A_232 = tpu.memref_squeeze %dma_wait3A_231 : memref<1x!tpu.dma_semaphore, #tpu.memory_space<semaphore_mem>> -> memref<!tpu.dma_semaphore, #tpu.memory_space<semaphore_mem>>
    tpu.wait_indirect_dma semaphore(%dma_wait3A_232 : memref<!tpu.dma_semaphore, #tpu.memory_space<semaphore_mem>>) src(%dma_wait3A_224 : memref<128x32xf32, #tpu.memory_space<vmem>>) dst(%dma_wait3A_230 : memref<10112x32xf32, #tpu.memory_space<vmem_shared>>)
    %dma_wait3A_233 = arith.constant 6 : i32
    %dma_wait3A_234 = arith.constant 0 : i32
    %dma_wait3A_235 = arith.constant 6 : i32
    %dma_wait3A_236 = arith.constant 0 : i32
    %dma_wait3A_237 = arith.constant 0 : i32
    %dma_wait3A_238 = tpu.memref_slice %arg13[%dma_wait3A_233, %dma_wait3A_236, %dma_wait3A_237] : memref<8x128x32xf32, #tpu.memory_space<vmem>> -> memref<1x128x32xf32, #tpu.memory_space<vmem>>
    %dma_wait3A_239 = tpu.memref_squeeze %dma_wait3A_238 : memref<1x128x32xf32, #tpu.memory_space<vmem>> -> memref<128x32xf32, #tpu.memory_space<vmem>>
    %dma_wait3A_240 = arith.constant 0 : i32
    %dma_wait3A_241 = tpu.memref_slice %arg12[%dma_wait3A_234, %dma_wait3A_240] : memref<80x128xi32, #tpu.memory_space<vmem>> -> memref<1x128xi32, #tpu.memory_space<vmem>>
    %dma_wait3A_242 = tpu.memref_squeeze %dma_wait3A_241 : memref<1x128xi32, #tpu.memory_space<vmem>> -> memref<128xi32, #tpu.memory_space<vmem>>
    %dma_wait3A_243 = arith.constant 0 : i32
    %dma_wait3A_244 = arith.constant 0 : i32
    %dma_wait3A_245 = tpu.memref_slice %arg8[%dma_wait3A_243, %dma_wait3A_244] : memref<10112x32xf32, #tpu.memory_space<vmem_shared>> -> memref<10112x32xf32, #tpu.memory_space<vmem_shared>>
    %dma_wait3A_246 = tpu.memref_slice %arg16[%dma_wait3A_235] : memref<8x!tpu.dma_semaphore, #tpu.memory_space<semaphore_mem>> -> memref<1x!tpu.dma_semaphore, #tpu.memory_space<semaphore_mem>>
    %dma_wait3A_247 = tpu.memref_squeeze %dma_wait3A_246 : memref<1x!tpu.dma_semaphore, #tpu.memory_space<semaphore_mem>> -> memref<!tpu.dma_semaphore, #tpu.memory_space<semaphore_mem>>
    tpu.wait_indirect_dma semaphore(%dma_wait3A_247 : memref<!tpu.dma_semaphore, #tpu.memory_space<semaphore_mem>>) src(%dma_wait3A_239 : memref<128x32xf32, #tpu.memory_space<vmem>>) dst(%dma_wait3A_245 : memref<10112x32xf32, #tpu.memory_space<vmem_shared>>)
    %dma_wait3A_248 = arith.constant 7 : i32
    %dma_wait3A_249 = arith.constant 0 : i32
    %dma_wait3A_250 = arith.constant 7 : i32
    %dma_wait3A_251 = arith.constant 0 : i32
    %dma_wait3A_252 = arith.constant 0 : i32
    %dma_wait3A_253 = tpu.memref_slice %arg13[%dma_wait3A_248, %dma_wait3A_251, %dma_wait3A_252] : memref<8x128x32xf32, #tpu.memory_space<vmem>> -> memref<1x128x32xf32, #tpu.memory_space<vmem>>
    %dma_wait3A_254 = tpu.memref_squeeze %dma_wait3A_253 : memref<1x128x32xf32, #tpu.memory_space<vmem>> -> memref<128x32xf32, #tpu.memory_space<vmem>>
    %dma_wait3A_255 = arith.constant 0 : i32
    %dma_wait3A_256 = tpu.memref_slice %arg12[%dma_wait3A_249, %dma_wait3A_255] : memref<80x128xi32, #tpu.memory_space<vmem>> -> memref<1x128xi32, #tpu.memory_space<vmem>>
    %dma_wait3A_257 = tpu.memref_squeeze %dma_wait3A_256 : memref<1x128xi32, #tpu.memory_space<vmem>> -> memref<128xi32, #tpu.memory_space<vmem>>
    %dma_wait3A_258 = arith.constant 0 : i32
    %dma_wait3A_259 = arith.constant 0 : i32
    %dma_wait3A_260 = tpu.memref_slice %arg8[%dma_wait3A_258, %dma_wait3A_259] : memref<10112x32xf32, #tpu.memory_space<vmem_shared>> -> memref<10112x32xf32, #tpu.memory_space<vmem_shared>>
    %dma_wait3A_261 = tpu.memref_slice %arg16[%dma_wait3A_250] : memref<8x!tpu.dma_semaphore, #tpu.memory_space<semaphore_mem>> -> memref<1x!tpu.dma_semaphore, #tpu.memory_space<semaphore_mem>>
    %dma_wait3A_262 = tpu.memref_squeeze %dma_wait3A_261 : memref<1x!tpu.dma_semaphore, #tpu.memory_space<semaphore_mem>> -> memref<!tpu.dma_semaphore, #tpu.memory_space<semaphore_mem>>
    tpu.wait_indirect_dma semaphore(%dma_wait3A_262 : memref<!tpu.dma_semaphore, #tpu.memory_space<semaphore_mem>>) src(%dma_wait3A_254 : memref<128x32xf32, #tpu.memory_space<vmem>>) dst(%dma_wait3A_260 : memref<10112x32xf32, #tpu.memory_space<vmem_shared>>)
    %scan3A_263 = arith.constant 0 : i32
    %scan3A_264 = arith.constant 0 : i32
    %scan3A_265 = arith.constant 80 : i32
    %scan3A_266 = arith.addi %scan3A_264, %scan3A_265 : i32
    %scan3A_267 = arith.constant 1 : i32
    scf.for %scan3A_280 = %scan3A_264 to %scan3A_266 step %scan3A_267  : i32 {
      %dma_wait3A_281 = arith.constant 0 : i32
      %dma_wait3A_282 = arith.constant 0 : i32
      %dma_wait3A_283 = tpu.memref_slice %arg12[%dma_wait3A_281, %dma_wait3A_282] : memref<80x128xi32, #tpu.memory_space<vmem>> -> memref<1x128xi32, #tpu.memory_space<vmem>>
      %dma_wait3A_284 = tpu.memref_squeeze %dma_wait3A_283 : memref<1x128xi32, #tpu.memory_space<vmem>> -> memref<128xi32, #tpu.memory_space<vmem>>
      %dma_wait3A_285 = arith.constant 0 : i32
      %dma_wait3A_286 = arith.constant 0 : i32
      %dma_wait3A_287 = tpu.memref_slice %arg9[%dma_wait3A_285, %dma_wait3A_286] : memref<10112x8xf32, #tpu.memory_space<vmem_shared>> -> memref<10112x8xf32, #tpu.memory_space<vmem_shared>>
      tpu.wait_indirect_dma semaphore(%arg17 : memref<!tpu.dma_semaphore, #tpu.memory_space<semaphore_mem>>) src(%arg14 : memref<128x8xf32, #tpu.memory_space<vmem>>) dst(%dma_wait3A_287 : memref<10112x8xf32, #tpu.memory_space<vmem_shared>>)
    }
    %scan3A_268 = arith.constant 80 : i32
    %barrier3A_269 = arith.constant 0 : index
    tpu.barrier barrier_id(%barrier3A_269)
    %eq3A_270 = arith.constant 0 : i32
    %eq3A_271 = arith.cmpi eq, %arg0, %eq3A_270 : i32
    %convert_element_type3A_272 = arith.extui %eq3A_271 : i1 to i32
    %cond3A_273 = arith.constant 0 : i32
    %cond3A_274 = arith.cmpi ne, %convert_element_type3A_272, %cond3A_273 : i32
    scf.if %cond3A_274 {
      %mul3A_280 = arith.constant 632 : i32
      %mul3A_281 = arith.muli %arg1, %mul3A_280 : i32
      %mul3A_282 = arith.constant 632 : i32
      %mul3A_283 = arith.muli %arg1, %mul3A_282 : i32
      "tpu.region"() ({
        %run_scoped3A = tpu.sem_alloc : memref<!tpu.dma_semaphore, #tpu.memory_space<semaphore_mem>>
        %dma_start3A_288 = arith.constant 0 : i32
        %dma_start3A_289 = tpu.memref_slice %arg7[%mul3A_283, %dma_start3A_288] : memref<10112x128xf32, #tpu.memory_space<hbm>> -> memref<632x32xf32, #tpu.memory_space<hbm>>
        %dma_start3A_290 = arith.constant 0 : i32
        %dma_start3A_291 = tpu.memref_slice %arg8[%mul3A_281, %dma_start3A_290] : memref<10112x32xf32, #tpu.memory_space<vmem_shared>> -> memref<632x32xf32, #tpu.memory_space<vmem_shared>>
        tpu.enqueue_dma source(%dma_start3A_291 : memref<632x32xf32, #tpu.memory_space<vmem_shared>>) target(%dma_start3A_289 : memref<632x32xf32, #tpu.memory_space<hbm>>) target_semaphore(%run_scoped3A : memref<!tpu.dma_semaphore, #tpu.memory_space<semaphore_mem>>)
        %dma_wait3A_292 = arith.constant 0 : i32
        %dma_wait3A_293 = tpu.memref_slice %arg7[%mul3A_283, %dma_wait3A_292] : memref<10112x128xf32, #tpu.memory_space<hbm>> -> memref<632x32xf32, #tpu.memory_space<hbm>>
        %dma_wait3A_294 = arith.constant 0 : i32
        %dma_wait3A_295 = tpu.memref_slice %arg8[%mul3A_281, %dma_wait3A_294] : memref<10112x32xf32, #tpu.memory_space<vmem_shared>> -> memref<632x32xf32, #tpu.memory_space<vmem_shared>>
        tpu.wait_dma2 semaphore(%run_scoped3A : memref<!tpu.dma_semaphore, #tpu.memory_space<semaphore_mem>>) src(%dma_wait3A_295 : memref<632x32xf32, #tpu.memory_space<vmem_shared>>) dst(%dma_wait3A_293 : memref<632x32xf32, #tpu.memory_space<hbm>>)
        tpu.yield
      }) : () -> ()
      %mul3A_284 = arith.constant 632 : i32
      %mul3A_285 = arith.muli %arg1, %mul3A_284 : i32
      %mul3A_286 = arith.constant 632 : i32
      %mul3A_287 = arith.muli %arg1, %mul3A_286 : i32
      "tpu.region"() ({
        %run_scoped3A = tpu.sem_alloc : memref<!tpu.dma_semaphore, #tpu.memory_space<semaphore_mem>>
        %dma_start3A_288 = arith.constant 32 : i32
        %dma_start3A_289 = tpu.memref_slice %arg7[%mul3A_287, %dma_start3A_288] : memref<10112x128xf32, #tpu.memory_space<hbm>> -> memref<632x8xf32, #tpu.memory_space<hbm>>
        %dma_start3A_290 = arith.constant 0 : i32
        %dma_start3A_291 = tpu.memref_slice %arg9[%mul3A_285, %dma_start3A_290] : memref<10112x8xf32, #tpu.memory_space<vmem_shared>> -> memref<632x8xf32, #tpu.memory_space<vmem_shared>>
        tpu.enqueue_dma source(%dma_start3A_291 : memref<632x8xf32, #tpu.memory_space<vmem_shared>>) target(%dma_start3A_289 : memref<632x8xf32, #tpu.memory_space<hbm>>) target_semaphore(%run_scoped3A : memref<!tpu.dma_semaphore, #tpu.memory_space<semaphore_mem>>)
        %dma_wait3A_292 = arith.constant 32 : i32
        %dma_wait3A_293 = tpu.memref_slice %arg7[%mul3A_287, %dma_wait3A_292] : memref<10112x128xf32, #tpu.memory_space<hbm>> -> memref<632x8xf32, #tpu.memory_space<hbm>>
        %dma_wait3A_294 = arith.constant 0 : i32
        %dma_wait3A_295 = tpu.memref_slice %arg9[%mul3A_285, %dma_wait3A_294] : memref<10112x8xf32, #tpu.memory_space<vmem_shared>> -> memref<632x8xf32, #tpu.memory_space<vmem_shared>>
        tpu.wait_dma2 semaphore(%run_scoped3A : memref<!tpu.dma_semaphore, #tpu.memory_space<semaphore_mem>>) src(%dma_wait3A_295 : memref<632x8xf32, #tpu.memory_space<vmem_shared>>) dst(%dma_wait3A_293 : memref<632x8xf32, #tpu.memory_space<hbm>>)
        tpu.yield
      }) : () -> ()
    } else {
    }
    %eq3A_275 = arith.constant 1 : i32
    %eq3A_276 = arith.cmpi eq, %arg0, %eq3A_275 : i32
    %convert_element_type3A_277 = arith.extui %eq3A_276 : i1 to i32
    %cond3A_278 = arith.constant 0 : i32
    %cond3A_279 = arith.cmpi ne, %convert_element_type3A_277, %cond3A_278 : i32
    scf.if %cond3A_279 {
      %mul3A_280 = arith.constant 632 : i32
      %mul3A_281 = arith.muli %arg1, %mul3A_280 : i32
      %mul3A_282 = arith.constant 632 : i32
      %mul3A_283 = arith.muli %arg1, %mul3A_282 : i32
      "tpu.region"() ({
        %run_scoped3A = tpu.sem_alloc : memref<!tpu.dma_semaphore, #tpu.memory_space<semaphore_mem>>
        %dma_start3A_288 = arith.constant 64 : i32
        %dma_start3A_289 = tpu.memref_slice %arg7[%mul3A_283, %dma_start3A_288] : memref<10112x128xf32, #tpu.memory_space<hbm>> -> memref<632x32xf32, #tpu.memory_space<hbm>>
        %dma_start3A_290 = arith.constant 0 : i32
        %dma_start3A_291 = tpu.memref_slice %arg8[%mul3A_281, %dma_start3A_290] : memref<10112x32xf32, #tpu.memory_space<vmem_shared>> -> memref<632x32xf32, #tpu.memory_space<vmem_shared>>
        tpu.enqueue_dma source(%dma_start3A_291 : memref<632x32xf32, #tpu.memory_space<vmem_shared>>) target(%dma_start3A_289 : memref<632x32xf32, #tpu.memory_space<hbm>>) target_semaphore(%run_scoped3A : memref<!tpu.dma_semaphore, #tpu.memory_space<semaphore_mem>>)
        %dma_wait3A_292 = arith.constant 64 : i32
        %dma_wait3A_293 = tpu.memref_slice %arg7[%mul3A_283, %dma_wait3A_292] : memref<10112x128xf32, #tpu.memory_space<hbm>> -> memref<632x32xf32, #tpu.memory_space<hbm>>
        %dma_wait3A_294 = arith.constant 0 : i32
        %dma_wait3A_295 = tpu.memref_slice %arg8[%mul3A_281, %dma_wait3A_294] : memref<10112x32xf32, #tpu.memory_space<vmem_shared>> -> memref<632x32xf32, #tpu.memory_space<vmem_shared>>
        tpu.wait_dma2 semaphore(%run_scoped3A : memref<!tpu.dma_semaphore, #tpu.memory_space<semaphore_mem>>) src(%dma_wait3A_295 : memref<632x32xf32, #tpu.memory_space<vmem_shared>>) dst(%dma_wait3A_293 : memref<632x32xf32, #tpu.memory_space<hbm>>)
        tpu.yield
      }) : () -> ()
      %mul3A_284 = arith.constant 632 : i32
      %mul3A_285 = arith.muli %arg1, %mul3A_284 : i32
      %mul3A_286 = arith.constant 632 : i32
      %mul3A_287 = arith.muli %arg1, %mul3A_286 : i32
      "tpu.region"() ({
        %run_scoped3A = tpu.sem_alloc : memref<!tpu.dma_semaphore, #tpu.memory_space<semaphore_mem>>
        %dma_start3A_288 = arith.constant 96 : i32
        %dma_start3A_289 = tpu.memref_slice %arg7[%mul3A_287, %dma_start3A_288] : memref<10112x128xf32, #tpu.memory_space<hbm>> -> memref<632x8xf32, #tpu.memory_space<hbm>>
        %dma_start3A_290 = arith.constant 0 : i32
        %dma_start3A_291 = tpu.memref_slice %arg9[%mul3A_285, %dma_start3A_290] : memref<10112x8xf32, #tpu.memory_space<vmem_shared>> -> memref<632x8xf32, #tpu.memory_space<vmem_shared>>
        tpu.enqueue_dma source(%dma_start3A_291 : memref<632x8xf32, #tpu.memory_space<vmem_shared>>) target(%dma_start3A_289 : memref<632x8xf32, #tpu.memory_space<hbm>>) target_semaphore(%run_scoped3A : memref<!tpu.dma_semaphore, #tpu.memory_space<semaphore_mem>>)
        %dma_wait3A_292 = arith.constant 96 : i32
        %dma_wait3A_293 = tpu.memref_slice %arg7[%mul3A_287, %dma_wait3A_292] : memref<10112x128xf32, #tpu.memory_space<hbm>> -> memref<632x8xf32, #tpu.memory_space<hbm>>
        %dma_wait3A_294 = arith.constant 0 : i32
        %dma_wait3A_295 = tpu.memref_slice %arg9[%mul3A_285, %dma_wait3A_294] : memref<10112x8xf32, #tpu.memory_space<vmem_shared>> -> memref<632x8xf32, #tpu.memory_space<vmem_shared>>
        tpu.wait_dma2 semaphore(%run_scoped3A : memref<!tpu.dma_semaphore, #tpu.memory_space<semaphore_mem>>) src(%dma_wait3A_295 : memref<632x8xf32, #tpu.memory_space<vmem_shared>>) dst(%dma_wait3A_293 : memref<632x8xf32, #tpu.memory_space<hbm>>)
        tpu.yield
      }) : () -> ()
    } else {
    }
    return
  }
}

#map = affine_map<(d0, d1) -> (0, 0)>
module attributes {stable_mosaic.version = 14 : i64} {
  func.func @_sc_edge_body(%arg0: i32, %arg1: i32, %arg2: memref<2560x128xi32, #tpu.memory_space<hbm>>, %arg3: memref<2560x128xi32, #tpu.memory_space<hbm>>, %arg4: memref<10000x128xf32, #tpu.memory_space<hbm>>, %arg5: memref<10112x32xf32, #tpu.memory_space<hbm>>, %arg6: memref<10112x128xf32, #tpu.memory_space<hbm>>, %arg7: memref<10112x32xf32, #tpu.memory_space<vmem_shared>>, %arg8: memref<10000x32xf32, #tpu.memory_space<vmem_shared>>, %arg9: memref<80x128xi32, #tpu.memory_space<vmem>>, %arg10: memref<80x128xi32, #tpu.memory_space<vmem>>, %arg11: memref<8x128x32xf32, #tpu.memory_space<vmem>>, %arg12: memref<8x!tpu.dma_semaphore, #tpu.memory_space<semaphore_mem>>, %arg13: memref<8x!tpu.dma_semaphore, #tpu.memory_space<semaphore_mem>>) attributes {dimension_semantics = [#tpu.dimension_semantics<core_parallel>, #tpu.dimension_semantics<subcore_parallel>], iteration_bounds = array<i64: 2, 16>, scalar_prefetch = 0 : i64, scratch_operands = 7 : i64, tpu.core_type = #tpu.core_type<sc_vector_subcore>, window_params = [{transform_indices = #map}, {transform_indices = #map}, {transform_indices = #map}, {transform_indices = #map}, {transform_indices = #map}]} {
    %mul3A = arith.constant 16 : i32
    %mul3A_0 = arith.muli %arg0, %mul3A : i32
    %add3A = arith.addi %mul3A_0, %arg1 : i32
    %mul3A_1 = arith.constant 632 : i32
    %mul3A_2 = arith.muli %arg1, %mul3A_1 : i32
    %mul3A_3 = arith.constant 632 : i32
    %mul3A_4 = arith.muli %arg1, %mul3A_3 : i32
    %dma_start3A = arith.constant 7 : i32
    %dma_start3A_5 = tpu.memref_slice %arg12[%dma_start3A] : memref<8x!tpu.dma_semaphore, #tpu.memory_space<semaphore_mem>> -> memref<1x!tpu.dma_semaphore, #tpu.memory_space<semaphore_mem>>
    %dma_start3A_6 = tpu.memref_squeeze %dma_start3A_5 : memref<1x!tpu.dma_semaphore, #tpu.memory_space<semaphore_mem>> -> memref<!tpu.dma_semaphore, #tpu.memory_space<semaphore_mem>>
    %dma_start3A_7 = arith.constant 0 : i32
    %dma_start3A_8 = tpu.memref_slice %arg7[%mul3A_4, %dma_start3A_7] : memref<10112x32xf32, #tpu.memory_space<vmem_shared>> -> memref<632x32xf32, #tpu.memory_space<vmem_shared>>
    %dma_start3A_9 = arith.constant 0 : i32
    %dma_start3A_10 = tpu.memref_slice %arg5[%mul3A_2, %dma_start3A_9] : memref<10112x32xf32, #tpu.memory_space<hbm>> -> memref<632x32xf32, #tpu.memory_space<hbm>>
    tpu.enqueue_dma source(%dma_start3A_10 : memref<632x32xf32, #tpu.memory_space<hbm>>) target(%dma_start3A_8 : memref<632x32xf32, #tpu.memory_space<vmem_shared>>) target_semaphore(%dma_start3A_6 : memref<!tpu.dma_semaphore, #tpu.memory_space<semaphore_mem>>)
    %mul3A_11 = arith.constant 80 : i32
    %mul3A_12 = arith.muli %add3A, %mul3A_11 : i32
    %dma_start3A_13 = arith.constant 7 : i32
    %dma_start3A_14 = arith.constant 0 : i32
    %dma_start3A_15 = tpu.memref_slice %arg2[%mul3A_12, %dma_start3A_14] : memref<2560x128xi32, #tpu.memory_space<hbm>> -> memref<80x128xi32, #tpu.memory_space<hbm>>
    %dma_start3A_16 = tpu.memref_slice %arg12[%dma_start3A_13] : memref<8x!tpu.dma_semaphore, #tpu.memory_space<semaphore_mem>> -> memref<1x!tpu.dma_semaphore, #tpu.memory_space<semaphore_mem>>
    %dma_start3A_17 = tpu.memref_squeeze %dma_start3A_16 : memref<1x!tpu.dma_semaphore, #tpu.memory_space<semaphore_mem>> -> memref<!tpu.dma_semaphore, #tpu.memory_space<semaphore_mem>>
    %dma_start3A_18 = arith.constant 0 : i32
    %dma_start3A_19 = tpu.memref_slice %arg2[%mul3A_12, %dma_start3A_18] : memref<2560x128xi32, #tpu.memory_space<hbm>> -> memref<80x128xi32, #tpu.memory_space<hbm>>
    tpu.enqueue_dma source(%dma_start3A_19 : memref<80x128xi32, #tpu.memory_space<hbm>>) target(%arg9 : memref<80x128xi32, #tpu.memory_space<vmem>>) target_semaphore(%dma_start3A_17 : memref<!tpu.dma_semaphore, #tpu.memory_space<semaphore_mem>>)
    %mul3A_20 = arith.constant 80 : i32
    %mul3A_21 = arith.muli %add3A, %mul3A_20 : i32
    %dma_start3A_22 = arith.constant 7 : i32
    %dma_start3A_23 = arith.constant 0 : i32
    %dma_start3A_24 = tpu.memref_slice %arg3[%mul3A_21, %dma_start3A_23] : memref<2560x128xi32, #tpu.memory_space<hbm>> -> memref<80x128xi32, #tpu.memory_space<hbm>>
    %dma_start3A_25 = tpu.memref_slice %arg12[%dma_start3A_22] : memref<8x!tpu.dma_semaphore, #tpu.memory_space<semaphore_mem>> -> memref<1x!tpu.dma_semaphore, #tpu.memory_space<semaphore_mem>>
    %dma_start3A_26 = tpu.memref_squeeze %dma_start3A_25 : memref<1x!tpu.dma_semaphore, #tpu.memory_space<semaphore_mem>> -> memref<!tpu.dma_semaphore, #tpu.memory_space<semaphore_mem>>
    %dma_start3A_27 = arith.constant 0 : i32
    %dma_start3A_28 = tpu.memref_slice %arg3[%mul3A_21, %dma_start3A_27] : memref<2560x128xi32, #tpu.memory_space<hbm>> -> memref<80x128xi32, #tpu.memory_space<hbm>>
    tpu.enqueue_dma source(%dma_start3A_28 : memref<80x128xi32, #tpu.memory_space<hbm>>) target(%arg10 : memref<80x128xi32, #tpu.memory_space<vmem>>) target_semaphore(%dma_start3A_26 : memref<!tpu.dma_semaphore, #tpu.memory_space<semaphore_mem>>)
    %lt3A = arith.constant 15 : i32
    %lt3A_29 = arith.cmpi slt, %arg1, %lt3A : i32
    %convert_element_type3A = arith.extui %lt3A_29 : i1 to i32
    %cond3A = arith.constant 7 : i32
    %cond3A_30 = arith.constant 0 : i32
    %cond3A_31 = arith.cmpi ne, %convert_element_type3A, %cond3A_30 : i32
    scf.if %cond3A_31 {
      %mul3A_250 = arith.constant 632 : i32
      %mul3A_251 = arith.muli %arg1, %mul3A_250 : i32
      %mul3A_252 = arith.constant 632 : i32
      %mul3A_253 = arith.muli %arg1, %mul3A_252 : i32
      %dma_start3A_254 = tpu.memref_slice %arg12[%cond3A] : memref<8x!tpu.dma_semaphore, #tpu.memory_space<semaphore_mem>> -> memref<1x!tpu.dma_semaphore, #tpu.memory_space<semaphore_mem>>
      %dma_start3A_255 = tpu.memref_squeeze %dma_start3A_254 : memref<1x!tpu.dma_semaphore, #tpu.memory_space<semaphore_mem>> -> memref<!tpu.dma_semaphore, #tpu.memory_space<semaphore_mem>>
      %dma_start3A_256 = arith.constant 0 : i32
      %dma_start3A_257 = tpu.memref_slice %arg8[%mul3A_253, %dma_start3A_256] : memref<10000x32xf32, #tpu.memory_space<vmem_shared>> -> memref<632x32xf32, #tpu.memory_space<vmem_shared>>
      %dma_start3A_258 = arith.constant 0 : i32
      %dma_start3A_259 = tpu.memref_slice %arg4[%mul3A_251, %dma_start3A_258] : memref<10000x128xf32, #tpu.memory_space<hbm>> -> memref<632x32xf32, #tpu.memory_space<hbm>>
      tpu.enqueue_dma source(%dma_start3A_259 : memref<632x32xf32, #tpu.memory_space<hbm>>) target(%dma_start3A_257 : memref<632x32xf32, #tpu.memory_space<vmem_shared>>) target_semaphore(%dma_start3A_255 : memref<!tpu.dma_semaphore, #tpu.memory_space<semaphore_mem>>)
    } else {
    }
    %eq3A = arith.constant 15 : i32
    %eq3A_32 = arith.cmpi eq, %arg1, %eq3A : i32
    %convert_element_type3A_33 = arith.extui %eq3A_32 : i1 to i32
    %cond3A_34 = arith.constant 7 : i32
    %cond3A_35 = arith.constant 0 : i32
    %cond3A_36 = arith.cmpi ne, %convert_element_type3A_33, %cond3A_35 : i32
    scf.if %cond3A_36 {
      %dma_start3A_250 = tpu.memref_slice %arg12[%cond3A_34] : memref<8x!tpu.dma_semaphore, #tpu.memory_space<semaphore_mem>> -> memref<1x!tpu.dma_semaphore, #tpu.memory_space<semaphore_mem>>
      %dma_start3A_251 = tpu.memref_squeeze %dma_start3A_250 : memref<1x!tpu.dma_semaphore, #tpu.memory_space<semaphore_mem>> -> memref<!tpu.dma_semaphore, #tpu.memory_space<semaphore_mem>>
      %dma_start3A_252 = arith.constant 9480 : i32
      %dma_start3A_253 = arith.constant 0 : i32
      %dma_start3A_254 = tpu.memref_slice %arg8[%dma_start3A_252, %dma_start3A_253] : memref<10000x32xf32, #tpu.memory_space<vmem_shared>> -> memref<520x32xf32, #tpu.memory_space<vmem_shared>>
      %dma_start3A_255 = arith.constant 9480 : i32
      %dma_start3A_256 = arith.constant 0 : i32
      %dma_start3A_257 = tpu.memref_slice %arg4[%dma_start3A_255, %dma_start3A_256] : memref<10000x128xf32, #tpu.memory_space<hbm>> -> memref<520x32xf32, #tpu.memory_space<hbm>>
      tpu.enqueue_dma source(%dma_start3A_257 : memref<520x32xf32, #tpu.memory_space<hbm>>) target(%dma_start3A_254 : memref<520x32xf32, #tpu.memory_space<vmem_shared>>) target_semaphore(%dma_start3A_251 : memref<!tpu.dma_semaphore, #tpu.memory_space<semaphore_mem>>)
    } else {
    }
    %dma_wait3A = arith.constant 7 : i32
    %dma_wait3A_37 = tpu.memref_slice %arg12[%dma_wait3A] : memref<8x!tpu.dma_semaphore, #tpu.memory_space<semaphore_mem>> -> memref<1x!tpu.dma_semaphore, #tpu.memory_space<semaphore_mem>>
    %dma_wait3A_38 = tpu.memref_squeeze %dma_wait3A_37 : memref<1x!tpu.dma_semaphore, #tpu.memory_space<semaphore_mem>> -> memref<!tpu.dma_semaphore, #tpu.memory_space<semaphore_mem>>
    %dma_wait3A_39 = arith.constant 0 : i32
    %dma_wait3A_40 = tpu.memref_slice %arg7[%mul3A_4, %dma_wait3A_39] : memref<10112x32xf32, #tpu.memory_space<vmem_shared>> -> memref<632x32xf32, #tpu.memory_space<vmem_shared>>
    %dma_wait3A_41 = arith.constant 0 : i32
    %dma_wait3A_42 = tpu.memref_slice %arg5[%mul3A_2, %dma_wait3A_41] : memref<10112x32xf32, #tpu.memory_space<hbm>> -> memref<632x32xf32, #tpu.memory_space<hbm>>
    tpu.wait_dma2 semaphore(%dma_wait3A_38 : memref<!tpu.dma_semaphore, #tpu.memory_space<semaphore_mem>>) src(%dma_wait3A_42 : memref<632x32xf32, #tpu.memory_space<hbm>>) dst(%dma_wait3A_40 : memref<632x32xf32, #tpu.memory_space<vmem_shared>>)
    %dma_wait3A_43 = arith.constant 7 : i32
    %dma_wait3A_44 = arith.constant 0 : i32
    %dma_wait3A_45 = tpu.memref_slice %arg2[%mul3A_12, %dma_wait3A_44] : memref<2560x128xi32, #tpu.memory_space<hbm>> -> memref<80x128xi32, #tpu.memory_space<hbm>>
    %dma_wait3A_46 = tpu.memref_slice %arg12[%dma_wait3A_43] : memref<8x!tpu.dma_semaphore, #tpu.memory_space<semaphore_mem>> -> memref<1x!tpu.dma_semaphore, #tpu.memory_space<semaphore_mem>>
    %dma_wait3A_47 = tpu.memref_squeeze %dma_wait3A_46 : memref<1x!tpu.dma_semaphore, #tpu.memory_space<semaphore_mem>> -> memref<!tpu.dma_semaphore, #tpu.memory_space<semaphore_mem>>
    %dma_wait3A_48 = arith.constant 0 : i32
    %dma_wait3A_49 = tpu.memref_slice %arg2[%mul3A_12, %dma_wait3A_48] : memref<2560x128xi32, #tpu.memory_space<hbm>> -> memref<80x128xi32, #tpu.memory_space<hbm>>
    tpu.wait_dma2 semaphore(%dma_wait3A_47 : memref<!tpu.dma_semaphore, #tpu.memory_space<semaphore_mem>>) src(%dma_wait3A_49 : memref<80x128xi32, #tpu.memory_space<hbm>>) dst(%arg9 : memref<80x128xi32, #tpu.memory_space<vmem>>)
    %dma_wait3A_50 = arith.constant 7 : i32
    %dma_wait3A_51 = arith.constant 0 : i32
    %dma_wait3A_52 = tpu.memref_slice %arg3[%mul3A_21, %dma_wait3A_51] : memref<2560x128xi32, #tpu.memory_space<hbm>> -> memref<80x128xi32, #tpu.memory_space<hbm>>
    %dma_wait3A_53 = tpu.memref_slice %arg12[%dma_wait3A_50] : memref<8x!tpu.dma_semaphore, #tpu.memory_space<semaphore_mem>> -> memref<1x!tpu.dma_semaphore, #tpu.memory_space<semaphore_mem>>
    %dma_wait3A_54 = tpu.memref_squeeze %dma_wait3A_53 : memref<1x!tpu.dma_semaphore, #tpu.memory_space<semaphore_mem>> -> memref<!tpu.dma_semaphore, #tpu.memory_space<semaphore_mem>>
    %dma_wait3A_55 = arith.constant 0 : i32
    %dma_wait3A_56 = tpu.memref_slice %arg3[%mul3A_21, %dma_wait3A_55] : memref<2560x128xi32, #tpu.memory_space<hbm>> -> memref<80x128xi32, #tpu.memory_space<hbm>>
    tpu.wait_dma2 semaphore(%dma_wait3A_54 : memref<!tpu.dma_semaphore, #tpu.memory_space<semaphore_mem>>) src(%dma_wait3A_56 : memref<80x128xi32, #tpu.memory_space<hbm>>) dst(%arg10 : memref<80x128xi32, #tpu.memory_space<vmem>>)
    %lt3A_57 = arith.constant 15 : i32
    %lt3A_58 = arith.cmpi slt, %arg1, %lt3A_57 : i32
    %convert_element_type3A_59 = arith.extui %lt3A_58 : i1 to i32
    %cond3A_60 = arith.constant 7 : i32
    %cond3A_61 = arith.constant 0 : i32
    %cond3A_62 = arith.cmpi ne, %convert_element_type3A_59, %cond3A_61 : i32
    scf.if %cond3A_62 {
      %mul3A_250 = arith.constant 632 : i32
      %mul3A_251 = arith.muli %arg1, %mul3A_250 : i32
      %mul3A_252 = arith.constant 632 : i32
      %mul3A_253 = arith.muli %arg1, %mul3A_252 : i32
      %dma_wait3A_254 = tpu.memref_slice %arg12[%cond3A_60] : memref<8x!tpu.dma_semaphore, #tpu.memory_space<semaphore_mem>> -> memref<1x!tpu.dma_semaphore, #tpu.memory_space<semaphore_mem>>
      %dma_wait3A_255 = tpu.memref_squeeze %dma_wait3A_254 : memref<1x!tpu.dma_semaphore, #tpu.memory_space<semaphore_mem>> -> memref<!tpu.dma_semaphore, #tpu.memory_space<semaphore_mem>>
      %dma_wait3A_256 = arith.constant 0 : i32
      %dma_wait3A_257 = tpu.memref_slice %arg8[%mul3A_253, %dma_wait3A_256] : memref<10000x32xf32, #tpu.memory_space<vmem_shared>> -> memref<632x32xf32, #tpu.memory_space<vmem_shared>>
      %dma_wait3A_258 = arith.constant 0 : i32
      %dma_wait3A_259 = tpu.memref_slice %arg4[%mul3A_251, %dma_wait3A_258] : memref<10000x128xf32, #tpu.memory_space<hbm>> -> memref<632x32xf32, #tpu.memory_space<hbm>>
      tpu.wait_dma2 semaphore(%dma_wait3A_255 : memref<!tpu.dma_semaphore, #tpu.memory_space<semaphore_mem>>) src(%dma_wait3A_259 : memref<632x32xf32, #tpu.memory_space<hbm>>) dst(%dma_wait3A_257 : memref<632x32xf32, #tpu.memory_space<vmem_shared>>)
    } else {
    }
    %eq3A_63 = arith.constant 15 : i32
    %eq3A_64 = arith.cmpi eq, %arg1, %eq3A_63 : i32
    %convert_element_type3A_65 = arith.extui %eq3A_64 : i1 to i32
    %cond3A_66 = arith.constant 7 : i32
    %cond3A_67 = arith.constant 0 : i32
    %cond3A_68 = arith.cmpi ne, %convert_element_type3A_65, %cond3A_67 : i32
    scf.if %cond3A_68 {
      %dma_wait3A_250 = tpu.memref_slice %arg12[%cond3A_66] : memref<8x!tpu.dma_semaphore, #tpu.memory_space<semaphore_mem>> -> memref<1x!tpu.dma_semaphore, #tpu.memory_space<semaphore_mem>>
      %dma_wait3A_251 = tpu.memref_squeeze %dma_wait3A_250 : memref<1x!tpu.dma_semaphore, #tpu.memory_space<semaphore_mem>> -> memref<!tpu.dma_semaphore, #tpu.memory_space<semaphore_mem>>
      %dma_wait3A_252 = arith.constant 9480 : i32
      %dma_wait3A_253 = arith.constant 0 : i32
      %dma_wait3A_254 = tpu.memref_slice %arg8[%dma_wait3A_252, %dma_wait3A_253] : memref<10000x32xf32, #tpu.memory_space<vmem_shared>> -> memref<520x32xf32, #tpu.memory_space<vmem_shared>>
      %dma_wait3A_255 = arith.constant 9480 : i32
      %dma_wait3A_256 = arith.constant 0 : i32
      %dma_wait3A_257 = tpu.memref_slice %arg4[%dma_wait3A_255, %dma_wait3A_256] : memref<10000x128xf32, #tpu.memory_space<hbm>> -> memref<520x32xf32, #tpu.memory_space<hbm>>
      tpu.wait_dma2 semaphore(%dma_wait3A_251 : memref<!tpu.dma_semaphore, #tpu.memory_space<semaphore_mem>>) src(%dma_wait3A_257 : memref<520x32xf32, #tpu.memory_space<hbm>>) dst(%dma_wait3A_254 : memref<520x32xf32, #tpu.memory_space<vmem_shared>>)
    } else {
    }
    %barrier3A = arith.constant 0 : index
    tpu.barrier barrier_id(%barrier3A)
    %dma_start3A_69 = arith.constant 0 : i32
    %dma_start3A_70 = arith.constant 0 : i32
    %dma_start3A_71 = arith.constant 0 : i32
    %dma_start3A_72 = arith.constant 0 : i32
    %dma_start3A_73 = arith.constant 0 : i32
    %dma_start3A_74 = tpu.memref_slice %arg11[%dma_start3A_70, %dma_start3A_72, %dma_start3A_73] : memref<8x128x32xf32, #tpu.memory_space<vmem>> -> memref<1x128x32xf32, #tpu.memory_space<vmem>>
    %dma_start3A_75 = tpu.memref_squeeze %dma_start3A_74 : memref<1x128x32xf32, #tpu.memory_space<vmem>> -> memref<128x32xf32, #tpu.memory_space<vmem>>
    %dma_start3A_76 = arith.constant 0 : i32
    %dma_start3A_77 = tpu.memref_slice %arg9[%dma_start3A_69, %dma_start3A_76] : memref<80x128xi32, #tpu.memory_space<vmem>> -> memref<1x128xi32, #tpu.memory_space<vmem>>
    %dma_start3A_78 = tpu.memref_squeeze %dma_start3A_77 : memref<1x128xi32, #tpu.memory_space<vmem>> -> memref<128xi32, #tpu.memory_space<vmem>>
    %dma_start3A_79 = arith.constant 0 : i32
    %dma_start3A_80 = arith.constant 0 : i32
    %dma_start3A_81 = tpu.memref_slice %arg8[%dma_start3A_79, %dma_start3A_80] : memref<10000x32xf32, #tpu.memory_space<vmem_shared>> -> memref<10000x32xf32, #tpu.memory_space<vmem_shared>>
    %dma_start3A_82 = tpu.memref_slice %arg12[%dma_start3A_71] : memref<8x!tpu.dma_semaphore, #tpu.memory_space<semaphore_mem>> -> memref<1x!tpu.dma_semaphore, #tpu.memory_space<semaphore_mem>>
    %dma_start3A_83 = tpu.memref_squeeze %dma_start3A_82 : memref<1x!tpu.dma_semaphore, #tpu.memory_space<semaphore_mem>> -> memref<!tpu.dma_semaphore, #tpu.memory_space<semaphore_mem>>
    tpu.enqueue_indirect_dma source(%dma_start3A_81 : memref<10000x32xf32, #tpu.memory_space<vmem_shared>>) target(%dma_start3A_75 : memref<128x32xf32, #tpu.memory_space<vmem>>) offsets(%dma_start3A_78 : memref<128xi32, #tpu.memory_space<vmem>>) semaphore(%dma_start3A_83 : memref<!tpu.dma_semaphore, #tpu.memory_space<semaphore_mem>>)
    %dma_start3A_84 = arith.constant 1 : i32
    %dma_start3A_85 = arith.constant 1 : i32
    %dma_start3A_86 = arith.constant 1 : i32
    %dma_start3A_87 = arith.constant 0 : i32
    %dma_start3A_88 = arith.constant 0 : i32
    %dma_start3A_89 = tpu.memref_slice %arg11[%dma_start3A_85, %dma_start3A_87, %dma_start3A_88] : memref<8x128x32xf32, #tpu.memory_space<vmem>> -> memref<1x128x32xf32, #tpu.memory_space<vmem>>
    %dma_start3A_90 = tpu.memref_squeeze %dma_start3A_89 : memref<1x128x32xf32, #tpu.memory_space<vmem>> -> memref<128x32xf32, #tpu.memory_space<vmem>>
    %dma_start3A_91 = arith.constant 0 : i32
    %dma_start3A_92 = tpu.memref_slice %arg9[%dma_start3A_84, %dma_start3A_91] : memref<80x128xi32, #tpu.memory_space<vmem>> -> memref<1x128xi32, #tpu.memory_space<vmem>>
    %dma_start3A_93 = tpu.memref_squeeze %dma_start3A_92 : memref<1x128xi32, #tpu.memory_space<vmem>> -> memref<128xi32, #tpu.memory_space<vmem>>
    %dma_start3A_94 = arith.constant 0 : i32
    %dma_start3A_95 = arith.constant 0 : i32
    %dma_start3A_96 = tpu.memref_slice %arg8[%dma_start3A_94, %dma_start3A_95] : memref<10000x32xf32, #tpu.memory_space<vmem_shared>> -> memref<10000x32xf32, #tpu.memory_space<vmem_shared>>
    %dma_start3A_97 = tpu.memref_slice %arg12[%dma_start3A_86] : memref<8x!tpu.dma_semaphore, #tpu.memory_space<semaphore_mem>> -> memref<1x!tpu.dma_semaphore, #tpu.memory_space<semaphore_mem>>
    %dma_start3A_98 = tpu.memref_squeeze %dma_start3A_97 : memref<1x!tpu.dma_semaphore, #tpu.memory_space<semaphore_mem>> -> memref<!tpu.dma_semaphore, #tpu.memory_space<semaphore_mem>>
    tpu.enqueue_indirect_dma source(%dma_start3A_96 : memref<10000x32xf32, #tpu.memory_space<vmem_shared>>) target(%dma_start3A_90 : memref<128x32xf32, #tpu.memory_space<vmem>>) offsets(%dma_start3A_93 : memref<128xi32, #tpu.memory_space<vmem>>) semaphore(%dma_start3A_98 : memref<!tpu.dma_semaphore, #tpu.memory_space<semaphore_mem>>)
    %dma_start3A_99 = arith.constant 2 : i32
    %dma_start3A_100 = arith.constant 2 : i32
    %dma_start3A_101 = arith.constant 2 : i32
    %dma_start3A_102 = arith.constant 0 : i32
    %dma_start3A_103 = arith.constant 0 : i32
    %dma_start3A_104 = tpu.memref_slice %arg11[%dma_start3A_100, %dma_start3A_102, %dma_start3A_103] : memref<8x128x32xf32, #tpu.memory_space<vmem>> -> memref<1x128x32xf32, #tpu.memory_space<vmem>>
    %dma_start3A_105 = tpu.memref_squeeze %dma_start3A_104 : memref<1x128x32xf32, #tpu.memory_space<vmem>> -> memref<128x32xf32, #tpu.memory_space<vmem>>
    %dma_start3A_106 = arith.constant 0 : i32
    %dma_start3A_107 = tpu.memref_slice %arg9[%dma_start3A_99, %dma_start3A_106] : memref<80x128xi32, #tpu.memory_space<vmem>> -> memref<1x128xi32, #tpu.memory_space<vmem>>
    %dma_start3A_108 = tpu.memref_squeeze %dma_start3A_107 : memref<1x128xi32, #tpu.memory_space<vmem>> -> memref<128xi32, #tpu.memory_space<vmem>>
    %dma_start3A_109 = arith.constant 0 : i32
    %dma_start3A_110 = arith.constant 0 : i32
    %dma_start3A_111 = tpu.memref_slice %arg8[%dma_start3A_109, %dma_start3A_110] : memref<10000x32xf32, #tpu.memory_space<vmem_shared>> -> memref<10000x32xf32, #tpu.memory_space<vmem_shared>>
    %dma_start3A_112 = tpu.memref_slice %arg12[%dma_start3A_101] : memref<8x!tpu.dma_semaphore, #tpu.memory_space<semaphore_mem>> -> memref<1x!tpu.dma_semaphore, #tpu.memory_space<semaphore_mem>>
    %dma_start3A_113 = tpu.memref_squeeze %dma_start3A_112 : memref<1x!tpu.dma_semaphore, #tpu.memory_space<semaphore_mem>> -> memref<!tpu.dma_semaphore, #tpu.memory_space<semaphore_mem>>
    tpu.enqueue_indirect_dma source(%dma_start3A_111 : memref<10000x32xf32, #tpu.memory_space<vmem_shared>>) target(%dma_start3A_105 : memref<128x32xf32, #tpu.memory_space<vmem>>) offsets(%dma_start3A_108 : memref<128xi32, #tpu.memory_space<vmem>>) semaphore(%dma_start3A_113 : memref<!tpu.dma_semaphore, #tpu.memory_space<semaphore_mem>>)
    %scan3A = arith.constant 0 : i32
    %scan3A_114 = arith.constant 0 : i32
    %scan3A_115 = arith.constant 10 : i32
    %scan3A_116 = arith.addi %scan3A_114, %scan3A_115 : i32
    %scan3A_117 = arith.constant 1 : i32
    scf.for %scan3A_250 = %scan3A_114 to %scan3A_116 step %scan3A_117  : i32 {
      %mul3A_251 = arith.constant 8 : i32
      %mul3A_252 = arith.muli %scan3A_250, %mul3A_251 : i32
      %add3A_253 = arith.constant 0 : i32
      %add3A_254 = arith.addi %mul3A_252, %add3A_253 : i32
      %ge3A = arith.constant 5 : i32
      %ge3A_255 = arith.cmpi sge, %add3A_254, %ge3A : i32
      %add3A_256 = arith.constant 3 : i32
      %add3A_257 = arith.addi %add3A_254, %add3A_256 : i32
      %lt3A_258 = arith.constant 80 : i32
      %lt3A_259 = arith.cmpi slt, %add3A_257, %lt3A_258 : i32
      %and3A = arith.andi %ge3A_255, %lt3A_259 : i1
      %convert_element_type3A_260 = arith.extui %and3A : i1 to i32
      %cond3A_261 = arith.constant 0 : i32
      %cond3A_262 = arith.cmpi ne, %convert_element_type3A_260, %cond3A_261 : i32
      scf.if %cond3A_262 {
        %dma_wait3A_641 = arith.constant 3 : i32
        %dma_wait3A_642 = arith.constant 3 : i32
        %dma_wait3A_643 = arith.constant 0 : i32
        %dma_wait3A_644 = arith.constant 0 : i32
        %dma_wait3A_645 = tpu.memref_slice %arg11[%dma_wait3A_641, %dma_wait3A_643, %dma_wait3A_644] : memref<8x128x32xf32, #tpu.memory_space<vmem>> -> memref<1x128x32xf32, #tpu.memory_space<vmem>>
        %dma_wait3A_646 = tpu.memref_squeeze %dma_wait3A_645 : memref<1x128x32xf32, #tpu.memory_space<vmem>> -> memref<128x32xf32, #tpu.memory_space<vmem>>
        %dma_wait3A_647 = arith.constant 0 : i32
        %dma_wait3A_648 = tpu.memref_slice %arg10[%add3A_254, %dma_wait3A_647] : memref<80x128xi32, #tpu.memory_space<vmem>> -> memref<1x128xi32, #tpu.memory_space<vmem>>
        %dma_wait3A_649 = tpu.memref_squeeze %dma_wait3A_648 : memref<1x128xi32, #tpu.memory_space<vmem>> -> memref<128xi32, #tpu.memory_space<vmem>>
        %dma_wait3A_650 = arith.constant 0 : i32
        %dma_wait3A_651 = arith.constant 0 : i32
        %dma_wait3A_652 = tpu.memref_slice %arg7[%dma_wait3A_650, %dma_wait3A_651] : memref<10112x32xf32, #tpu.memory_space<vmem_shared>> -> memref<10112x32xf32, #tpu.memory_space<vmem_shared>>
        %dma_wait3A_653 = tpu.memref_slice %arg13[%dma_wait3A_642] : memref<8x!tpu.dma_semaphore, #tpu.memory_space<semaphore_mem>> -> memref<1x!tpu.dma_semaphore, #tpu.memory_space<semaphore_mem>>
        %dma_wait3A_654 = tpu.memref_squeeze %dma_wait3A_653 : memref<1x!tpu.dma_semaphore, #tpu.memory_space<semaphore_mem>> -> memref<!tpu.dma_semaphore, #tpu.memory_space<semaphore_mem>>
        tpu.wait_indirect_dma semaphore(%dma_wait3A_654 : memref<!tpu.dma_semaphore, #tpu.memory_space<semaphore_mem>>) src(%dma_wait3A_646 : memref<128x32xf32, #tpu.memory_space<vmem>>) dst(%dma_wait3A_652 : memref<10112x32xf32, #tpu.memory_space<vmem_shared>>)
      } else {
      }
      %add3A_263 = arith.constant 3 : i32
      %add3A_264 = arith.addi %add3A_254, %add3A_263 : i32
      %lt3A_265 = arith.constant 80 : i32
      %lt3A_266 = arith.cmpi slt, %add3A_264, %lt3A_265 : i32
      %convert_element_type3A_267 = arith.extui %lt3A_266 : i1 to i32
      %cond3A_268 = arith.constant 0 : i32
      %cond3A_269 = arith.cmpi ne, %convert_element_type3A_267, %cond3A_268 : i32
      scf.if %cond3A_269 {
        %add3A_641 = arith.constant 3 : i32
        %add3A_642 = arith.addi %add3A_254, %add3A_641 : i32
        %dma_start3A_643 = arith.constant 3 : i32
        %dma_start3A_644 = arith.constant 3 : i32
        %dma_start3A_645 = arith.constant 0 : i32
        %dma_start3A_646 = arith.constant 0 : i32
        %dma_start3A_647 = tpu.memref_slice %arg11[%dma_start3A_643, %dma_start3A_645, %dma_start3A_646] : memref<8x128x32xf32, #tpu.memory_space<vmem>> -> memref<1x128x32xf32, #tpu.memory_space<vmem>>
        %dma_start3A_648 = tpu.memref_squeeze %dma_start3A_647 : memref<1x128x32xf32, #tpu.memory_space<vmem>> -> memref<128x32xf32, #tpu.memory_space<vmem>>
        %dma_start3A_649 = arith.constant 0 : i32
        %dma_start3A_650 = tpu.memref_slice %arg9[%add3A_642, %dma_start3A_649] : memref<80x128xi32, #tpu.memory_space<vmem>> -> memref<1x128xi32, #tpu.memory_space<vmem>>
        %dma_start3A_651 = tpu.memref_squeeze %dma_start3A_650 : memref<1x128xi32, #tpu.memory_space<vmem>> -> memref<128xi32, #tpu.memory_space<vmem>>
        %dma_start3A_652 = arith.constant 0 : i32
        %dma_start3A_653 = arith.constant 0 : i32
        %dma_start3A_654 = tpu.memref_slice %arg8[%dma_start3A_652, %dma_start3A_653] : memref<10000x32xf32, #tpu.memory_space<vmem_shared>> -> memref<10000x32xf32, #tpu.memory_space<vmem_shared>>
        %dma_start3A_655 = tpu.memref_slice %arg12[%dma_start3A_644] : memref<8x!tpu.dma_semaphore, #tpu.memory_space<semaphore_mem>> -> memref<1x!tpu.dma_semaphore, #tpu.memory_space<semaphore_mem>>
        %dma_start3A_656 = tpu.memref_squeeze %dma_start3A_655 : memref<1x!tpu.dma_semaphore, #tpu.memory_space<semaphore_mem>> -> memref<!tpu.dma_semaphore, #tpu.memory_space<semaphore_mem>>
        tpu.enqueue_indirect_dma source(%dma_start3A_654 : memref<10000x32xf32, #tpu.memory_space<vmem_shared>>) target(%dma_start3A_648 : memref<128x32xf32, #tpu.memory_space<vmem>>) offsets(%dma_start3A_651 : memref<128xi32, #tpu.memory_space<vmem>>) semaphore(%dma_start3A_656 : memref<!tpu.dma_semaphore, #tpu.memory_space<semaphore_mem>>)
      } else {
      }
      %dma_wait3A_270 = arith.constant 0 : i32
      %dma_wait3A_271 = arith.constant 0 : i32
      %dma_wait3A_272 = arith.constant 0 : i32
      %dma_wait3A_273 = arith.constant 0 : i32
      %dma_wait3A_274 = tpu.memref_slice %arg11[%dma_wait3A_270, %dma_wait3A_272, %dma_wait3A_273] : memref<8x128x32xf32, #tpu.memory_space<vmem>> -> memref<1x128x32xf32, #tpu.memory_space<vmem>>
      %dma_wait3A_275 = tpu.memref_squeeze %dma_wait3A_274 : memref<1x128x32xf32, #tpu.memory_space<vmem>> -> memref<128x32xf32, #tpu.memory_space<vmem>>
      %dma_wait3A_276 = arith.constant 0 : i32
      %dma_wait3A_277 = tpu.memref_slice %arg9[%add3A_254, %dma_wait3A_276] : memref<80x128xi32, #tpu.memory_space<vmem>> -> memref<1x128xi32, #tpu.memory_space<vmem>>
      %dma_wait3A_278 = tpu.memref_squeeze %dma_wait3A_277 : memref<1x128xi32, #tpu.memory_space<vmem>> -> memref<128xi32, #tpu.memory_space<vmem>>
      %dma_wait3A_279 = arith.constant 0 : i32
      %dma_wait3A_280 = arith.constant 0 : i32
      %dma_wait3A_281 = tpu.memref_slice %arg8[%dma_wait3A_279, %dma_wait3A_280] : memref<10000x32xf32, #tpu.memory_space<vmem_shared>> -> memref<10000x32xf32, #tpu.memory_space<vmem_shared>>
      %dma_wait3A_282 = tpu.memref_slice %arg12[%dma_wait3A_271] : memref<8x!tpu.dma_semaphore, #tpu.memory_space<semaphore_mem>> -> memref<1x!tpu.dma_semaphore, #tpu.memory_space<semaphore_mem>>
      %dma_wait3A_283 = tpu.memref_squeeze %dma_wait3A_282 : memref<1x!tpu.dma_semaphore, #tpu.memory_space<semaphore_mem>> -> memref<!tpu.dma_semaphore, #tpu.memory_space<semaphore_mem>>
      tpu.wait_indirect_dma semaphore(%dma_wait3A_283 : memref<!tpu.dma_semaphore, #tpu.memory_space<semaphore_mem>>) src(%dma_wait3A_281 : memref<10000x32xf32, #tpu.memory_space<vmem_shared>>) dst(%dma_wait3A_275 : memref<128x32xf32, #tpu.memory_space<vmem>>)
      %dma_start3A_284 = arith.constant 0 : i32
      %dma_start3A_285 = arith.constant 0 : i32
      %dma_start3A_286 = arith.constant 0 : i32
      %dma_start3A_287 = arith.constant 0 : i32
      %dma_start3A_288 = tpu.memref_slice %arg11[%dma_start3A_284, %dma_start3A_286, %dma_start3A_287] : memref<8x128x32xf32, #tpu.memory_space<vmem>> -> memref<1x128x32xf32, #tpu.memory_space<vmem>>
      %dma_start3A_289 = tpu.memref_squeeze %dma_start3A_288 : memref<1x128x32xf32, #tpu.memory_space<vmem>> -> memref<128x32xf32, #tpu.memory_space<vmem>>
      %dma_start3A_290 = arith.constant 0 : i32
      %dma_start3A_291 = tpu.memref_slice %arg10[%add3A_254, %dma_start3A_290] : memref<80x128xi32, #tpu.memory_space<vmem>> -> memref<1x128xi32, #tpu.memory_space<vmem>>
      %dma_start3A_292 = tpu.memref_squeeze %dma_start3A_291 : memref<1x128xi32, #tpu.memory_space<vmem>> -> memref<128xi32, #tpu.memory_space<vmem>>
      %dma_start3A_293 = arith.constant 0 : i32
      %dma_start3A_294 = arith.constant 0 : i32
      %dma_start3A_295 = tpu.memref_slice %arg7[%dma_start3A_293, %dma_start3A_294] : memref<10112x32xf32, #tpu.memory_space<vmem_shared>> -> memref<10112x32xf32, #tpu.memory_space<vmem_shared>>
      %dma_start3A_296 = tpu.memref_slice %arg13[%dma_start3A_285] : memref<8x!tpu.dma_semaphore, #tpu.memory_space<semaphore_mem>> -> memref<1x!tpu.dma_semaphore, #tpu.memory_space<semaphore_mem>>
      %dma_start3A_297 = tpu.memref_squeeze %dma_start3A_296 : memref<1x!tpu.dma_semaphore, #tpu.memory_space<semaphore_mem>> -> memref<!tpu.dma_semaphore, #tpu.memory_space<semaphore_mem>>
      tpu.enqueue_indirect_dma source(%dma_start3A_289 : memref<128x32xf32, #tpu.memory_space<vmem>>) target(%dma_start3A_295 : memref<10112x32xf32, #tpu.memory_space<vmem_shared>>) offsets(%dma_start3A_292 : memref<128xi32, #tpu.memory_space<vmem>>) semaphore(%dma_start3A_297 : memref<!tpu.dma_semaphore, #tpu.memory_space<semaphore_mem>>) {add = true}
      %mul3A_298 = arith.constant 8 : i32
      %mul3A_299 = arith.muli %scan3A_250, %mul3A_298 : i32
      %add3A_300 = arith.constant 1 : i32
      %add3A_301 = arith.addi %mul3A_299, %add3A_300 : i32
      %ge3A_302 = arith.constant 5 : i32
      %ge3A_303 = arith.cmpi sge, %add3A_301, %ge3A_302 : i32
      %add3A_304 = arith.constant 3 : i32
      %add3A_305 = arith.addi %add3A_301, %add3A_304 : i32
      %lt3A_306 = arith.constant 80 : i32
      %lt3A_307 = arith.cmpi slt, %add3A_305, %lt3A_306 : i32
      %and3A_308 = arith.andi %ge3A_303, %lt3A_307 : i1
      %convert_element_type3A_309 = arith.extui %and3A_308 : i1 to i32
      %cond3A_310 = arith.constant 0 : i32
      %cond3A_311 = arith.cmpi ne, %convert_element_type3A_309, %cond3A_310 : i32
      scf.if %cond3A_311 {
        %dma_wait3A_641 = arith.constant 4 : i32
        %dma_wait3A_642 = arith.constant 4 : i32
        %dma_wait3A_643 = arith.constant 0 : i32
        %dma_wait3A_644 = arith.constant 0 : i32
        %dma_wait3A_645 = tpu.memref_slice %arg11[%dma_wait3A_641, %dma_wait3A_643, %dma_wait3A_644] : memref<8x128x32xf32, #tpu.memory_space<vmem>> -> memref<1x128x32xf32, #tpu.memory_space<vmem>>
        %dma_wait3A_646 = tpu.memref_squeeze %dma_wait3A_645 : memref<1x128x32xf32, #tpu.memory_space<vmem>> -> memref<128x32xf32, #tpu.memory_space<vmem>>
        %dma_wait3A_647 = arith.constant 0 : i32
        %dma_wait3A_648 = tpu.memref_slice %arg10[%add3A_301, %dma_wait3A_647] : memref<80x128xi32, #tpu.memory_space<vmem>> -> memref<1x128xi32, #tpu.memory_space<vmem>>
        %dma_wait3A_649 = tpu.memref_squeeze %dma_wait3A_648 : memref<1x128xi32, #tpu.memory_space<vmem>> -> memref<128xi32, #tpu.memory_space<vmem>>
        %dma_wait3A_650 = arith.constant 0 : i32
        %dma_wait3A_651 = arith.constant 0 : i32
        %dma_wait3A_652 = tpu.memref_slice %arg7[%dma_wait3A_650, %dma_wait3A_651] : memref<10112x32xf32, #tpu.memory_space<vmem_shared>> -> memref<10112x32xf32, #tpu.memory_space<vmem_shared>>
        %dma_wait3A_653 = tpu.memref_slice %arg13[%dma_wait3A_642] : memref<8x!tpu.dma_semaphore, #tpu.memory_space<semaphore_mem>> -> memref<1x!tpu.dma_semaphore, #tpu.memory_space<semaphore_mem>>
        %dma_wait3A_654 = tpu.memref_squeeze %dma_wait3A_653 : memref<1x!tpu.dma_semaphore, #tpu.memory_space<semaphore_mem>> -> memref<!tpu.dma_semaphore, #tpu.memory_space<semaphore_mem>>
        tpu.wait_indirect_dma semaphore(%dma_wait3A_654 : memref<!tpu.dma_semaphore, #tpu.memory_space<semaphore_mem>>) src(%dma_wait3A_646 : memref<128x32xf32, #tpu.memory_space<vmem>>) dst(%dma_wait3A_652 : memref<10112x32xf32, #tpu.memory_space<vmem_shared>>)
      } else {
      }
      %add3A_312 = arith.constant 3 : i32
      %add3A_313 = arith.addi %add3A_301, %add3A_312 : i32
      %lt3A_314 = arith.constant 80 : i32
      %lt3A_315 = arith.cmpi slt, %add3A_313, %lt3A_314 : i32
      %convert_element_type3A_316 = arith.extui %lt3A_315 : i1 to i32
      %cond3A_317 = arith.constant 0 : i32
      %cond3A_318 = arith.cmpi ne, %convert_element_type3A_316, %cond3A_317 : i32
      scf.if %cond3A_318 {
        %add3A_641 = arith.constant 3 : i32
        %add3A_642 = arith.addi %add3A_301, %add3A_641 : i32
        %dma_start3A_643 = arith.constant 4 : i32
        %dma_start3A_644 = arith.constant 4 : i32
        %dma_start3A_645 = arith.constant 0 : i32
        %dma_start3A_646 = arith.constant 0 : i32
        %dma_start3A_647 = tpu.memref_slice %arg11[%dma_start3A_643, %dma_start3A_645, %dma_start3A_646] : memref<8x128x32xf32, #tpu.memory_space<vmem>> -> memref<1x128x32xf32, #tpu.memory_space<vmem>>
        %dma_start3A_648 = tpu.memref_squeeze %dma_start3A_647 : memref<1x128x32xf32, #tpu.memory_space<vmem>> -> memref<128x32xf32, #tpu.memory_space<vmem>>
        %dma_start3A_649 = arith.constant 0 : i32
        %dma_start3A_650 = tpu.memref_slice %arg9[%add3A_642, %dma_start3A_649] : memref<80x128xi32, #tpu.memory_space<vmem>> -> memref<1x128xi32, #tpu.memory_space<vmem>>
        %dma_start3A_651 = tpu.memref_squeeze %dma_start3A_650 : memref<1x128xi32, #tpu.memory_space<vmem>> -> memref<128xi32, #tpu.memory_space<vmem>>
        %dma_start3A_652 = arith.constant 0 : i32
        %dma_start3A_653 = arith.constant 0 : i32
        %dma_start3A_654 = tpu.memref_slice %arg8[%dma_start3A_652, %dma_start3A_653] : memref<10000x32xf32, #tpu.memory_space<vmem_shared>> -> memref<10000x32xf32, #tpu.memory_space<vmem_shared>>
        %dma_start3A_655 = tpu.memref_slice %arg12[%dma_start3A_644] : memref<8x!tpu.dma_semaphore, #tpu.memory_space<semaphore_mem>> -> memref<1x!tpu.dma_semaphore, #tpu.memory_space<semaphore_mem>>
        %dma_start3A_656 = tpu.memref_squeeze %dma_start3A_655 : memref<1x!tpu.dma_semaphore, #tpu.memory_space<semaphore_mem>> -> memref<!tpu.dma_semaphore, #tpu.memory_space<semaphore_mem>>
        tpu.enqueue_indirect_dma source(%dma_start3A_654 : memref<10000x32xf32, #tpu.memory_space<vmem_shared>>) target(%dma_start3A_648 : memref<128x32xf32, #tpu.memory_space<vmem>>) offsets(%dma_start3A_651 : memref<128xi32, #tpu.memory_space<vmem>>) semaphore(%dma_start3A_656 : memref<!tpu.dma_semaphore, #tpu.memory_space<semaphore_mem>>)
      } else {
      }
      %dma_wait3A_319 = arith.constant 1 : i32
      %dma_wait3A_320 = arith.constant 1 : i32
      %dma_wait3A_321 = arith.constant 0 : i32
      %dma_wait3A_322 = arith.constant 0 : i32
      %dma_wait3A_323 = tpu.memref_slice %arg11[%dma_wait3A_319, %dma_wait3A_321, %dma_wait3A_322] : memref<8x128x32xf32, #tpu.memory_space<vmem>> -> memref<1x128x32xf32, #tpu.memory_space<vmem>>
      %dma_wait3A_324 = tpu.memref_squeeze %dma_wait3A_323 : memref<1x128x32xf32, #tpu.memory_space<vmem>> -> memref<128x32xf32, #tpu.memory_space<vmem>>
      %dma_wait3A_325 = arith.constant 0 : i32
      %dma_wait3A_326 = tpu.memref_slice %arg9[%add3A_301, %dma_wait3A_325] : memref<80x128xi32, #tpu.memory_space<vmem>> -> memref<1x128xi32, #tpu.memory_space<vmem>>
      %dma_wait3A_327 = tpu.memref_squeeze %dma_wait3A_326 : memref<1x128xi32, #tpu.memory_space<vmem>> -> memref<128xi32, #tpu.memory_space<vmem>>
      %dma_wait3A_328 = arith.constant 0 : i32
      %dma_wait3A_329 = arith.constant 0 : i32
      %dma_wait3A_330 = tpu.memref_slice %arg8[%dma_wait3A_328, %dma_wait3A_329] : memref<10000x32xf32, #tpu.memory_space<vmem_shared>> -> memref<10000x32xf32, #tpu.memory_space<vmem_shared>>
      %dma_wait3A_331 = tpu.memref_slice %arg12[%dma_wait3A_320] : memref<8x!tpu.dma_semaphore, #tpu.memory_space<semaphore_mem>> -> memref<1x!tpu.dma_semaphore, #tpu.memory_space<semaphore_mem>>
      %dma_wait3A_332 = tpu.memref_squeeze %dma_wait3A_331 : memref<1x!tpu.dma_semaphore, #tpu.memory_space<semaphore_mem>> -> memref<!tpu.dma_semaphore, #tpu.memory_space<semaphore_mem>>
      tpu.wait_indirect_dma semaphore(%dma_wait3A_332 : memref<!tpu.dma_semaphore, #tpu.memory_space<semaphore_mem>>) src(%dma_wait3A_330 : memref<10000x32xf32, #tpu.memory_space<vmem_shared>>) dst(%dma_wait3A_324 : memref<128x32xf32, #tpu.memory_space<vmem>>)
      %dma_start3A_333 = arith.constant 1 : i32
      %dma_start3A_334 = arith.constant 1 : i32
      %dma_start3A_335 = arith.constant 0 : i32
      %dma_start3A_336 = arith.constant 0 : i32
      %dma_start3A_337 = tpu.memref_slice %arg11[%dma_start3A_333, %dma_start3A_335, %dma_start3A_336] : memref<8x128x32xf32, #tpu.memory_space<vmem>> -> memref<1x128x32xf32, #tpu.memory_space<vmem>>
      %dma_start3A_338 = tpu.memref_squeeze %dma_start3A_337 : memref<1x128x32xf32, #tpu.memory_space<vmem>> -> memref<128x32xf32, #tpu.memory_space<vmem>>
      %dma_start3A_339 = arith.constant 0 : i32
      %dma_start3A_340 = tpu.memref_slice %arg10[%add3A_301, %dma_start3A_339] : memref<80x128xi32, #tpu.memory_space<vmem>> -> memref<1x128xi32, #tpu.memory_space<vmem>>
      %dma_start3A_341 = tpu.memref_squeeze %dma_start3A_340 : memref<1x128xi32, #tpu.memory_space<vmem>> -> memref<128xi32, #tpu.memory_space<vmem>>
      %dma_start3A_342 = arith.constant 0 : i32
      %dma_start3A_343 = arith.constant 0 : i32
      %dma_start3A_344 = tpu.memref_slice %arg7[%dma_start3A_342, %dma_start3A_343] : memref<10112x32xf32, #tpu.memory_space<vmem_shared>> -> memref<10112x32xf32, #tpu.memory_space<vmem_shared>>
      %dma_start3A_345 = tpu.memref_slice %arg13[%dma_start3A_334] : memref<8x!tpu.dma_semaphore, #tpu.memory_space<semaphore_mem>> -> memref<1x!tpu.dma_semaphore, #tpu.memory_space<semaphore_mem>>
      %dma_start3A_346 = tpu.memref_squeeze %dma_start3A_345 : memref<1x!tpu.dma_semaphore, #tpu.memory_space<semaphore_mem>> -> memref<!tpu.dma_semaphore, #tpu.memory_space<semaphore_mem>>
      tpu.enqueue_indirect_dma source(%dma_start3A_338 : memref<128x32xf32, #tpu.memory_space<vmem>>) target(%dma_start3A_344 : memref<10112x32xf32, #tpu.memory_space<vmem_shared>>) offsets(%dma_start3A_341 : memref<128xi32, #tpu.memory_space<vmem>>) semaphore(%dma_start3A_346 : memref<!tpu.dma_semaphore, #tpu.memory_space<semaphore_mem>>) {add = true}
      %mul3A_347 = arith.constant 8 : i32
      %mul3A_348 = arith.muli %scan3A_250, %mul3A_347 : i32
      %add3A_349 = arith.constant 2 : i32
      %add3A_350 = arith.addi %mul3A_348, %add3A_349 : i32
      %ge3A_351 = arith.constant 5 : i32
      %ge3A_352 = arith.cmpi sge, %add3A_350, %ge3A_351 : i32
      %add3A_353 = arith.constant 3 : i32
      %add3A_354 = arith.addi %add3A_350, %add3A_353 : i32
      %lt3A_355 = arith.constant 80 : i32
      %lt3A_356 = arith.cmpi slt, %add3A_354, %lt3A_355 : i32
      %and3A_357 = arith.andi %ge3A_352, %lt3A_356 : i1
      %convert_element_type3A_358 = arith.extui %and3A_357 : i1 to i32
      %cond3A_359 = arith.constant 0 : i32
      %cond3A_360 = arith.cmpi ne, %convert_element_type3A_358, %cond3A_359 : i32
      scf.if %cond3A_360 {
        %dma_wait3A_641 = arith.constant 5 : i32
        %dma_wait3A_642 = arith.constant 5 : i32
        %dma_wait3A_643 = arith.constant 0 : i32
        %dma_wait3A_644 = arith.constant 0 : i32
        %dma_wait3A_645 = tpu.memref_slice %arg11[%dma_wait3A_641, %dma_wait3A_643, %dma_wait3A_644] : memref<8x128x32xf32, #tpu.memory_space<vmem>> -> memref<1x128x32xf32, #tpu.memory_space<vmem>>
        %dma_wait3A_646 = tpu.memref_squeeze %dma_wait3A_645 : memref<1x128x32xf32, #tpu.memory_space<vmem>> -> memref<128x32xf32, #tpu.memory_space<vmem>>
        %dma_wait3A_647 = arith.constant 0 : i32
        %dma_wait3A_648 = tpu.memref_slice %arg10[%add3A_350, %dma_wait3A_647] : memref<80x128xi32, #tpu.memory_space<vmem>> -> memref<1x128xi32, #tpu.memory_space<vmem>>
        %dma_wait3A_649 = tpu.memref_squeeze %dma_wait3A_648 : memref<1x128xi32, #tpu.memory_space<vmem>> -> memref<128xi32, #tpu.memory_space<vmem>>
        %dma_wait3A_650 = arith.constant 0 : i32
        %dma_wait3A_651 = arith.constant 0 : i32
        %dma_wait3A_652 = tpu.memref_slice %arg7[%dma_wait3A_650, %dma_wait3A_651] : memref<10112x32xf32, #tpu.memory_space<vmem_shared>> -> memref<10112x32xf32, #tpu.memory_space<vmem_shared>>
        %dma_wait3A_653 = tpu.memref_slice %arg13[%dma_wait3A_642] : memref<8x!tpu.dma_semaphore, #tpu.memory_space<semaphore_mem>> -> memref<1x!tpu.dma_semaphore, #tpu.memory_space<semaphore_mem>>
        %dma_wait3A_654 = tpu.memref_squeeze %dma_wait3A_653 : memref<1x!tpu.dma_semaphore, #tpu.memory_space<semaphore_mem>> -> memref<!tpu.dma_semaphore, #tpu.memory_space<semaphore_mem>>
        tpu.wait_indirect_dma semaphore(%dma_wait3A_654 : memref<!tpu.dma_semaphore, #tpu.memory_space<semaphore_mem>>) src(%dma_wait3A_646 : memref<128x32xf32, #tpu.memory_space<vmem>>) dst(%dma_wait3A_652 : memref<10112x32xf32, #tpu.memory_space<vmem_shared>>)
      } else {
      }
      %add3A_361 = arith.constant 3 : i32
      %add3A_362 = arith.addi %add3A_350, %add3A_361 : i32
      %lt3A_363 = arith.constant 80 : i32
      %lt3A_364 = arith.cmpi slt, %add3A_362, %lt3A_363 : i32
      %convert_element_type3A_365 = arith.extui %lt3A_364 : i1 to i32
      %cond3A_366 = arith.constant 0 : i32
      %cond3A_367 = arith.cmpi ne, %convert_element_type3A_365, %cond3A_366 : i32
      scf.if %cond3A_367 {
        %add3A_641 = arith.constant 3 : i32
        %add3A_642 = arith.addi %add3A_350, %add3A_641 : i32
        %dma_start3A_643 = arith.constant 5 : i32
        %dma_start3A_644 = arith.constant 5 : i32
        %dma_start3A_645 = arith.constant 0 : i32
        %dma_start3A_646 = arith.constant 0 : i32
        %dma_start3A_647 = tpu.memref_slice %arg11[%dma_start3A_643, %dma_start3A_645, %dma_start3A_646] : memref<8x128x32xf32, #tpu.memory_space<vmem>> -> memref<1x128x32xf32, #tpu.memory_space<vmem>>
        %dma_start3A_648 = tpu.memref_squeeze %dma_start3A_647 : memref<1x128x32xf32, #tpu.memory_space<vmem>> -> memref<128x32xf32, #tpu.memory_space<vmem>>
        %dma_start3A_649 = arith.constant 0 : i32
        %dma_start3A_650 = tpu.memref_slice %arg9[%add3A_642, %dma_start3A_649] : memref<80x128xi32, #tpu.memory_space<vmem>> -> memref<1x128xi32, #tpu.memory_space<vmem>>
        %dma_start3A_651 = tpu.memref_squeeze %dma_start3A_650 : memref<1x128xi32, #tpu.memory_space<vmem>> -> memref<128xi32, #tpu.memory_space<vmem>>
        %dma_start3A_652 = arith.constant 0 : i32
        %dma_start3A_653 = arith.constant 0 : i32
        %dma_start3A_654 = tpu.memref_slice %arg8[%dma_start3A_652, %dma_start3A_653] : memref<10000x32xf32, #tpu.memory_space<vmem_shared>> -> memref<10000x32xf32, #tpu.memory_space<vmem_shared>>
        %dma_start3A_655 = tpu.memref_slice %arg12[%dma_start3A_644] : memref<8x!tpu.dma_semaphore, #tpu.memory_space<semaphore_mem>> -> memref<1x!tpu.dma_semaphore, #tpu.memory_space<semaphore_mem>>
        %dma_start3A_656 = tpu.memref_squeeze %dma_start3A_655 : memref<1x!tpu.dma_semaphore, #tpu.memory_space<semaphore_mem>> -> memref<!tpu.dma_semaphore, #tpu.memory_space<semaphore_mem>>
        tpu.enqueue_indirect_dma source(%dma_start3A_654 : memref<10000x32xf32, #tpu.memory_space<vmem_shared>>) target(%dma_start3A_648 : memref<128x32xf32, #tpu.memory_space<vmem>>) offsets(%dma_start3A_651 : memref<128xi32, #tpu.memory_space<vmem>>) semaphore(%dma_start3A_656 : memref<!tpu.dma_semaphore, #tpu.memory_space<semaphore_mem>>)
      } else {
      }
      %dma_wait3A_368 = arith.constant 2 : i32
      %dma_wait3A_369 = arith.constant 2 : i32
      %dma_wait3A_370 = arith.constant 0 : i32
      %dma_wait3A_371 = arith.constant 0 : i32
      %dma_wait3A_372 = tpu.memref_slice %arg11[%dma_wait3A_368, %dma_wait3A_370, %dma_wait3A_371] : memref<8x128x32xf32, #tpu.memory_space<vmem>> -> memref<1x128x32xf32, #tpu.memory_space<vmem>>
      %dma_wait3A_373 = tpu.memref_squeeze %dma_wait3A_372 : memref<1x128x32xf32, #tpu.memory_space<vmem>> -> memref<128x32xf32, #tpu.memory_space<vmem>>
      %dma_wait3A_374 = arith.constant 0 : i32
      %dma_wait3A_375 = tpu.memref_slice %arg9[%add3A_350, %dma_wait3A_374] : memref<80x128xi32, #tpu.memory_space<vmem>> -> memref<1x128xi32, #tpu.memory_space<vmem>>
      %dma_wait3A_376 = tpu.memref_squeeze %dma_wait3A_375 : memref<1x128xi32, #tpu.memory_space<vmem>> -> memref<128xi32, #tpu.memory_space<vmem>>
      %dma_wait3A_377 = arith.constant 0 : i32
      %dma_wait3A_378 = arith.constant 0 : i32
      %dma_wait3A_379 = tpu.memref_slice %arg8[%dma_wait3A_377, %dma_wait3A_378] : memref<10000x32xf32, #tpu.memory_space<vmem_shared>> -> memref<10000x32xf32, #tpu.memory_space<vmem_shared>>
      %dma_wait3A_380 = tpu.memref_slice %arg12[%dma_wait3A_369] : memref<8x!tpu.dma_semaphore, #tpu.memory_space<semaphore_mem>> -> memref<1x!tpu.dma_semaphore, #tpu.memory_space<semaphore_mem>>
      %dma_wait3A_381 = tpu.memref_squeeze %dma_wait3A_380 : memref<1x!tpu.dma_semaphore, #tpu.memory_space<semaphore_mem>> -> memref<!tpu.dma_semaphore, #tpu.memory_space<semaphore_mem>>
      tpu.wait_indirect_dma semaphore(%dma_wait3A_381 : memref<!tpu.dma_semaphore, #tpu.memory_space<semaphore_mem>>) src(%dma_wait3A_379 : memref<10000x32xf32, #tpu.memory_space<vmem_shared>>) dst(%dma_wait3A_373 : memref<128x32xf32, #tpu.memory_space<vmem>>)
      %dma_start3A_382 = arith.constant 2 : i32
      %dma_start3A_383 = arith.constant 2 : i32
      %dma_start3A_384 = arith.constant 0 : i32
      %dma_start3A_385 = arith.constant 0 : i32
      %dma_start3A_386 = tpu.memref_slice %arg11[%dma_start3A_382, %dma_start3A_384, %dma_start3A_385] : memref<8x128x32xf32, #tpu.memory_space<vmem>> -> memref<1x128x32xf32, #tpu.memory_space<vmem>>
      %dma_start3A_387 = tpu.memref_squeeze %dma_start3A_386 : memref<1x128x32xf32, #tpu.memory_space<vmem>> -> memref<128x32xf32, #tpu.memory_space<vmem>>
      %dma_start3A_388 = arith.constant 0 : i32
      %dma_start3A_389 = tpu.memref_slice %arg10[%add3A_350, %dma_start3A_388] : memref<80x128xi32, #tpu.memory_space<vmem>> -> memref<1x128xi32, #tpu.memory_space<vmem>>
      %dma_start3A_390 = tpu.memref_squeeze %dma_start3A_389 : memref<1x128xi32, #tpu.memory_space<vmem>> -> memref<128xi32, #tpu.memory_space<vmem>>
      %dma_start3A_391 = arith.constant 0 : i32
      %dma_start3A_392 = arith.constant 0 : i32
      %dma_start3A_393 = tpu.memref_slice %arg7[%dma_start3A_391, %dma_start3A_392] : memref<10112x32xf32, #tpu.memory_space<vmem_shared>> -> memref<10112x32xf32, #tpu.memory_space<vmem_shared>>
      %dma_start3A_394 = tpu.memref_slice %arg13[%dma_start3A_383] : memref<8x!tpu.dma_semaphore, #tpu.memory_space<semaphore_mem>> -> memref<1x!tpu.dma_semaphore, #tpu.memory_space<semaphore_mem>>
      %dma_start3A_395 = tpu.memref_squeeze %dma_start3A_394 : memref<1x!tpu.dma_semaphore, #tpu.memory_space<semaphore_mem>> -> memref<!tpu.dma_semaphore, #tpu.memory_space<semaphore_mem>>
      tpu.enqueue_indirect_dma source(%dma_start3A_387 : memref<128x32xf32, #tpu.memory_space<vmem>>) target(%dma_start3A_393 : memref<10112x32xf32, #tpu.memory_space<vmem_shared>>) offsets(%dma_start3A_390 : memref<128xi32, #tpu.memory_space<vmem>>) semaphore(%dma_start3A_395 : memref<!tpu.dma_semaphore, #tpu.memory_space<semaphore_mem>>) {add = true}
      %mul3A_396 = arith.constant 8 : i32
      %mul3A_397 = arith.muli %scan3A_250, %mul3A_396 : i32
      %add3A_398 = arith.constant 3 : i32
      %add3A_399 = arith.addi %mul3A_397, %add3A_398 : i32
      %ge3A_400 = arith.constant 5 : i32
      %ge3A_401 = arith.cmpi sge, %add3A_399, %ge3A_400 : i32
      %add3A_402 = arith.constant 3 : i32
      %add3A_403 = arith.addi %add3A_399, %add3A_402 : i32
      %lt3A_404 = arith.constant 80 : i32
      %lt3A_405 = arith.cmpi slt, %add3A_403, %lt3A_404 : i32
      %and3A_406 = arith.andi %ge3A_401, %lt3A_405 : i1
      %convert_element_type3A_407 = arith.extui %and3A_406 : i1 to i32
      %cond3A_408 = arith.constant 0 : i32
      %cond3A_409 = arith.cmpi ne, %convert_element_type3A_407, %cond3A_408 : i32
      scf.if %cond3A_409 {
        %dma_wait3A_641 = arith.constant 6 : i32
        %dma_wait3A_642 = arith.constant 6 : i32
        %dma_wait3A_643 = arith.constant 0 : i32
        %dma_wait3A_644 = arith.constant 0 : i32
        %dma_wait3A_645 = tpu.memref_slice %arg11[%dma_wait3A_641, %dma_wait3A_643, %dma_wait3A_644] : memref<8x128x32xf32, #tpu.memory_space<vmem>> -> memref<1x128x32xf32, #tpu.memory_space<vmem>>
        %dma_wait3A_646 = tpu.memref_squeeze %dma_wait3A_645 : memref<1x128x32xf32, #tpu.memory_space<vmem>> -> memref<128x32xf32, #tpu.memory_space<vmem>>
        %dma_wait3A_647 = arith.constant 0 : i32
        %dma_wait3A_648 = tpu.memref_slice %arg10[%add3A_399, %dma_wait3A_647] : memref<80x128xi32, #tpu.memory_space<vmem>> -> memref<1x128xi32, #tpu.memory_space<vmem>>
        %dma_wait3A_649 = tpu.memref_squeeze %dma_wait3A_648 : memref<1x128xi32, #tpu.memory_space<vmem>> -> memref<128xi32, #tpu.memory_space<vmem>>
        %dma_wait3A_650 = arith.constant 0 : i32
        %dma_wait3A_651 = arith.constant 0 : i32
        %dma_wait3A_652 = tpu.memref_slice %arg7[%dma_wait3A_650, %dma_wait3A_651] : memref<10112x32xf32, #tpu.memory_space<vmem_shared>> -> memref<10112x32xf32, #tpu.memory_space<vmem_shared>>
        %dma_wait3A_653 = tpu.memref_slice %arg13[%dma_wait3A_642] : memref<8x!tpu.dma_semaphore, #tpu.memory_space<semaphore_mem>> -> memref<1x!tpu.dma_semaphore, #tpu.memory_space<semaphore_mem>>
        %dma_wait3A_654 = tpu.memref_squeeze %dma_wait3A_653 : memref<1x!tpu.dma_semaphore, #tpu.memory_space<semaphore_mem>> -> memref<!tpu.dma_semaphore, #tpu.memory_space<semaphore_mem>>
        tpu.wait_indirect_dma semaphore(%dma_wait3A_654 : memref<!tpu.dma_semaphore, #tpu.memory_space<semaphore_mem>>) src(%dma_wait3A_646 : memref<128x32xf32, #tpu.memory_space<vmem>>) dst(%dma_wait3A_652 : memref<10112x32xf32, #tpu.memory_space<vmem_shared>>)
      } else {
      }
      %add3A_410 = arith.constant 3 : i32
      %add3A_411 = arith.addi %add3A_399, %add3A_410 : i32
      %lt3A_412 = arith.constant 80 : i32
      %lt3A_413 = arith.cmpi slt, %add3A_411, %lt3A_412 : i32
      %convert_element_type3A_414 = arith.extui %lt3A_413 : i1 to i32
      %cond3A_415 = arith.constant 0 : i32
      %cond3A_416 = arith.cmpi ne, %convert_element_type3A_414, %cond3A_415 : i32
      scf.if %cond3A_416 {
        %add3A_641 = arith.constant 3 : i32
        %add3A_642 = arith.addi %add3A_399, %add3A_641 : i32
        %dma_start3A_643 = arith.constant 6 : i32
        %dma_start3A_644 = arith.constant 6 : i32
        %dma_start3A_645 = arith.constant 0 : i32
        %dma_start3A_646 = arith.constant 0 : i32
        %dma_start3A_647 = tpu.memref_slice %arg11[%dma_start3A_643, %dma_start3A_645, %dma_start3A_646] : memref<8x128x32xf32, #tpu.memory_space<vmem>> -> memref<1x128x32xf32, #tpu.memory_space<vmem>>
        %dma_start3A_648 = tpu.memref_squeeze %dma_start3A_647 : memref<1x128x32xf32, #tpu.memory_space<vmem>> -> memref<128x32xf32, #tpu.memory_space<vmem>>
        %dma_start3A_649 = arith.constant 0 : i32
        %dma_start3A_650 = tpu.memref_slice %arg9[%add3A_642, %dma_start3A_649] : memref<80x128xi32, #tpu.memory_space<vmem>> -> memref<1x128xi32, #tpu.memory_space<vmem>>
        %dma_start3A_651 = tpu.memref_squeeze %dma_start3A_650 : memref<1x128xi32, #tpu.memory_space<vmem>> -> memref<128xi32, #tpu.memory_space<vmem>>
        %dma_start3A_652 = arith.constant 0 : i32
        %dma_start3A_653 = arith.constant 0 : i32
        %dma_start3A_654 = tpu.memref_slice %arg8[%dma_start3A_652, %dma_start3A_653] : memref<10000x32xf32, #tpu.memory_space<vmem_shared>> -> memref<10000x32xf32, #tpu.memory_space<vmem_shared>>
        %dma_start3A_655 = tpu.memref_slice %arg12[%dma_start3A_644] : memref<8x!tpu.dma_semaphore, #tpu.memory_space<semaphore_mem>> -> memref<1x!tpu.dma_semaphore, #tpu.memory_space<semaphore_mem>>
        %dma_start3A_656 = tpu.memref_squeeze %dma_start3A_655 : memref<1x!tpu.dma_semaphore, #tpu.memory_space<semaphore_mem>> -> memref<!tpu.dma_semaphore, #tpu.memory_space<semaphore_mem>>
        tpu.enqueue_indirect_dma source(%dma_start3A_654 : memref<10000x32xf32, #tpu.memory_space<vmem_shared>>) target(%dma_start3A_648 : memref<128x32xf32, #tpu.memory_space<vmem>>) offsets(%dma_start3A_651 : memref<128xi32, #tpu.memory_space<vmem>>) semaphore(%dma_start3A_656 : memref<!tpu.dma_semaphore, #tpu.memory_space<semaphore_mem>>)
      } else {
      }
      %dma_wait3A_417 = arith.constant 3 : i32
      %dma_wait3A_418 = arith.constant 3 : i32
      %dma_wait3A_419 = arith.constant 0 : i32
      %dma_wait3A_420 = arith.constant 0 : i32
      %dma_wait3A_421 = tpu.memref_slice %arg11[%dma_wait3A_417, %dma_wait3A_419, %dma_wait3A_420] : memref<8x128x32xf32, #tpu.memory_space<vmem>> -> memref<1x128x32xf32, #tpu.memory_space<vmem>>
      %dma_wait3A_422 = tpu.memref_squeeze %dma_wait3A_421 : memref<1x128x32xf32, #tpu.memory_space<vmem>> -> memref<128x32xf32, #tpu.memory_space<vmem>>
      %dma_wait3A_423 = arith.constant 0 : i32
      %dma_wait3A_424 = tpu.memref_slice %arg9[%add3A_399, %dma_wait3A_423] : memref<80x128xi32, #tpu.memory_space<vmem>> -> memref<1x128xi32, #tpu.memory_space<vmem>>
      %dma_wait3A_425 = tpu.memref_squeeze %dma_wait3A_424 : memref<1x128xi32, #tpu.memory_space<vmem>> -> memref<128xi32, #tpu.memory_space<vmem>>
      %dma_wait3A_426 = arith.constant 0 : i32
      %dma_wait3A_427 = arith.constant 0 : i32
      %dma_wait3A_428 = tpu.memref_slice %arg8[%dma_wait3A_426, %dma_wait3A_427] : memref<10000x32xf32, #tpu.memory_space<vmem_shared>> -> memref<10000x32xf32, #tpu.memory_space<vmem_shared>>
      %dma_wait3A_429 = tpu.memref_slice %arg12[%dma_wait3A_418] : memref<8x!tpu.dma_semaphore, #tpu.memory_space<semaphore_mem>> -> memref<1x!tpu.dma_semaphore, #tpu.memory_space<semaphore_mem>>
      %dma_wait3A_430 = tpu.memref_squeeze %dma_wait3A_429 : memref<1x!tpu.dma_semaphore, #tpu.memory_space<semaphore_mem>> -> memref<!tpu.dma_semaphore, #tpu.memory_space<semaphore_mem>>
      tpu.wait_indirect_dma semaphore(%dma_wait3A_430 : memref<!tpu.dma_semaphore, #tpu.memory_space<semaphore_mem>>) src(%dma_wait3A_428 : memref<10000x32xf32, #tpu.memory_space<vmem_shared>>) dst(%dma_wait3A_422 : memref<128x32xf32, #tpu.memory_space<vmem>>)
      %dma_start3A_431 = arith.constant 3 : i32
      %dma_start3A_432 = arith.constant 3 : i32
      %dma_start3A_433 = arith.constant 0 : i32
      %dma_start3A_434 = arith.constant 0 : i32
      %dma_start3A_435 = tpu.memref_slice %arg11[%dma_start3A_431, %dma_start3A_433, %dma_start3A_434] : memref<8x128x32xf32, #tpu.memory_space<vmem>> -> memref<1x128x32xf32, #tpu.memory_space<vmem>>
      %dma_start3A_436 = tpu.memref_squeeze %dma_start3A_435 : memref<1x128x32xf32, #tpu.memory_space<vmem>> -> memref<128x32xf32, #tpu.memory_space<vmem>>
      %dma_start3A_437 = arith.constant 0 : i32
      %dma_start3A_438 = tpu.memref_slice %arg10[%add3A_399, %dma_start3A_437] : memref<80x128xi32, #tpu.memory_space<vmem>> -> memref<1x128xi32, #tpu.memory_space<vmem>>
      %dma_start3A_439 = tpu.memref_squeeze %dma_start3A_438 : memref<1x128xi32, #tpu.memory_space<vmem>> -> memref<128xi32, #tpu.memory_space<vmem>>
      %dma_start3A_440 = arith.constant 0 : i32
      %dma_start3A_441 = arith.constant 0 : i32
      %dma_start3A_442 = tpu.memref_slice %arg7[%dma_start3A_440, %dma_start3A_441] : memref<10112x32xf32, #tpu.memory_space<vmem_shared>> -> memref<10112x32xf32, #tpu.memory_space<vmem_shared>>
      %dma_start3A_443 = tpu.memref_slice %arg13[%dma_start3A_432] : memref<8x!tpu.dma_semaphore, #tpu.memory_space<semaphore_mem>> -> memref<1x!tpu.dma_semaphore, #tpu.memory_space<semaphore_mem>>
      %dma_start3A_444 = tpu.memref_squeeze %dma_start3A_443 : memref<1x!tpu.dma_semaphore, #tpu.memory_space<semaphore_mem>> -> memref<!tpu.dma_semaphore, #tpu.memory_space<semaphore_mem>>
      tpu.enqueue_indirect_dma source(%dma_start3A_436 : memref<128x32xf32, #tpu.memory_space<vmem>>) target(%dma_start3A_442 : memref<10112x32xf32, #tpu.memory_space<vmem_shared>>) offsets(%dma_start3A_439 : memref<128xi32, #tpu.memory_space<vmem>>) semaphore(%dma_start3A_444 : memref<!tpu.dma_semaphore, #tpu.memory_space<semaphore_mem>>) {add = true}
      %mul3A_445 = arith.constant 8 : i32
      %mul3A_446 = arith.muli %scan3A_250, %mul3A_445 : i32
      %add3A_447 = arith.constant 4 : i32
      %add3A_448 = arith.addi %mul3A_446, %add3A_447 : i32
      %ge3A_449 = arith.constant 5 : i32
      %ge3A_450 = arith.cmpi sge, %add3A_448, %ge3A_449 : i32
      %add3A_451 = arith.constant 3 : i32
      %add3A_452 = arith.addi %add3A_448, %add3A_451 : i32
      %lt3A_453 = arith.constant 80 : i32
      %lt3A_454 = arith.cmpi slt, %add3A_452, %lt3A_453 : i32
      %and3A_455 = arith.andi %ge3A_450, %lt3A_454 : i1
      %convert_element_type3A_456 = arith.extui %and3A_455 : i1 to i32
      %cond3A_457 = arith.constant 0 : i32
      %cond3A_458 = arith.cmpi ne, %convert_element_type3A_456, %cond3A_457 : i32
      scf.if %cond3A_458 {
        %dma_wait3A_641 = arith.constant 7 : i32
        %dma_wait3A_642 = arith.constant 7 : i32
        %dma_wait3A_643 = arith.constant 0 : i32
        %dma_wait3A_644 = arith.constant 0 : i32
        %dma_wait3A_645 = tpu.memref_slice %arg11[%dma_wait3A_641, %dma_wait3A_643, %dma_wait3A_644] : memref<8x128x32xf32, #tpu.memory_space<vmem>> -> memref<1x128x32xf32, #tpu.memory_space<vmem>>
        %dma_wait3A_646 = tpu.memref_squeeze %dma_wait3A_645 : memref<1x128x32xf32, #tpu.memory_space<vmem>> -> memref<128x32xf32, #tpu.memory_space<vmem>>
        %dma_wait3A_647 = arith.constant 0 : i32
        %dma_wait3A_648 = tpu.memref_slice %arg10[%add3A_448, %dma_wait3A_647] : memref<80x128xi32, #tpu.memory_space<vmem>> -> memref<1x128xi32, #tpu.memory_space<vmem>>
        %dma_wait3A_649 = tpu.memref_squeeze %dma_wait3A_648 : memref<1x128xi32, #tpu.memory_space<vmem>> -> memref<128xi32, #tpu.memory_space<vmem>>
        %dma_wait3A_650 = arith.constant 0 : i32
        %dma_wait3A_651 = arith.constant 0 : i32
        %dma_wait3A_652 = tpu.memref_slice %arg7[%dma_wait3A_650, %dma_wait3A_651] : memref<10112x32xf32, #tpu.memory_space<vmem_shared>> -> memref<10112x32xf32, #tpu.memory_space<vmem_shared>>
        %dma_wait3A_653 = tpu.memref_slice %arg13[%dma_wait3A_642] : memref<8x!tpu.dma_semaphore, #tpu.memory_space<semaphore_mem>> -> memref<1x!tpu.dma_semaphore, #tpu.memory_space<semaphore_mem>>
        %dma_wait3A_654 = tpu.memref_squeeze %dma_wait3A_653 : memref<1x!tpu.dma_semaphore, #tpu.memory_space<semaphore_mem>> -> memref<!tpu.dma_semaphore, #tpu.memory_space<semaphore_mem>>
        tpu.wait_indirect_dma semaphore(%dma_wait3A_654 : memref<!tpu.dma_semaphore, #tpu.memory_space<semaphore_mem>>) src(%dma_wait3A_646 : memref<128x32xf32, #tpu.memory_space<vmem>>) dst(%dma_wait3A_652 : memref<10112x32xf32, #tpu.memory_space<vmem_shared>>)
      } else {
      }
      %add3A_459 = arith.constant 3 : i32
      %add3A_460 = arith.addi %add3A_448, %add3A_459 : i32
      %lt3A_461 = arith.constant 80 : i32
      %lt3A_462 = arith.cmpi slt, %add3A_460, %lt3A_461 : i32
      %convert_element_type3A_463 = arith.extui %lt3A_462 : i1 to i32
      %cond3A_464 = arith.constant 0 : i32
      %cond3A_465 = arith.cmpi ne, %convert_element_type3A_463, %cond3A_464 : i32
      scf.if %cond3A_465 {
        %add3A_641 = arith.constant 3 : i32
        %add3A_642 = arith.addi %add3A_448, %add3A_641 : i32
        %dma_start3A_643 = arith.constant 7 : i32
        %dma_start3A_644 = arith.constant 7 : i32
        %dma_start3A_645 = arith.constant 0 : i32
        %dma_start3A_646 = arith.constant 0 : i32
        %dma_start3A_647 = tpu.memref_slice %arg11[%dma_start3A_643, %dma_start3A_645, %dma_start3A_646] : memref<8x128x32xf32, #tpu.memory_space<vmem>> -> memref<1x128x32xf32, #tpu.memory_space<vmem>>
        %dma_start3A_648 = tpu.memref_squeeze %dma_start3A_647 : memref<1x128x32xf32, #tpu.memory_space<vmem>> -> memref<128x32xf32, #tpu.memory_space<vmem>>
        %dma_start3A_649 = arith.constant 0 : i32
        %dma_start3A_650 = tpu.memref_slice %arg9[%add3A_642, %dma_start3A_649] : memref<80x128xi32, #tpu.memory_space<vmem>> -> memref<1x128xi32, #tpu.memory_space<vmem>>
        %dma_start3A_651 = tpu.memref_squeeze %dma_start3A_650 : memref<1x128xi32, #tpu.memory_space<vmem>> -> memref<128xi32, #tpu.memory_space<vmem>>
        %dma_start3A_652 = arith.constant 0 : i32
        %dma_start3A_653 = arith.constant 0 : i32
        %dma_start3A_654 = tpu.memref_slice %arg8[%dma_start3A_652, %dma_start3A_653] : memref<10000x32xf32, #tpu.memory_space<vmem_shared>> -> memref<10000x32xf32, #tpu.memory_space<vmem_shared>>
        %dma_start3A_655 = tpu.memref_slice %arg12[%dma_start3A_644] : memref<8x!tpu.dma_semaphore, #tpu.memory_space<semaphore_mem>> -> memref<1x!tpu.dma_semaphore, #tpu.memory_space<semaphore_mem>>
        %dma_start3A_656 = tpu.memref_squeeze %dma_start3A_655 : memref<1x!tpu.dma_semaphore, #tpu.memory_space<semaphore_mem>> -> memref<!tpu.dma_semaphore, #tpu.memory_space<semaphore_mem>>
        tpu.enqueue_indirect_dma source(%dma_start3A_654 : memref<10000x32xf32, #tpu.memory_space<vmem_shared>>) target(%dma_start3A_648 : memref<128x32xf32, #tpu.memory_space<vmem>>) offsets(%dma_start3A_651 : memref<128xi32, #tpu.memory_space<vmem>>) semaphore(%dma_start3A_656 : memref<!tpu.dma_semaphore, #tpu.memory_space<semaphore_mem>>)
      } else {
      }
      %dma_wait3A_466 = arith.constant 4 : i32
      %dma_wait3A_467 = arith.constant 4 : i32
      %dma_wait3A_468 = arith.constant 0 : i32
      %dma_wait3A_469 = arith.constant 0 : i32
      %dma_wait3A_470 = tpu.memref_slice %arg11[%dma_wait3A_466, %dma_wait3A_468, %dma_wait3A_469] : memref<8x128x32xf32, #tpu.memory_space<vmem>> -> memref<1x128x32xf32, #tpu.memory_space<vmem>>
      %dma_wait3A_471 = tpu.memref_squeeze %dma_wait3A_470 : memref<1x128x32xf32, #tpu.memory_space<vmem>> -> memref<128x32xf32, #tpu.memory_space<vmem>>
      %dma_wait3A_472 = arith.constant 0 : i32
      %dma_wait3A_473 = tpu.memref_slice %arg9[%add3A_448, %dma_wait3A_472] : memref<80x128xi32, #tpu.memory_space<vmem>> -> memref<1x128xi32, #tpu.memory_space<vmem>>
      %dma_wait3A_474 = tpu.memref_squeeze %dma_wait3A_473 : memref<1x128xi32, #tpu.memory_space<vmem>> -> memref<128xi32, #tpu.memory_space<vmem>>
      %dma_wait3A_475 = arith.constant 0 : i32
      %dma_wait3A_476 = arith.constant 0 : i32
      %dma_wait3A_477 = tpu.memref_slice %arg8[%dma_wait3A_475, %dma_wait3A_476] : memref<10000x32xf32, #tpu.memory_space<vmem_shared>> -> memref<10000x32xf32, #tpu.memory_space<vmem_shared>>
      %dma_wait3A_478 = tpu.memref_slice %arg12[%dma_wait3A_467] : memref<8x!tpu.dma_semaphore, #tpu.memory_space<semaphore_mem>> -> memref<1x!tpu.dma_semaphore, #tpu.memory_space<semaphore_mem>>
      %dma_wait3A_479 = tpu.memref_squeeze %dma_wait3A_478 : memref<1x!tpu.dma_semaphore, #tpu.memory_space<semaphore_mem>> -> memref<!tpu.dma_semaphore, #tpu.memory_space<semaphore_mem>>
      tpu.wait_indirect_dma semaphore(%dma_wait3A_479 : memref<!tpu.dma_semaphore, #tpu.memory_space<semaphore_mem>>) src(%dma_wait3A_477 : memref<10000x32xf32, #tpu.memory_space<vmem_shared>>) dst(%dma_wait3A_471 : memref<128x32xf32, #tpu.memory_space<vmem>>)
      %dma_start3A_480 = arith.constant 4 : i32
      %dma_start3A_481 = arith.constant 4 : i32
      %dma_start3A_482 = arith.constant 0 : i32
      %dma_start3A_483 = arith.constant 0 : i32
      %dma_start3A_484 = tpu.memref_slice %arg11[%dma_start3A_480, %dma_start3A_482, %dma_start3A_483] : memref<8x128x32xf32, #tpu.memory_space<vmem>> -> memref<1x128x32xf32, #tpu.memory_space<vmem>>
      %dma_start3A_485 = tpu.memref_squeeze %dma_start3A_484 : memref<1x128x32xf32, #tpu.memory_space<vmem>> -> memref<128x32xf32, #tpu.memory_space<vmem>>
      %dma_start3A_486 = arith.constant 0 : i32
      %dma_start3A_487 = tpu.memref_slice %arg10[%add3A_448, %dma_start3A_486] : memref<80x128xi32, #tpu.memory_space<vmem>> -> memref<1x128xi32, #tpu.memory_space<vmem>>
      %dma_start3A_488 = tpu.memref_squeeze %dma_start3A_487 : memref<1x128xi32, #tpu.memory_space<vmem>> -> memref<128xi32, #tpu.memory_space<vmem>>
      %dma_start3A_489 = arith.constant 0 : i32
      %dma_start3A_490 = arith.constant 0 : i32
      %dma_start3A_491 = tpu.memref_slice %arg7[%dma_start3A_489, %dma_start3A_490] : memref<10112x32xf32, #tpu.memory_space<vmem_shared>> -> memref<10112x32xf32, #tpu.memory_space<vmem_shared>>
      %dma_start3A_492 = tpu.memref_slice %arg13[%dma_start3A_481] : memref<8x!tpu.dma_semaphore, #tpu.memory_space<semaphore_mem>> -> memref<1x!tpu.dma_semaphore, #tpu.memory_space<semaphore_mem>>
      %dma_start3A_493 = tpu.memref_squeeze %dma_start3A_492 : memref<1x!tpu.dma_semaphore, #tpu.memory_space<semaphore_mem>> -> memref<!tpu.dma_semaphore, #tpu.memory_space<semaphore_mem>>
      tpu.enqueue_indirect_dma source(%dma_start3A_485 : memref<128x32xf32, #tpu.memory_space<vmem>>) target(%dma_start3A_491 : memref<10112x32xf32, #tpu.memory_space<vmem_shared>>) offsets(%dma_start3A_488 : memref<128xi32, #tpu.memory_space<vmem>>) semaphore(%dma_start3A_493 : memref<!tpu.dma_semaphore, #tpu.memory_space<semaphore_mem>>) {add = true}
      %mul3A_494 = arith.constant 8 : i32
      %mul3A_495 = arith.muli %scan3A_250, %mul3A_494 : i32
      %add3A_496 = arith.constant 5 : i32
      %add3A_497 = arith.addi %mul3A_495, %add3A_496 : i32
      %ge3A_498 = arith.constant 5 : i32
      %ge3A_499 = arith.cmpi sge, %add3A_497, %ge3A_498 : i32
      %add3A_500 = arith.constant 3 : i32
      %add3A_501 = arith.addi %add3A_497, %add3A_500 : i32
      %lt3A_502 = arith.constant 80 : i32
      %lt3A_503 = arith.cmpi slt, %add3A_501, %lt3A_502 : i32
      %and3A_504 = arith.andi %ge3A_499, %lt3A_503 : i1
      %convert_element_type3A_505 = arith.extui %and3A_504 : i1 to i32
      %cond3A_506 = arith.constant 0 : i32
      %cond3A_507 = arith.cmpi ne, %convert_element_type3A_505, %cond3A_506 : i32
      scf.if %cond3A_507 {
        %dma_wait3A_641 = arith.constant 0 : i32
        %dma_wait3A_642 = arith.constant 0 : i32
        %dma_wait3A_643 = arith.constant 0 : i32
        %dma_wait3A_644 = arith.constant 0 : i32
        %dma_wait3A_645 = tpu.memref_slice %arg11[%dma_wait3A_641, %dma_wait3A_643, %dma_wait3A_644] : memref<8x128x32xf32, #tpu.memory_space<vmem>> -> memref<1x128x32xf32, #tpu.memory_space<vmem>>
        %dma_wait3A_646 = tpu.memref_squeeze %dma_wait3A_645 : memref<1x128x32xf32, #tpu.memory_space<vmem>> -> memref<128x32xf32, #tpu.memory_space<vmem>>
        %dma_wait3A_647 = arith.constant 0 : i32
        %dma_wait3A_648 = tpu.memref_slice %arg10[%add3A_497, %dma_wait3A_647] : memref<80x128xi32, #tpu.memory_space<vmem>> -> memref<1x128xi32, #tpu.memory_space<vmem>>
        %dma_wait3A_649 = tpu.memref_squeeze %dma_wait3A_648 : memref<1x128xi32, #tpu.memory_space<vmem>> -> memref<128xi32, #tpu.memory_space<vmem>>
        %dma_wait3A_650 = arith.constant 0 : i32
        %dma_wait3A_651 = arith.constant 0 : i32
        %dma_wait3A_652 = tpu.memref_slice %arg7[%dma_wait3A_650, %dma_wait3A_651] : memref<10112x32xf32, #tpu.memory_space<vmem_shared>> -> memref<10112x32xf32, #tpu.memory_space<vmem_shared>>
        %dma_wait3A_653 = tpu.memref_slice %arg13[%dma_wait3A_642] : memref<8x!tpu.dma_semaphore, #tpu.memory_space<semaphore_mem>> -> memref<1x!tpu.dma_semaphore, #tpu.memory_space<semaphore_mem>>
        %dma_wait3A_654 = tpu.memref_squeeze %dma_wait3A_653 : memref<1x!tpu.dma_semaphore, #tpu.memory_space<semaphore_mem>> -> memref<!tpu.dma_semaphore, #tpu.memory_space<semaphore_mem>>
        tpu.wait_indirect_dma semaphore(%dma_wait3A_654 : memref<!tpu.dma_semaphore, #tpu.memory_space<semaphore_mem>>) src(%dma_wait3A_646 : memref<128x32xf32, #tpu.memory_space<vmem>>) dst(%dma_wait3A_652 : memref<10112x32xf32, #tpu.memory_space<vmem_shared>>)
      } else {
      }
      %add3A_508 = arith.constant 3 : i32
      %add3A_509 = arith.addi %add3A_497, %add3A_508 : i32
      %lt3A_510 = arith.constant 80 : i32
      %lt3A_511 = arith.cmpi slt, %add3A_509, %lt3A_510 : i32
      %convert_element_type3A_512 = arith.extui %lt3A_511 : i1 to i32
      %cond3A_513 = arith.constant 0 : i32
      %cond3A_514 = arith.cmpi ne, %convert_element_type3A_512, %cond3A_513 : i32
      scf.if %cond3A_514 {
        %add3A_641 = arith.constant 3 : i32
        %add3A_642 = arith.addi %add3A_497, %add3A_641 : i32
        %dma_start3A_643 = arith.constant 0 : i32
        %dma_start3A_644 = arith.constant 0 : i32
        %dma_start3A_645 = arith.constant 0 : i32
        %dma_start3A_646 = arith.constant 0 : i32
        %dma_start3A_647 = tpu.memref_slice %arg11[%dma_start3A_643, %dma_start3A_645, %dma_start3A_646] : memref<8x128x32xf32, #tpu.memory_space<vmem>> -> memref<1x128x32xf32, #tpu.memory_space<vmem>>
        %dma_start3A_648 = tpu.memref_squeeze %dma_start3A_647 : memref<1x128x32xf32, #tpu.memory_space<vmem>> -> memref<128x32xf32, #tpu.memory_space<vmem>>
        %dma_start3A_649 = arith.constant 0 : i32
        %dma_start3A_650 = tpu.memref_slice %arg9[%add3A_642, %dma_start3A_649] : memref<80x128xi32, #tpu.memory_space<vmem>> -> memref<1x128xi32, #tpu.memory_space<vmem>>
        %dma_start3A_651 = tpu.memref_squeeze %dma_start3A_650 : memref<1x128xi32, #tpu.memory_space<vmem>> -> memref<128xi32, #tpu.memory_space<vmem>>
        %dma_start3A_652 = arith.constant 0 : i32
        %dma_start3A_653 = arith.constant 0 : i32
        %dma_start3A_654 = tpu.memref_slice %arg8[%dma_start3A_652, %dma_start3A_653] : memref<10000x32xf32, #tpu.memory_space<vmem_shared>> -> memref<10000x32xf32, #tpu.memory_space<vmem_shared>>
        %dma_start3A_655 = tpu.memref_slice %arg12[%dma_start3A_644] : memref<8x!tpu.dma_semaphore, #tpu.memory_space<semaphore_mem>> -> memref<1x!tpu.dma_semaphore, #tpu.memory_space<semaphore_mem>>
        %dma_start3A_656 = tpu.memref_squeeze %dma_start3A_655 : memref<1x!tpu.dma_semaphore, #tpu.memory_space<semaphore_mem>> -> memref<!tpu.dma_semaphore, #tpu.memory_space<semaphore_mem>>
        tpu.enqueue_indirect_dma source(%dma_start3A_654 : memref<10000x32xf32, #tpu.memory_space<vmem_shared>>) target(%dma_start3A_648 : memref<128x32xf32, #tpu.memory_space<vmem>>) offsets(%dma_start3A_651 : memref<128xi32, #tpu.memory_space<vmem>>) semaphore(%dma_start3A_656 : memref<!tpu.dma_semaphore, #tpu.memory_space<semaphore_mem>>)
      } else {
      }
      %dma_wait3A_515 = arith.constant 5 : i32
      %dma_wait3A_516 = arith.constant 5 : i32
      %dma_wait3A_517 = arith.constant 0 : i32
      %dma_wait3A_518 = arith.constant 0 : i32
      %dma_wait3A_519 = tpu.memref_slice %arg11[%dma_wait3A_515, %dma_wait3A_517, %dma_wait3A_518] : memref<8x128x32xf32, #tpu.memory_space<vmem>> -> memref<1x128x32xf32, #tpu.memory_space<vmem>>
      %dma_wait3A_520 = tpu.memref_squeeze %dma_wait3A_519 : memref<1x128x32xf32, #tpu.memory_space<vmem>> -> memref<128x32xf32, #tpu.memory_space<vmem>>
      %dma_wait3A_521 = arith.constant 0 : i32
      %dma_wait3A_522 = tpu.memref_slice %arg9[%add3A_497, %dma_wait3A_521] : memref<80x128xi32, #tpu.memory_space<vmem>> -> memref<1x128xi32, #tpu.memory_space<vmem>>
      %dma_wait3A_523 = tpu.memref_squeeze %dma_wait3A_522 : memref<1x128xi32, #tpu.memory_space<vmem>> -> memref<128xi32, #tpu.memory_space<vmem>>
      %dma_wait3A_524 = arith.constant 0 : i32
      %dma_wait3A_525 = arith.constant 0 : i32
      %dma_wait3A_526 = tpu.memref_slice %arg8[%dma_wait3A_524, %dma_wait3A_525] : memref<10000x32xf32, #tpu.memory_space<vmem_shared>> -> memref<10000x32xf32, #tpu.memory_space<vmem_shared>>
      %dma_wait3A_527 = tpu.memref_slice %arg12[%dma_wait3A_516] : memref<8x!tpu.dma_semaphore, #tpu.memory_space<semaphore_mem>> -> memref<1x!tpu.dma_semaphore, #tpu.memory_space<semaphore_mem>>
      %dma_wait3A_528 = tpu.memref_squeeze %dma_wait3A_527 : memref<1x!tpu.dma_semaphore, #tpu.memory_space<semaphore_mem>> -> memref<!tpu.dma_semaphore, #tpu.memory_space<semaphore_mem>>
      tpu.wait_indirect_dma semaphore(%dma_wait3A_528 : memref<!tpu.dma_semaphore, #tpu.memory_space<semaphore_mem>>) src(%dma_wait3A_526 : memref<10000x32xf32, #tpu.memory_space<vmem_shared>>) dst(%dma_wait3A_520 : memref<128x32xf32, #tpu.memory_space<vmem>>)
      %dma_start3A_529 = arith.constant 5 : i32
      %dma_start3A_530 = arith.constant 5 : i32
      %dma_start3A_531 = arith.constant 0 : i32
      %dma_start3A_532 = arith.constant 0 : i32
      %dma_start3A_533 = tpu.memref_slice %arg11[%dma_start3A_529, %dma_start3A_531, %dma_start3A_532] : memref<8x128x32xf32, #tpu.memory_space<vmem>> -> memref<1x128x32xf32, #tpu.memory_space<vmem>>
      %dma_start3A_534 = tpu.memref_squeeze %dma_start3A_533 : memref<1x128x32xf32, #tpu.memory_space<vmem>> -> memref<128x32xf32, #tpu.memory_space<vmem>>
      %dma_start3A_535 = arith.constant 0 : i32
      %dma_start3A_536 = tpu.memref_slice %arg10[%add3A_497, %dma_start3A_535] : memref<80x128xi32, #tpu.memory_space<vmem>> -> memref<1x128xi32, #tpu.memory_space<vmem>>
      %dma_start3A_537 = tpu.memref_squeeze %dma_start3A_536 : memref<1x128xi32, #tpu.memory_space<vmem>> -> memref<128xi32, #tpu.memory_space<vmem>>
      %dma_start3A_538 = arith.constant 0 : i32
      %dma_start3A_539 = arith.constant 0 : i32
      %dma_start3A_540 = tpu.memref_slice %arg7[%dma_start3A_538, %dma_start3A_539] : memref<10112x32xf32, #tpu.memory_space<vmem_shared>> -> memref<10112x32xf32, #tpu.memory_space<vmem_shared>>
      %dma_start3A_541 = tpu.memref_slice %arg13[%dma_start3A_530] : memref<8x!tpu.dma_semaphore, #tpu.memory_space<semaphore_mem>> -> memref<1x!tpu.dma_semaphore, #tpu.memory_space<semaphore_mem>>
      %dma_start3A_542 = tpu.memref_squeeze %dma_start3A_541 : memref<1x!tpu.dma_semaphore, #tpu.memory_space<semaphore_mem>> -> memref<!tpu.dma_semaphore, #tpu.memory_space<semaphore_mem>>
      tpu.enqueue_indirect_dma source(%dma_start3A_534 : memref<128x32xf32, #tpu.memory_space<vmem>>) target(%dma_start3A_540 : memref<10112x32xf32, #tpu.memory_space<vmem_shared>>) offsets(%dma_start3A_537 : memref<128xi32, #tpu.memory_space<vmem>>) semaphore(%dma_start3A_542 : memref<!tpu.dma_semaphore, #tpu.memory_space<semaphore_mem>>) {add = true}
      %mul3A_543 = arith.constant 8 : i32
      %mul3A_544 = arith.muli %scan3A_250, %mul3A_543 : i32
      %add3A_545 = arith.constant 6 : i32
      %add3A_546 = arith.addi %mul3A_544, %add3A_545 : i32
      %ge3A_547 = arith.constant 5 : i32
      %ge3A_548 = arith.cmpi sge, %add3A_546, %ge3A_547 : i32
      %add3A_549 = arith.constant 3 : i32
      %add3A_550 = arith.addi %add3A_546, %add3A_549 : i32
      %lt3A_551 = arith.constant 80 : i32
      %lt3A_552 = arith.cmpi slt, %add3A_550, %lt3A_551 : i32
      %and3A_553 = arith.andi %ge3A_548, %lt3A_552 : i1
      %convert_element_type3A_554 = arith.extui %and3A_553 : i1 to i32
      %cond3A_555 = arith.constant 0 : i32
      %cond3A_556 = arith.cmpi ne, %convert_element_type3A_554, %cond3A_555 : i32
      scf.if %cond3A_556 {
        %dma_wait3A_641 = arith.constant 1 : i32
        %dma_wait3A_642 = arith.constant 1 : i32
        %dma_wait3A_643 = arith.constant 0 : i32
        %dma_wait3A_644 = arith.constant 0 : i32
        %dma_wait3A_645 = tpu.memref_slice %arg11[%dma_wait3A_641, %dma_wait3A_643, %dma_wait3A_644] : memref<8x128x32xf32, #tpu.memory_space<vmem>> -> memref<1x128x32xf32, #tpu.memory_space<vmem>>
        %dma_wait3A_646 = tpu.memref_squeeze %dma_wait3A_645 : memref<1x128x32xf32, #tpu.memory_space<vmem>> -> memref<128x32xf32, #tpu.memory_space<vmem>>
        %dma_wait3A_647 = arith.constant 0 : i32
        %dma_wait3A_648 = tpu.memref_slice %arg10[%add3A_546, %dma_wait3A_647] : memref<80x128xi32, #tpu.memory_space<vmem>> -> memref<1x128xi32, #tpu.memory_space<vmem>>
        %dma_wait3A_649 = tpu.memref_squeeze %dma_wait3A_648 : memref<1x128xi32, #tpu.memory_space<vmem>> -> memref<128xi32, #tpu.memory_space<vmem>>
        %dma_wait3A_650 = arith.constant 0 : i32
        %dma_wait3A_651 = arith.constant 0 : i32
        %dma_wait3A_652 = tpu.memref_slice %arg7[%dma_wait3A_650, %dma_wait3A_651] : memref<10112x32xf32, #tpu.memory_space<vmem_shared>> -> memref<10112x32xf32, #tpu.memory_space<vmem_shared>>
        %dma_wait3A_653 = tpu.memref_slice %arg13[%dma_wait3A_642] : memref<8x!tpu.dma_semaphore, #tpu.memory_space<semaphore_mem>> -> memref<1x!tpu.dma_semaphore, #tpu.memory_space<semaphore_mem>>
        %dma_wait3A_654 = tpu.memref_squeeze %dma_wait3A_653 : memref<1x!tpu.dma_semaphore, #tpu.memory_space<semaphore_mem>> -> memref<!tpu.dma_semaphore, #tpu.memory_space<semaphore_mem>>
        tpu.wait_indirect_dma semaphore(%dma_wait3A_654 : memref<!tpu.dma_semaphore, #tpu.memory_space<semaphore_mem>>) src(%dma_wait3A_646 : memref<128x32xf32, #tpu.memory_space<vmem>>) dst(%dma_wait3A_652 : memref<10112x32xf32, #tpu.memory_space<vmem_shared>>)
      } else {
      }
      %add3A_557 = arith.constant 3 : i32
      %add3A_558 = arith.addi %add3A_546, %add3A_557 : i32
      %lt3A_559 = arith.constant 80 : i32
      %lt3A_560 = arith.cmpi slt, %add3A_558, %lt3A_559 : i32
      %convert_element_type3A_561 = arith.extui %lt3A_560 : i1 to i32
      %cond3A_562 = arith.constant 0 : i32
      %cond3A_563 = arith.cmpi ne, %convert_element_type3A_561, %cond3A_562 : i32
      scf.if %cond3A_563 {
        %add3A_641 = arith.constant 3 : i32
        %add3A_642 = arith.addi %add3A_546, %add3A_641 : i32
        %dma_start3A_643 = arith.constant 1 : i32
        %dma_start3A_644 = arith.constant 1 : i32
        %dma_start3A_645 = arith.constant 0 : i32
        %dma_start3A_646 = arith.constant 0 : i32
        %dma_start3A_647 = tpu.memref_slice %arg11[%dma_start3A_643, %dma_start3A_645, %dma_start3A_646] : memref<8x128x32xf32, #tpu.memory_space<vmem>> -> memref<1x128x32xf32, #tpu.memory_space<vmem>>
        %dma_start3A_648 = tpu.memref_squeeze %dma_start3A_647 : memref<1x128x32xf32, #tpu.memory_space<vmem>> -> memref<128x32xf32, #tpu.memory_space<vmem>>
        %dma_start3A_649 = arith.constant 0 : i32
        %dma_start3A_650 = tpu.memref_slice %arg9[%add3A_642, %dma_start3A_649] : memref<80x128xi32, #tpu.memory_space<vmem>> -> memref<1x128xi32, #tpu.memory_space<vmem>>
        %dma_start3A_651 = tpu.memref_squeeze %dma_start3A_650 : memref<1x128xi32, #tpu.memory_space<vmem>> -> memref<128xi32, #tpu.memory_space<vmem>>
        %dma_start3A_652 = arith.constant 0 : i32
        %dma_start3A_653 = arith.constant 0 : i32
        %dma_start3A_654 = tpu.memref_slice %arg8[%dma_start3A_652, %dma_start3A_653] : memref<10000x32xf32, #tpu.memory_space<vmem_shared>> -> memref<10000x32xf32, #tpu.memory_space<vmem_shared>>
        %dma_start3A_655 = tpu.memref_slice %arg12[%dma_start3A_644] : memref<8x!tpu.dma_semaphore, #tpu.memory_space<semaphore_mem>> -> memref<1x!tpu.dma_semaphore, #tpu.memory_space<semaphore_mem>>
        %dma_start3A_656 = tpu.memref_squeeze %dma_start3A_655 : memref<1x!tpu.dma_semaphore, #tpu.memory_space<semaphore_mem>> -> memref<!tpu.dma_semaphore, #tpu.memory_space<semaphore_mem>>
        tpu.enqueue_indirect_dma source(%dma_start3A_654 : memref<10000x32xf32, #tpu.memory_space<vmem_shared>>) target(%dma_start3A_648 : memref<128x32xf32, #tpu.memory_space<vmem>>) offsets(%dma_start3A_651 : memref<128xi32, #tpu.memory_space<vmem>>) semaphore(%dma_start3A_656 : memref<!tpu.dma_semaphore, #tpu.memory_space<semaphore_mem>>)
      } else {
      }
      %dma_wait3A_564 = arith.constant 6 : i32
      %dma_wait3A_565 = arith.constant 6 : i32
      %dma_wait3A_566 = arith.constant 0 : i32
      %dma_wait3A_567 = arith.constant 0 : i32
      %dma_wait3A_568 = tpu.memref_slice %arg11[%dma_wait3A_564, %dma_wait3A_566, %dma_wait3A_567] : memref<8x128x32xf32, #tpu.memory_space<vmem>> -> memref<1x128x32xf32, #tpu.memory_space<vmem>>
      %dma_wait3A_569 = tpu.memref_squeeze %dma_wait3A_568 : memref<1x128x32xf32, #tpu.memory_space<vmem>> -> memref<128x32xf32, #tpu.memory_space<vmem>>
      %dma_wait3A_570 = arith.constant 0 : i32
      %dma_wait3A_571 = tpu.memref_slice %arg9[%add3A_546, %dma_wait3A_570] : memref<80x128xi32, #tpu.memory_space<vmem>> -> memref<1x128xi32, #tpu.memory_space<vmem>>
      %dma_wait3A_572 = tpu.memref_squeeze %dma_wait3A_571 : memref<1x128xi32, #tpu.memory_space<vmem>> -> memref<128xi32, #tpu.memory_space<vmem>>
      %dma_wait3A_573 = arith.constant 0 : i32
      %dma_wait3A_574 = arith.constant 0 : i32
      %dma_wait3A_575 = tpu.memref_slice %arg8[%dma_wait3A_573, %dma_wait3A_574] : memref<10000x32xf32, #tpu.memory_space<vmem_shared>> -> memref<10000x32xf32, #tpu.memory_space<vmem_shared>>
      %dma_wait3A_576 = tpu.memref_slice %arg12[%dma_wait3A_565] : memref<8x!tpu.dma_semaphore, #tpu.memory_space<semaphore_mem>> -> memref<1x!tpu.dma_semaphore, #tpu.memory_space<semaphore_mem>>
      %dma_wait3A_577 = tpu.memref_squeeze %dma_wait3A_576 : memref<1x!tpu.dma_semaphore, #tpu.memory_space<semaphore_mem>> -> memref<!tpu.dma_semaphore, #tpu.memory_space<semaphore_mem>>
      tpu.wait_indirect_dma semaphore(%dma_wait3A_577 : memref<!tpu.dma_semaphore, #tpu.memory_space<semaphore_mem>>) src(%dma_wait3A_575 : memref<10000x32xf32, #tpu.memory_space<vmem_shared>>) dst(%dma_wait3A_569 : memref<128x32xf32, #tpu.memory_space<vmem>>)
      %dma_start3A_578 = arith.constant 6 : i32
      %dma_start3A_579 = arith.constant 6 : i32
      %dma_start3A_580 = arith.constant 0 : i32
      %dma_start3A_581 = arith.constant 0 : i32
      %dma_start3A_582 = tpu.memref_slice %arg11[%dma_start3A_578, %dma_start3A_580, %dma_start3A_581] : memref<8x128x32xf32, #tpu.memory_space<vmem>> -> memref<1x128x32xf32, #tpu.memory_space<vmem>>
      %dma_start3A_583 = tpu.memref_squeeze %dma_start3A_582 : memref<1x128x32xf32, #tpu.memory_space<vmem>> -> memref<128x32xf32, #tpu.memory_space<vmem>>
      %dma_start3A_584 = arith.constant 0 : i32
      %dma_start3A_585 = tpu.memref_slice %arg10[%add3A_546, %dma_start3A_584] : memref<80x128xi32, #tpu.memory_space<vmem>> -> memref<1x128xi32, #tpu.memory_space<vmem>>
      %dma_start3A_586 = tpu.memref_squeeze %dma_start3A_585 : memref<1x128xi32, #tpu.memory_space<vmem>> -> memref<128xi32, #tpu.memory_space<vmem>>
      %dma_start3A_587 = arith.constant 0 : i32
      %dma_start3A_588 = arith.constant 0 : i32
      %dma_start3A_589 = tpu.memref_slice %arg7[%dma_start3A_587, %dma_start3A_588] : memref<10112x32xf32, #tpu.memory_space<vmem_shared>> -> memref<10112x32xf32, #tpu.memory_space<vmem_shared>>
      %dma_start3A_590 = tpu.memref_slice %arg13[%dma_start3A_579] : memref<8x!tpu.dma_semaphore, #tpu.memory_space<semaphore_mem>> -> memref<1x!tpu.dma_semaphore, #tpu.memory_space<semaphore_mem>>
      %dma_start3A_591 = tpu.memref_squeeze %dma_start3A_590 : memref<1x!tpu.dma_semaphore, #tpu.memory_space<semaphore_mem>> -> memref<!tpu.dma_semaphore, #tpu.memory_space<semaphore_mem>>
      tpu.enqueue_indirect_dma source(%dma_start3A_583 : memref<128x32xf32, #tpu.memory_space<vmem>>) target(%dma_start3A_589 : memref<10112x32xf32, #tpu.memory_space<vmem_shared>>) offsets(%dma_start3A_586 : memref<128xi32, #tpu.memory_space<vmem>>) semaphore(%dma_start3A_591 : memref<!tpu.dma_semaphore, #tpu.memory_space<semaphore_mem>>) {add = true}
      %mul3A_592 = arith.constant 8 : i32
      %mul3A_593 = arith.muli %scan3A_250, %mul3A_592 : i32
      %add3A_594 = arith.constant 7 : i32
      %add3A_595 = arith.addi %mul3A_593, %add3A_594 : i32
      %ge3A_596 = arith.constant 5 : i32
      %ge3A_597 = arith.cmpi sge, %add3A_595, %ge3A_596 : i32
      %add3A_598 = arith.constant 3 : i32
      %add3A_599 = arith.addi %add3A_595, %add3A_598 : i32
      %lt3A_600 = arith.constant 80 : i32
      %lt3A_601 = arith.cmpi slt, %add3A_599, %lt3A_600 : i32
      %and3A_602 = arith.andi %ge3A_597, %lt3A_601 : i1
      %convert_element_type3A_603 = arith.extui %and3A_602 : i1 to i32
      %cond3A_604 = arith.constant 0 : i32
      %cond3A_605 = arith.cmpi ne, %convert_element_type3A_603, %cond3A_604 : i32
      scf.if %cond3A_605 {
        %dma_wait3A_641 = arith.constant 2 : i32
        %dma_wait3A_642 = arith.constant 2 : i32
        %dma_wait3A_643 = arith.constant 0 : i32
        %dma_wait3A_644 = arith.constant 0 : i32
        %dma_wait3A_645 = tpu.memref_slice %arg11[%dma_wait3A_641, %dma_wait3A_643, %dma_wait3A_644] : memref<8x128x32xf32, #tpu.memory_space<vmem>> -> memref<1x128x32xf32, #tpu.memory_space<vmem>>
        %dma_wait3A_646 = tpu.memref_squeeze %dma_wait3A_645 : memref<1x128x32xf32, #tpu.memory_space<vmem>> -> memref<128x32xf32, #tpu.memory_space<vmem>>
        %dma_wait3A_647 = arith.constant 0 : i32
        %dma_wait3A_648 = tpu.memref_slice %arg10[%add3A_595, %dma_wait3A_647] : memref<80x128xi32, #tpu.memory_space<vmem>> -> memref<1x128xi32, #tpu.memory_space<vmem>>
        %dma_wait3A_649 = tpu.memref_squeeze %dma_wait3A_648 : memref<1x128xi32, #tpu.memory_space<vmem>> -> memref<128xi32, #tpu.memory_space<vmem>>
        %dma_wait3A_650 = arith.constant 0 : i32
        %dma_wait3A_651 = arith.constant 0 : i32
        %dma_wait3A_652 = tpu.memref_slice %arg7[%dma_wait3A_650, %dma_wait3A_651] : memref<10112x32xf32, #tpu.memory_space<vmem_shared>> -> memref<10112x32xf32, #tpu.memory_space<vmem_shared>>
        %dma_wait3A_653 = tpu.memref_slice %arg13[%dma_wait3A_642] : memref<8x!tpu.dma_semaphore, #tpu.memory_space<semaphore_mem>> -> memref<1x!tpu.dma_semaphore, #tpu.memory_space<semaphore_mem>>
        %dma_wait3A_654 = tpu.memref_squeeze %dma_wait3A_653 : memref<1x!tpu.dma_semaphore, #tpu.memory_space<semaphore_mem>> -> memref<!tpu.dma_semaphore, #tpu.memory_space<semaphore_mem>>
        tpu.wait_indirect_dma semaphore(%dma_wait3A_654 : memref<!tpu.dma_semaphore, #tpu.memory_space<semaphore_mem>>) src(%dma_wait3A_646 : memref<128x32xf32, #tpu.memory_space<vmem>>) dst(%dma_wait3A_652 : memref<10112x32xf32, #tpu.memory_space<vmem_shared>>)
      } else {
      }
      %add3A_606 = arith.constant 3 : i32
      %add3A_607 = arith.addi %add3A_595, %add3A_606 : i32
      %lt3A_608 = arith.constant 80 : i32
      %lt3A_609 = arith.cmpi slt, %add3A_607, %lt3A_608 : i32
      %convert_element_type3A_610 = arith.extui %lt3A_609 : i1 to i32
      %cond3A_611 = arith.constant 0 : i32
      %cond3A_612 = arith.cmpi ne, %convert_element_type3A_610, %cond3A_611 : i32
      scf.if %cond3A_612 {
        %add3A_641 = arith.constant 3 : i32
        %add3A_642 = arith.addi %add3A_595, %add3A_641 : i32
        %dma_start3A_643 = arith.constant 2 : i32
        %dma_start3A_644 = arith.constant 2 : i32
        %dma_start3A_645 = arith.constant 0 : i32
        %dma_start3A_646 = arith.constant 0 : i32
        %dma_start3A_647 = tpu.memref_slice %arg11[%dma_start3A_643, %dma_start3A_645, %dma_start3A_646] : memref<8x128x32xf32, #tpu.memory_space<vmem>> -> memref<1x128x32xf32, #tpu.memory_space<vmem>>
        %dma_start3A_648 = tpu.memref_squeeze %dma_start3A_647 : memref<1x128x32xf32, #tpu.memory_space<vmem>> -> memref<128x32xf32, #tpu.memory_space<vmem>>
        %dma_start3A_649 = arith.constant 0 : i32
        %dma_start3A_650 = tpu.memref_slice %arg9[%add3A_642, %dma_start3A_649] : memref<80x128xi32, #tpu.memory_space<vmem>> -> memref<1x128xi32, #tpu.memory_space<vmem>>
        %dma_start3A_651 = tpu.memref_squeeze %dma_start3A_650 : memref<1x128xi32, #tpu.memory_space<vmem>> -> memref<128xi32, #tpu.memory_space<vmem>>
        %dma_start3A_652 = arith.constant 0 : i32
        %dma_start3A_653 = arith.constant 0 : i32
        %dma_start3A_654 = tpu.memref_slice %arg8[%dma_start3A_652, %dma_start3A_653] : memref<10000x32xf32, #tpu.memory_space<vmem_shared>> -> memref<10000x32xf32, #tpu.memory_space<vmem_shared>>
        %dma_start3A_655 = tpu.memref_slice %arg12[%dma_start3A_644] : memref<8x!tpu.dma_semaphore, #tpu.memory_space<semaphore_mem>> -> memref<1x!tpu.dma_semaphore, #tpu.memory_space<semaphore_mem>>
        %dma_start3A_656 = tpu.memref_squeeze %dma_start3A_655 : memref<1x!tpu.dma_semaphore, #tpu.memory_space<semaphore_mem>> -> memref<!tpu.dma_semaphore, #tpu.memory_space<semaphore_mem>>
        tpu.enqueue_indirect_dma source(%dma_start3A_654 : memref<10000x32xf32, #tpu.memory_space<vmem_shared>>) target(%dma_start3A_648 : memref<128x32xf32, #tpu.memory_space<vmem>>) offsets(%dma_start3A_651 : memref<128xi32, #tpu.memory_space<vmem>>) semaphore(%dma_start3A_656 : memref<!tpu.dma_semaphore, #tpu.memory_space<semaphore_mem>>)
      } else {
      }
      %dma_wait3A_613 = arith.constant 7 : i32
      %dma_wait3A_614 = arith.constant 7 : i32
      %dma_wait3A_615 = arith.constant 0 : i32
      %dma_wait3A_616 = arith.constant 0 : i32
      %dma_wait3A_617 = tpu.memref_slice %arg11[%dma_wait3A_613, %dma_wait3A_615, %dma_wait3A_616] : memref<8x128x32xf32, #tpu.memory_space<vmem>> -> memref<1x128x32xf32, #tpu.memory_space<vmem>>
      %dma_wait3A_618 = tpu.memref_squeeze %dma_wait3A_617 : memref<1x128x32xf32, #tpu.memory_space<vmem>> -> memref<128x32xf32, #tpu.memory_space<vmem>>
      %dma_wait3A_619 = arith.constant 0 : i32
      %dma_wait3A_620 = tpu.memref_slice %arg9[%add3A_595, %dma_wait3A_619] : memref<80x128xi32, #tpu.memory_space<vmem>> -> memref<1x128xi32, #tpu.memory_space<vmem>>
      %dma_wait3A_621 = tpu.memref_squeeze %dma_wait3A_620 : memref<1x128xi32, #tpu.memory_space<vmem>> -> memref<128xi32, #tpu.memory_space<vmem>>
      %dma_wait3A_622 = arith.constant 0 : i32
      %dma_wait3A_623 = arith.constant 0 : i32
      %dma_wait3A_624 = tpu.memref_slice %arg8[%dma_wait3A_622, %dma_wait3A_623] : memref<10000x32xf32, #tpu.memory_space<vmem_shared>> -> memref<10000x32xf32, #tpu.memory_space<vmem_shared>>
      %dma_wait3A_625 = tpu.memref_slice %arg12[%dma_wait3A_614] : memref<8x!tpu.dma_semaphore, #tpu.memory_space<semaphore_mem>> -> memref<1x!tpu.dma_semaphore, #tpu.memory_space<semaphore_mem>>
      %dma_wait3A_626 = tpu.memref_squeeze %dma_wait3A_625 : memref<1x!tpu.dma_semaphore, #tpu.memory_space<semaphore_mem>> -> memref<!tpu.dma_semaphore, #tpu.memory_space<semaphore_mem>>
      tpu.wait_indirect_dma semaphore(%dma_wait3A_626 : memref<!tpu.dma_semaphore, #tpu.memory_space<semaphore_mem>>) src(%dma_wait3A_624 : memref<10000x32xf32, #tpu.memory_space<vmem_shared>>) dst(%dma_wait3A_618 : memref<128x32xf32, #tpu.memory_space<vmem>>)
      %dma_start3A_627 = arith.constant 7 : i32
      %dma_start3A_628 = arith.constant 7 : i32
      %dma_start3A_629 = arith.constant 0 : i32
      %dma_start3A_630 = arith.constant 0 : i32
      %dma_start3A_631 = tpu.memref_slice %arg11[%dma_start3A_627, %dma_start3A_629, %dma_start3A_630] : memref<8x128x32xf32, #tpu.memory_space<vmem>> -> memref<1x128x32xf32, #tpu.memory_space<vmem>>
      %dma_start3A_632 = tpu.memref_squeeze %dma_start3A_631 : memref<1x128x32xf32, #tpu.memory_space<vmem>> -> memref<128x32xf32, #tpu.memory_space<vmem>>
      %dma_start3A_633 = arith.constant 0 : i32
      %dma_start3A_634 = tpu.memref_slice %arg10[%add3A_595, %dma_start3A_633] : memref<80x128xi32, #tpu.memory_space<vmem>> -> memref<1x128xi32, #tpu.memory_space<vmem>>
      %dma_start3A_635 = tpu.memref_squeeze %dma_start3A_634 : memref<1x128xi32, #tpu.memory_space<vmem>> -> memref<128xi32, #tpu.memory_space<vmem>>
      %dma_start3A_636 = arith.constant 0 : i32
      %dma_start3A_637 = arith.constant 0 : i32
      %dma_start3A_638 = tpu.memref_slice %arg7[%dma_start3A_636, %dma_start3A_637] : memref<10112x32xf32, #tpu.memory_space<vmem_shared>> -> memref<10112x32xf32, #tpu.memory_space<vmem_shared>>
      %dma_start3A_639 = tpu.memref_slice %arg13[%dma_start3A_628] : memref<8x!tpu.dma_semaphore, #tpu.memory_space<semaphore_mem>> -> memref<1x!tpu.dma_semaphore, #tpu.memory_space<semaphore_mem>>
      %dma_start3A_640 = tpu.memref_squeeze %dma_start3A_639 : memref<1x!tpu.dma_semaphore, #tpu.memory_space<semaphore_mem>> -> memref<!tpu.dma_semaphore, #tpu.memory_space<semaphore_mem>>
      tpu.enqueue_indirect_dma source(%dma_start3A_632 : memref<128x32xf32, #tpu.memory_space<vmem>>) target(%dma_start3A_638 : memref<10112x32xf32, #tpu.memory_space<vmem_shared>>) offsets(%dma_start3A_635 : memref<128xi32, #tpu.memory_space<vmem>>) semaphore(%dma_start3A_640 : memref<!tpu.dma_semaphore, #tpu.memory_space<semaphore_mem>>) {add = true}
    }
    %scan3A_118 = arith.constant 10 : i32
    %dma_wait3A_119 = arith.constant 0 : i32
    %dma_wait3A_120 = arith.constant 0 : i32
    %dma_wait3A_121 = arith.constant 0 : i32
    %dma_wait3A_122 = arith.constant 0 : i32
    %dma_wait3A_123 = arith.constant 0 : i32
    %dma_wait3A_124 = tpu.memref_slice %arg11[%dma_wait3A_119, %dma_wait3A_122, %dma_wait3A_123] : memref<8x128x32xf32, #tpu.memory_space<vmem>> -> memref<1x128x32xf32, #tpu.memory_space<vmem>>
    %dma_wait3A_125 = tpu.memref_squeeze %dma_wait3A_124 : memref<1x128x32xf32, #tpu.memory_space<vmem>> -> memref<128x32xf32, #tpu.memory_space<vmem>>
    %dma_wait3A_126 = arith.constant 0 : i32
    %dma_wait3A_127 = tpu.memref_slice %arg10[%dma_wait3A_120, %dma_wait3A_126] : memref<80x128xi32, #tpu.memory_space<vmem>> -> memref<1x128xi32, #tpu.memory_space<vmem>>
    %dma_wait3A_128 = tpu.memref_squeeze %dma_wait3A_127 : memref<1x128xi32, #tpu.memory_space<vmem>> -> memref<128xi32, #tpu.memory_space<vmem>>
    %dma_wait3A_129 = arith.constant 0 : i32
    %dma_wait3A_130 = arith.constant 0 : i32
    %dma_wait3A_131 = tpu.memref_slice %arg7[%dma_wait3A_129, %dma_wait3A_130] : memref<10112x32xf32, #tpu.memory_space<vmem_shared>> -> memref<10112x32xf32, #tpu.memory_space<vmem_shared>>
    %dma_wait3A_132 = tpu.memref_slice %arg13[%dma_wait3A_121] : memref<8x!tpu.dma_semaphore, #tpu.memory_space<semaphore_mem>> -> memref<1x!tpu.dma_semaphore, #tpu.memory_space<semaphore_mem>>
    %dma_wait3A_133 = tpu.memref_squeeze %dma_wait3A_132 : memref<1x!tpu.dma_semaphore, #tpu.memory_space<semaphore_mem>> -> memref<!tpu.dma_semaphore, #tpu.memory_space<semaphore_mem>>
    tpu.wait_indirect_dma semaphore(%dma_wait3A_133 : memref<!tpu.dma_semaphore, #tpu.memory_space<semaphore_mem>>) src(%dma_wait3A_125 : memref<128x32xf32, #tpu.memory_space<vmem>>) dst(%dma_wait3A_131 : memref<10112x32xf32, #tpu.memory_space<vmem_shared>>)
    %dma_wait3A_134 = arith.constant 1 : i32
    %dma_wait3A_135 = arith.constant 0 : i32
    %dma_wait3A_136 = arith.constant 1 : i32
    %dma_wait3A_137 = arith.constant 0 : i32
    %dma_wait3A_138 = arith.constant 0 : i32
    %dma_wait3A_139 = tpu.memref_slice %arg11[%dma_wait3A_134, %dma_wait3A_137, %dma_wait3A_138] : memref<8x128x32xf32, #tpu.memory_space<vmem>> -> memref<1x128x32xf32, #tpu.memory_space<vmem>>
    %dma_wait3A_140 = tpu.memref_squeeze %dma_wait3A_139 : memref<1x128x32xf32, #tpu.memory_space<vmem>> -> memref<128x32xf32, #tpu.memory_space<vmem>>
    %dma_wait3A_141 = arith.constant 0 : i32
    %dma_wait3A_142 = tpu.memref_slice %arg10[%dma_wait3A_135, %dma_wait3A_141] : memref<80x128xi32, #tpu.memory_space<vmem>> -> memref<1x128xi32, #tpu.memory_space<vmem>>
    %dma_wait3A_143 = tpu.memref_squeeze %dma_wait3A_142 : memref<1x128xi32, #tpu.memory_space<vmem>> -> memref<128xi32, #tpu.memory_space<vmem>>
    %dma_wait3A_144 = arith.constant 0 : i32
    %dma_wait3A_145 = arith.constant 0 : i32
    %dma_wait3A_146 = tpu.memref_slice %arg7[%dma_wait3A_144, %dma_wait3A_145] : memref<10112x32xf32, #tpu.memory_space<vmem_shared>> -> memref<10112x32xf32, #tpu.memory_space<vmem_shared>>
    %dma_wait3A_147 = tpu.memref_slice %arg13[%dma_wait3A_136] : memref<8x!tpu.dma_semaphore, #tpu.memory_space<semaphore_mem>> -> memref<1x!tpu.dma_semaphore, #tpu.memory_space<semaphore_mem>>
    %dma_wait3A_148 = tpu.memref_squeeze %dma_wait3A_147 : memref<1x!tpu.dma_semaphore, #tpu.memory_space<semaphore_mem>> -> memref<!tpu.dma_semaphore, #tpu.memory_space<semaphore_mem>>
    tpu.wait_indirect_dma semaphore(%dma_wait3A_148 : memref<!tpu.dma_semaphore, #tpu.memory_space<semaphore_mem>>) src(%dma_wait3A_140 : memref<128x32xf32, #tpu.memory_space<vmem>>) dst(%dma_wait3A_146 : memref<10112x32xf32, #tpu.memory_space<vmem_shared>>)
    %dma_wait3A_149 = arith.constant 2 : i32
    %dma_wait3A_150 = arith.constant 0 : i32
    %dma_wait3A_151 = arith.constant 2 : i32
    %dma_wait3A_152 = arith.constant 0 : i32
    %dma_wait3A_153 = arith.constant 0 : i32
    %dma_wait3A_154 = tpu.memref_slice %arg11[%dma_wait3A_149, %dma_wait3A_152, %dma_wait3A_153] : memref<8x128x32xf32, #tpu.memory_space<vmem>> -> memref<1x128x32xf32, #tpu.memory_space<vmem>>
    %dma_wait3A_155 = tpu.memref_squeeze %dma_wait3A_154 : memref<1x128x32xf32, #tpu.memory_space<vmem>> -> memref<128x32xf32, #tpu.memory_space<vmem>>
    %dma_wait3A_156 = arith.constant 0 : i32
    %dma_wait3A_157 = tpu.memref_slice %arg10[%dma_wait3A_150, %dma_wait3A_156] : memref<80x128xi32, #tpu.memory_space<vmem>> -> memref<1x128xi32, #tpu.memory_space<vmem>>
    %dma_wait3A_158 = tpu.memref_squeeze %dma_wait3A_157 : memref<1x128xi32, #tpu.memory_space<vmem>> -> memref<128xi32, #tpu.memory_space<vmem>>
    %dma_wait3A_159 = arith.constant 0 : i32
    %dma_wait3A_160 = arith.constant 0 : i32
    %dma_wait3A_161 = tpu.memref_slice %arg7[%dma_wait3A_159, %dma_wait3A_160] : memref<10112x32xf32, #tpu.memory_space<vmem_shared>> -> memref<10112x32xf32, #tpu.memory_space<vmem_shared>>
    %dma_wait3A_162 = tpu.memref_slice %arg13[%dma_wait3A_151] : memref<8x!tpu.dma_semaphore, #tpu.memory_space<semaphore_mem>> -> memref<1x!tpu.dma_semaphore, #tpu.memory_space<semaphore_mem>>
    %dma_wait3A_163 = tpu.memref_squeeze %dma_wait3A_162 : memref<1x!tpu.dma_semaphore, #tpu.memory_space<semaphore_mem>> -> memref<!tpu.dma_semaphore, #tpu.memory_space<semaphore_mem>>
    tpu.wait_indirect_dma semaphore(%dma_wait3A_163 : memref<!tpu.dma_semaphore, #tpu.memory_space<semaphore_mem>>) src(%dma_wait3A_155 : memref<128x32xf32, #tpu.memory_space<vmem>>) dst(%dma_wait3A_161 : memref<10112x32xf32, #tpu.memory_space<vmem_shared>>)
    %dma_wait3A_164 = arith.constant 3 : i32
    %dma_wait3A_165 = arith.constant 0 : i32
    %dma_wait3A_166 = arith.constant 3 : i32
    %dma_wait3A_167 = arith.constant 0 : i32
    %dma_wait3A_168 = arith.constant 0 : i32
    %dma_wait3A_169 = tpu.memref_slice %arg11[%dma_wait3A_164, %dma_wait3A_167, %dma_wait3A_168] : memref<8x128x32xf32, #tpu.memory_space<vmem>> -> memref<1x128x32xf32, #tpu.memory_space<vmem>>
    %dma_wait3A_170 = tpu.memref_squeeze %dma_wait3A_169 : memref<1x128x32xf32, #tpu.memory_space<vmem>> -> memref<128x32xf32, #tpu.memory_space<vmem>>
    %dma_wait3A_171 = arith.constant 0 : i32
    %dma_wait3A_172 = tpu.memref_slice %arg10[%dma_wait3A_165, %dma_wait3A_171] : memref<80x128xi32, #tpu.memory_space<vmem>> -> memref<1x128xi32, #tpu.memory_space<vmem>>
    %dma_wait3A_173 = tpu.memref_squeeze %dma_wait3A_172 : memref<1x128xi32, #tpu.memory_space<vmem>> -> memref<128xi32, #tpu.memory_space<vmem>>
    %dma_wait3A_174 = arith.constant 0 : i32
    %dma_wait3A_175 = arith.constant 0 : i32
    %dma_wait3A_176 = tpu.memref_slice %arg7[%dma_wait3A_174, %dma_wait3A_175] : memref<10112x32xf32, #tpu.memory_space<vmem_shared>> -> memref<10112x32xf32, #tpu.memory_space<vmem_shared>>
    %dma_wait3A_177 = tpu.memref_slice %arg13[%dma_wait3A_166] : memref<8x!tpu.dma_semaphore, #tpu.memory_space<semaphore_mem>> -> memref<1x!tpu.dma_semaphore, #tpu.memory_space<semaphore_mem>>
    %dma_wait3A_178 = tpu.memref_squeeze %dma_wait3A_177 : memref<1x!tpu.dma_semaphore, #tpu.memory_space<semaphore_mem>> -> memref<!tpu.dma_semaphore, #tpu.memory_space<semaphore_mem>>
    tpu.wait_indirect_dma semaphore(%dma_wait3A_178 : memref<!tpu.dma_semaphore, #tpu.memory_space<semaphore_mem>>) src(%dma_wait3A_170 : memref<128x32xf32, #tpu.memory_space<vmem>>) dst(%dma_wait3A_176 : memref<10112x32xf32, #tpu.memory_space<vmem_shared>>)
    %dma_wait3A_179 = arith.constant 4 : i32
    %dma_wait3A_180 = arith.constant 0 : i32
    %dma_wait3A_181 = arith.constant 4 : i32
    %dma_wait3A_182 = arith.constant 0 : i32
    %dma_wait3A_183 = arith.constant 0 : i32
    %dma_wait3A_184 = tpu.memref_slice %arg11[%dma_wait3A_179, %dma_wait3A_182, %dma_wait3A_183] : memref<8x128x32xf32, #tpu.memory_space<vmem>> -> memref<1x128x32xf32, #tpu.memory_space<vmem>>
    %dma_wait3A_185 = tpu.memref_squeeze %dma_wait3A_184 : memref<1x128x32xf32, #tpu.memory_space<vmem>> -> memref<128x32xf32, #tpu.memory_space<vmem>>
    %dma_wait3A_186 = arith.constant 0 : i32
    %dma_wait3A_187 = tpu.memref_slice %arg10[%dma_wait3A_180, %dma_wait3A_186] : memref<80x128xi32, #tpu.memory_space<vmem>> -> memref<1x128xi32, #tpu.memory_space<vmem>>
    %dma_wait3A_188 = tpu.memref_squeeze %dma_wait3A_187 : memref<1x128xi32, #tpu.memory_space<vmem>> -> memref<128xi32, #tpu.memory_space<vmem>>
    %dma_wait3A_189 = arith.constant 0 : i32
    %dma_wait3A_190 = arith.constant 0 : i32
    %dma_wait3A_191 = tpu.memref_slice %arg7[%dma_wait3A_189, %dma_wait3A_190] : memref<10112x32xf32, #tpu.memory_space<vmem_shared>> -> memref<10112x32xf32, #tpu.memory_space<vmem_shared>>
    %dma_wait3A_192 = tpu.memref_slice %arg13[%dma_wait3A_181] : memref<8x!tpu.dma_semaphore, #tpu.memory_space<semaphore_mem>> -> memref<1x!tpu.dma_semaphore, #tpu.memory_space<semaphore_mem>>
    %dma_wait3A_193 = tpu.memref_squeeze %dma_wait3A_192 : memref<1x!tpu.dma_semaphore, #tpu.memory_space<semaphore_mem>> -> memref<!tpu.dma_semaphore, #tpu.memory_space<semaphore_mem>>
    tpu.wait_indirect_dma semaphore(%dma_wait3A_193 : memref<!tpu.dma_semaphore, #tpu.memory_space<semaphore_mem>>) src(%dma_wait3A_185 : memref<128x32xf32, #tpu.memory_space<vmem>>) dst(%dma_wait3A_191 : memref<10112x32xf32, #tpu.memory_space<vmem_shared>>)
    %dma_wait3A_194 = arith.constant 5 : i32
    %dma_wait3A_195 = arith.constant 0 : i32
    %dma_wait3A_196 = arith.constant 5 : i32
    %dma_wait3A_197 = arith.constant 0 : i32
    %dma_wait3A_198 = arith.constant 0 : i32
    %dma_wait3A_199 = tpu.memref_slice %arg11[%dma_wait3A_194, %dma_wait3A_197, %dma_wait3A_198] : memref<8x128x32xf32, #tpu.memory_space<vmem>> -> memref<1x128x32xf32, #tpu.memory_space<vmem>>
    %dma_wait3A_200 = tpu.memref_squeeze %dma_wait3A_199 : memref<1x128x32xf32, #tpu.memory_space<vmem>> -> memref<128x32xf32, #tpu.memory_space<vmem>>
    %dma_wait3A_201 = arith.constant 0 : i32
    %dma_wait3A_202 = tpu.memref_slice %arg10[%dma_wait3A_195, %dma_wait3A_201] : memref<80x128xi32, #tpu.memory_space<vmem>> -> memref<1x128xi32, #tpu.memory_space<vmem>>
    %dma_wait3A_203 = tpu.memref_squeeze %dma_wait3A_202 : memref<1x128xi32, #tpu.memory_space<vmem>> -> memref<128xi32, #tpu.memory_space<vmem>>
    %dma_wait3A_204 = arith.constant 0 : i32
    %dma_wait3A_205 = arith.constant 0 : i32
    %dma_wait3A_206 = tpu.memref_slice %arg7[%dma_wait3A_204, %dma_wait3A_205] : memref<10112x32xf32, #tpu.memory_space<vmem_shared>> -> memref<10112x32xf32, #tpu.memory_space<vmem_shared>>
    %dma_wait3A_207 = tpu.memref_slice %arg13[%dma_wait3A_196] : memref<8x!tpu.dma_semaphore, #tpu.memory_space<semaphore_mem>> -> memref<1x!tpu.dma_semaphore, #tpu.memory_space<semaphore_mem>>
    %dma_wait3A_208 = tpu.memref_squeeze %dma_wait3A_207 : memref<1x!tpu.dma_semaphore, #tpu.memory_space<semaphore_mem>> -> memref<!tpu.dma_semaphore, #tpu.memory_space<semaphore_mem>>
    tpu.wait_indirect_dma semaphore(%dma_wait3A_208 : memref<!tpu.dma_semaphore, #tpu.memory_space<semaphore_mem>>) src(%dma_wait3A_200 : memref<128x32xf32, #tpu.memory_space<vmem>>) dst(%dma_wait3A_206 : memref<10112x32xf32, #tpu.memory_space<vmem_shared>>)
    %dma_wait3A_209 = arith.constant 6 : i32
    %dma_wait3A_210 = arith.constant 0 : i32
    %dma_wait3A_211 = arith.constant 6 : i32
    %dma_wait3A_212 = arith.constant 0 : i32
    %dma_wait3A_213 = arith.constant 0 : i32
    %dma_wait3A_214 = tpu.memref_slice %arg11[%dma_wait3A_209, %dma_wait3A_212, %dma_wait3A_213] : memref<8x128x32xf32, #tpu.memory_space<vmem>> -> memref<1x128x32xf32, #tpu.memory_space<vmem>>
    %dma_wait3A_215 = tpu.memref_squeeze %dma_wait3A_214 : memref<1x128x32xf32, #tpu.memory_space<vmem>> -> memref<128x32xf32, #tpu.memory_space<vmem>>
    %dma_wait3A_216 = arith.constant 0 : i32
    %dma_wait3A_217 = tpu.memref_slice %arg10[%dma_wait3A_210, %dma_wait3A_216] : memref<80x128xi32, #tpu.memory_space<vmem>> -> memref<1x128xi32, #tpu.memory_space<vmem>>
    %dma_wait3A_218 = tpu.memref_squeeze %dma_wait3A_217 : memref<1x128xi32, #tpu.memory_space<vmem>> -> memref<128xi32, #tpu.memory_space<vmem>>
    %dma_wait3A_219 = arith.constant 0 : i32
    %dma_wait3A_220 = arith.constant 0 : i32
    %dma_wait3A_221 = tpu.memref_slice %arg7[%dma_wait3A_219, %dma_wait3A_220] : memref<10112x32xf32, #tpu.memory_space<vmem_shared>> -> memref<10112x32xf32, #tpu.memory_space<vmem_shared>>
    %dma_wait3A_222 = tpu.memref_slice %arg13[%dma_wait3A_211] : memref<8x!tpu.dma_semaphore, #tpu.memory_space<semaphore_mem>> -> memref<1x!tpu.dma_semaphore, #tpu.memory_space<semaphore_mem>>
    %dma_wait3A_223 = tpu.memref_squeeze %dma_wait3A_222 : memref<1x!tpu.dma_semaphore, #tpu.memory_space<semaphore_mem>> -> memref<!tpu.dma_semaphore, #tpu.memory_space<semaphore_mem>>
    tpu.wait_indirect_dma semaphore(%dma_wait3A_223 : memref<!tpu.dma_semaphore, #tpu.memory_space<semaphore_mem>>) src(%dma_wait3A_215 : memref<128x32xf32, #tpu.memory_space<vmem>>) dst(%dma_wait3A_221 : memref<10112x32xf32, #tpu.memory_space<vmem_shared>>)
    %dma_wait3A_224 = arith.constant 7 : i32
    %dma_wait3A_225 = arith.constant 0 : i32
    %dma_wait3A_226 = arith.constant 7 : i32
    %dma_wait3A_227 = arith.constant 0 : i32
    %dma_wait3A_228 = arith.constant 0 : i32
    %dma_wait3A_229 = tpu.memref_slice %arg11[%dma_wait3A_224, %dma_wait3A_227, %dma_wait3A_228] : memref<8x128x32xf32, #tpu.memory_space<vmem>> -> memref<1x128x32xf32, #tpu.memory_space<vmem>>
    %dma_wait3A_230 = tpu.memref_squeeze %dma_wait3A_229 : memref<1x128x32xf32, #tpu.memory_space<vmem>> -> memref<128x32xf32, #tpu.memory_space<vmem>>
    %dma_wait3A_231 = arith.constant 0 : i32
    %dma_wait3A_232 = tpu.memref_slice %arg10[%dma_wait3A_225, %dma_wait3A_231] : memref<80x128xi32, #tpu.memory_space<vmem>> -> memref<1x128xi32, #tpu.memory_space<vmem>>
    %dma_wait3A_233 = tpu.memref_squeeze %dma_wait3A_232 : memref<1x128xi32, #tpu.memory_space<vmem>> -> memref<128xi32, #tpu.memory_space<vmem>>
    %dma_wait3A_234 = arith.constant 0 : i32
    %dma_wait3A_235 = arith.constant 0 : i32
    %dma_wait3A_236 = tpu.memref_slice %arg7[%dma_wait3A_234, %dma_wait3A_235] : memref<10112x32xf32, #tpu.memory_space<vmem_shared>> -> memref<10112x32xf32, #tpu.memory_space<vmem_shared>>
    %dma_wait3A_237 = tpu.memref_slice %arg13[%dma_wait3A_226] : memref<8x!tpu.dma_semaphore, #tpu.memory_space<semaphore_mem>> -> memref<1x!tpu.dma_semaphore, #tpu.memory_space<semaphore_mem>>
    %dma_wait3A_238 = tpu.memref_squeeze %dma_wait3A_237 : memref<1x!tpu.dma_semaphore, #tpu.memory_space<semaphore_mem>> -> memref<!tpu.dma_semaphore, #tpu.memory_space<semaphore_mem>>
    tpu.wait_indirect_dma semaphore(%dma_wait3A_238 : memref<!tpu.dma_semaphore, #tpu.memory_space<semaphore_mem>>) src(%dma_wait3A_230 : memref<128x32xf32, #tpu.memory_space<vmem>>) dst(%dma_wait3A_236 : memref<10112x32xf32, #tpu.memory_space<vmem_shared>>)
    %barrier3A_239 = arith.constant 0 : index
    tpu.barrier barrier_id(%barrier3A_239)
    %eq3A_240 = arith.constant 0 : i32
    %eq3A_241 = arith.cmpi eq, %arg0, %eq3A_240 : i32
    %convert_element_type3A_242 = arith.extui %eq3A_241 : i1 to i32
    %cond3A_243 = arith.constant 0 : i32
    %cond3A_244 = arith.cmpi ne, %convert_element_type3A_242, %cond3A_243 : i32
    scf.if %cond3A_244 {
      %mul3A_250 = arith.constant 632 : i32
      %mul3A_251 = arith.muli %arg1, %mul3A_250 : i32
      %mul3A_252 = arith.constant 632 : i32
      %mul3A_253 = arith.muli %arg1, %mul3A_252 : i32
      "tpu.region"() ({
        %run_scoped3A = tpu.sem_alloc : memref<!tpu.dma_semaphore, #tpu.memory_space<semaphore_mem>>
        %dma_start3A_254 = arith.constant 0 : i32
        %dma_start3A_255 = tpu.memref_slice %arg6[%mul3A_253, %dma_start3A_254] : memref<10112x128xf32, #tpu.memory_space<hbm>> -> memref<632x32xf32, #tpu.memory_space<hbm>>
        %dma_start3A_256 = arith.constant 0 : i32
        %dma_start3A_257 = tpu.memref_slice %arg7[%mul3A_251, %dma_start3A_256] : memref<10112x32xf32, #tpu.memory_space<vmem_shared>> -> memref<632x32xf32, #tpu.memory_space<vmem_shared>>
        tpu.enqueue_dma source(%dma_start3A_257 : memref<632x32xf32, #tpu.memory_space<vmem_shared>>) target(%dma_start3A_255 : memref<632x32xf32, #tpu.memory_space<hbm>>) target_semaphore(%run_scoped3A : memref<!tpu.dma_semaphore, #tpu.memory_space<semaphore_mem>>)
        %dma_wait3A_258 = arith.constant 0 : i32
        %dma_wait3A_259 = tpu.memref_slice %arg6[%mul3A_253, %dma_wait3A_258] : memref<10112x128xf32, #tpu.memory_space<hbm>> -> memref<632x32xf32, #tpu.memory_space<hbm>>
        %dma_wait3A_260 = arith.constant 0 : i32
        %dma_wait3A_261 = tpu.memref_slice %arg7[%mul3A_251, %dma_wait3A_260] : memref<10112x32xf32, #tpu.memory_space<vmem_shared>> -> memref<632x32xf32, #tpu.memory_space<vmem_shared>>
        tpu.wait_dma2 semaphore(%run_scoped3A : memref<!tpu.dma_semaphore, #tpu.memory_space<semaphore_mem>>) src(%dma_wait3A_261 : memref<632x32xf32, #tpu.memory_space<vmem_shared>>) dst(%dma_wait3A_259 : memref<632x32xf32, #tpu.memory_space<hbm>>)
        tpu.yield
      }) : () -> ()
    } else {
    }
    %eq3A_245 = arith.constant 1 : i32
    %eq3A_246 = arith.cmpi eq, %arg0, %eq3A_245 : i32
    %convert_element_type3A_247 = arith.extui %eq3A_246 : i1 to i32
    %cond3A_248 = arith.constant 0 : i32
    %cond3A_249 = arith.cmpi ne, %convert_element_type3A_247, %cond3A_248 : i32
    scf.if %cond3A_249 {
      %mul3A_250 = arith.constant 632 : i32
      %mul3A_251 = arith.muli %arg1, %mul3A_250 : i32
      %mul3A_252 = arith.constant 632 : i32
      %mul3A_253 = arith.muli %arg1, %mul3A_252 : i32
      "tpu.region"() ({
        %run_scoped3A = tpu.sem_alloc : memref<!tpu.dma_semaphore, #tpu.memory_space<semaphore_mem>>
        %dma_start3A_254 = arith.constant 64 : i32
        %dma_start3A_255 = tpu.memref_slice %arg6[%mul3A_253, %dma_start3A_254] : memref<10112x128xf32, #tpu.memory_space<hbm>> -> memref<632x32xf32, #tpu.memory_space<hbm>>
        %dma_start3A_256 = arith.constant 0 : i32
        %dma_start3A_257 = tpu.memref_slice %arg7[%mul3A_251, %dma_start3A_256] : memref<10112x32xf32, #tpu.memory_space<vmem_shared>> -> memref<632x32xf32, #tpu.memory_space<vmem_shared>>
        tpu.enqueue_dma source(%dma_start3A_257 : memref<632x32xf32, #tpu.memory_space<vmem_shared>>) target(%dma_start3A_255 : memref<632x32xf32, #tpu.memory_space<hbm>>) target_semaphore(%run_scoped3A : memref<!tpu.dma_semaphore, #tpu.memory_space<semaphore_mem>>)
        %dma_wait3A_258 = arith.constant 64 : i32
        %dma_wait3A_259 = tpu.memref_slice %arg6[%mul3A_253, %dma_wait3A_258] : memref<10112x128xf32, #tpu.memory_space<hbm>> -> memref<632x32xf32, #tpu.memory_space<hbm>>
        %dma_wait3A_260 = arith.constant 0 : i32
        %dma_wait3A_261 = tpu.memref_slice %arg7[%mul3A_251, %dma_wait3A_260] : memref<10112x32xf32, #tpu.memory_space<vmem_shared>> -> memref<632x32xf32, #tpu.memory_space<vmem_shared>>
        tpu.wait_dma2 semaphore(%run_scoped3A : memref<!tpu.dma_semaphore, #tpu.memory_space<semaphore_mem>>) src(%dma_wait3A_261 : memref<632x32xf32, #tpu.memory_space<vmem_shared>>) dst(%dma_wait3A_259 : memref<632x32xf32, #tpu.memory_space<hbm>>)
        tpu.yield
      }) : () -> ()
    } else {
    }
    return
  }
}

#map = affine_map<(d0, d1) -> (0, 0)>
module attributes {stable_mosaic.version = 14 : i64} {
  func.func @_sc_edge_body(%arg0: i32, %arg1: i32, %arg2: memref<2560x128xi32, #tpu.memory_space<hbm>>, %arg3: memref<2560x128xi32, #tpu.memory_space<hbm>>, %arg4: memref<10000x128xf32, #tpu.memory_space<hbm>>, %arg5: memref<10112x32xf32, #tpu.memory_space<hbm>>, %arg6: memref<10112x128xf32, #tpu.memory_space<hbm>>, %arg7: memref<10112x32xf32, #tpu.memory_space<vmem_shared>>, %arg8: memref<10000x32xf32, #tpu.memory_space<vmem_shared>>, %arg9: memref<80x128xi32, #tpu.memory_space<vmem>>, %arg10: memref<80x128xi32, #tpu.memory_space<vmem>>, %arg11: memref<8x128x32xf32, #tpu.memory_space<vmem>>, %arg12: memref<8x!tpu.dma_semaphore, #tpu.memory_space<semaphore_mem>>, %arg13: memref<8x!tpu.dma_semaphore, #tpu.memory_space<semaphore_mem>>) attributes {dimension_semantics = [#tpu.dimension_semantics<core_parallel>, #tpu.dimension_semantics<subcore_parallel>], iteration_bounds = array<i64: 2, 16>, scalar_prefetch = 0 : i64, scratch_operands = 7 : i64, tpu.core_type = #tpu.core_type<sc_vector_subcore>, window_params = [{transform_indices = #map}, {transform_indices = #map}, {transform_indices = #map}, {transform_indices = #map}, {transform_indices = #map}]} {
    %mul3A = arith.constant 16 : i32
    %mul3A_0 = arith.muli %arg0, %mul3A : i32
    %add3A = arith.addi %mul3A_0, %arg1 : i32
    %mul3A_1 = arith.constant 632 : i32
    %mul3A_2 = arith.muli %arg1, %mul3A_1 : i32
    %mul3A_3 = arith.constant 632 : i32
    %mul3A_4 = arith.muli %arg1, %mul3A_3 : i32
    %dma_start3A = arith.constant 7 : i32
    %dma_start3A_5 = tpu.memref_slice %arg12[%dma_start3A] : memref<8x!tpu.dma_semaphore, #tpu.memory_space<semaphore_mem>> -> memref<1x!tpu.dma_semaphore, #tpu.memory_space<semaphore_mem>>
    %dma_start3A_6 = tpu.memref_squeeze %dma_start3A_5 : memref<1x!tpu.dma_semaphore, #tpu.memory_space<semaphore_mem>> -> memref<!tpu.dma_semaphore, #tpu.memory_space<semaphore_mem>>
    %dma_start3A_7 = arith.constant 0 : i32
    %dma_start3A_8 = tpu.memref_slice %arg7[%mul3A_4, %dma_start3A_7] : memref<10112x32xf32, #tpu.memory_space<vmem_shared>> -> memref<632x32xf32, #tpu.memory_space<vmem_shared>>
    %dma_start3A_9 = arith.constant 0 : i32
    %dma_start3A_10 = tpu.memref_slice %arg5[%mul3A_2, %dma_start3A_9] : memref<10112x32xf32, #tpu.memory_space<hbm>> -> memref<632x32xf32, #tpu.memory_space<hbm>>
    tpu.enqueue_dma source(%dma_start3A_10 : memref<632x32xf32, #tpu.memory_space<hbm>>) target(%dma_start3A_8 : memref<632x32xf32, #tpu.memory_space<vmem_shared>>) target_semaphore(%dma_start3A_6 : memref<!tpu.dma_semaphore, #tpu.memory_space<semaphore_mem>>)
    %mul3A_11 = arith.constant 80 : i32
    %mul3A_12 = arith.muli %add3A, %mul3A_11 : i32
    %dma_start3A_13 = arith.constant 7 : i32
    %dma_start3A_14 = arith.constant 0 : i32
    %dma_start3A_15 = tpu.memref_slice %arg2[%mul3A_12, %dma_start3A_14] : memref<2560x128xi32, #tpu.memory_space<hbm>> -> memref<80x128xi32, #tpu.memory_space<hbm>>
    %dma_start3A_16 = tpu.memref_slice %arg12[%dma_start3A_13] : memref<8x!tpu.dma_semaphore, #tpu.memory_space<semaphore_mem>> -> memref<1x!tpu.dma_semaphore, #tpu.memory_space<semaphore_mem>>
    %dma_start3A_17 = tpu.memref_squeeze %dma_start3A_16 : memref<1x!tpu.dma_semaphore, #tpu.memory_space<semaphore_mem>> -> memref<!tpu.dma_semaphore, #tpu.memory_space<semaphore_mem>>
    %dma_start3A_18 = arith.constant 0 : i32
    %dma_start3A_19 = tpu.memref_slice %arg2[%mul3A_12, %dma_start3A_18] : memref<2560x128xi32, #tpu.memory_space<hbm>> -> memref<80x128xi32, #tpu.memory_space<hbm>>
    tpu.enqueue_dma source(%dma_start3A_19 : memref<80x128xi32, #tpu.memory_space<hbm>>) target(%arg9 : memref<80x128xi32, #tpu.memory_space<vmem>>) target_semaphore(%dma_start3A_17 : memref<!tpu.dma_semaphore, #tpu.memory_space<semaphore_mem>>)
    %mul3A_20 = arith.constant 80 : i32
    %mul3A_21 = arith.muli %add3A, %mul3A_20 : i32
    %dma_start3A_22 = arith.constant 7 : i32
    %dma_start3A_23 = arith.constant 0 : i32
    %dma_start3A_24 = tpu.memref_slice %arg3[%mul3A_21, %dma_start3A_23] : memref<2560x128xi32, #tpu.memory_space<hbm>> -> memref<80x128xi32, #tpu.memory_space<hbm>>
    %dma_start3A_25 = tpu.memref_slice %arg12[%dma_start3A_22] : memref<8x!tpu.dma_semaphore, #tpu.memory_space<semaphore_mem>> -> memref<1x!tpu.dma_semaphore, #tpu.memory_space<semaphore_mem>>
    %dma_start3A_26 = tpu.memref_squeeze %dma_start3A_25 : memref<1x!tpu.dma_semaphore, #tpu.memory_space<semaphore_mem>> -> memref<!tpu.dma_semaphore, #tpu.memory_space<semaphore_mem>>
    %dma_start3A_27 = arith.constant 0 : i32
    %dma_start3A_28 = tpu.memref_slice %arg3[%mul3A_21, %dma_start3A_27] : memref<2560x128xi32, #tpu.memory_space<hbm>> -> memref<80x128xi32, #tpu.memory_space<hbm>>
    tpu.enqueue_dma source(%dma_start3A_28 : memref<80x128xi32, #tpu.memory_space<hbm>>) target(%arg10 : memref<80x128xi32, #tpu.memory_space<vmem>>) target_semaphore(%dma_start3A_26 : memref<!tpu.dma_semaphore, #tpu.memory_space<semaphore_mem>>)
    %lt3A = arith.constant 15 : i32
    %lt3A_29 = arith.cmpi slt, %arg1, %lt3A : i32
    %convert_element_type3A = arith.extui %lt3A_29 : i1 to i32
    %cond3A = arith.constant 7 : i32
    %cond3A_30 = arith.constant 0 : i32
    %cond3A_31 = arith.cmpi ne, %convert_element_type3A, %cond3A_30 : i32
    scf.if %cond3A_31 {
      %mul3A_250 = arith.constant 632 : i32
      %mul3A_251 = arith.muli %arg1, %mul3A_250 : i32
      %mul3A_252 = arith.constant 632 : i32
      %mul3A_253 = arith.muli %arg1, %mul3A_252 : i32
      %dma_start3A_254 = tpu.memref_slice %arg12[%cond3A] : memref<8x!tpu.dma_semaphore, #tpu.memory_space<semaphore_mem>> -> memref<1x!tpu.dma_semaphore, #tpu.memory_space<semaphore_mem>>
      %dma_start3A_255 = tpu.memref_squeeze %dma_start3A_254 : memref<1x!tpu.dma_semaphore, #tpu.memory_space<semaphore_mem>> -> memref<!tpu.dma_semaphore, #tpu.memory_space<semaphore_mem>>
      %dma_start3A_256 = arith.constant 0 : i32
      %dma_start3A_257 = tpu.memref_slice %arg8[%mul3A_253, %dma_start3A_256] : memref<10000x32xf32, #tpu.memory_space<vmem_shared>> -> memref<632x32xf32, #tpu.memory_space<vmem_shared>>
      %dma_start3A_258 = arith.constant 0 : i32
      %dma_start3A_259 = tpu.memref_slice %arg4[%mul3A_251, %dma_start3A_258] : memref<10000x128xf32, #tpu.memory_space<hbm>> -> memref<632x32xf32, #tpu.memory_space<hbm>>
      tpu.enqueue_dma source(%dma_start3A_259 : memref<632x32xf32, #tpu.memory_space<hbm>>) target(%dma_start3A_257 : memref<632x32xf32, #tpu.memory_space<vmem_shared>>) target_semaphore(%dma_start3A_255 : memref<!tpu.dma_semaphore, #tpu.memory_space<semaphore_mem>>)
    } else {
    }
    %eq3A = arith.constant 15 : i32
    %eq3A_32 = arith.cmpi eq, %arg1, %eq3A : i32
    %convert_element_type3A_33 = arith.extui %eq3A_32 : i1 to i32
    %cond3A_34 = arith.constant 7 : i32
    %cond3A_35 = arith.constant 0 : i32
    %cond3A_36 = arith.cmpi ne, %convert_element_type3A_33, %cond3A_35 : i32
    scf.if %cond3A_36 {
      %dma_start3A_250 = tpu.memref_slice %arg12[%cond3A_34] : memref<8x!tpu.dma_semaphore, #tpu.memory_space<semaphore_mem>> -> memref<1x!tpu.dma_semaphore, #tpu.memory_space<semaphore_mem>>
      %dma_start3A_251 = tpu.memref_squeeze %dma_start3A_250 : memref<1x!tpu.dma_semaphore, #tpu.memory_space<semaphore_mem>> -> memref<!tpu.dma_semaphore, #tpu.memory_space<semaphore_mem>>
      %dma_start3A_252 = arith.constant 9480 : i32
      %dma_start3A_253 = arith.constant 0 : i32
      %dma_start3A_254 = tpu.memref_slice %arg8[%dma_start3A_252, %dma_start3A_253] : memref<10000x32xf32, #tpu.memory_space<vmem_shared>> -> memref<520x32xf32, #tpu.memory_space<vmem_shared>>
      %dma_start3A_255 = arith.constant 9480 : i32
      %dma_start3A_256 = arith.constant 0 : i32
      %dma_start3A_257 = tpu.memref_slice %arg4[%dma_start3A_255, %dma_start3A_256] : memref<10000x128xf32, #tpu.memory_space<hbm>> -> memref<520x32xf32, #tpu.memory_space<hbm>>
      tpu.enqueue_dma source(%dma_start3A_257 : memref<520x32xf32, #tpu.memory_space<hbm>>) target(%dma_start3A_254 : memref<520x32xf32, #tpu.memory_space<vmem_shared>>) target_semaphore(%dma_start3A_251 : memref<!tpu.dma_semaphore, #tpu.memory_space<semaphore_mem>>)
    } else {
    }
    %dma_wait3A = arith.constant 7 : i32
    %dma_wait3A_37 = tpu.memref_slice %arg12[%dma_wait3A] : memref<8x!tpu.dma_semaphore, #tpu.memory_space<semaphore_mem>> -> memref<1x!tpu.dma_semaphore, #tpu.memory_space<semaphore_mem>>
    %dma_wait3A_38 = tpu.memref_squeeze %dma_wait3A_37 : memref<1x!tpu.dma_semaphore, #tpu.memory_space<semaphore_mem>> -> memref<!tpu.dma_semaphore, #tpu.memory_space<semaphore_mem>>
    %dma_wait3A_39 = arith.constant 0 : i32
    %dma_wait3A_40 = tpu.memref_slice %arg7[%mul3A_4, %dma_wait3A_39] : memref<10112x32xf32, #tpu.memory_space<vmem_shared>> -> memref<632x32xf32, #tpu.memory_space<vmem_shared>>
    %dma_wait3A_41 = arith.constant 0 : i32
    %dma_wait3A_42 = tpu.memref_slice %arg5[%mul3A_2, %dma_wait3A_41] : memref<10112x32xf32, #tpu.memory_space<hbm>> -> memref<632x32xf32, #tpu.memory_space<hbm>>
    tpu.wait_dma2 semaphore(%dma_wait3A_38 : memref<!tpu.dma_semaphore, #tpu.memory_space<semaphore_mem>>) src(%dma_wait3A_42 : memref<632x32xf32, #tpu.memory_space<hbm>>) dst(%dma_wait3A_40 : memref<632x32xf32, #tpu.memory_space<vmem_shared>>)
    %dma_wait3A_43 = arith.constant 7 : i32
    %dma_wait3A_44 = arith.constant 0 : i32
    %dma_wait3A_45 = tpu.memref_slice %arg2[%mul3A_12, %dma_wait3A_44] : memref<2560x128xi32, #tpu.memory_space<hbm>> -> memref<80x128xi32, #tpu.memory_space<hbm>>
    %dma_wait3A_46 = tpu.memref_slice %arg12[%dma_wait3A_43] : memref<8x!tpu.dma_semaphore, #tpu.memory_space<semaphore_mem>> -> memref<1x!tpu.dma_semaphore, #tpu.memory_space<semaphore_mem>>
    %dma_wait3A_47 = tpu.memref_squeeze %dma_wait3A_46 : memref<1x!tpu.dma_semaphore, #tpu.memory_space<semaphore_mem>> -> memref<!tpu.dma_semaphore, #tpu.memory_space<semaphore_mem>>
    %dma_wait3A_48 = arith.constant 0 : i32
    %dma_wait3A_49 = tpu.memref_slice %arg2[%mul3A_12, %dma_wait3A_48] : memref<2560x128xi32, #tpu.memory_space<hbm>> -> memref<80x128xi32, #tpu.memory_space<hbm>>
    tpu.wait_dma2 semaphore(%dma_wait3A_47 : memref<!tpu.dma_semaphore, #tpu.memory_space<semaphore_mem>>) src(%dma_wait3A_49 : memref<80x128xi32, #tpu.memory_space<hbm>>) dst(%arg9 : memref<80x128xi32, #tpu.memory_space<vmem>>)
    %dma_wait3A_50 = arith.constant 7 : i32
    %dma_wait3A_51 = arith.constant 0 : i32
    %dma_wait3A_52 = tpu.memref_slice %arg3[%mul3A_21, %dma_wait3A_51] : memref<2560x128xi32, #tpu.memory_space<hbm>> -> memref<80x128xi32, #tpu.memory_space<hbm>>
    %dma_wait3A_53 = tpu.memref_slice %arg12[%dma_wait3A_50] : memref<8x!tpu.dma_semaphore, #tpu.memory_space<semaphore_mem>> -> memref<1x!tpu.dma_semaphore, #tpu.memory_space<semaphore_mem>>
    %dma_wait3A_54 = tpu.memref_squeeze %dma_wait3A_53 : memref<1x!tpu.dma_semaphore, #tpu.memory_space<semaphore_mem>> -> memref<!tpu.dma_semaphore, #tpu.memory_space<semaphore_mem>>
    %dma_wait3A_55 = arith.constant 0 : i32
    %dma_wait3A_56 = tpu.memref_slice %arg3[%mul3A_21, %dma_wait3A_55] : memref<2560x128xi32, #tpu.memory_space<hbm>> -> memref<80x128xi32, #tpu.memory_space<hbm>>
    tpu.wait_dma2 semaphore(%dma_wait3A_54 : memref<!tpu.dma_semaphore, #tpu.memory_space<semaphore_mem>>) src(%dma_wait3A_56 : memref<80x128xi32, #tpu.memory_space<hbm>>) dst(%arg10 : memref<80x128xi32, #tpu.memory_space<vmem>>)
    %lt3A_57 = arith.constant 15 : i32
    %lt3A_58 = arith.cmpi slt, %arg1, %lt3A_57 : i32
    %convert_element_type3A_59 = arith.extui %lt3A_58 : i1 to i32
    %cond3A_60 = arith.constant 7 : i32
    %cond3A_61 = arith.constant 0 : i32
    %cond3A_62 = arith.cmpi ne, %convert_element_type3A_59, %cond3A_61 : i32
    scf.if %cond3A_62 {
      %mul3A_250 = arith.constant 632 : i32
      %mul3A_251 = arith.muli %arg1, %mul3A_250 : i32
      %mul3A_252 = arith.constant 632 : i32
      %mul3A_253 = arith.muli %arg1, %mul3A_252 : i32
      %dma_wait3A_254 = tpu.memref_slice %arg12[%cond3A_60] : memref<8x!tpu.dma_semaphore, #tpu.memory_space<semaphore_mem>> -> memref<1x!tpu.dma_semaphore, #tpu.memory_space<semaphore_mem>>
      %dma_wait3A_255 = tpu.memref_squeeze %dma_wait3A_254 : memref<1x!tpu.dma_semaphore, #tpu.memory_space<semaphore_mem>> -> memref<!tpu.dma_semaphore, #tpu.memory_space<semaphore_mem>>
      %dma_wait3A_256 = arith.constant 0 : i32
      %dma_wait3A_257 = tpu.memref_slice %arg8[%mul3A_253, %dma_wait3A_256] : memref<10000x32xf32, #tpu.memory_space<vmem_shared>> -> memref<632x32xf32, #tpu.memory_space<vmem_shared>>
      %dma_wait3A_258 = arith.constant 0 : i32
      %dma_wait3A_259 = tpu.memref_slice %arg4[%mul3A_251, %dma_wait3A_258] : memref<10000x128xf32, #tpu.memory_space<hbm>> -> memref<632x32xf32, #tpu.memory_space<hbm>>
      tpu.wait_dma2 semaphore(%dma_wait3A_255 : memref<!tpu.dma_semaphore, #tpu.memory_space<semaphore_mem>>) src(%dma_wait3A_259 : memref<632x32xf32, #tpu.memory_space<hbm>>) dst(%dma_wait3A_257 : memref<632x32xf32, #tpu.memory_space<vmem_shared>>)
    } else {
    }
    %eq3A_63 = arith.constant 15 : i32
    %eq3A_64 = arith.cmpi eq, %arg1, %eq3A_63 : i32
    %convert_element_type3A_65 = arith.extui %eq3A_64 : i1 to i32
    %cond3A_66 = arith.constant 7 : i32
    %cond3A_67 = arith.constant 0 : i32
    %cond3A_68 = arith.cmpi ne, %convert_element_type3A_65, %cond3A_67 : i32
    scf.if %cond3A_68 {
      %dma_wait3A_250 = tpu.memref_slice %arg12[%cond3A_66] : memref<8x!tpu.dma_semaphore, #tpu.memory_space<semaphore_mem>> -> memref<1x!tpu.dma_semaphore, #tpu.memory_space<semaphore_mem>>
      %dma_wait3A_251 = tpu.memref_squeeze %dma_wait3A_250 : memref<1x!tpu.dma_semaphore, #tpu.memory_space<semaphore_mem>> -> memref<!tpu.dma_semaphore, #tpu.memory_space<semaphore_mem>>
      %dma_wait3A_252 = arith.constant 9480 : i32
      %dma_wait3A_253 = arith.constant 0 : i32
      %dma_wait3A_254 = tpu.memref_slice %arg8[%dma_wait3A_252, %dma_wait3A_253] : memref<10000x32xf32, #tpu.memory_space<vmem_shared>> -> memref<520x32xf32, #tpu.memory_space<vmem_shared>>
      %dma_wait3A_255 = arith.constant 9480 : i32
      %dma_wait3A_256 = arith.constant 0 : i32
      %dma_wait3A_257 = tpu.memref_slice %arg4[%dma_wait3A_255, %dma_wait3A_256] : memref<10000x128xf32, #tpu.memory_space<hbm>> -> memref<520x32xf32, #tpu.memory_space<hbm>>
      tpu.wait_dma2 semaphore(%dma_wait3A_251 : memref<!tpu.dma_semaphore, #tpu.memory_space<semaphore_mem>>) src(%dma_wait3A_257 : memref<520x32xf32, #tpu.memory_space<hbm>>) dst(%dma_wait3A_254 : memref<520x32xf32, #tpu.memory_space<vmem_shared>>)
    } else {
    }
    %barrier3A = arith.constant 0 : index
    tpu.barrier barrier_id(%barrier3A)
    %dma_start3A_69 = arith.constant 0 : i32
    %dma_start3A_70 = arith.constant 0 : i32
    %dma_start3A_71 = arith.constant 0 : i32
    %dma_start3A_72 = arith.constant 0 : i32
    %dma_start3A_73 = arith.constant 0 : i32
    %dma_start3A_74 = tpu.memref_slice %arg11[%dma_start3A_70, %dma_start3A_72, %dma_start3A_73] : memref<8x128x32xf32, #tpu.memory_space<vmem>> -> memref<1x128x32xf32, #tpu.memory_space<vmem>>
    %dma_start3A_75 = tpu.memref_squeeze %dma_start3A_74 : memref<1x128x32xf32, #tpu.memory_space<vmem>> -> memref<128x32xf32, #tpu.memory_space<vmem>>
    %dma_start3A_76 = arith.constant 0 : i32
    %dma_start3A_77 = tpu.memref_slice %arg9[%dma_start3A_69, %dma_start3A_76] : memref<80x128xi32, #tpu.memory_space<vmem>> -> memref<1x128xi32, #tpu.memory_space<vmem>>
    %dma_start3A_78 = tpu.memref_squeeze %dma_start3A_77 : memref<1x128xi32, #tpu.memory_space<vmem>> -> memref<128xi32, #tpu.memory_space<vmem>>
    %dma_start3A_79 = arith.constant 0 : i32
    %dma_start3A_80 = arith.constant 0 : i32
    %dma_start3A_81 = tpu.memref_slice %arg8[%dma_start3A_79, %dma_start3A_80] : memref<10000x32xf32, #tpu.memory_space<vmem_shared>> -> memref<10000x32xf32, #tpu.memory_space<vmem_shared>>
    %dma_start3A_82 = tpu.memref_slice %arg12[%dma_start3A_71] : memref<8x!tpu.dma_semaphore, #tpu.memory_space<semaphore_mem>> -> memref<1x!tpu.dma_semaphore, #tpu.memory_space<semaphore_mem>>
    %dma_start3A_83 = tpu.memref_squeeze %dma_start3A_82 : memref<1x!tpu.dma_semaphore, #tpu.memory_space<semaphore_mem>> -> memref<!tpu.dma_semaphore, #tpu.memory_space<semaphore_mem>>
    tpu.enqueue_indirect_dma source(%dma_start3A_81 : memref<10000x32xf32, #tpu.memory_space<vmem_shared>>) target(%dma_start3A_75 : memref<128x32xf32, #tpu.memory_space<vmem>>) offsets(%dma_start3A_78 : memref<128xi32, #tpu.memory_space<vmem>>) semaphore(%dma_start3A_83 : memref<!tpu.dma_semaphore, #tpu.memory_space<semaphore_mem>>)
    %dma_start3A_84 = arith.constant 1 : i32
    %dma_start3A_85 = arith.constant 1 : i32
    %dma_start3A_86 = arith.constant 1 : i32
    %dma_start3A_87 = arith.constant 0 : i32
    %dma_start3A_88 = arith.constant 0 : i32
    %dma_start3A_89 = tpu.memref_slice %arg11[%dma_start3A_85, %dma_start3A_87, %dma_start3A_88] : memref<8x128x32xf32, #tpu.memory_space<vmem>> -> memref<1x128x32xf32, #tpu.memory_space<vmem>>
    %dma_start3A_90 = tpu.memref_squeeze %dma_start3A_89 : memref<1x128x32xf32, #tpu.memory_space<vmem>> -> memref<128x32xf32, #tpu.memory_space<vmem>>
    %dma_start3A_91 = arith.constant 0 : i32
    %dma_start3A_92 = tpu.memref_slice %arg9[%dma_start3A_84, %dma_start3A_91] : memref<80x128xi32, #tpu.memory_space<vmem>> -> memref<1x128xi32, #tpu.memory_space<vmem>>
    %dma_start3A_93 = tpu.memref_squeeze %dma_start3A_92 : memref<1x128xi32, #tpu.memory_space<vmem>> -> memref<128xi32, #tpu.memory_space<vmem>>
    %dma_start3A_94 = arith.constant 0 : i32
    %dma_start3A_95 = arith.constant 0 : i32
    %dma_start3A_96 = tpu.memref_slice %arg8[%dma_start3A_94, %dma_start3A_95] : memref<10000x32xf32, #tpu.memory_space<vmem_shared>> -> memref<10000x32xf32, #tpu.memory_space<vmem_shared>>
    %dma_start3A_97 = tpu.memref_slice %arg12[%dma_start3A_86] : memref<8x!tpu.dma_semaphore, #tpu.memory_space<semaphore_mem>> -> memref<1x!tpu.dma_semaphore, #tpu.memory_space<semaphore_mem>>
    %dma_start3A_98 = tpu.memref_squeeze %dma_start3A_97 : memref<1x!tpu.dma_semaphore, #tpu.memory_space<semaphore_mem>> -> memref<!tpu.dma_semaphore, #tpu.memory_space<semaphore_mem>>
    tpu.enqueue_indirect_dma source(%dma_start3A_96 : memref<10000x32xf32, #tpu.memory_space<vmem_shared>>) target(%dma_start3A_90 : memref<128x32xf32, #tpu.memory_space<vmem>>) offsets(%dma_start3A_93 : memref<128xi32, #tpu.memory_space<vmem>>) semaphore(%dma_start3A_98 : memref<!tpu.dma_semaphore, #tpu.memory_space<semaphore_mem>>)
    %dma_start3A_99 = arith.constant 2 : i32
    %dma_start3A_100 = arith.constant 2 : i32
    %dma_start3A_101 = arith.constant 2 : i32
    %dma_start3A_102 = arith.constant 0 : i32
    %dma_start3A_103 = arith.constant 0 : i32
    %dma_start3A_104 = tpu.memref_slice %arg11[%dma_start3A_100, %dma_start3A_102, %dma_start3A_103] : memref<8x128x32xf32, #tpu.memory_space<vmem>> -> memref<1x128x32xf32, #tpu.memory_space<vmem>>
    %dma_start3A_105 = tpu.memref_squeeze %dma_start3A_104 : memref<1x128x32xf32, #tpu.memory_space<vmem>> -> memref<128x32xf32, #tpu.memory_space<vmem>>
    %dma_start3A_106 = arith.constant 0 : i32
    %dma_start3A_107 = tpu.memref_slice %arg9[%dma_start3A_99, %dma_start3A_106] : memref<80x128xi32, #tpu.memory_space<vmem>> -> memref<1x128xi32, #tpu.memory_space<vmem>>
    %dma_start3A_108 = tpu.memref_squeeze %dma_start3A_107 : memref<1x128xi32, #tpu.memory_space<vmem>> -> memref<128xi32, #tpu.memory_space<vmem>>
    %dma_start3A_109 = arith.constant 0 : i32
    %dma_start3A_110 = arith.constant 0 : i32
    %dma_start3A_111 = tpu.memref_slice %arg8[%dma_start3A_109, %dma_start3A_110] : memref<10000x32xf32, #tpu.memory_space<vmem_shared>> -> memref<10000x32xf32, #tpu.memory_space<vmem_shared>>
    %dma_start3A_112 = tpu.memref_slice %arg12[%dma_start3A_101] : memref<8x!tpu.dma_semaphore, #tpu.memory_space<semaphore_mem>> -> memref<1x!tpu.dma_semaphore, #tpu.memory_space<semaphore_mem>>
    %dma_start3A_113 = tpu.memref_squeeze %dma_start3A_112 : memref<1x!tpu.dma_semaphore, #tpu.memory_space<semaphore_mem>> -> memref<!tpu.dma_semaphore, #tpu.memory_space<semaphore_mem>>
    tpu.enqueue_indirect_dma source(%dma_start3A_111 : memref<10000x32xf32, #tpu.memory_space<vmem_shared>>) target(%dma_start3A_105 : memref<128x32xf32, #tpu.memory_space<vmem>>) offsets(%dma_start3A_108 : memref<128xi32, #tpu.memory_space<vmem>>) semaphore(%dma_start3A_113 : memref<!tpu.dma_semaphore, #tpu.memory_space<semaphore_mem>>)
    %scan3A = arith.constant 0 : i32
    %scan3A_114 = arith.constant 0 : i32
    %scan3A_115 = arith.constant 10 : i32
    %scan3A_116 = arith.addi %scan3A_114, %scan3A_115 : i32
    %scan3A_117 = arith.constant 1 : i32
    scf.for %scan3A_250 = %scan3A_114 to %scan3A_116 step %scan3A_117  : i32 {
      %mul3A_251 = arith.constant 8 : i32
      %mul3A_252 = arith.muli %scan3A_250, %mul3A_251 : i32
      %add3A_253 = arith.constant 0 : i32
      %add3A_254 = arith.addi %mul3A_252, %add3A_253 : i32
      %ge3A = arith.constant 5 : i32
      %ge3A_255 = arith.cmpi sge, %add3A_254, %ge3A : i32
      %add3A_256 = arith.constant 3 : i32
      %add3A_257 = arith.addi %add3A_254, %add3A_256 : i32
      %lt3A_258 = arith.constant 80 : i32
      %lt3A_259 = arith.cmpi slt, %add3A_257, %lt3A_258 : i32
      %and3A = arith.andi %ge3A_255, %lt3A_259 : i1
      %convert_element_type3A_260 = arith.extui %and3A : i1 to i32
      %cond3A_261 = arith.constant 0 : i32
      %cond3A_262 = arith.cmpi ne, %convert_element_type3A_260, %cond3A_261 : i32
      scf.if %cond3A_262 {
        %dma_wait3A_641 = arith.constant 3 : i32
        %dma_wait3A_642 = arith.constant 3 : i32
        %dma_wait3A_643 = arith.constant 0 : i32
        %dma_wait3A_644 = arith.constant 0 : i32
        %dma_wait3A_645 = tpu.memref_slice %arg11[%dma_wait3A_641, %dma_wait3A_643, %dma_wait3A_644] : memref<8x128x32xf32, #tpu.memory_space<vmem>> -> memref<1x128x32xf32, #tpu.memory_space<vmem>>
        %dma_wait3A_646 = tpu.memref_squeeze %dma_wait3A_645 : memref<1x128x32xf32, #tpu.memory_space<vmem>> -> memref<128x32xf32, #tpu.memory_space<vmem>>
        %dma_wait3A_647 = arith.constant 0 : i32
        %dma_wait3A_648 = tpu.memref_slice %arg10[%add3A_254, %dma_wait3A_647] : memref<80x128xi32, #tpu.memory_space<vmem>> -> memref<1x128xi32, #tpu.memory_space<vmem>>
        %dma_wait3A_649 = tpu.memref_squeeze %dma_wait3A_648 : memref<1x128xi32, #tpu.memory_space<vmem>> -> memref<128xi32, #tpu.memory_space<vmem>>
        %dma_wait3A_650 = arith.constant 0 : i32
        %dma_wait3A_651 = arith.constant 0 : i32
        %dma_wait3A_652 = tpu.memref_slice %arg7[%dma_wait3A_650, %dma_wait3A_651] : memref<10112x32xf32, #tpu.memory_space<vmem_shared>> -> memref<10112x32xf32, #tpu.memory_space<vmem_shared>>
        %dma_wait3A_653 = tpu.memref_slice %arg13[%dma_wait3A_642] : memref<8x!tpu.dma_semaphore, #tpu.memory_space<semaphore_mem>> -> memref<1x!tpu.dma_semaphore, #tpu.memory_space<semaphore_mem>>
        %dma_wait3A_654 = tpu.memref_squeeze %dma_wait3A_653 : memref<1x!tpu.dma_semaphore, #tpu.memory_space<semaphore_mem>> -> memref<!tpu.dma_semaphore, #tpu.memory_space<semaphore_mem>>
        tpu.wait_indirect_dma semaphore(%dma_wait3A_654 : memref<!tpu.dma_semaphore, #tpu.memory_space<semaphore_mem>>) src(%dma_wait3A_646 : memref<128x32xf32, #tpu.memory_space<vmem>>) dst(%dma_wait3A_652 : memref<10112x32xf32, #tpu.memory_space<vmem_shared>>)
      } else {
      }
      %add3A_263 = arith.constant 3 : i32
      %add3A_264 = arith.addi %add3A_254, %add3A_263 : i32
      %lt3A_265 = arith.constant 80 : i32
      %lt3A_266 = arith.cmpi slt, %add3A_264, %lt3A_265 : i32
      %convert_element_type3A_267 = arith.extui %lt3A_266 : i1 to i32
      %cond3A_268 = arith.constant 0 : i32
      %cond3A_269 = arith.cmpi ne, %convert_element_type3A_267, %cond3A_268 : i32
      scf.if %cond3A_269 {
        %add3A_641 = arith.constant 3 : i32
        %add3A_642 = arith.addi %add3A_254, %add3A_641 : i32
        %dma_start3A_643 = arith.constant 3 : i32
        %dma_start3A_644 = arith.constant 3 : i32
        %dma_start3A_645 = arith.constant 0 : i32
        %dma_start3A_646 = arith.constant 0 : i32
        %dma_start3A_647 = tpu.memref_slice %arg11[%dma_start3A_643, %dma_start3A_645, %dma_start3A_646] : memref<8x128x32xf32, #tpu.memory_space<vmem>> -> memref<1x128x32xf32, #tpu.memory_space<vmem>>
        %dma_start3A_648 = tpu.memref_squeeze %dma_start3A_647 : memref<1x128x32xf32, #tpu.memory_space<vmem>> -> memref<128x32xf32, #tpu.memory_space<vmem>>
        %dma_start3A_649 = arith.constant 0 : i32
        %dma_start3A_650 = tpu.memref_slice %arg9[%add3A_642, %dma_start3A_649] : memref<80x128xi32, #tpu.memory_space<vmem>> -> memref<1x128xi32, #tpu.memory_space<vmem>>
        %dma_start3A_651 = tpu.memref_squeeze %dma_start3A_650 : memref<1x128xi32, #tpu.memory_space<vmem>> -> memref<128xi32, #tpu.memory_space<vmem>>
        %dma_start3A_652 = arith.constant 0 : i32
        %dma_start3A_653 = arith.constant 0 : i32
        %dma_start3A_654 = tpu.memref_slice %arg8[%dma_start3A_652, %dma_start3A_653] : memref<10000x32xf32, #tpu.memory_space<vmem_shared>> -> memref<10000x32xf32, #tpu.memory_space<vmem_shared>>
        %dma_start3A_655 = tpu.memref_slice %arg12[%dma_start3A_644] : memref<8x!tpu.dma_semaphore, #tpu.memory_space<semaphore_mem>> -> memref<1x!tpu.dma_semaphore, #tpu.memory_space<semaphore_mem>>
        %dma_start3A_656 = tpu.memref_squeeze %dma_start3A_655 : memref<1x!tpu.dma_semaphore, #tpu.memory_space<semaphore_mem>> -> memref<!tpu.dma_semaphore, #tpu.memory_space<semaphore_mem>>
        tpu.enqueue_indirect_dma source(%dma_start3A_654 : memref<10000x32xf32, #tpu.memory_space<vmem_shared>>) target(%dma_start3A_648 : memref<128x32xf32, #tpu.memory_space<vmem>>) offsets(%dma_start3A_651 : memref<128xi32, #tpu.memory_space<vmem>>) semaphore(%dma_start3A_656 : memref<!tpu.dma_semaphore, #tpu.memory_space<semaphore_mem>>)
      } else {
      }
      %dma_wait3A_270 = arith.constant 0 : i32
      %dma_wait3A_271 = arith.constant 0 : i32
      %dma_wait3A_272 = arith.constant 0 : i32
      %dma_wait3A_273 = arith.constant 0 : i32
      %dma_wait3A_274 = tpu.memref_slice %arg11[%dma_wait3A_270, %dma_wait3A_272, %dma_wait3A_273] : memref<8x128x32xf32, #tpu.memory_space<vmem>> -> memref<1x128x32xf32, #tpu.memory_space<vmem>>
      %dma_wait3A_275 = tpu.memref_squeeze %dma_wait3A_274 : memref<1x128x32xf32, #tpu.memory_space<vmem>> -> memref<128x32xf32, #tpu.memory_space<vmem>>
      %dma_wait3A_276 = arith.constant 0 : i32
      %dma_wait3A_277 = tpu.memref_slice %arg9[%add3A_254, %dma_wait3A_276] : memref<80x128xi32, #tpu.memory_space<vmem>> -> memref<1x128xi32, #tpu.memory_space<vmem>>
      %dma_wait3A_278 = tpu.memref_squeeze %dma_wait3A_277 : memref<1x128xi32, #tpu.memory_space<vmem>> -> memref<128xi32, #tpu.memory_space<vmem>>
      %dma_wait3A_279 = arith.constant 0 : i32
      %dma_wait3A_280 = arith.constant 0 : i32
      %dma_wait3A_281 = tpu.memref_slice %arg8[%dma_wait3A_279, %dma_wait3A_280] : memref<10000x32xf32, #tpu.memory_space<vmem_shared>> -> memref<10000x32xf32, #tpu.memory_space<vmem_shared>>
      %dma_wait3A_282 = tpu.memref_slice %arg12[%dma_wait3A_271] : memref<8x!tpu.dma_semaphore, #tpu.memory_space<semaphore_mem>> -> memref<1x!tpu.dma_semaphore, #tpu.memory_space<semaphore_mem>>
      %dma_wait3A_283 = tpu.memref_squeeze %dma_wait3A_282 : memref<1x!tpu.dma_semaphore, #tpu.memory_space<semaphore_mem>> -> memref<!tpu.dma_semaphore, #tpu.memory_space<semaphore_mem>>
      tpu.wait_indirect_dma semaphore(%dma_wait3A_283 : memref<!tpu.dma_semaphore, #tpu.memory_space<semaphore_mem>>) src(%dma_wait3A_281 : memref<10000x32xf32, #tpu.memory_space<vmem_shared>>) dst(%dma_wait3A_275 : memref<128x32xf32, #tpu.memory_space<vmem>>)
      %dma_start3A_284 = arith.constant 0 : i32
      %dma_start3A_285 = arith.constant 0 : i32
      %dma_start3A_286 = arith.constant 0 : i32
      %dma_start3A_287 = arith.constant 0 : i32
      %dma_start3A_288 = tpu.memref_slice %arg11[%dma_start3A_284, %dma_start3A_286, %dma_start3A_287] : memref<8x128x32xf32, #tpu.memory_space<vmem>> -> memref<1x128x32xf32, #tpu.memory_space<vmem>>
      %dma_start3A_289 = tpu.memref_squeeze %dma_start3A_288 : memref<1x128x32xf32, #tpu.memory_space<vmem>> -> memref<128x32xf32, #tpu.memory_space<vmem>>
      %dma_start3A_290 = arith.constant 0 : i32
      %dma_start3A_291 = tpu.memref_slice %arg10[%add3A_254, %dma_start3A_290] : memref<80x128xi32, #tpu.memory_space<vmem>> -> memref<1x128xi32, #tpu.memory_space<vmem>>
      %dma_start3A_292 = tpu.memref_squeeze %dma_start3A_291 : memref<1x128xi32, #tpu.memory_space<vmem>> -> memref<128xi32, #tpu.memory_space<vmem>>
      %dma_start3A_293 = arith.constant 0 : i32
      %dma_start3A_294 = arith.constant 0 : i32
      %dma_start3A_295 = tpu.memref_slice %arg7[%dma_start3A_293, %dma_start3A_294] : memref<10112x32xf32, #tpu.memory_space<vmem_shared>> -> memref<10112x32xf32, #tpu.memory_space<vmem_shared>>
      %dma_start3A_296 = tpu.memref_slice %arg13[%dma_start3A_285] : memref<8x!tpu.dma_semaphore, #tpu.memory_space<semaphore_mem>> -> memref<1x!tpu.dma_semaphore, #tpu.memory_space<semaphore_mem>>
      %dma_start3A_297 = tpu.memref_squeeze %dma_start3A_296 : memref<1x!tpu.dma_semaphore, #tpu.memory_space<semaphore_mem>> -> memref<!tpu.dma_semaphore, #tpu.memory_space<semaphore_mem>>
      tpu.enqueue_indirect_dma source(%dma_start3A_289 : memref<128x32xf32, #tpu.memory_space<vmem>>) target(%dma_start3A_295 : memref<10112x32xf32, #tpu.memory_space<vmem_shared>>) offsets(%dma_start3A_292 : memref<128xi32, #tpu.memory_space<vmem>>) semaphore(%dma_start3A_297 : memref<!tpu.dma_semaphore, #tpu.memory_space<semaphore_mem>>) {add = true}
      %mul3A_298 = arith.constant 8 : i32
      %mul3A_299 = arith.muli %scan3A_250, %mul3A_298 : i32
      %add3A_300 = arith.constant 1 : i32
      %add3A_301 = arith.addi %mul3A_299, %add3A_300 : i32
      %ge3A_302 = arith.constant 5 : i32
      %ge3A_303 = arith.cmpi sge, %add3A_301, %ge3A_302 : i32
      %add3A_304 = arith.constant 3 : i32
      %add3A_305 = arith.addi %add3A_301, %add3A_304 : i32
      %lt3A_306 = arith.constant 80 : i32
      %lt3A_307 = arith.cmpi slt, %add3A_305, %lt3A_306 : i32
      %and3A_308 = arith.andi %ge3A_303, %lt3A_307 : i1
      %convert_element_type3A_309 = arith.extui %and3A_308 : i1 to i32
      %cond3A_310 = arith.constant 0 : i32
      %cond3A_311 = arith.cmpi ne, %convert_element_type3A_309, %cond3A_310 : i32
      scf.if %cond3A_311 {
        %dma_wait3A_641 = arith.constant 4 : i32
        %dma_wait3A_642 = arith.constant 4 : i32
        %dma_wait3A_643 = arith.constant 0 : i32
        %dma_wait3A_644 = arith.constant 0 : i32
        %dma_wait3A_645 = tpu.memref_slice %arg11[%dma_wait3A_641, %dma_wait3A_643, %dma_wait3A_644] : memref<8x128x32xf32, #tpu.memory_space<vmem>> -> memref<1x128x32xf32, #tpu.memory_space<vmem>>
        %dma_wait3A_646 = tpu.memref_squeeze %dma_wait3A_645 : memref<1x128x32xf32, #tpu.memory_space<vmem>> -> memref<128x32xf32, #tpu.memory_space<vmem>>
        %dma_wait3A_647 = arith.constant 0 : i32
        %dma_wait3A_648 = tpu.memref_slice %arg10[%add3A_301, %dma_wait3A_647] : memref<80x128xi32, #tpu.memory_space<vmem>> -> memref<1x128xi32, #tpu.memory_space<vmem>>
        %dma_wait3A_649 = tpu.memref_squeeze %dma_wait3A_648 : memref<1x128xi32, #tpu.memory_space<vmem>> -> memref<128xi32, #tpu.memory_space<vmem>>
        %dma_wait3A_650 = arith.constant 0 : i32
        %dma_wait3A_651 = arith.constant 0 : i32
        %dma_wait3A_652 = tpu.memref_slice %arg7[%dma_wait3A_650, %dma_wait3A_651] : memref<10112x32xf32, #tpu.memory_space<vmem_shared>> -> memref<10112x32xf32, #tpu.memory_space<vmem_shared>>
        %dma_wait3A_653 = tpu.memref_slice %arg13[%dma_wait3A_642] : memref<8x!tpu.dma_semaphore, #tpu.memory_space<semaphore_mem>> -> memref<1x!tpu.dma_semaphore, #tpu.memory_space<semaphore_mem>>
        %dma_wait3A_654 = tpu.memref_squeeze %dma_wait3A_653 : memref<1x!tpu.dma_semaphore, #tpu.memory_space<semaphore_mem>> -> memref<!tpu.dma_semaphore, #tpu.memory_space<semaphore_mem>>
        tpu.wait_indirect_dma semaphore(%dma_wait3A_654 : memref<!tpu.dma_semaphore, #tpu.memory_space<semaphore_mem>>) src(%dma_wait3A_646 : memref<128x32xf32, #tpu.memory_space<vmem>>) dst(%dma_wait3A_652 : memref<10112x32xf32, #tpu.memory_space<vmem_shared>>)
      } else {
      }
      %add3A_312 = arith.constant 3 : i32
      %add3A_313 = arith.addi %add3A_301, %add3A_312 : i32
      %lt3A_314 = arith.constant 80 : i32
      %lt3A_315 = arith.cmpi slt, %add3A_313, %lt3A_314 : i32
      %convert_element_type3A_316 = arith.extui %lt3A_315 : i1 to i32
      %cond3A_317 = arith.constant 0 : i32
      %cond3A_318 = arith.cmpi ne, %convert_element_type3A_316, %cond3A_317 : i32
      scf.if %cond3A_318 {
        %add3A_641 = arith.constant 3 : i32
        %add3A_642 = arith.addi %add3A_301, %add3A_641 : i32
        %dma_start3A_643 = arith.constant 4 : i32
        %dma_start3A_644 = arith.constant 4 : i32
        %dma_start3A_645 = arith.constant 0 : i32
        %dma_start3A_646 = arith.constant 0 : i32
        %dma_start3A_647 = tpu.memref_slice %arg11[%dma_start3A_643, %dma_start3A_645, %dma_start3A_646] : memref<8x128x32xf32, #tpu.memory_space<vmem>> -> memref<1x128x32xf32, #tpu.memory_space<vmem>>
        %dma_start3A_648 = tpu.memref_squeeze %dma_start3A_647 : memref<1x128x32xf32, #tpu.memory_space<vmem>> -> memref<128x32xf32, #tpu.memory_space<vmem>>
        %dma_start3A_649 = arith.constant 0 : i32
        %dma_start3A_650 = tpu.memref_slice %arg9[%add3A_642, %dma_start3A_649] : memref<80x128xi32, #tpu.memory_space<vmem>> -> memref<1x128xi32, #tpu.memory_space<vmem>>
        %dma_start3A_651 = tpu.memref_squeeze %dma_start3A_650 : memref<1x128xi32, #tpu.memory_space<vmem>> -> memref<128xi32, #tpu.memory_space<vmem>>
        %dma_start3A_652 = arith.constant 0 : i32
        %dma_start3A_653 = arith.constant 0 : i32
        %dma_start3A_654 = tpu.memref_slice %arg8[%dma_start3A_652, %dma_start3A_653] : memref<10000x32xf32, #tpu.memory_space<vmem_shared>> -> memref<10000x32xf32, #tpu.memory_space<vmem_shared>>
        %dma_start3A_655 = tpu.memref_slice %arg12[%dma_start3A_644] : memref<8x!tpu.dma_semaphore, #tpu.memory_space<semaphore_mem>> -> memref<1x!tpu.dma_semaphore, #tpu.memory_space<semaphore_mem>>
        %dma_start3A_656 = tpu.memref_squeeze %dma_start3A_655 : memref<1x!tpu.dma_semaphore, #tpu.memory_space<semaphore_mem>> -> memref<!tpu.dma_semaphore, #tpu.memory_space<semaphore_mem>>
        tpu.enqueue_indirect_dma source(%dma_start3A_654 : memref<10000x32xf32, #tpu.memory_space<vmem_shared>>) target(%dma_start3A_648 : memref<128x32xf32, #tpu.memory_space<vmem>>) offsets(%dma_start3A_651 : memref<128xi32, #tpu.memory_space<vmem>>) semaphore(%dma_start3A_656 : memref<!tpu.dma_semaphore, #tpu.memory_space<semaphore_mem>>)
      } else {
      }
      %dma_wait3A_319 = arith.constant 1 : i32
      %dma_wait3A_320 = arith.constant 1 : i32
      %dma_wait3A_321 = arith.constant 0 : i32
      %dma_wait3A_322 = arith.constant 0 : i32
      %dma_wait3A_323 = tpu.memref_slice %arg11[%dma_wait3A_319, %dma_wait3A_321, %dma_wait3A_322] : memref<8x128x32xf32, #tpu.memory_space<vmem>> -> memref<1x128x32xf32, #tpu.memory_space<vmem>>
      %dma_wait3A_324 = tpu.memref_squeeze %dma_wait3A_323 : memref<1x128x32xf32, #tpu.memory_space<vmem>> -> memref<128x32xf32, #tpu.memory_space<vmem>>
      %dma_wait3A_325 = arith.constant 0 : i32
      %dma_wait3A_326 = tpu.memref_slice %arg9[%add3A_301, %dma_wait3A_325] : memref<80x128xi32, #tpu.memory_space<vmem>> -> memref<1x128xi32, #tpu.memory_space<vmem>>
      %dma_wait3A_327 = tpu.memref_squeeze %dma_wait3A_326 : memref<1x128xi32, #tpu.memory_space<vmem>> -> memref<128xi32, #tpu.memory_space<vmem>>
      %dma_wait3A_328 = arith.constant 0 : i32
      %dma_wait3A_329 = arith.constant 0 : i32
      %dma_wait3A_330 = tpu.memref_slice %arg8[%dma_wait3A_328, %dma_wait3A_329] : memref<10000x32xf32, #tpu.memory_space<vmem_shared>> -> memref<10000x32xf32, #tpu.memory_space<vmem_shared>>
      %dma_wait3A_331 = tpu.memref_slice %arg12[%dma_wait3A_320] : memref<8x!tpu.dma_semaphore, #tpu.memory_space<semaphore_mem>> -> memref<1x!tpu.dma_semaphore, #tpu.memory_space<semaphore_mem>>
      %dma_wait3A_332 = tpu.memref_squeeze %dma_wait3A_331 : memref<1x!tpu.dma_semaphore, #tpu.memory_space<semaphore_mem>> -> memref<!tpu.dma_semaphore, #tpu.memory_space<semaphore_mem>>
      tpu.wait_indirect_dma semaphore(%dma_wait3A_332 : memref<!tpu.dma_semaphore, #tpu.memory_space<semaphore_mem>>) src(%dma_wait3A_330 : memref<10000x32xf32, #tpu.memory_space<vmem_shared>>) dst(%dma_wait3A_324 : memref<128x32xf32, #tpu.memory_space<vmem>>)
      %dma_start3A_333 = arith.constant 1 : i32
      %dma_start3A_334 = arith.constant 1 : i32
      %dma_start3A_335 = arith.constant 0 : i32
      %dma_start3A_336 = arith.constant 0 : i32
      %dma_start3A_337 = tpu.memref_slice %arg11[%dma_start3A_333, %dma_start3A_335, %dma_start3A_336] : memref<8x128x32xf32, #tpu.memory_space<vmem>> -> memref<1x128x32xf32, #tpu.memory_space<vmem>>
      %dma_start3A_338 = tpu.memref_squeeze %dma_start3A_337 : memref<1x128x32xf32, #tpu.memory_space<vmem>> -> memref<128x32xf32, #tpu.memory_space<vmem>>
      %dma_start3A_339 = arith.constant 0 : i32
      %dma_start3A_340 = tpu.memref_slice %arg10[%add3A_301, %dma_start3A_339] : memref<80x128xi32, #tpu.memory_space<vmem>> -> memref<1x128xi32, #tpu.memory_space<vmem>>
      %dma_start3A_341 = tpu.memref_squeeze %dma_start3A_340 : memref<1x128xi32, #tpu.memory_space<vmem>> -> memref<128xi32, #tpu.memory_space<vmem>>
      %dma_start3A_342 = arith.constant 0 : i32
      %dma_start3A_343 = arith.constant 0 : i32
      %dma_start3A_344 = tpu.memref_slice %arg7[%dma_start3A_342, %dma_start3A_343] : memref<10112x32xf32, #tpu.memory_space<vmem_shared>> -> memref<10112x32xf32, #tpu.memory_space<vmem_shared>>
      %dma_start3A_345 = tpu.memref_slice %arg13[%dma_start3A_334] : memref<8x!tpu.dma_semaphore, #tpu.memory_space<semaphore_mem>> -> memref<1x!tpu.dma_semaphore, #tpu.memory_space<semaphore_mem>>
      %dma_start3A_346 = tpu.memref_squeeze %dma_start3A_345 : memref<1x!tpu.dma_semaphore, #tpu.memory_space<semaphore_mem>> -> memref<!tpu.dma_semaphore, #tpu.memory_space<semaphore_mem>>
      tpu.enqueue_indirect_dma source(%dma_start3A_338 : memref<128x32xf32, #tpu.memory_space<vmem>>) target(%dma_start3A_344 : memref<10112x32xf32, #tpu.memory_space<vmem_shared>>) offsets(%dma_start3A_341 : memref<128xi32, #tpu.memory_space<vmem>>) semaphore(%dma_start3A_346 : memref<!tpu.dma_semaphore, #tpu.memory_space<semaphore_mem>>) {add = true}
      %mul3A_347 = arith.constant 8 : i32
      %mul3A_348 = arith.muli %scan3A_250, %mul3A_347 : i32
      %add3A_349 = arith.constant 2 : i32
      %add3A_350 = arith.addi %mul3A_348, %add3A_349 : i32
      %ge3A_351 = arith.constant 5 : i32
      %ge3A_352 = arith.cmpi sge, %add3A_350, %ge3A_351 : i32
      %add3A_353 = arith.constant 3 : i32
      %add3A_354 = arith.addi %add3A_350, %add3A_353 : i32
      %lt3A_355 = arith.constant 80 : i32
      %lt3A_356 = arith.cmpi slt, %add3A_354, %lt3A_355 : i32
      %and3A_357 = arith.andi %ge3A_352, %lt3A_356 : i1
      %convert_element_type3A_358 = arith.extui %and3A_357 : i1 to i32
      %cond3A_359 = arith.constant 0 : i32
      %cond3A_360 = arith.cmpi ne, %convert_element_type3A_358, %cond3A_359 : i32
      scf.if %cond3A_360 {
        %dma_wait3A_641 = arith.constant 5 : i32
        %dma_wait3A_642 = arith.constant 5 : i32
        %dma_wait3A_643 = arith.constant 0 : i32
        %dma_wait3A_644 = arith.constant 0 : i32
        %dma_wait3A_645 = tpu.memref_slice %arg11[%dma_wait3A_641, %dma_wait3A_643, %dma_wait3A_644] : memref<8x128x32xf32, #tpu.memory_space<vmem>> -> memref<1x128x32xf32, #tpu.memory_space<vmem>>
        %dma_wait3A_646 = tpu.memref_squeeze %dma_wait3A_645 : memref<1x128x32xf32, #tpu.memory_space<vmem>> -> memref<128x32xf32, #tpu.memory_space<vmem>>
        %dma_wait3A_647 = arith.constant 0 : i32
        %dma_wait3A_648 = tpu.memref_slice %arg10[%add3A_350, %dma_wait3A_647] : memref<80x128xi32, #tpu.memory_space<vmem>> -> memref<1x128xi32, #tpu.memory_space<vmem>>
        %dma_wait3A_649 = tpu.memref_squeeze %dma_wait3A_648 : memref<1x128xi32, #tpu.memory_space<vmem>> -> memref<128xi32, #tpu.memory_space<vmem>>
        %dma_wait3A_650 = arith.constant 0 : i32
        %dma_wait3A_651 = arith.constant 0 : i32
        %dma_wait3A_652 = tpu.memref_slice %arg7[%dma_wait3A_650, %dma_wait3A_651] : memref<10112x32xf32, #tpu.memory_space<vmem_shared>> -> memref<10112x32xf32, #tpu.memory_space<vmem_shared>>
        %dma_wait3A_653 = tpu.memref_slice %arg13[%dma_wait3A_642] : memref<8x!tpu.dma_semaphore, #tpu.memory_space<semaphore_mem>> -> memref<1x!tpu.dma_semaphore, #tpu.memory_space<semaphore_mem>>
        %dma_wait3A_654 = tpu.memref_squeeze %dma_wait3A_653 : memref<1x!tpu.dma_semaphore, #tpu.memory_space<semaphore_mem>> -> memref<!tpu.dma_semaphore, #tpu.memory_space<semaphore_mem>>
        tpu.wait_indirect_dma semaphore(%dma_wait3A_654 : memref<!tpu.dma_semaphore, #tpu.memory_space<semaphore_mem>>) src(%dma_wait3A_646 : memref<128x32xf32, #tpu.memory_space<vmem>>) dst(%dma_wait3A_652 : memref<10112x32xf32, #tpu.memory_space<vmem_shared>>)
      } else {
      }
      %add3A_361 = arith.constant 3 : i32
      %add3A_362 = arith.addi %add3A_350, %add3A_361 : i32
      %lt3A_363 = arith.constant 80 : i32
      %lt3A_364 = arith.cmpi slt, %add3A_362, %lt3A_363 : i32
      %convert_element_type3A_365 = arith.extui %lt3A_364 : i1 to i32
      %cond3A_366 = arith.constant 0 : i32
      %cond3A_367 = arith.cmpi ne, %convert_element_type3A_365, %cond3A_366 : i32
      scf.if %cond3A_367 {
        %add3A_641 = arith.constant 3 : i32
        %add3A_642 = arith.addi %add3A_350, %add3A_641 : i32
        %dma_start3A_643 = arith.constant 5 : i32
        %dma_start3A_644 = arith.constant 5 : i32
        %dma_start3A_645 = arith.constant 0 : i32
        %dma_start3A_646 = arith.constant 0 : i32
        %dma_start3A_647 = tpu.memref_slice %arg11[%dma_start3A_643, %dma_start3A_645, %dma_start3A_646] : memref<8x128x32xf32, #tpu.memory_space<vmem>> -> memref<1x128x32xf32, #tpu.memory_space<vmem>>
        %dma_start3A_648 = tpu.memref_squeeze %dma_start3A_647 : memref<1x128x32xf32, #tpu.memory_space<vmem>> -> memref<128x32xf32, #tpu.memory_space<vmem>>
        %dma_start3A_649 = arith.constant 0 : i32
        %dma_start3A_650 = tpu.memref_slice %arg9[%add3A_642, %dma_start3A_649] : memref<80x128xi32, #tpu.memory_space<vmem>> -> memref<1x128xi32, #tpu.memory_space<vmem>>
        %dma_start3A_651 = tpu.memref_squeeze %dma_start3A_650 : memref<1x128xi32, #tpu.memory_space<vmem>> -> memref<128xi32, #tpu.memory_space<vmem>>
        %dma_start3A_652 = arith.constant 0 : i32
        %dma_start3A_653 = arith.constant 0 : i32
        %dma_start3A_654 = tpu.memref_slice %arg8[%dma_start3A_652, %dma_start3A_653] : memref<10000x32xf32, #tpu.memory_space<vmem_shared>> -> memref<10000x32xf32, #tpu.memory_space<vmem_shared>>
        %dma_start3A_655 = tpu.memref_slice %arg12[%dma_start3A_644] : memref<8x!tpu.dma_semaphore, #tpu.memory_space<semaphore_mem>> -> memref<1x!tpu.dma_semaphore, #tpu.memory_space<semaphore_mem>>
        %dma_start3A_656 = tpu.memref_squeeze %dma_start3A_655 : memref<1x!tpu.dma_semaphore, #tpu.memory_space<semaphore_mem>> -> memref<!tpu.dma_semaphore, #tpu.memory_space<semaphore_mem>>
        tpu.enqueue_indirect_dma source(%dma_start3A_654 : memref<10000x32xf32, #tpu.memory_space<vmem_shared>>) target(%dma_start3A_648 : memref<128x32xf32, #tpu.memory_space<vmem>>) offsets(%dma_start3A_651 : memref<128xi32, #tpu.memory_space<vmem>>) semaphore(%dma_start3A_656 : memref<!tpu.dma_semaphore, #tpu.memory_space<semaphore_mem>>)
      } else {
      }
      %dma_wait3A_368 = arith.constant 2 : i32
      %dma_wait3A_369 = arith.constant 2 : i32
      %dma_wait3A_370 = arith.constant 0 : i32
      %dma_wait3A_371 = arith.constant 0 : i32
      %dma_wait3A_372 = tpu.memref_slice %arg11[%dma_wait3A_368, %dma_wait3A_370, %dma_wait3A_371] : memref<8x128x32xf32, #tpu.memory_space<vmem>> -> memref<1x128x32xf32, #tpu.memory_space<vmem>>
      %dma_wait3A_373 = tpu.memref_squeeze %dma_wait3A_372 : memref<1x128x32xf32, #tpu.memory_space<vmem>> -> memref<128x32xf32, #tpu.memory_space<vmem>>
      %dma_wait3A_374 = arith.constant 0 : i32
      %dma_wait3A_375 = tpu.memref_slice %arg9[%add3A_350, %dma_wait3A_374] : memref<80x128xi32, #tpu.memory_space<vmem>> -> memref<1x128xi32, #tpu.memory_space<vmem>>
      %dma_wait3A_376 = tpu.memref_squeeze %dma_wait3A_375 : memref<1x128xi32, #tpu.memory_space<vmem>> -> memref<128xi32, #tpu.memory_space<vmem>>
      %dma_wait3A_377 = arith.constant 0 : i32
      %dma_wait3A_378 = arith.constant 0 : i32
      %dma_wait3A_379 = tpu.memref_slice %arg8[%dma_wait3A_377, %dma_wait3A_378] : memref<10000x32xf32, #tpu.memory_space<vmem_shared>> -> memref<10000x32xf32, #tpu.memory_space<vmem_shared>>
      %dma_wait3A_380 = tpu.memref_slice %arg12[%dma_wait3A_369] : memref<8x!tpu.dma_semaphore, #tpu.memory_space<semaphore_mem>> -> memref<1x!tpu.dma_semaphore, #tpu.memory_space<semaphore_mem>>
      %dma_wait3A_381 = tpu.memref_squeeze %dma_wait3A_380 : memref<1x!tpu.dma_semaphore, #tpu.memory_space<semaphore_mem>> -> memref<!tpu.dma_semaphore, #tpu.memory_space<semaphore_mem>>
      tpu.wait_indirect_dma semaphore(%dma_wait3A_381 : memref<!tpu.dma_semaphore, #tpu.memory_space<semaphore_mem>>) src(%dma_wait3A_379 : memref<10000x32xf32, #tpu.memory_space<vmem_shared>>) dst(%dma_wait3A_373 : memref<128x32xf32, #tpu.memory_space<vmem>>)
      %dma_start3A_382 = arith.constant 2 : i32
      %dma_start3A_383 = arith.constant 2 : i32
      %dma_start3A_384 = arith.constant 0 : i32
      %dma_start3A_385 = arith.constant 0 : i32
      %dma_start3A_386 = tpu.memref_slice %arg11[%dma_start3A_382, %dma_start3A_384, %dma_start3A_385] : memref<8x128x32xf32, #tpu.memory_space<vmem>> -> memref<1x128x32xf32, #tpu.memory_space<vmem>>
      %dma_start3A_387 = tpu.memref_squeeze %dma_start3A_386 : memref<1x128x32xf32, #tpu.memory_space<vmem>> -> memref<128x32xf32, #tpu.memory_space<vmem>>
      %dma_start3A_388 = arith.constant 0 : i32
      %dma_start3A_389 = tpu.memref_slice %arg10[%add3A_350, %dma_start3A_388] : memref<80x128xi32, #tpu.memory_space<vmem>> -> memref<1x128xi32, #tpu.memory_space<vmem>>
      %dma_start3A_390 = tpu.memref_squeeze %dma_start3A_389 : memref<1x128xi32, #tpu.memory_space<vmem>> -> memref<128xi32, #tpu.memory_space<vmem>>
      %dma_start3A_391 = arith.constant 0 : i32
      %dma_start3A_392 = arith.constant 0 : i32
      %dma_start3A_393 = tpu.memref_slice %arg7[%dma_start3A_391, %dma_start3A_392] : memref<10112x32xf32, #tpu.memory_space<vmem_shared>> -> memref<10112x32xf32, #tpu.memory_space<vmem_shared>>
      %dma_start3A_394 = tpu.memref_slice %arg13[%dma_start3A_383] : memref<8x!tpu.dma_semaphore, #tpu.memory_space<semaphore_mem>> -> memref<1x!tpu.dma_semaphore, #tpu.memory_space<semaphore_mem>>
      %dma_start3A_395 = tpu.memref_squeeze %dma_start3A_394 : memref<1x!tpu.dma_semaphore, #tpu.memory_space<semaphore_mem>> -> memref<!tpu.dma_semaphore, #tpu.memory_space<semaphore_mem>>
      tpu.enqueue_indirect_dma source(%dma_start3A_387 : memref<128x32xf32, #tpu.memory_space<vmem>>) target(%dma_start3A_393 : memref<10112x32xf32, #tpu.memory_space<vmem_shared>>) offsets(%dma_start3A_390 : memref<128xi32, #tpu.memory_space<vmem>>) semaphore(%dma_start3A_395 : memref<!tpu.dma_semaphore, #tpu.memory_space<semaphore_mem>>) {add = true}
      %mul3A_396 = arith.constant 8 : i32
      %mul3A_397 = arith.muli %scan3A_250, %mul3A_396 : i32
      %add3A_398 = arith.constant 3 : i32
      %add3A_399 = arith.addi %mul3A_397, %add3A_398 : i32
      %ge3A_400 = arith.constant 5 : i32
      %ge3A_401 = arith.cmpi sge, %add3A_399, %ge3A_400 : i32
      %add3A_402 = arith.constant 3 : i32
      %add3A_403 = arith.addi %add3A_399, %add3A_402 : i32
      %lt3A_404 = arith.constant 80 : i32
      %lt3A_405 = arith.cmpi slt, %add3A_403, %lt3A_404 : i32
      %and3A_406 = arith.andi %ge3A_401, %lt3A_405 : i1
      %convert_element_type3A_407 = arith.extui %and3A_406 : i1 to i32
      %cond3A_408 = arith.constant 0 : i32
      %cond3A_409 = arith.cmpi ne, %convert_element_type3A_407, %cond3A_408 : i32
      scf.if %cond3A_409 {
        %dma_wait3A_641 = arith.constant 6 : i32
        %dma_wait3A_642 = arith.constant 6 : i32
        %dma_wait3A_643 = arith.constant 0 : i32
        %dma_wait3A_644 = arith.constant 0 : i32
        %dma_wait3A_645 = tpu.memref_slice %arg11[%dma_wait3A_641, %dma_wait3A_643, %dma_wait3A_644] : memref<8x128x32xf32, #tpu.memory_space<vmem>> -> memref<1x128x32xf32, #tpu.memory_space<vmem>>
        %dma_wait3A_646 = tpu.memref_squeeze %dma_wait3A_645 : memref<1x128x32xf32, #tpu.memory_space<vmem>> -> memref<128x32xf32, #tpu.memory_space<vmem>>
        %dma_wait3A_647 = arith.constant 0 : i32
        %dma_wait3A_648 = tpu.memref_slice %arg10[%add3A_399, %dma_wait3A_647] : memref<80x128xi32, #tpu.memory_space<vmem>> -> memref<1x128xi32, #tpu.memory_space<vmem>>
        %dma_wait3A_649 = tpu.memref_squeeze %dma_wait3A_648 : memref<1x128xi32, #tpu.memory_space<vmem>> -> memref<128xi32, #tpu.memory_space<vmem>>
        %dma_wait3A_650 = arith.constant 0 : i32
        %dma_wait3A_651 = arith.constant 0 : i32
        %dma_wait3A_652 = tpu.memref_slice %arg7[%dma_wait3A_650, %dma_wait3A_651] : memref<10112x32xf32, #tpu.memory_space<vmem_shared>> -> memref<10112x32xf32, #tpu.memory_space<vmem_shared>>
        %dma_wait3A_653 = tpu.memref_slice %arg13[%dma_wait3A_642] : memref<8x!tpu.dma_semaphore, #tpu.memory_space<semaphore_mem>> -> memref<1x!tpu.dma_semaphore, #tpu.memory_space<semaphore_mem>>
        %dma_wait3A_654 = tpu.memref_squeeze %dma_wait3A_653 : memref<1x!tpu.dma_semaphore, #tpu.memory_space<semaphore_mem>> -> memref<!tpu.dma_semaphore, #tpu.memory_space<semaphore_mem>>
        tpu.wait_indirect_dma semaphore(%dma_wait3A_654 : memref<!tpu.dma_semaphore, #tpu.memory_space<semaphore_mem>>) src(%dma_wait3A_646 : memref<128x32xf32, #tpu.memory_space<vmem>>) dst(%dma_wait3A_652 : memref<10112x32xf32, #tpu.memory_space<vmem_shared>>)
      } else {
      }
      %add3A_410 = arith.constant 3 : i32
      %add3A_411 = arith.addi %add3A_399, %add3A_410 : i32
      %lt3A_412 = arith.constant 80 : i32
      %lt3A_413 = arith.cmpi slt, %add3A_411, %lt3A_412 : i32
      %convert_element_type3A_414 = arith.extui %lt3A_413 : i1 to i32
      %cond3A_415 = arith.constant 0 : i32
      %cond3A_416 = arith.cmpi ne, %convert_element_type3A_414, %cond3A_415 : i32
      scf.if %cond3A_416 {
        %add3A_641 = arith.constant 3 : i32
        %add3A_642 = arith.addi %add3A_399, %add3A_641 : i32
        %dma_start3A_643 = arith.constant 6 : i32
        %dma_start3A_644 = arith.constant 6 : i32
        %dma_start3A_645 = arith.constant 0 : i32
        %dma_start3A_646 = arith.constant 0 : i32
        %dma_start3A_647 = tpu.memref_slice %arg11[%dma_start3A_643, %dma_start3A_645, %dma_start3A_646] : memref<8x128x32xf32, #tpu.memory_space<vmem>> -> memref<1x128x32xf32, #tpu.memory_space<vmem>>
        %dma_start3A_648 = tpu.memref_squeeze %dma_start3A_647 : memref<1x128x32xf32, #tpu.memory_space<vmem>> -> memref<128x32xf32, #tpu.memory_space<vmem>>
        %dma_start3A_649 = arith.constant 0 : i32
        %dma_start3A_650 = tpu.memref_slice %arg9[%add3A_642, %dma_start3A_649] : memref<80x128xi32, #tpu.memory_space<vmem>> -> memref<1x128xi32, #tpu.memory_space<vmem>>
        %dma_start3A_651 = tpu.memref_squeeze %dma_start3A_650 : memref<1x128xi32, #tpu.memory_space<vmem>> -> memref<128xi32, #tpu.memory_space<vmem>>
        %dma_start3A_652 = arith.constant 0 : i32
        %dma_start3A_653 = arith.constant 0 : i32
        %dma_start3A_654 = tpu.memref_slice %arg8[%dma_start3A_652, %dma_start3A_653] : memref<10000x32xf32, #tpu.memory_space<vmem_shared>> -> memref<10000x32xf32, #tpu.memory_space<vmem_shared>>
        %dma_start3A_655 = tpu.memref_slice %arg12[%dma_start3A_644] : memref<8x!tpu.dma_semaphore, #tpu.memory_space<semaphore_mem>> -> memref<1x!tpu.dma_semaphore, #tpu.memory_space<semaphore_mem>>
        %dma_start3A_656 = tpu.memref_squeeze %dma_start3A_655 : memref<1x!tpu.dma_semaphore, #tpu.memory_space<semaphore_mem>> -> memref<!tpu.dma_semaphore, #tpu.memory_space<semaphore_mem>>
        tpu.enqueue_indirect_dma source(%dma_start3A_654 : memref<10000x32xf32, #tpu.memory_space<vmem_shared>>) target(%dma_start3A_648 : memref<128x32xf32, #tpu.memory_space<vmem>>) offsets(%dma_start3A_651 : memref<128xi32, #tpu.memory_space<vmem>>) semaphore(%dma_start3A_656 : memref<!tpu.dma_semaphore, #tpu.memory_space<semaphore_mem>>)
      } else {
      }
      %dma_wait3A_417 = arith.constant 3 : i32
      %dma_wait3A_418 = arith.constant 3 : i32
      %dma_wait3A_419 = arith.constant 0 : i32
      %dma_wait3A_420 = arith.constant 0 : i32
      %dma_wait3A_421 = tpu.memref_slice %arg11[%dma_wait3A_417, %dma_wait3A_419, %dma_wait3A_420] : memref<8x128x32xf32, #tpu.memory_space<vmem>> -> memref<1x128x32xf32, #tpu.memory_space<vmem>>
      %dma_wait3A_422 = tpu.memref_squeeze %dma_wait3A_421 : memref<1x128x32xf32, #tpu.memory_space<vmem>> -> memref<128x32xf32, #tpu.memory_space<vmem>>
      %dma_wait3A_423 = arith.constant 0 : i32
      %dma_wait3A_424 = tpu.memref_slice %arg9[%add3A_399, %dma_wait3A_423] : memref<80x128xi32, #tpu.memory_space<vmem>> -> memref<1x128xi32, #tpu.memory_space<vmem>>
      %dma_wait3A_425 = tpu.memref_squeeze %dma_wait3A_424 : memref<1x128xi32, #tpu.memory_space<vmem>> -> memref<128xi32, #tpu.memory_space<vmem>>
      %dma_wait3A_426 = arith.constant 0 : i32
      %dma_wait3A_427 = arith.constant 0 : i32
      %dma_wait3A_428 = tpu.memref_slice %arg8[%dma_wait3A_426, %dma_wait3A_427] : memref<10000x32xf32, #tpu.memory_space<vmem_shared>> -> memref<10000x32xf32, #tpu.memory_space<vmem_shared>>
      %dma_wait3A_429 = tpu.memref_slice %arg12[%dma_wait3A_418] : memref<8x!tpu.dma_semaphore, #tpu.memory_space<semaphore_mem>> -> memref<1x!tpu.dma_semaphore, #tpu.memory_space<semaphore_mem>>
      %dma_wait3A_430 = tpu.memref_squeeze %dma_wait3A_429 : memref<1x!tpu.dma_semaphore, #tpu.memory_space<semaphore_mem>> -> memref<!tpu.dma_semaphore, #tpu.memory_space<semaphore_mem>>
      tpu.wait_indirect_dma semaphore(%dma_wait3A_430 : memref<!tpu.dma_semaphore, #tpu.memory_space<semaphore_mem>>) src(%dma_wait3A_428 : memref<10000x32xf32, #tpu.memory_space<vmem_shared>>) dst(%dma_wait3A_422 : memref<128x32xf32, #tpu.memory_space<vmem>>)
      %dma_start3A_431 = arith.constant 3 : i32
      %dma_start3A_432 = arith.constant 3 : i32
      %dma_start3A_433 = arith.constant 0 : i32
      %dma_start3A_434 = arith.constant 0 : i32
      %dma_start3A_435 = tpu.memref_slice %arg11[%dma_start3A_431, %dma_start3A_433, %dma_start3A_434] : memref<8x128x32xf32, #tpu.memory_space<vmem>> -> memref<1x128x32xf32, #tpu.memory_space<vmem>>
      %dma_start3A_436 = tpu.memref_squeeze %dma_start3A_435 : memref<1x128x32xf32, #tpu.memory_space<vmem>> -> memref<128x32xf32, #tpu.memory_space<vmem>>
      %dma_start3A_437 = arith.constant 0 : i32
      %dma_start3A_438 = tpu.memref_slice %arg10[%add3A_399, %dma_start3A_437] : memref<80x128xi32, #tpu.memory_space<vmem>> -> memref<1x128xi32, #tpu.memory_space<vmem>>
      %dma_start3A_439 = tpu.memref_squeeze %dma_start3A_438 : memref<1x128xi32, #tpu.memory_space<vmem>> -> memref<128xi32, #tpu.memory_space<vmem>>
      %dma_start3A_440 = arith.constant 0 : i32
      %dma_start3A_441 = arith.constant 0 : i32
      %dma_start3A_442 = tpu.memref_slice %arg7[%dma_start3A_440, %dma_start3A_441] : memref<10112x32xf32, #tpu.memory_space<vmem_shared>> -> memref<10112x32xf32, #tpu.memory_space<vmem_shared>>
      %dma_start3A_443 = tpu.memref_slice %arg13[%dma_start3A_432] : memref<8x!tpu.dma_semaphore, #tpu.memory_space<semaphore_mem>> -> memref<1x!tpu.dma_semaphore, #tpu.memory_space<semaphore_mem>>
      %dma_start3A_444 = tpu.memref_squeeze %dma_start3A_443 : memref<1x!tpu.dma_semaphore, #tpu.memory_space<semaphore_mem>> -> memref<!tpu.dma_semaphore, #tpu.memory_space<semaphore_mem>>
      tpu.enqueue_indirect_dma source(%dma_start3A_436 : memref<128x32xf32, #tpu.memory_space<vmem>>) target(%dma_start3A_442 : memref<10112x32xf32, #tpu.memory_space<vmem_shared>>) offsets(%dma_start3A_439 : memref<128xi32, #tpu.memory_space<vmem>>) semaphore(%dma_start3A_444 : memref<!tpu.dma_semaphore, #tpu.memory_space<semaphore_mem>>) {add = true}
      %mul3A_445 = arith.constant 8 : i32
      %mul3A_446 = arith.muli %scan3A_250, %mul3A_445 : i32
      %add3A_447 = arith.constant 4 : i32
      %add3A_448 = arith.addi %mul3A_446, %add3A_447 : i32
      %ge3A_449 = arith.constant 5 : i32
      %ge3A_450 = arith.cmpi sge, %add3A_448, %ge3A_449 : i32
      %add3A_451 = arith.constant 3 : i32
      %add3A_452 = arith.addi %add3A_448, %add3A_451 : i32
      %lt3A_453 = arith.constant 80 : i32
      %lt3A_454 = arith.cmpi slt, %add3A_452, %lt3A_453 : i32
      %and3A_455 = arith.andi %ge3A_450, %lt3A_454 : i1
      %convert_element_type3A_456 = arith.extui %and3A_455 : i1 to i32
      %cond3A_457 = arith.constant 0 : i32
      %cond3A_458 = arith.cmpi ne, %convert_element_type3A_456, %cond3A_457 : i32
      scf.if %cond3A_458 {
        %dma_wait3A_641 = arith.constant 7 : i32
        %dma_wait3A_642 = arith.constant 7 : i32
        %dma_wait3A_643 = arith.constant 0 : i32
        %dma_wait3A_644 = arith.constant 0 : i32
        %dma_wait3A_645 = tpu.memref_slice %arg11[%dma_wait3A_641, %dma_wait3A_643, %dma_wait3A_644] : memref<8x128x32xf32, #tpu.memory_space<vmem>> -> memref<1x128x32xf32, #tpu.memory_space<vmem>>
        %dma_wait3A_646 = tpu.memref_squeeze %dma_wait3A_645 : memref<1x128x32xf32, #tpu.memory_space<vmem>> -> memref<128x32xf32, #tpu.memory_space<vmem>>
        %dma_wait3A_647 = arith.constant 0 : i32
        %dma_wait3A_648 = tpu.memref_slice %arg10[%add3A_448, %dma_wait3A_647] : memref<80x128xi32, #tpu.memory_space<vmem>> -> memref<1x128xi32, #tpu.memory_space<vmem>>
        %dma_wait3A_649 = tpu.memref_squeeze %dma_wait3A_648 : memref<1x128xi32, #tpu.memory_space<vmem>> -> memref<128xi32, #tpu.memory_space<vmem>>
        %dma_wait3A_650 = arith.constant 0 : i32
        %dma_wait3A_651 = arith.constant 0 : i32
        %dma_wait3A_652 = tpu.memref_slice %arg7[%dma_wait3A_650, %dma_wait3A_651] : memref<10112x32xf32, #tpu.memory_space<vmem_shared>> -> memref<10112x32xf32, #tpu.memory_space<vmem_shared>>
        %dma_wait3A_653 = tpu.memref_slice %arg13[%dma_wait3A_642] : memref<8x!tpu.dma_semaphore, #tpu.memory_space<semaphore_mem>> -> memref<1x!tpu.dma_semaphore, #tpu.memory_space<semaphore_mem>>
        %dma_wait3A_654 = tpu.memref_squeeze %dma_wait3A_653 : memref<1x!tpu.dma_semaphore, #tpu.memory_space<semaphore_mem>> -> memref<!tpu.dma_semaphore, #tpu.memory_space<semaphore_mem>>
        tpu.wait_indirect_dma semaphore(%dma_wait3A_654 : memref<!tpu.dma_semaphore, #tpu.memory_space<semaphore_mem>>) src(%dma_wait3A_646 : memref<128x32xf32, #tpu.memory_space<vmem>>) dst(%dma_wait3A_652 : memref<10112x32xf32, #tpu.memory_space<vmem_shared>>)
      } else {
      }
      %add3A_459 = arith.constant 3 : i32
      %add3A_460 = arith.addi %add3A_448, %add3A_459 : i32
      %lt3A_461 = arith.constant 80 : i32
      %lt3A_462 = arith.cmpi slt, %add3A_460, %lt3A_461 : i32
      %convert_element_type3A_463 = arith.extui %lt3A_462 : i1 to i32
      %cond3A_464 = arith.constant 0 : i32
      %cond3A_465 = arith.cmpi ne, %convert_element_type3A_463, %cond3A_464 : i32
      scf.if %cond3A_465 {
        %add3A_641 = arith.constant 3 : i32
        %add3A_642 = arith.addi %add3A_448, %add3A_641 : i32
        %dma_start3A_643 = arith.constant 7 : i32
        %dma_start3A_644 = arith.constant 7 : i32
        %dma_start3A_645 = arith.constant 0 : i32
        %dma_start3A_646 = arith.constant 0 : i32
        %dma_start3A_647 = tpu.memref_slice %arg11[%dma_start3A_643, %dma_start3A_645, %dma_start3A_646] : memref<8x128x32xf32, #tpu.memory_space<vmem>> -> memref<1x128x32xf32, #tpu.memory_space<vmem>>
        %dma_start3A_648 = tpu.memref_squeeze %dma_start3A_647 : memref<1x128x32xf32, #tpu.memory_space<vmem>> -> memref<128x32xf32, #tpu.memory_space<vmem>>
        %dma_start3A_649 = arith.constant 0 : i32
        %dma_start3A_650 = tpu.memref_slice %arg9[%add3A_642, %dma_start3A_649] : memref<80x128xi32, #tpu.memory_space<vmem>> -> memref<1x128xi32, #tpu.memory_space<vmem>>
        %dma_start3A_651 = tpu.memref_squeeze %dma_start3A_650 : memref<1x128xi32, #tpu.memory_space<vmem>> -> memref<128xi32, #tpu.memory_space<vmem>>
        %dma_start3A_652 = arith.constant 0 : i32
        %dma_start3A_653 = arith.constant 0 : i32
        %dma_start3A_654 = tpu.memref_slice %arg8[%dma_start3A_652, %dma_start3A_653] : memref<10000x32xf32, #tpu.memory_space<vmem_shared>> -> memref<10000x32xf32, #tpu.memory_space<vmem_shared>>
        %dma_start3A_655 = tpu.memref_slice %arg12[%dma_start3A_644] : memref<8x!tpu.dma_semaphore, #tpu.memory_space<semaphore_mem>> -> memref<1x!tpu.dma_semaphore, #tpu.memory_space<semaphore_mem>>
        %dma_start3A_656 = tpu.memref_squeeze %dma_start3A_655 : memref<1x!tpu.dma_semaphore, #tpu.memory_space<semaphore_mem>> -> memref<!tpu.dma_semaphore, #tpu.memory_space<semaphore_mem>>
        tpu.enqueue_indirect_dma source(%dma_start3A_654 : memref<10000x32xf32, #tpu.memory_space<vmem_shared>>) target(%dma_start3A_648 : memref<128x32xf32, #tpu.memory_space<vmem>>) offsets(%dma_start3A_651 : memref<128xi32, #tpu.memory_space<vmem>>) semaphore(%dma_start3A_656 : memref<!tpu.dma_semaphore, #tpu.memory_space<semaphore_mem>>)
      } else {
      }
      %dma_wait3A_466 = arith.constant 4 : i32
      %dma_wait3A_467 = arith.constant 4 : i32
      %dma_wait3A_468 = arith.constant 0 : i32
      %dma_wait3A_469 = arith.constant 0 : i32
      %dma_wait3A_470 = tpu.memref_slice %arg11[%dma_wait3A_466, %dma_wait3A_468, %dma_wait3A_469] : memref<8x128x32xf32, #tpu.memory_space<vmem>> -> memref<1x128x32xf32, #tpu.memory_space<vmem>>
      %dma_wait3A_471 = tpu.memref_squeeze %dma_wait3A_470 : memref<1x128x32xf32, #tpu.memory_space<vmem>> -> memref<128x32xf32, #tpu.memory_space<vmem>>
      %dma_wait3A_472 = arith.constant 0 : i32
      %dma_wait3A_473 = tpu.memref_slice %arg9[%add3A_448, %dma_wait3A_472] : memref<80x128xi32, #tpu.memory_space<vmem>> -> memref<1x128xi32, #tpu.memory_space<vmem>>
      %dma_wait3A_474 = tpu.memref_squeeze %dma_wait3A_473 : memref<1x128xi32, #tpu.memory_space<vmem>> -> memref<128xi32, #tpu.memory_space<vmem>>
      %dma_wait3A_475 = arith.constant 0 : i32
      %dma_wait3A_476 = arith.constant 0 : i32
      %dma_wait3A_477 = tpu.memref_slice %arg8[%dma_wait3A_475, %dma_wait3A_476] : memref<10000x32xf32, #tpu.memory_space<vmem_shared>> -> memref<10000x32xf32, #tpu.memory_space<vmem_shared>>
      %dma_wait3A_478 = tpu.memref_slice %arg12[%dma_wait3A_467] : memref<8x!tpu.dma_semaphore, #tpu.memory_space<semaphore_mem>> -> memref<1x!tpu.dma_semaphore, #tpu.memory_space<semaphore_mem>>
      %dma_wait3A_479 = tpu.memref_squeeze %dma_wait3A_478 : memref<1x!tpu.dma_semaphore, #tpu.memory_space<semaphore_mem>> -> memref<!tpu.dma_semaphore, #tpu.memory_space<semaphore_mem>>
      tpu.wait_indirect_dma semaphore(%dma_wait3A_479 : memref<!tpu.dma_semaphore, #tpu.memory_space<semaphore_mem>>) src(%dma_wait3A_477 : memref<10000x32xf32, #tpu.memory_space<vmem_shared>>) dst(%dma_wait3A_471 : memref<128x32xf32, #tpu.memory_space<vmem>>)
      %dma_start3A_480 = arith.constant 4 : i32
      %dma_start3A_481 = arith.constant 4 : i32
      %dma_start3A_482 = arith.constant 0 : i32
      %dma_start3A_483 = arith.constant 0 : i32
      %dma_start3A_484 = tpu.memref_slice %arg11[%dma_start3A_480, %dma_start3A_482, %dma_start3A_483] : memref<8x128x32xf32, #tpu.memory_space<vmem>> -> memref<1x128x32xf32, #tpu.memory_space<vmem>>
      %dma_start3A_485 = tpu.memref_squeeze %dma_start3A_484 : memref<1x128x32xf32, #tpu.memory_space<vmem>> -> memref<128x32xf32, #tpu.memory_space<vmem>>
      %dma_start3A_486 = arith.constant 0 : i32
      %dma_start3A_487 = tpu.memref_slice %arg10[%add3A_448, %dma_start3A_486] : memref<80x128xi32, #tpu.memory_space<vmem>> -> memref<1x128xi32, #tpu.memory_space<vmem>>
      %dma_start3A_488 = tpu.memref_squeeze %dma_start3A_487 : memref<1x128xi32, #tpu.memory_space<vmem>> -> memref<128xi32, #tpu.memory_space<vmem>>
      %dma_start3A_489 = arith.constant 0 : i32
      %dma_start3A_490 = arith.constant 0 : i32
      %dma_start3A_491 = tpu.memref_slice %arg7[%dma_start3A_489, %dma_start3A_490] : memref<10112x32xf32, #tpu.memory_space<vmem_shared>> -> memref<10112x32xf32, #tpu.memory_space<vmem_shared>>
      %dma_start3A_492 = tpu.memref_slice %arg13[%dma_start3A_481] : memref<8x!tpu.dma_semaphore, #tpu.memory_space<semaphore_mem>> -> memref<1x!tpu.dma_semaphore, #tpu.memory_space<semaphore_mem>>
      %dma_start3A_493 = tpu.memref_squeeze %dma_start3A_492 : memref<1x!tpu.dma_semaphore, #tpu.memory_space<semaphore_mem>> -> memref<!tpu.dma_semaphore, #tpu.memory_space<semaphore_mem>>
      tpu.enqueue_indirect_dma source(%dma_start3A_485 : memref<128x32xf32, #tpu.memory_space<vmem>>) target(%dma_start3A_491 : memref<10112x32xf32, #tpu.memory_space<vmem_shared>>) offsets(%dma_start3A_488 : memref<128xi32, #tpu.memory_space<vmem>>) semaphore(%dma_start3A_493 : memref<!tpu.dma_semaphore, #tpu.memory_space<semaphore_mem>>) {add = true}
      %mul3A_494 = arith.constant 8 : i32
      %mul3A_495 = arith.muli %scan3A_250, %mul3A_494 : i32
      %add3A_496 = arith.constant 5 : i32
      %add3A_497 = arith.addi %mul3A_495, %add3A_496 : i32
      %ge3A_498 = arith.constant 5 : i32
      %ge3A_499 = arith.cmpi sge, %add3A_497, %ge3A_498 : i32
      %add3A_500 = arith.constant 3 : i32
      %add3A_501 = arith.addi %add3A_497, %add3A_500 : i32
      %lt3A_502 = arith.constant 80 : i32
      %lt3A_503 = arith.cmpi slt, %add3A_501, %lt3A_502 : i32
      %and3A_504 = arith.andi %ge3A_499, %lt3A_503 : i1
      %convert_element_type3A_505 = arith.extui %and3A_504 : i1 to i32
      %cond3A_506 = arith.constant 0 : i32
      %cond3A_507 = arith.cmpi ne, %convert_element_type3A_505, %cond3A_506 : i32
      scf.if %cond3A_507 {
        %dma_wait3A_641 = arith.constant 0 : i32
        %dma_wait3A_642 = arith.constant 0 : i32
        %dma_wait3A_643 = arith.constant 0 : i32
        %dma_wait3A_644 = arith.constant 0 : i32
        %dma_wait3A_645 = tpu.memref_slice %arg11[%dma_wait3A_641, %dma_wait3A_643, %dma_wait3A_644] : memref<8x128x32xf32, #tpu.memory_space<vmem>> -> memref<1x128x32xf32, #tpu.memory_space<vmem>>
        %dma_wait3A_646 = tpu.memref_squeeze %dma_wait3A_645 : memref<1x128x32xf32, #tpu.memory_space<vmem>> -> memref<128x32xf32, #tpu.memory_space<vmem>>
        %dma_wait3A_647 = arith.constant 0 : i32
        %dma_wait3A_648 = tpu.memref_slice %arg10[%add3A_497, %dma_wait3A_647] : memref<80x128xi32, #tpu.memory_space<vmem>> -> memref<1x128xi32, #tpu.memory_space<vmem>>
        %dma_wait3A_649 = tpu.memref_squeeze %dma_wait3A_648 : memref<1x128xi32, #tpu.memory_space<vmem>> -> memref<128xi32, #tpu.memory_space<vmem>>
        %dma_wait3A_650 = arith.constant 0 : i32
        %dma_wait3A_651 = arith.constant 0 : i32
        %dma_wait3A_652 = tpu.memref_slice %arg7[%dma_wait3A_650, %dma_wait3A_651] : memref<10112x32xf32, #tpu.memory_space<vmem_shared>> -> memref<10112x32xf32, #tpu.memory_space<vmem_shared>>
        %dma_wait3A_653 = tpu.memref_slice %arg13[%dma_wait3A_642] : memref<8x!tpu.dma_semaphore, #tpu.memory_space<semaphore_mem>> -> memref<1x!tpu.dma_semaphore, #tpu.memory_space<semaphore_mem>>
        %dma_wait3A_654 = tpu.memref_squeeze %dma_wait3A_653 : memref<1x!tpu.dma_semaphore, #tpu.memory_space<semaphore_mem>> -> memref<!tpu.dma_semaphore, #tpu.memory_space<semaphore_mem>>
        tpu.wait_indirect_dma semaphore(%dma_wait3A_654 : memref<!tpu.dma_semaphore, #tpu.memory_space<semaphore_mem>>) src(%dma_wait3A_646 : memref<128x32xf32, #tpu.memory_space<vmem>>) dst(%dma_wait3A_652 : memref<10112x32xf32, #tpu.memory_space<vmem_shared>>)
      } else {
      }
      %add3A_508 = arith.constant 3 : i32
      %add3A_509 = arith.addi %add3A_497, %add3A_508 : i32
      %lt3A_510 = arith.constant 80 : i32
      %lt3A_511 = arith.cmpi slt, %add3A_509, %lt3A_510 : i32
      %convert_element_type3A_512 = arith.extui %lt3A_511 : i1 to i32
      %cond3A_513 = arith.constant 0 : i32
      %cond3A_514 = arith.cmpi ne, %convert_element_type3A_512, %cond3A_513 : i32
      scf.if %cond3A_514 {
        %add3A_641 = arith.constant 3 : i32
        %add3A_642 = arith.addi %add3A_497, %add3A_641 : i32
        %dma_start3A_643 = arith.constant 0 : i32
        %dma_start3A_644 = arith.constant 0 : i32
        %dma_start3A_645 = arith.constant 0 : i32
        %dma_start3A_646 = arith.constant 0 : i32
        %dma_start3A_647 = tpu.memref_slice %arg11[%dma_start3A_643, %dma_start3A_645, %dma_start3A_646] : memref<8x128x32xf32, #tpu.memory_space<vmem>> -> memref<1x128x32xf32, #tpu.memory_space<vmem>>
        %dma_start3A_648 = tpu.memref_squeeze %dma_start3A_647 : memref<1x128x32xf32, #tpu.memory_space<vmem>> -> memref<128x32xf32, #tpu.memory_space<vmem>>
        %dma_start3A_649 = arith.constant 0 : i32
        %dma_start3A_650 = tpu.memref_slice %arg9[%add3A_642, %dma_start3A_649] : memref<80x128xi32, #tpu.memory_space<vmem>> -> memref<1x128xi32, #tpu.memory_space<vmem>>
        %dma_start3A_651 = tpu.memref_squeeze %dma_start3A_650 : memref<1x128xi32, #tpu.memory_space<vmem>> -> memref<128xi32, #tpu.memory_space<vmem>>
        %dma_start3A_652 = arith.constant 0 : i32
        %dma_start3A_653 = arith.constant 0 : i32
        %dma_start3A_654 = tpu.memref_slice %arg8[%dma_start3A_652, %dma_start3A_653] : memref<10000x32xf32, #tpu.memory_space<vmem_shared>> -> memref<10000x32xf32, #tpu.memory_space<vmem_shared>>
        %dma_start3A_655 = tpu.memref_slice %arg12[%dma_start3A_644] : memref<8x!tpu.dma_semaphore, #tpu.memory_space<semaphore_mem>> -> memref<1x!tpu.dma_semaphore, #tpu.memory_space<semaphore_mem>>
        %dma_start3A_656 = tpu.memref_squeeze %dma_start3A_655 : memref<1x!tpu.dma_semaphore, #tpu.memory_space<semaphore_mem>> -> memref<!tpu.dma_semaphore, #tpu.memory_space<semaphore_mem>>
        tpu.enqueue_indirect_dma source(%dma_start3A_654 : memref<10000x32xf32, #tpu.memory_space<vmem_shared>>) target(%dma_start3A_648 : memref<128x32xf32, #tpu.memory_space<vmem>>) offsets(%dma_start3A_651 : memref<128xi32, #tpu.memory_space<vmem>>) semaphore(%dma_start3A_656 : memref<!tpu.dma_semaphore, #tpu.memory_space<semaphore_mem>>)
      } else {
      }
      %dma_wait3A_515 = arith.constant 5 : i32
      %dma_wait3A_516 = arith.constant 5 : i32
      %dma_wait3A_517 = arith.constant 0 : i32
      %dma_wait3A_518 = arith.constant 0 : i32
      %dma_wait3A_519 = tpu.memref_slice %arg11[%dma_wait3A_515, %dma_wait3A_517, %dma_wait3A_518] : memref<8x128x32xf32, #tpu.memory_space<vmem>> -> memref<1x128x32xf32, #tpu.memory_space<vmem>>
      %dma_wait3A_520 = tpu.memref_squeeze %dma_wait3A_519 : memref<1x128x32xf32, #tpu.memory_space<vmem>> -> memref<128x32xf32, #tpu.memory_space<vmem>>
      %dma_wait3A_521 = arith.constant 0 : i32
      %dma_wait3A_522 = tpu.memref_slice %arg9[%add3A_497, %dma_wait3A_521] : memref<80x128xi32, #tpu.memory_space<vmem>> -> memref<1x128xi32, #tpu.memory_space<vmem>>
      %dma_wait3A_523 = tpu.memref_squeeze %dma_wait3A_522 : memref<1x128xi32, #tpu.memory_space<vmem>> -> memref<128xi32, #tpu.memory_space<vmem>>
      %dma_wait3A_524 = arith.constant 0 : i32
      %dma_wait3A_525 = arith.constant 0 : i32
      %dma_wait3A_526 = tpu.memref_slice %arg8[%dma_wait3A_524, %dma_wait3A_525] : memref<10000x32xf32, #tpu.memory_space<vmem_shared>> -> memref<10000x32xf32, #tpu.memory_space<vmem_shared>>
      %dma_wait3A_527 = tpu.memref_slice %arg12[%dma_wait3A_516] : memref<8x!tpu.dma_semaphore, #tpu.memory_space<semaphore_mem>> -> memref<1x!tpu.dma_semaphore, #tpu.memory_space<semaphore_mem>>
      %dma_wait3A_528 = tpu.memref_squeeze %dma_wait3A_527 : memref<1x!tpu.dma_semaphore, #tpu.memory_space<semaphore_mem>> -> memref<!tpu.dma_semaphore, #tpu.memory_space<semaphore_mem>>
      tpu.wait_indirect_dma semaphore(%dma_wait3A_528 : memref<!tpu.dma_semaphore, #tpu.memory_space<semaphore_mem>>) src(%dma_wait3A_526 : memref<10000x32xf32, #tpu.memory_space<vmem_shared>>) dst(%dma_wait3A_520 : memref<128x32xf32, #tpu.memory_space<vmem>>)
      %dma_start3A_529 = arith.constant 5 : i32
      %dma_start3A_530 = arith.constant 5 : i32
      %dma_start3A_531 = arith.constant 0 : i32
      %dma_start3A_532 = arith.constant 0 : i32
      %dma_start3A_533 = tpu.memref_slice %arg11[%dma_start3A_529, %dma_start3A_531, %dma_start3A_532] : memref<8x128x32xf32, #tpu.memory_space<vmem>> -> memref<1x128x32xf32, #tpu.memory_space<vmem>>
      %dma_start3A_534 = tpu.memref_squeeze %dma_start3A_533 : memref<1x128x32xf32, #tpu.memory_space<vmem>> -> memref<128x32xf32, #tpu.memory_space<vmem>>
      %dma_start3A_535 = arith.constant 0 : i32
      %dma_start3A_536 = tpu.memref_slice %arg10[%add3A_497, %dma_start3A_535] : memref<80x128xi32, #tpu.memory_space<vmem>> -> memref<1x128xi32, #tpu.memory_space<vmem>>
      %dma_start3A_537 = tpu.memref_squeeze %dma_start3A_536 : memref<1x128xi32, #tpu.memory_space<vmem>> -> memref<128xi32, #tpu.memory_space<vmem>>
      %dma_start3A_538 = arith.constant 0 : i32
      %dma_start3A_539 = arith.constant 0 : i32
      %dma_start3A_540 = tpu.memref_slice %arg7[%dma_start3A_538, %dma_start3A_539] : memref<10112x32xf32, #tpu.memory_space<vmem_shared>> -> memref<10112x32xf32, #tpu.memory_space<vmem_shared>>
      %dma_start3A_541 = tpu.memref_slice %arg13[%dma_start3A_530] : memref<8x!tpu.dma_semaphore, #tpu.memory_space<semaphore_mem>> -> memref<1x!tpu.dma_semaphore, #tpu.memory_space<semaphore_mem>>
      %dma_start3A_542 = tpu.memref_squeeze %dma_start3A_541 : memref<1x!tpu.dma_semaphore, #tpu.memory_space<semaphore_mem>> -> memref<!tpu.dma_semaphore, #tpu.memory_space<semaphore_mem>>
      tpu.enqueue_indirect_dma source(%dma_start3A_534 : memref<128x32xf32, #tpu.memory_space<vmem>>) target(%dma_start3A_540 : memref<10112x32xf32, #tpu.memory_space<vmem_shared>>) offsets(%dma_start3A_537 : memref<128xi32, #tpu.memory_space<vmem>>) semaphore(%dma_start3A_542 : memref<!tpu.dma_semaphore, #tpu.memory_space<semaphore_mem>>) {add = true}
      %mul3A_543 = arith.constant 8 : i32
      %mul3A_544 = arith.muli %scan3A_250, %mul3A_543 : i32
      %add3A_545 = arith.constant 6 : i32
      %add3A_546 = arith.addi %mul3A_544, %add3A_545 : i32
      %ge3A_547 = arith.constant 5 : i32
      %ge3A_548 = arith.cmpi sge, %add3A_546, %ge3A_547 : i32
      %add3A_549 = arith.constant 3 : i32
      %add3A_550 = arith.addi %add3A_546, %add3A_549 : i32
      %lt3A_551 = arith.constant 80 : i32
      %lt3A_552 = arith.cmpi slt, %add3A_550, %lt3A_551 : i32
      %and3A_553 = arith.andi %ge3A_548, %lt3A_552 : i1
      %convert_element_type3A_554 = arith.extui %and3A_553 : i1 to i32
      %cond3A_555 = arith.constant 0 : i32
      %cond3A_556 = arith.cmpi ne, %convert_element_type3A_554, %cond3A_555 : i32
      scf.if %cond3A_556 {
        %dma_wait3A_641 = arith.constant 1 : i32
        %dma_wait3A_642 = arith.constant 1 : i32
        %dma_wait3A_643 = arith.constant 0 : i32
        %dma_wait3A_644 = arith.constant 0 : i32
        %dma_wait3A_645 = tpu.memref_slice %arg11[%dma_wait3A_641, %dma_wait3A_643, %dma_wait3A_644] : memref<8x128x32xf32, #tpu.memory_space<vmem>> -> memref<1x128x32xf32, #tpu.memory_space<vmem>>
        %dma_wait3A_646 = tpu.memref_squeeze %dma_wait3A_645 : memref<1x128x32xf32, #tpu.memory_space<vmem>> -> memref<128x32xf32, #tpu.memory_space<vmem>>
        %dma_wait3A_647 = arith.constant 0 : i32
        %dma_wait3A_648 = tpu.memref_slice %arg10[%add3A_546, %dma_wait3A_647] : memref<80x128xi32, #tpu.memory_space<vmem>> -> memref<1x128xi32, #tpu.memory_space<vmem>>
        %dma_wait3A_649 = tpu.memref_squeeze %dma_wait3A_648 : memref<1x128xi32, #tpu.memory_space<vmem>> -> memref<128xi32, #tpu.memory_space<vmem>>
        %dma_wait3A_650 = arith.constant 0 : i32
        %dma_wait3A_651 = arith.constant 0 : i32
        %dma_wait3A_652 = tpu.memref_slice %arg7[%dma_wait3A_650, %dma_wait3A_651] : memref<10112x32xf32, #tpu.memory_space<vmem_shared>> -> memref<10112x32xf32, #tpu.memory_space<vmem_shared>>
        %dma_wait3A_653 = tpu.memref_slice %arg13[%dma_wait3A_642] : memref<8x!tpu.dma_semaphore, #tpu.memory_space<semaphore_mem>> -> memref<1x!tpu.dma_semaphore, #tpu.memory_space<semaphore_mem>>
        %dma_wait3A_654 = tpu.memref_squeeze %dma_wait3A_653 : memref<1x!tpu.dma_semaphore, #tpu.memory_space<semaphore_mem>> -> memref<!tpu.dma_semaphore, #tpu.memory_space<semaphore_mem>>
        tpu.wait_indirect_dma semaphore(%dma_wait3A_654 : memref<!tpu.dma_semaphore, #tpu.memory_space<semaphore_mem>>) src(%dma_wait3A_646 : memref<128x32xf32, #tpu.memory_space<vmem>>) dst(%dma_wait3A_652 : memref<10112x32xf32, #tpu.memory_space<vmem_shared>>)
      } else {
      }
      %add3A_557 = arith.constant 3 : i32
      %add3A_558 = arith.addi %add3A_546, %add3A_557 : i32
      %lt3A_559 = arith.constant 80 : i32
      %lt3A_560 = arith.cmpi slt, %add3A_558, %lt3A_559 : i32
      %convert_element_type3A_561 = arith.extui %lt3A_560 : i1 to i32
      %cond3A_562 = arith.constant 0 : i32
      %cond3A_563 = arith.cmpi ne, %convert_element_type3A_561, %cond3A_562 : i32
      scf.if %cond3A_563 {
        %add3A_641 = arith.constant 3 : i32
        %add3A_642 = arith.addi %add3A_546, %add3A_641 : i32
        %dma_start3A_643 = arith.constant 1 : i32
        %dma_start3A_644 = arith.constant 1 : i32
        %dma_start3A_645 = arith.constant 0 : i32
        %dma_start3A_646 = arith.constant 0 : i32
        %dma_start3A_647 = tpu.memref_slice %arg11[%dma_start3A_643, %dma_start3A_645, %dma_start3A_646] : memref<8x128x32xf32, #tpu.memory_space<vmem>> -> memref<1x128x32xf32, #tpu.memory_space<vmem>>
        %dma_start3A_648 = tpu.memref_squeeze %dma_start3A_647 : memref<1x128x32xf32, #tpu.memory_space<vmem>> -> memref<128x32xf32, #tpu.memory_space<vmem>>
        %dma_start3A_649 = arith.constant 0 : i32
        %dma_start3A_650 = tpu.memref_slice %arg9[%add3A_642, %dma_start3A_649] : memref<80x128xi32, #tpu.memory_space<vmem>> -> memref<1x128xi32, #tpu.memory_space<vmem>>
        %dma_start3A_651 = tpu.memref_squeeze %dma_start3A_650 : memref<1x128xi32, #tpu.memory_space<vmem>> -> memref<128xi32, #tpu.memory_space<vmem>>
        %dma_start3A_652 = arith.constant 0 : i32
        %dma_start3A_653 = arith.constant 0 : i32
        %dma_start3A_654 = tpu.memref_slice %arg8[%dma_start3A_652, %dma_start3A_653] : memref<10000x32xf32, #tpu.memory_space<vmem_shared>> -> memref<10000x32xf32, #tpu.memory_space<vmem_shared>>
        %dma_start3A_655 = tpu.memref_slice %arg12[%dma_start3A_644] : memref<8x!tpu.dma_semaphore, #tpu.memory_space<semaphore_mem>> -> memref<1x!tpu.dma_semaphore, #tpu.memory_space<semaphore_mem>>
        %dma_start3A_656 = tpu.memref_squeeze %dma_start3A_655 : memref<1x!tpu.dma_semaphore, #tpu.memory_space<semaphore_mem>> -> memref<!tpu.dma_semaphore, #tpu.memory_space<semaphore_mem>>
        tpu.enqueue_indirect_dma source(%dma_start3A_654 : memref<10000x32xf32, #tpu.memory_space<vmem_shared>>) target(%dma_start3A_648 : memref<128x32xf32, #tpu.memory_space<vmem>>) offsets(%dma_start3A_651 : memref<128xi32, #tpu.memory_space<vmem>>) semaphore(%dma_start3A_656 : memref<!tpu.dma_semaphore, #tpu.memory_space<semaphore_mem>>)
      } else {
      }
      %dma_wait3A_564 = arith.constant 6 : i32
      %dma_wait3A_565 = arith.constant 6 : i32
      %dma_wait3A_566 = arith.constant 0 : i32
      %dma_wait3A_567 = arith.constant 0 : i32
      %dma_wait3A_568 = tpu.memref_slice %arg11[%dma_wait3A_564, %dma_wait3A_566, %dma_wait3A_567] : memref<8x128x32xf32, #tpu.memory_space<vmem>> -> memref<1x128x32xf32, #tpu.memory_space<vmem>>
      %dma_wait3A_569 = tpu.memref_squeeze %dma_wait3A_568 : memref<1x128x32xf32, #tpu.memory_space<vmem>> -> memref<128x32xf32, #tpu.memory_space<vmem>>
      %dma_wait3A_570 = arith.constant 0 : i32
      %dma_wait3A_571 = tpu.memref_slice %arg9[%add3A_546, %dma_wait3A_570] : memref<80x128xi32, #tpu.memory_space<vmem>> -> memref<1x128xi32, #tpu.memory_space<vmem>>
      %dma_wait3A_572 = tpu.memref_squeeze %dma_wait3A_571 : memref<1x128xi32, #tpu.memory_space<vmem>> -> memref<128xi32, #tpu.memory_space<vmem>>
      %dma_wait3A_573 = arith.constant 0 : i32
      %dma_wait3A_574 = arith.constant 0 : i32
      %dma_wait3A_575 = tpu.memref_slice %arg8[%dma_wait3A_573, %dma_wait3A_574] : memref<10000x32xf32, #tpu.memory_space<vmem_shared>> -> memref<10000x32xf32, #tpu.memory_space<vmem_shared>>
      %dma_wait3A_576 = tpu.memref_slice %arg12[%dma_wait3A_565] : memref<8x!tpu.dma_semaphore, #tpu.memory_space<semaphore_mem>> -> memref<1x!tpu.dma_semaphore, #tpu.memory_space<semaphore_mem>>
      %dma_wait3A_577 = tpu.memref_squeeze %dma_wait3A_576 : memref<1x!tpu.dma_semaphore, #tpu.memory_space<semaphore_mem>> -> memref<!tpu.dma_semaphore, #tpu.memory_space<semaphore_mem>>
      tpu.wait_indirect_dma semaphore(%dma_wait3A_577 : memref<!tpu.dma_semaphore, #tpu.memory_space<semaphore_mem>>) src(%dma_wait3A_575 : memref<10000x32xf32, #tpu.memory_space<vmem_shared>>) dst(%dma_wait3A_569 : memref<128x32xf32, #tpu.memory_space<vmem>>)
      %dma_start3A_578 = arith.constant 6 : i32
      %dma_start3A_579 = arith.constant 6 : i32
      %dma_start3A_580 = arith.constant 0 : i32
      %dma_start3A_581 = arith.constant 0 : i32
      %dma_start3A_582 = tpu.memref_slice %arg11[%dma_start3A_578, %dma_start3A_580, %dma_start3A_581] : memref<8x128x32xf32, #tpu.memory_space<vmem>> -> memref<1x128x32xf32, #tpu.memory_space<vmem>>
      %dma_start3A_583 = tpu.memref_squeeze %dma_start3A_582 : memref<1x128x32xf32, #tpu.memory_space<vmem>> -> memref<128x32xf32, #tpu.memory_space<vmem>>
      %dma_start3A_584 = arith.constant 0 : i32
      %dma_start3A_585 = tpu.memref_slice %arg10[%add3A_546, %dma_start3A_584] : memref<80x128xi32, #tpu.memory_space<vmem>> -> memref<1x128xi32, #tpu.memory_space<vmem>>
      %dma_start3A_586 = tpu.memref_squeeze %dma_start3A_585 : memref<1x128xi32, #tpu.memory_space<vmem>> -> memref<128xi32, #tpu.memory_space<vmem>>
      %dma_start3A_587 = arith.constant 0 : i32
      %dma_start3A_588 = arith.constant 0 : i32
      %dma_start3A_589 = tpu.memref_slice %arg7[%dma_start3A_587, %dma_start3A_588] : memref<10112x32xf32, #tpu.memory_space<vmem_shared>> -> memref<10112x32xf32, #tpu.memory_space<vmem_shared>>
      %dma_start3A_590 = tpu.memref_slice %arg13[%dma_start3A_579] : memref<8x!tpu.dma_semaphore, #tpu.memory_space<semaphore_mem>> -> memref<1x!tpu.dma_semaphore, #tpu.memory_space<semaphore_mem>>
      %dma_start3A_591 = tpu.memref_squeeze %dma_start3A_590 : memref<1x!tpu.dma_semaphore, #tpu.memory_space<semaphore_mem>> -> memref<!tpu.dma_semaphore, #tpu.memory_space<semaphore_mem>>
      tpu.enqueue_indirect_dma source(%dma_start3A_583 : memref<128x32xf32, #tpu.memory_space<vmem>>) target(%dma_start3A_589 : memref<10112x32xf32, #tpu.memory_space<vmem_shared>>) offsets(%dma_start3A_586 : memref<128xi32, #tpu.memory_space<vmem>>) semaphore(%dma_start3A_591 : memref<!tpu.dma_semaphore, #tpu.memory_space<semaphore_mem>>) {add = true}
      %mul3A_592 = arith.constant 8 : i32
      %mul3A_593 = arith.muli %scan3A_250, %mul3A_592 : i32
      %add3A_594 = arith.constant 7 : i32
      %add3A_595 = arith.addi %mul3A_593, %add3A_594 : i32
      %ge3A_596 = arith.constant 5 : i32
      %ge3A_597 = arith.cmpi sge, %add3A_595, %ge3A_596 : i32
      %add3A_598 = arith.constant 3 : i32
      %add3A_599 = arith.addi %add3A_595, %add3A_598 : i32
      %lt3A_600 = arith.constant 80 : i32
      %lt3A_601 = arith.cmpi slt, %add3A_599, %lt3A_600 : i32
      %and3A_602 = arith.andi %ge3A_597, %lt3A_601 : i1
      %convert_element_type3A_603 = arith.extui %and3A_602 : i1 to i32
      %cond3A_604 = arith.constant 0 : i32
      %cond3A_605 = arith.cmpi ne, %convert_element_type3A_603, %cond3A_604 : i32
      scf.if %cond3A_605 {
        %dma_wait3A_641 = arith.constant 2 : i32
        %dma_wait3A_642 = arith.constant 2 : i32
        %dma_wait3A_643 = arith.constant 0 : i32
        %dma_wait3A_644 = arith.constant 0 : i32
        %dma_wait3A_645 = tpu.memref_slice %arg11[%dma_wait3A_641, %dma_wait3A_643, %dma_wait3A_644] : memref<8x128x32xf32, #tpu.memory_space<vmem>> -> memref<1x128x32xf32, #tpu.memory_space<vmem>>
        %dma_wait3A_646 = tpu.memref_squeeze %dma_wait3A_645 : memref<1x128x32xf32, #tpu.memory_space<vmem>> -> memref<128x32xf32, #tpu.memory_space<vmem>>
        %dma_wait3A_647 = arith.constant 0 : i32
        %dma_wait3A_648 = tpu.memref_slice %arg10[%add3A_595, %dma_wait3A_647] : memref<80x128xi32, #tpu.memory_space<vmem>> -> memref<1x128xi32, #tpu.memory_space<vmem>>
        %dma_wait3A_649 = tpu.memref_squeeze %dma_wait3A_648 : memref<1x128xi32, #tpu.memory_space<vmem>> -> memref<128xi32, #tpu.memory_space<vmem>>
        %dma_wait3A_650 = arith.constant 0 : i32
        %dma_wait3A_651 = arith.constant 0 : i32
        %dma_wait3A_652 = tpu.memref_slice %arg7[%dma_wait3A_650, %dma_wait3A_651] : memref<10112x32xf32, #tpu.memory_space<vmem_shared>> -> memref<10112x32xf32, #tpu.memory_space<vmem_shared>>
        %dma_wait3A_653 = tpu.memref_slice %arg13[%dma_wait3A_642] : memref<8x!tpu.dma_semaphore, #tpu.memory_space<semaphore_mem>> -> memref<1x!tpu.dma_semaphore, #tpu.memory_space<semaphore_mem>>
        %dma_wait3A_654 = tpu.memref_squeeze %dma_wait3A_653 : memref<1x!tpu.dma_semaphore, #tpu.memory_space<semaphore_mem>> -> memref<!tpu.dma_semaphore, #tpu.memory_space<semaphore_mem>>
        tpu.wait_indirect_dma semaphore(%dma_wait3A_654 : memref<!tpu.dma_semaphore, #tpu.memory_space<semaphore_mem>>) src(%dma_wait3A_646 : memref<128x32xf32, #tpu.memory_space<vmem>>) dst(%dma_wait3A_652 : memref<10112x32xf32, #tpu.memory_space<vmem_shared>>)
      } else {
      }
      %add3A_606 = arith.constant 3 : i32
      %add3A_607 = arith.addi %add3A_595, %add3A_606 : i32
      %lt3A_608 = arith.constant 80 : i32
      %lt3A_609 = arith.cmpi slt, %add3A_607, %lt3A_608 : i32
      %convert_element_type3A_610 = arith.extui %lt3A_609 : i1 to i32
      %cond3A_611 = arith.constant 0 : i32
      %cond3A_612 = arith.cmpi ne, %convert_element_type3A_610, %cond3A_611 : i32
      scf.if %cond3A_612 {
        %add3A_641 = arith.constant 3 : i32
        %add3A_642 = arith.addi %add3A_595, %add3A_641 : i32
        %dma_start3A_643 = arith.constant 2 : i32
        %dma_start3A_644 = arith.constant 2 : i32
        %dma_start3A_645 = arith.constant 0 : i32
        %dma_start3A_646 = arith.constant 0 : i32
        %dma_start3A_647 = tpu.memref_slice %arg11[%dma_start3A_643, %dma_start3A_645, %dma_start3A_646] : memref<8x128x32xf32, #tpu.memory_space<vmem>> -> memref<1x128x32xf32, #tpu.memory_space<vmem>>
        %dma_start3A_648 = tpu.memref_squeeze %dma_start3A_647 : memref<1x128x32xf32, #tpu.memory_space<vmem>> -> memref<128x32xf32, #tpu.memory_space<vmem>>
        %dma_start3A_649 = arith.constant 0 : i32
        %dma_start3A_650 = tpu.memref_slice %arg9[%add3A_642, %dma_start3A_649] : memref<80x128xi32, #tpu.memory_space<vmem>> -> memref<1x128xi32, #tpu.memory_space<vmem>>
        %dma_start3A_651 = tpu.memref_squeeze %dma_start3A_650 : memref<1x128xi32, #tpu.memory_space<vmem>> -> memref<128xi32, #tpu.memory_space<vmem>>
        %dma_start3A_652 = arith.constant 0 : i32
        %dma_start3A_653 = arith.constant 0 : i32
        %dma_start3A_654 = tpu.memref_slice %arg8[%dma_start3A_652, %dma_start3A_653] : memref<10000x32xf32, #tpu.memory_space<vmem_shared>> -> memref<10000x32xf32, #tpu.memory_space<vmem_shared>>
        %dma_start3A_655 = tpu.memref_slice %arg12[%dma_start3A_644] : memref<8x!tpu.dma_semaphore, #tpu.memory_space<semaphore_mem>> -> memref<1x!tpu.dma_semaphore, #tpu.memory_space<semaphore_mem>>
        %dma_start3A_656 = tpu.memref_squeeze %dma_start3A_655 : memref<1x!tpu.dma_semaphore, #tpu.memory_space<semaphore_mem>> -> memref<!tpu.dma_semaphore, #tpu.memory_space<semaphore_mem>>
        tpu.enqueue_indirect_dma source(%dma_start3A_654 : memref<10000x32xf32, #tpu.memory_space<vmem_shared>>) target(%dma_start3A_648 : memref<128x32xf32, #tpu.memory_space<vmem>>) offsets(%dma_start3A_651 : memref<128xi32, #tpu.memory_space<vmem>>) semaphore(%dma_start3A_656 : memref<!tpu.dma_semaphore, #tpu.memory_space<semaphore_mem>>)
      } else {
      }
      %dma_wait3A_613 = arith.constant 7 : i32
      %dma_wait3A_614 = arith.constant 7 : i32
      %dma_wait3A_615 = arith.constant 0 : i32
      %dma_wait3A_616 = arith.constant 0 : i32
      %dma_wait3A_617 = tpu.memref_slice %arg11[%dma_wait3A_613, %dma_wait3A_615, %dma_wait3A_616] : memref<8x128x32xf32, #tpu.memory_space<vmem>> -> memref<1x128x32xf32, #tpu.memory_space<vmem>>
      %dma_wait3A_618 = tpu.memref_squeeze %dma_wait3A_617 : memref<1x128x32xf32, #tpu.memory_space<vmem>> -> memref<128x32xf32, #tpu.memory_space<vmem>>
      %dma_wait3A_619 = arith.constant 0 : i32
      %dma_wait3A_620 = tpu.memref_slice %arg9[%add3A_595, %dma_wait3A_619] : memref<80x128xi32, #tpu.memory_space<vmem>> -> memref<1x128xi32, #tpu.memory_space<vmem>>
      %dma_wait3A_621 = tpu.memref_squeeze %dma_wait3A_620 : memref<1x128xi32, #tpu.memory_space<vmem>> -> memref<128xi32, #tpu.memory_space<vmem>>
      %dma_wait3A_622 = arith.constant 0 : i32
      %dma_wait3A_623 = arith.constant 0 : i32
      %dma_wait3A_624 = tpu.memref_slice %arg8[%dma_wait3A_622, %dma_wait3A_623] : memref<10000x32xf32, #tpu.memory_space<vmem_shared>> -> memref<10000x32xf32, #tpu.memory_space<vmem_shared>>
      %dma_wait3A_625 = tpu.memref_slice %arg12[%dma_wait3A_614] : memref<8x!tpu.dma_semaphore, #tpu.memory_space<semaphore_mem>> -> memref<1x!tpu.dma_semaphore, #tpu.memory_space<semaphore_mem>>
      %dma_wait3A_626 = tpu.memref_squeeze %dma_wait3A_625 : memref<1x!tpu.dma_semaphore, #tpu.memory_space<semaphore_mem>> -> memref<!tpu.dma_semaphore, #tpu.memory_space<semaphore_mem>>
      tpu.wait_indirect_dma semaphore(%dma_wait3A_626 : memref<!tpu.dma_semaphore, #tpu.memory_space<semaphore_mem>>) src(%dma_wait3A_624 : memref<10000x32xf32, #tpu.memory_space<vmem_shared>>) dst(%dma_wait3A_618 : memref<128x32xf32, #tpu.memory_space<vmem>>)
      %dma_start3A_627 = arith.constant 7 : i32
      %dma_start3A_628 = arith.constant 7 : i32
      %dma_start3A_629 = arith.constant 0 : i32
      %dma_start3A_630 = arith.constant 0 : i32
      %dma_start3A_631 = tpu.memref_slice %arg11[%dma_start3A_627, %dma_start3A_629, %dma_start3A_630] : memref<8x128x32xf32, #tpu.memory_space<vmem>> -> memref<1x128x32xf32, #tpu.memory_space<vmem>>
      %dma_start3A_632 = tpu.memref_squeeze %dma_start3A_631 : memref<1x128x32xf32, #tpu.memory_space<vmem>> -> memref<128x32xf32, #tpu.memory_space<vmem>>
      %dma_start3A_633 = arith.constant 0 : i32
      %dma_start3A_634 = tpu.memref_slice %arg10[%add3A_595, %dma_start3A_633] : memref<80x128xi32, #tpu.memory_space<vmem>> -> memref<1x128xi32, #tpu.memory_space<vmem>>
      %dma_start3A_635 = tpu.memref_squeeze %dma_start3A_634 : memref<1x128xi32, #tpu.memory_space<vmem>> -> memref<128xi32, #tpu.memory_space<vmem>>
      %dma_start3A_636 = arith.constant 0 : i32
      %dma_start3A_637 = arith.constant 0 : i32
      %dma_start3A_638 = tpu.memref_slice %arg7[%dma_start3A_636, %dma_start3A_637] : memref<10112x32xf32, #tpu.memory_space<vmem_shared>> -> memref<10112x32xf32, #tpu.memory_space<vmem_shared>>
      %dma_start3A_639 = tpu.memref_slice %arg13[%dma_start3A_628] : memref<8x!tpu.dma_semaphore, #tpu.memory_space<semaphore_mem>> -> memref<1x!tpu.dma_semaphore, #tpu.memory_space<semaphore_mem>>
      %dma_start3A_640 = tpu.memref_squeeze %dma_start3A_639 : memref<1x!tpu.dma_semaphore, #tpu.memory_space<semaphore_mem>> -> memref<!tpu.dma_semaphore, #tpu.memory_space<semaphore_mem>>
      tpu.enqueue_indirect_dma source(%dma_start3A_632 : memref<128x32xf32, #tpu.memory_space<vmem>>) target(%dma_start3A_638 : memref<10112x32xf32, #tpu.memory_space<vmem_shared>>) offsets(%dma_start3A_635 : memref<128xi32, #tpu.memory_space<vmem>>) semaphore(%dma_start3A_640 : memref<!tpu.dma_semaphore, #tpu.memory_space<semaphore_mem>>) {add = true}
    }
    %scan3A_118 = arith.constant 10 : i32
    %dma_wait3A_119 = arith.constant 0 : i32
    %dma_wait3A_120 = arith.constant 0 : i32
    %dma_wait3A_121 = arith.constant 0 : i32
    %dma_wait3A_122 = arith.constant 0 : i32
    %dma_wait3A_123 = arith.constant 0 : i32
    %dma_wait3A_124 = tpu.memref_slice %arg11[%dma_wait3A_119, %dma_wait3A_122, %dma_wait3A_123] : memref<8x128x32xf32, #tpu.memory_space<vmem>> -> memref<1x128x32xf32, #tpu.memory_space<vmem>>
    %dma_wait3A_125 = tpu.memref_squeeze %dma_wait3A_124 : memref<1x128x32xf32, #tpu.memory_space<vmem>> -> memref<128x32xf32, #tpu.memory_space<vmem>>
    %dma_wait3A_126 = arith.constant 0 : i32
    %dma_wait3A_127 = tpu.memref_slice %arg10[%dma_wait3A_120, %dma_wait3A_126] : memref<80x128xi32, #tpu.memory_space<vmem>> -> memref<1x128xi32, #tpu.memory_space<vmem>>
    %dma_wait3A_128 = tpu.memref_squeeze %dma_wait3A_127 : memref<1x128xi32, #tpu.memory_space<vmem>> -> memref<128xi32, #tpu.memory_space<vmem>>
    %dma_wait3A_129 = arith.constant 0 : i32
    %dma_wait3A_130 = arith.constant 0 : i32
    %dma_wait3A_131 = tpu.memref_slice %arg7[%dma_wait3A_129, %dma_wait3A_130] : memref<10112x32xf32, #tpu.memory_space<vmem_shared>> -> memref<10112x32xf32, #tpu.memory_space<vmem_shared>>
    %dma_wait3A_132 = tpu.memref_slice %arg13[%dma_wait3A_121] : memref<8x!tpu.dma_semaphore, #tpu.memory_space<semaphore_mem>> -> memref<1x!tpu.dma_semaphore, #tpu.memory_space<semaphore_mem>>
    %dma_wait3A_133 = tpu.memref_squeeze %dma_wait3A_132 : memref<1x!tpu.dma_semaphore, #tpu.memory_space<semaphore_mem>> -> memref<!tpu.dma_semaphore, #tpu.memory_space<semaphore_mem>>
    tpu.wait_indirect_dma semaphore(%dma_wait3A_133 : memref<!tpu.dma_semaphore, #tpu.memory_space<semaphore_mem>>) src(%dma_wait3A_125 : memref<128x32xf32, #tpu.memory_space<vmem>>) dst(%dma_wait3A_131 : memref<10112x32xf32, #tpu.memory_space<vmem_shared>>)
    %dma_wait3A_134 = arith.constant 1 : i32
    %dma_wait3A_135 = arith.constant 0 : i32
    %dma_wait3A_136 = arith.constant 1 : i32
    %dma_wait3A_137 = arith.constant 0 : i32
    %dma_wait3A_138 = arith.constant 0 : i32
    %dma_wait3A_139 = tpu.memref_slice %arg11[%dma_wait3A_134, %dma_wait3A_137, %dma_wait3A_138] : memref<8x128x32xf32, #tpu.memory_space<vmem>> -> memref<1x128x32xf32, #tpu.memory_space<vmem>>
    %dma_wait3A_140 = tpu.memref_squeeze %dma_wait3A_139 : memref<1x128x32xf32, #tpu.memory_space<vmem>> -> memref<128x32xf32, #tpu.memory_space<vmem>>
    %dma_wait3A_141 = arith.constant 0 : i32
    %dma_wait3A_142 = tpu.memref_slice %arg10[%dma_wait3A_135, %dma_wait3A_141] : memref<80x128xi32, #tpu.memory_space<vmem>> -> memref<1x128xi32, #tpu.memory_space<vmem>>
    %dma_wait3A_143 = tpu.memref_squeeze %dma_wait3A_142 : memref<1x128xi32, #tpu.memory_space<vmem>> -> memref<128xi32, #tpu.memory_space<vmem>>
    %dma_wait3A_144 = arith.constant 0 : i32
    %dma_wait3A_145 = arith.constant 0 : i32
    %dma_wait3A_146 = tpu.memref_slice %arg7[%dma_wait3A_144, %dma_wait3A_145] : memref<10112x32xf32, #tpu.memory_space<vmem_shared>> -> memref<10112x32xf32, #tpu.memory_space<vmem_shared>>
    %dma_wait3A_147 = tpu.memref_slice %arg13[%dma_wait3A_136] : memref<8x!tpu.dma_semaphore, #tpu.memory_space<semaphore_mem>> -> memref<1x!tpu.dma_semaphore, #tpu.memory_space<semaphore_mem>>
    %dma_wait3A_148 = tpu.memref_squeeze %dma_wait3A_147 : memref<1x!tpu.dma_semaphore, #tpu.memory_space<semaphore_mem>> -> memref<!tpu.dma_semaphore, #tpu.memory_space<semaphore_mem>>
    tpu.wait_indirect_dma semaphore(%dma_wait3A_148 : memref<!tpu.dma_semaphore, #tpu.memory_space<semaphore_mem>>) src(%dma_wait3A_140 : memref<128x32xf32, #tpu.memory_space<vmem>>) dst(%dma_wait3A_146 : memref<10112x32xf32, #tpu.memory_space<vmem_shared>>)
    %dma_wait3A_149 = arith.constant 2 : i32
    %dma_wait3A_150 = arith.constant 0 : i32
    %dma_wait3A_151 = arith.constant 2 : i32
    %dma_wait3A_152 = arith.constant 0 : i32
    %dma_wait3A_153 = arith.constant 0 : i32
    %dma_wait3A_154 = tpu.memref_slice %arg11[%dma_wait3A_149, %dma_wait3A_152, %dma_wait3A_153] : memref<8x128x32xf32, #tpu.memory_space<vmem>> -> memref<1x128x32xf32, #tpu.memory_space<vmem>>
    %dma_wait3A_155 = tpu.memref_squeeze %dma_wait3A_154 : memref<1x128x32xf32, #tpu.memory_space<vmem>> -> memref<128x32xf32, #tpu.memory_space<vmem>>
    %dma_wait3A_156 = arith.constant 0 : i32
    %dma_wait3A_157 = tpu.memref_slice %arg10[%dma_wait3A_150, %dma_wait3A_156] : memref<80x128xi32, #tpu.memory_space<vmem>> -> memref<1x128xi32, #tpu.memory_space<vmem>>
    %dma_wait3A_158 = tpu.memref_squeeze %dma_wait3A_157 : memref<1x128xi32, #tpu.memory_space<vmem>> -> memref<128xi32, #tpu.memory_space<vmem>>
    %dma_wait3A_159 = arith.constant 0 : i32
    %dma_wait3A_160 = arith.constant 0 : i32
    %dma_wait3A_161 = tpu.memref_slice %arg7[%dma_wait3A_159, %dma_wait3A_160] : memref<10112x32xf32, #tpu.memory_space<vmem_shared>> -> memref<10112x32xf32, #tpu.memory_space<vmem_shared>>
    %dma_wait3A_162 = tpu.memref_slice %arg13[%dma_wait3A_151] : memref<8x!tpu.dma_semaphore, #tpu.memory_space<semaphore_mem>> -> memref<1x!tpu.dma_semaphore, #tpu.memory_space<semaphore_mem>>
    %dma_wait3A_163 = tpu.memref_squeeze %dma_wait3A_162 : memref<1x!tpu.dma_semaphore, #tpu.memory_space<semaphore_mem>> -> memref<!tpu.dma_semaphore, #tpu.memory_space<semaphore_mem>>
    tpu.wait_indirect_dma semaphore(%dma_wait3A_163 : memref<!tpu.dma_semaphore, #tpu.memory_space<semaphore_mem>>) src(%dma_wait3A_155 : memref<128x32xf32, #tpu.memory_space<vmem>>) dst(%dma_wait3A_161 : memref<10112x32xf32, #tpu.memory_space<vmem_shared>>)
    %dma_wait3A_164 = arith.constant 3 : i32
    %dma_wait3A_165 = arith.constant 0 : i32
    %dma_wait3A_166 = arith.constant 3 : i32
    %dma_wait3A_167 = arith.constant 0 : i32
    %dma_wait3A_168 = arith.constant 0 : i32
    %dma_wait3A_169 = tpu.memref_slice %arg11[%dma_wait3A_164, %dma_wait3A_167, %dma_wait3A_168] : memref<8x128x32xf32, #tpu.memory_space<vmem>> -> memref<1x128x32xf32, #tpu.memory_space<vmem>>
    %dma_wait3A_170 = tpu.memref_squeeze %dma_wait3A_169 : memref<1x128x32xf32, #tpu.memory_space<vmem>> -> memref<128x32xf32, #tpu.memory_space<vmem>>
    %dma_wait3A_171 = arith.constant 0 : i32
    %dma_wait3A_172 = tpu.memref_slice %arg10[%dma_wait3A_165, %dma_wait3A_171] : memref<80x128xi32, #tpu.memory_space<vmem>> -> memref<1x128xi32, #tpu.memory_space<vmem>>
    %dma_wait3A_173 = tpu.memref_squeeze %dma_wait3A_172 : memref<1x128xi32, #tpu.memory_space<vmem>> -> memref<128xi32, #tpu.memory_space<vmem>>
    %dma_wait3A_174 = arith.constant 0 : i32
    %dma_wait3A_175 = arith.constant 0 : i32
    %dma_wait3A_176 = tpu.memref_slice %arg7[%dma_wait3A_174, %dma_wait3A_175] : memref<10112x32xf32, #tpu.memory_space<vmem_shared>> -> memref<10112x32xf32, #tpu.memory_space<vmem_shared>>
    %dma_wait3A_177 = tpu.memref_slice %arg13[%dma_wait3A_166] : memref<8x!tpu.dma_semaphore, #tpu.memory_space<semaphore_mem>> -> memref<1x!tpu.dma_semaphore, #tpu.memory_space<semaphore_mem>>
    %dma_wait3A_178 = tpu.memref_squeeze %dma_wait3A_177 : memref<1x!tpu.dma_semaphore, #tpu.memory_space<semaphore_mem>> -> memref<!tpu.dma_semaphore, #tpu.memory_space<semaphore_mem>>
    tpu.wait_indirect_dma semaphore(%dma_wait3A_178 : memref<!tpu.dma_semaphore, #tpu.memory_space<semaphore_mem>>) src(%dma_wait3A_170 : memref<128x32xf32, #tpu.memory_space<vmem>>) dst(%dma_wait3A_176 : memref<10112x32xf32, #tpu.memory_space<vmem_shared>>)
    %dma_wait3A_179 = arith.constant 4 : i32
    %dma_wait3A_180 = arith.constant 0 : i32
    %dma_wait3A_181 = arith.constant 4 : i32
    %dma_wait3A_182 = arith.constant 0 : i32
    %dma_wait3A_183 = arith.constant 0 : i32
    %dma_wait3A_184 = tpu.memref_slice %arg11[%dma_wait3A_179, %dma_wait3A_182, %dma_wait3A_183] : memref<8x128x32xf32, #tpu.memory_space<vmem>> -> memref<1x128x32xf32, #tpu.memory_space<vmem>>
    %dma_wait3A_185 = tpu.memref_squeeze %dma_wait3A_184 : memref<1x128x32xf32, #tpu.memory_space<vmem>> -> memref<128x32xf32, #tpu.memory_space<vmem>>
    %dma_wait3A_186 = arith.constant 0 : i32
    %dma_wait3A_187 = tpu.memref_slice %arg10[%dma_wait3A_180, %dma_wait3A_186] : memref<80x128xi32, #tpu.memory_space<vmem>> -> memref<1x128xi32, #tpu.memory_space<vmem>>
    %dma_wait3A_188 = tpu.memref_squeeze %dma_wait3A_187 : memref<1x128xi32, #tpu.memory_space<vmem>> -> memref<128xi32, #tpu.memory_space<vmem>>
    %dma_wait3A_189 = arith.constant 0 : i32
    %dma_wait3A_190 = arith.constant 0 : i32
    %dma_wait3A_191 = tpu.memref_slice %arg7[%dma_wait3A_189, %dma_wait3A_190] : memref<10112x32xf32, #tpu.memory_space<vmem_shared>> -> memref<10112x32xf32, #tpu.memory_space<vmem_shared>>
    %dma_wait3A_192 = tpu.memref_slice %arg13[%dma_wait3A_181] : memref<8x!tpu.dma_semaphore, #tpu.memory_space<semaphore_mem>> -> memref<1x!tpu.dma_semaphore, #tpu.memory_space<semaphore_mem>>
    %dma_wait3A_193 = tpu.memref_squeeze %dma_wait3A_192 : memref<1x!tpu.dma_semaphore, #tpu.memory_space<semaphore_mem>> -> memref<!tpu.dma_semaphore, #tpu.memory_space<semaphore_mem>>
    tpu.wait_indirect_dma semaphore(%dma_wait3A_193 : memref<!tpu.dma_semaphore, #tpu.memory_space<semaphore_mem>>) src(%dma_wait3A_185 : memref<128x32xf32, #tpu.memory_space<vmem>>) dst(%dma_wait3A_191 : memref<10112x32xf32, #tpu.memory_space<vmem_shared>>)
    %dma_wait3A_194 = arith.constant 5 : i32
    %dma_wait3A_195 = arith.constant 0 : i32
    %dma_wait3A_196 = arith.constant 5 : i32
    %dma_wait3A_197 = arith.constant 0 : i32
    %dma_wait3A_198 = arith.constant 0 : i32
    %dma_wait3A_199 = tpu.memref_slice %arg11[%dma_wait3A_194, %dma_wait3A_197, %dma_wait3A_198] : memref<8x128x32xf32, #tpu.memory_space<vmem>> -> memref<1x128x32xf32, #tpu.memory_space<vmem>>
    %dma_wait3A_200 = tpu.memref_squeeze %dma_wait3A_199 : memref<1x128x32xf32, #tpu.memory_space<vmem>> -> memref<128x32xf32, #tpu.memory_space<vmem>>
    %dma_wait3A_201 = arith.constant 0 : i32
    %dma_wait3A_202 = tpu.memref_slice %arg10[%dma_wait3A_195, %dma_wait3A_201] : memref<80x128xi32, #tpu.memory_space<vmem>> -> memref<1x128xi32, #tpu.memory_space<vmem>>
    %dma_wait3A_203 = tpu.memref_squeeze %dma_wait3A_202 : memref<1x128xi32, #tpu.memory_space<vmem>> -> memref<128xi32, #tpu.memory_space<vmem>>
    %dma_wait3A_204 = arith.constant 0 : i32
    %dma_wait3A_205 = arith.constant 0 : i32
    %dma_wait3A_206 = tpu.memref_slice %arg7[%dma_wait3A_204, %dma_wait3A_205] : memref<10112x32xf32, #tpu.memory_space<vmem_shared>> -> memref<10112x32xf32, #tpu.memory_space<vmem_shared>>
    %dma_wait3A_207 = tpu.memref_slice %arg13[%dma_wait3A_196] : memref<8x!tpu.dma_semaphore, #tpu.memory_space<semaphore_mem>> -> memref<1x!tpu.dma_semaphore, #tpu.memory_space<semaphore_mem>>
    %dma_wait3A_208 = tpu.memref_squeeze %dma_wait3A_207 : memref<1x!tpu.dma_semaphore, #tpu.memory_space<semaphore_mem>> -> memref<!tpu.dma_semaphore, #tpu.memory_space<semaphore_mem>>
    tpu.wait_indirect_dma semaphore(%dma_wait3A_208 : memref<!tpu.dma_semaphore, #tpu.memory_space<semaphore_mem>>) src(%dma_wait3A_200 : memref<128x32xf32, #tpu.memory_space<vmem>>) dst(%dma_wait3A_206 : memref<10112x32xf32, #tpu.memory_space<vmem_shared>>)
    %dma_wait3A_209 = arith.constant 6 : i32
    %dma_wait3A_210 = arith.constant 0 : i32
    %dma_wait3A_211 = arith.constant 6 : i32
    %dma_wait3A_212 = arith.constant 0 : i32
    %dma_wait3A_213 = arith.constant 0 : i32
    %dma_wait3A_214 = tpu.memref_slice %arg11[%dma_wait3A_209, %dma_wait3A_212, %dma_wait3A_213] : memref<8x128x32xf32, #tpu.memory_space<vmem>> -> memref<1x128x32xf32, #tpu.memory_space<vmem>>
    %dma_wait3A_215 = tpu.memref_squeeze %dma_wait3A_214 : memref<1x128x32xf32, #tpu.memory_space<vmem>> -> memref<128x32xf32, #tpu.memory_space<vmem>>
    %dma_wait3A_216 = arith.constant 0 : i32
    %dma_wait3A_217 = tpu.memref_slice %arg10[%dma_wait3A_210, %dma_wait3A_216] : memref<80x128xi32, #tpu.memory_space<vmem>> -> memref<1x128xi32, #tpu.memory_space<vmem>>
    %dma_wait3A_218 = tpu.memref_squeeze %dma_wait3A_217 : memref<1x128xi32, #tpu.memory_space<vmem>> -> memref<128xi32, #tpu.memory_space<vmem>>
    %dma_wait3A_219 = arith.constant 0 : i32
    %dma_wait3A_220 = arith.constant 0 : i32
    %dma_wait3A_221 = tpu.memref_slice %arg7[%dma_wait3A_219, %dma_wait3A_220] : memref<10112x32xf32, #tpu.memory_space<vmem_shared>> -> memref<10112x32xf32, #tpu.memory_space<vmem_shared>>
    %dma_wait3A_222 = tpu.memref_slice %arg13[%dma_wait3A_211] : memref<8x!tpu.dma_semaphore, #tpu.memory_space<semaphore_mem>> -> memref<1x!tpu.dma_semaphore, #tpu.memory_space<semaphore_mem>>
    %dma_wait3A_223 = tpu.memref_squeeze %dma_wait3A_222 : memref<1x!tpu.dma_semaphore, #tpu.memory_space<semaphore_mem>> -> memref<!tpu.dma_semaphore, #tpu.memory_space<semaphore_mem>>
    tpu.wait_indirect_dma semaphore(%dma_wait3A_223 : memref<!tpu.dma_semaphore, #tpu.memory_space<semaphore_mem>>) src(%dma_wait3A_215 : memref<128x32xf32, #tpu.memory_space<vmem>>) dst(%dma_wait3A_221 : memref<10112x32xf32, #tpu.memory_space<vmem_shared>>)
    %dma_wait3A_224 = arith.constant 7 : i32
    %dma_wait3A_225 = arith.constant 0 : i32
    %dma_wait3A_226 = arith.constant 7 : i32
    %dma_wait3A_227 = arith.constant 0 : i32
    %dma_wait3A_228 = arith.constant 0 : i32
    %dma_wait3A_229 = tpu.memref_slice %arg11[%dma_wait3A_224, %dma_wait3A_227, %dma_wait3A_228] : memref<8x128x32xf32, #tpu.memory_space<vmem>> -> memref<1x128x32xf32, #tpu.memory_space<vmem>>
    %dma_wait3A_230 = tpu.memref_squeeze %dma_wait3A_229 : memref<1x128x32xf32, #tpu.memory_space<vmem>> -> memref<128x32xf32, #tpu.memory_space<vmem>>
    %dma_wait3A_231 = arith.constant 0 : i32
    %dma_wait3A_232 = tpu.memref_slice %arg10[%dma_wait3A_225, %dma_wait3A_231] : memref<80x128xi32, #tpu.memory_space<vmem>> -> memref<1x128xi32, #tpu.memory_space<vmem>>
    %dma_wait3A_233 = tpu.memref_squeeze %dma_wait3A_232 : memref<1x128xi32, #tpu.memory_space<vmem>> -> memref<128xi32, #tpu.memory_space<vmem>>
    %dma_wait3A_234 = arith.constant 0 : i32
    %dma_wait3A_235 = arith.constant 0 : i32
    %dma_wait3A_236 = tpu.memref_slice %arg7[%dma_wait3A_234, %dma_wait3A_235] : memref<10112x32xf32, #tpu.memory_space<vmem_shared>> -> memref<10112x32xf32, #tpu.memory_space<vmem_shared>>
    %dma_wait3A_237 = tpu.memref_slice %arg13[%dma_wait3A_226] : memref<8x!tpu.dma_semaphore, #tpu.memory_space<semaphore_mem>> -> memref<1x!tpu.dma_semaphore, #tpu.memory_space<semaphore_mem>>
    %dma_wait3A_238 = tpu.memref_squeeze %dma_wait3A_237 : memref<1x!tpu.dma_semaphore, #tpu.memory_space<semaphore_mem>> -> memref<!tpu.dma_semaphore, #tpu.memory_space<semaphore_mem>>
    tpu.wait_indirect_dma semaphore(%dma_wait3A_238 : memref<!tpu.dma_semaphore, #tpu.memory_space<semaphore_mem>>) src(%dma_wait3A_230 : memref<128x32xf32, #tpu.memory_space<vmem>>) dst(%dma_wait3A_236 : memref<10112x32xf32, #tpu.memory_space<vmem_shared>>)
    %barrier3A_239 = arith.constant 0 : index
    tpu.barrier barrier_id(%barrier3A_239)
    %eq3A_240 = arith.constant 0 : i32
    %eq3A_241 = arith.cmpi eq, %arg0, %eq3A_240 : i32
    %convert_element_type3A_242 = arith.extui %eq3A_241 : i1 to i32
    %cond3A_243 = arith.constant 0 : i32
    %cond3A_244 = arith.cmpi ne, %convert_element_type3A_242, %cond3A_243 : i32
    scf.if %cond3A_244 {
      %mul3A_250 = arith.constant 632 : i32
      %mul3A_251 = arith.muli %arg1, %mul3A_250 : i32
      %mul3A_252 = arith.constant 632 : i32
      %mul3A_253 = arith.muli %arg1, %mul3A_252 : i32
      "tpu.region"() ({
        %run_scoped3A = tpu.sem_alloc : memref<!tpu.dma_semaphore, #tpu.memory_space<semaphore_mem>>
        %dma_start3A_254 = arith.constant 0 : i32
        %dma_start3A_255 = tpu.memref_slice %arg6[%mul3A_253, %dma_start3A_254] : memref<10112x128xf32, #tpu.memory_space<hbm>> -> memref<632x32xf32, #tpu.memory_space<hbm>>
        %dma_start3A_256 = arith.constant 0 : i32
        %dma_start3A_257 = tpu.memref_slice %arg7[%mul3A_251, %dma_start3A_256] : memref<10112x32xf32, #tpu.memory_space<vmem_shared>> -> memref<632x32xf32, #tpu.memory_space<vmem_shared>>
        tpu.enqueue_dma source(%dma_start3A_257 : memref<632x32xf32, #tpu.memory_space<vmem_shared>>) target(%dma_start3A_255 : memref<632x32xf32, #tpu.memory_space<hbm>>) target_semaphore(%run_scoped3A : memref<!tpu.dma_semaphore, #tpu.memory_space<semaphore_mem>>)
        %dma_wait3A_258 = arith.constant 0 : i32
        %dma_wait3A_259 = tpu.memref_slice %arg6[%mul3A_253, %dma_wait3A_258] : memref<10112x128xf32, #tpu.memory_space<hbm>> -> memref<632x32xf32, #tpu.memory_space<hbm>>
        %dma_wait3A_260 = arith.constant 0 : i32
        %dma_wait3A_261 = tpu.memref_slice %arg7[%mul3A_251, %dma_wait3A_260] : memref<10112x32xf32, #tpu.memory_space<vmem_shared>> -> memref<632x32xf32, #tpu.memory_space<vmem_shared>>
        tpu.wait_dma2 semaphore(%run_scoped3A : memref<!tpu.dma_semaphore, #tpu.memory_space<semaphore_mem>>) src(%dma_wait3A_261 : memref<632x32xf32, #tpu.memory_space<vmem_shared>>) dst(%dma_wait3A_259 : memref<632x32xf32, #tpu.memory_space<hbm>>)
        tpu.yield
      }) : () -> ()
    } else {
    }
    %eq3A_245 = arith.constant 1 : i32
    %eq3A_246 = arith.cmpi eq, %arg0, %eq3A_245 : i32
    %convert_element_type3A_247 = arith.extui %eq3A_246 : i1 to i32
    %cond3A_248 = arith.constant 0 : i32
    %cond3A_249 = arith.cmpi ne, %convert_element_type3A_247, %cond3A_248 : i32
    scf.if %cond3A_249 {
      %mul3A_250 = arith.constant 632 : i32
      %mul3A_251 = arith.muli %arg1, %mul3A_250 : i32
      %mul3A_252 = arith.constant 632 : i32
      %mul3A_253 = arith.muli %arg1, %mul3A_252 : i32
      "tpu.region"() ({
        %run_scoped3A = tpu.sem_alloc : memref<!tpu.dma_semaphore, #tpu.memory_space<semaphore_mem>>
        %dma_start3A_254 = arith.constant 64 : i32
        %dma_start3A_255 = tpu.memref_slice %arg6[%mul3A_253, %dma_start3A_254] : memref<10112x128xf32, #tpu.memory_space<hbm>> -> memref<632x32xf32, #tpu.memory_space<hbm>>
        %dma_start3A_256 = arith.constant 0 : i32
        %dma_start3A_257 = tpu.memref_slice %arg7[%mul3A_251, %dma_start3A_256] : memref<10112x32xf32, #tpu.memory_space<vmem_shared>> -> memref<632x32xf32, #tpu.memory_space<vmem_shared>>
        tpu.enqueue_dma source(%dma_start3A_257 : memref<632x32xf32, #tpu.memory_space<vmem_shared>>) target(%dma_start3A_255 : memref<632x32xf32, #tpu.memory_space<hbm>>) target_semaphore(%run_scoped3A : memref<!tpu.dma_semaphore, #tpu.memory_space<semaphore_mem>>)
        %dma_wait3A_258 = arith.constant 64 : i32
        %dma_wait3A_259 = tpu.memref_slice %arg6[%mul3A_253, %dma_wait3A_258] : memref<10112x128xf32, #tpu.memory_space<hbm>> -> memref<632x32xf32, #tpu.memory_space<hbm>>
        %dma_wait3A_260 = arith.constant 0 : i32
        %dma_wait3A_261 = tpu.memref_slice %arg7[%mul3A_251, %dma_wait3A_260] : memref<10112x32xf32, #tpu.memory_space<vmem_shared>> -> memref<632x32xf32, #tpu.memory_space<vmem_shared>>
        tpu.wait_dma2 semaphore(%run_scoped3A : memref<!tpu.dma_semaphore, #tpu.memory_space<semaphore_mem>>) src(%dma_wait3A_261 : memref<632x32xf32, #tpu.memory_space<vmem_shared>>) dst(%dma_wait3A_259 : memref<632x32xf32, #tpu.memory_space<hbm>>)
        tpu.yield
      }) : () -> ()
    } else {
    }
    return
  }
}

module attributes {stable_mosaic.version = 14 : i64} {
  func.func @_tc1_body(%arg0: i32, %arg1: memref<2000x128xf32, #tpu.memory_space<vmem>>, %arg2: memref<128x128xf32, #tpu.memory_space<vmem>>, %arg3: memref<512x128xi32, #tpu.memory_space<vmem>>, %arg4: memref<512x128xi32, #tpu.memory_space<vmem>>, %arg5: memref<2000x128xf32, #tpu.memory_space<vmem>>, %arg6: memref<512x128xi32, #tpu.memory_space<vmem>>, %arg7: memref<512x128xi32, #tpu.memory_space<vmem>>) attributes {dimension_semantics = [#tpu.dimension_semantics<parallel>], iteration_bounds = array<i64: 5>, scalar_prefetch = 0 : i64, scratch_operands = 0 : i64, tpu.core_type = #tpu.core_type<tc>, window_params = [{transform_indices = @transform_0, window_bounds = array<i64: 2000, 128>}, {pipeline_mode = #tpu.pipeline_mode<synchronous>, transform_indices = @transform_1, window_bounds = array<i64: 128, 128>}, {transform_indices = @transform_2, window_bounds = array<i64: 512, 128>}, {transform_indices = @transform_3, window_bounds = array<i64: 512, 128>}, {transform_indices = @transform_4, window_bounds = array<i64: 2000, 128>}, {transform_indices = @transform_5, window_bounds = array<i64: 512, 128>}, {transform_indices = @transform_6, window_bounds = array<i64: 512, 128>}]} {
    %get3A = arith.constant 0 : index
    %get3A_0 = arith.constant 0 : index
    %get3A_1 = vector.load %arg1[%get3A, %get3A_0] : memref<2000x128xf32, #tpu.memory_space<vmem>>, vector<2000x128xf32>
    %get3A_2 = arith.constant 0 : index
    %get3A_3 = arith.constant 0 : index
    %get3A_4 = vector.load %arg2[%get3A_2, %get3A_3] : memref<128x128xf32, #tpu.memory_space<vmem>>, vector<128x128xf32>
    %dot_general3A = arith.constant dense<0.000000e+00> : vector<2000x128xf32>
    %dot_general3A_5 = tpu.matmul %get3A_1, %get3A_4, %dot_general3A {dimension_numbers = #tpu.dot_dimension_numbers<[1], [0], [0], [1], [0, 0, 1, 1], [], []>, transpose_lhs_hint = false} : vector<2000x128xf32>, vector<128x128xf32>, vector<2000x128xf32> -> vector<2000x128xf32>
    %swap3A = arith.constant 0 : index
    %swap3A_6 = arith.constant 0 : index
    %swap3A_7 = vector.load %arg5[%swap3A, %swap3A_6] : memref<2000x128xf32, #tpu.memory_space<vmem>>, vector<2000x128xf32>
    tpu.vector_store %arg5[%swap3A, %swap3A_6], %dot_general3A_5 {strides = array<i32>} : memref<2000x128xf32, #tpu.memory_space<vmem>>, vector<2000x128xf32>,
    %iota3A = tpu.iota {dimensions = array<i32: 0>} : vector<512x128xi32>
    %mul3A = arith.constant 512 : i32
    %mul3A_8 = arith.muli %arg0, %mul3A : i32
    %add3A = vector.broadcast %mul3A_8 : i32 to vector<512x128xi32>
    %add3A_9 = arith.addi %iota3A, %add3A : vector<512x128xi32>
    %iota3A_10 = tpu.iota {dimensions = array<i32: 1>} : vector<512x128xi32>
    %lt3A = arith.constant 2500 : i32
    %lt3A_11 = vector.broadcast %lt3A : i32 to vector<512x128xi32>
    %lt3A_12 = arith.cmpi slt, %add3A_9, %lt3A_11 : vector<512x128xi32>
    %get3A_13 = arith.constant 0 : index
    %get3A_14 = arith.constant 0 : index
    %get3A_15 = vector.load %arg3[%get3A_13, %get3A_14] : memref<512x128xi32, #tpu.memory_space<vmem>>, vector<512x128xi32>
    %jit3A = arith.constant 0 : i32
    %broadcast_in_dim3A = vector.broadcast %jit3A : i32 to vector<512x128xi32>
    %select_n3A = arith.select %lt3A_12, %get3A_15, %broadcast_in_dim3A : vector<512x128xi1>, vector<512x128xi32>
    %swap3A_16 = arith.constant 0 : index
    %swap3A_17 = arith.constant 0 : index
    %swap3A_18 = vector.load %arg6[%swap3A_16, %swap3A_17] : memref<512x128xi32, #tpu.memory_space<vmem>>, vector<512x128xi32>
    tpu.vector_store %arg6[%swap3A_16, %swap3A_17], %select_n3A {strides = array<i32>} : memref<512x128xi32, #tpu.memory_space<vmem>>, vector<512x128xi32>,
    %get3A_19 = arith.constant 0 : index
    %get3A_20 = arith.constant 0 : index
    %get3A_21 = vector.load %arg4[%get3A_19, %get3A_20] : memref<512x128xi32, #tpu.memory_space<vmem>>, vector<512x128xi32>
    %jit3A_22 = arith.constant 16 : i32
    %eq3A = arith.constant 0 : i32
    %eq3A_23 = arith.cmpi eq, %jit3A_22, %eq3A : i32
    %jit3A_24 = arith.constant 1 : i32
    %select_n3A_25 = arith.select %eq3A_23, %jit3A_24, %jit3A_22 : i32
    %rem3A = vector.broadcast %select_n3A_25 : i32 to vector<512x128xi32>
    %rem3A_26 = arith.remsi %iota3A_10, %rem3A : vector<512x128xi32>
    %ne3A = arith.constant 0 : i32
    %ne3A_27 = vector.broadcast %ne3A : i32 to vector<512x128xi32>
    %ne3A_28 = arith.cmpi ne, %rem3A_26, %ne3A_27 : vector<512x128xi32>
    %lt3A_29 = arith.constant 0 : i32
    %lt3A_30 = vector.broadcast %lt3A_29 : i32 to vector<512x128xi32>
    %lt3A_31 = arith.cmpi slt, %rem3A_26, %lt3A_30 : vector<512x128xi32>
    %lt3A_32 = arith.constant 0 : i32
    %lt3A_33 = arith.cmpi slt, %select_n3A_25, %lt3A_32 : i32
    %ne3A_34 = vector.broadcast %lt3A_33 : i1 to vector<512x128xi1>
    %ne3A_35 = vector.broadcast %ne3A_34 : vector<512x128xi1> to vector<512x128xi1>
    %ne3A_36 = arith.xori %lt3A_31, %ne3A_35 : vector<512x128xi1>
    %and3A = arith.andi %ne3A_36, %ne3A_28 : vector<512x128xi1>
    %add3A_37 = vector.broadcast %select_n3A_25 : i32 to vector<512x128xi32>
    %add3A_38 = arith.addi %rem3A_26, %add3A_37 : vector<512x128xi32>
    %select_n3A_39 = arith.select %and3A, %add3A_38, %rem3A_26 : vector<512x128xi1>, vector<512x128xi32>
    %add3A_40 = arith.constant 10000 : i32
    %add3A_41 = vector.broadcast %add3A_40 : i32 to vector<512x128xi32>
    %add3A_42 = arith.addi %add3A_41, %select_n3A_39 : vector<512x128xi32>
    %select_n3A_43 = arith.select %lt3A_12, %get3A_21, %add3A_42 : vector<512x128xi1>, vector<512x128xi32>
    %swap3A_44 = arith.constant 0 : index
    %swap3A_45 = arith.constant 0 : index
    %swap3A_46 = vector.load %arg7[%swap3A_44, %swap3A_45] : memref<512x128xi32, #tpu.memory_space<vmem>>, vector<512x128xi32>
    tpu.vector_store %arg7[%swap3A_44, %swap3A_45], %select_n3A_43 {strides = array<i32>} : memref<512x128xi32, #tpu.memory_space<vmem>>, vector<512x128xi32>,
    return
  }
  func.func @transform_0(%arg0: i32) -> (i32, i32) {
    %c0_i32 = arith.constant 0 : i32
    %c0_i32_0 = arith.constant 0 : i32
    return %arg0, %c0_i32 : i32, i32
  }
  func.func @transform_1(%arg0: i32) -> (i32, i32) {
    %c0_i32 = arith.constant 0 : i32
    %c0_i32_0 = arith.constant 0 : i32
    %c0_i32_1 = arith.constant 0 : i32
    return %c0_i32, %c0_i32_0 : i32, i32
  }
  func.func @transform_2(%arg0: i32) -> (i32, i32) {
    %c0_i32 = arith.constant 0 : i32
    %c0_i32_0 = arith.constant 0 : i32
    return %arg0, %c0_i32 : i32, i32
  }
  func.func @transform_3(%arg0: i32) -> (i32, i32) {
    %c0_i32 = arith.constant 0 : i32
    %c0_i32_0 = arith.constant 0 : i32
    return %arg0, %c0_i32 : i32, i32
  }
  func.func @transform_4(%arg0: i32) -> (i32, i32) {
    %c0_i32 = arith.constant 0 : i32
    %c0_i32_0 = arith.constant 0 : i32
    return %arg0, %c0_i32 : i32, i32
  }
  func.func @transform_5(%arg0: i32) -> (i32, i32) {
    %c0_i32 = arith.constant 0 : i32
    %c0_i32_0 = arith.constant 0 : i32
    return %arg0, %c0_i32 : i32, i32
  }
  func.func @transform_6(%arg0: i32) -> (i32, i32) {
    %c0_i32 = arith.constant 0 : i32
    %c0_i32_0 = arith.constant 0 : i32
    return %arg0, %c0_i32 : i32, i32
  }
}

module attributes {stable_mosaic.version = 14 : i64} {
  func.func @_tc2_body(%arg0: i32, %arg1: memref<2000x128xf32, #tpu.memory_space<vmem>>, %arg2: memref<2000x128xf32, #tpu.memory_space<vmem>>, %arg3: memref<128x32xf32, #tpu.memory_space<vmem>>, %arg4: memref<1x32xf32, #tpu.memory_space<vmem>>, %arg5: memref<32x128xf32, #tpu.memory_space<vmem>>, %arg6: memref<32x128xf32, #tpu.memory_space<vmem>>, %arg7: memref<2000x128xf32, #tpu.memory_space<vmem>>, %arg8: memref<2000x128xf32, #tpu.memory_space<vmem>>) attributes {dimension_semantics = [#tpu.dimension_semantics<parallel>], iteration_bounds = array<i64: 5>, scalar_prefetch = 0 : i64, scratch_operands = 0 : i64, tpu.core_type = #tpu.core_type<tc>, window_params = [{transform_indices = @transform_0, window_bounds = array<i64: 2000, 128>}, {transform_indices = @transform_1, window_bounds = array<i64: 2000, 128>}, {pipeline_mode = #tpu.pipeline_mode<synchronous>, transform_indices = @transform_2, window_bounds = array<i64: 128, 32>}, {pipeline_mode = #tpu.pipeline_mode<synchronous>, transform_indices = @transform_3, window_bounds = array<i64: 1, 32>}, {pipeline_mode = #tpu.pipeline_mode<synchronous>, transform_indices = @transform_4, window_bounds = array<i64: 32, 128>}, {pipeline_mode = #tpu.pipeline_mode<synchronous>, transform_indices = @transform_5, window_bounds = array<i64: 32, 128>}, {transform_indices = @transform_6, window_bounds = array<i64: 2000, 128>}, {transform_indices = @transform_7, window_bounds = array<i64: 2000, 128>}]} {
    %get3A = arith.constant 0 : index
    %get3A_0 = arith.constant 0 : index
    %get3A_1 = vector.load %arg2[%get3A, %get3A_0] : memref<2000x128xf32, #tpu.memory_space<vmem>>, vector<2000x32xf32>
    %get3A_2 = arith.constant 0 : index
    %get3A_3 = arith.constant 64 : index
    %get3A_4 = vector.load %arg2[%get3A_2, %get3A_3] : memref<2000x128xf32, #tpu.memory_space<vmem>>, vector<2000x32xf32>
    %add3A = arith.addf %get3A_1, %get3A_4 : vector<2000x32xf32>
    %get3A_5 = arith.constant 0 : index
    %get3A_6 = arith.constant 32 : index
    %get3A_7 = vector.load %arg2[%get3A_5, %get3A_6] : memref<2000x128xf32, #tpu.memory_space<vmem>>, vector<2000x1xf32>
    %get3A_8 = arith.constant 0 : index
    %get3A_9 = arith.constant 96 : index
    %get3A_10 = vector.load %arg2[%get3A_8, %get3A_9] : memref<2000x128xf32, #tpu.memory_space<vmem>>, vector<2000x1xf32>
    %add3A_11 = arith.addf %get3A_7, %get3A_10 : vector<2000x1xf32>
    %max3A = arith.constant 1.000000e+00 : f32
    %max3A_12 = vector.broadcast %max3A : f32 to vector<2000x1xf32>
    %max3A_13 = arith.maximumf %add3A_11, %max3A_12 : vector<2000x1xf32>
    %div3A = arith.constant 1.000000e+00 : f32
    %div3A_14 = vector.broadcast %div3A : f32 to vector<2000x1xf32>
    %div3A_15 = arith.divf %div3A_14, %max3A_13 : vector<2000x1xf32>
    %get3A_16 = arith.constant 0 : index
    %get3A_17 = arith.constant 0 : index
    %get3A_18 = vector.load %arg1[%get3A_16, %get3A_17] : memref<2000x128xf32, #tpu.memory_space<vmem>>, vector<2000x128xf32>
    %get3A_19 = arith.constant 0 : index
    %get3A_20 = arith.constant 0 : index
    %get3A_21 = vector.load %arg3[%get3A_19, %get3A_20] : memref<128x32xf32, #tpu.memory_space<vmem>>, vector<128x32xf32>
    %dot_general3A = arith.constant dense<0.000000e+00> : vector<2000x32xf32>
    %dot_general3A_22 = tpu.matmul %get3A_18, %get3A_21, %dot_general3A {dimension_numbers = #tpu.dot_dimension_numbers<[1], [0], [0], [1], [0, 0, 1, 1], [], []>, transpose_lhs_hint = false} : vector<2000x128xf32>, vector<128x32xf32>, vector<2000x32xf32> -> vector<2000x32xf32>
    %mul3A = vector.broadcast %div3A_15 : vector<2000x1xf32> to vector<2000x32xf32>
    %mul3A_23 = arith.mulf %add3A, %mul3A : vector<2000x32xf32>
    %add3A_24 = arith.addf %dot_general3A_22, %mul3A_23 : vector<2000x32xf32>
    %get3A_25 = arith.constant 0 : index
    %get3A_26 = arith.constant 0 : index
    %get3A_27 = vector.load %arg4[%get3A_25, %get3A_26] : memref<1x32xf32, #tpu.memory_space<vmem>>, vector<1x32xf32>
    %add3A_28 = vector.broadcast %get3A_27 : vector<1x32xf32> to vector<2000x32xf32>
    %add3A_29 = arith.addf %add3A_24, %add3A_28 : vector<2000x32xf32>
    %max3A_30 = arith.constant 0.000000e+00 : f32
    %max3A_31 = vector.broadcast %max3A_30 : f32 to vector<2000x32xf32>
    %max3A_32 = arith.maximumf %add3A_29, %max3A_31 : vector<2000x32xf32>
    %get3A_33 = arith.constant 0 : index
    %get3A_34 = arith.constant 0 : index
    %get3A_35 = vector.load %arg5[%get3A_33, %get3A_34] : memref<32x128xf32, #tpu.memory_space<vmem>>, vector<32x128xf32>
    %dot_general3A_36 = arith.constant dense<0.000000e+00> : vector<2000x128xf32>
    %dot_general3A_37 = tpu.matmul %max3A_32, %get3A_35, %dot_general3A_36 {dimension_numbers = #tpu.dot_dimension_numbers<[1], [0], [0], [1], [0, 0, 1, 1], [], []>, transpose_lhs_hint = false} : vector<2000x32xf32>, vector<32x128xf32>, vector<2000x128xf32> -> vector<2000x128xf32>
    %iota3A = tpu.iota {dimensions = array<i32: 1>} : vector<1x128xi32>
    %eq3A = arith.constant 32 : i32
    %eq3A_38 = vector.broadcast %eq3A : i32 to vector<1x128xi32>
    %eq3A_39 = arith.cmpi eq, %iota3A, %eq3A_38 : vector<1x128xi32>
    %convert_element_type3A = arith.extui %eq3A_39 : vector<1x128xi1> to vector<1x128xi32>
    %convert_element_type3A_40 = arith.sitofp %convert_element_type3A : vector<1x128xi32> to vector<1x128xf32>
    %mul3A_41 = vector.broadcast %div3A_15 : vector<2000x1xf32> to vector<2000x128xf32>
    %mul3A_42 = vector.broadcast %convert_element_type3A_40 : vector<1x128xf32> to vector<2000x128xf32>
    %mul3A_43 = arith.mulf %mul3A_41, %mul3A_42 : vector<2000x128xf32>
    %add3A_44 = arith.addf %dot_general3A_37, %mul3A_43 : vector<2000x128xf32>
    %swap3A = arith.constant 0 : index
    %swap3A_45 = arith.constant 0 : index
    %swap3A_46 = vector.load %arg7[%swap3A, %swap3A_45] : memref<2000x128xf32, #tpu.memory_space<vmem>>, vector<2000x128xf32>
    tpu.vector_store %arg7[%swap3A, %swap3A_45], %add3A_44 {strides = array<i32>} : memref<2000x128xf32, #tpu.memory_space<vmem>>, vector<2000x128xf32>,
    %get3A_47 = arith.constant 0 : index
    %get3A_48 = arith.constant 0 : index
    %get3A_49 = vector.load %arg6[%get3A_47, %get3A_48] : memref<32x128xf32, #tpu.memory_space<vmem>>, vector<32x128xf32>
    %dot_general3A_50 = arith.constant dense<0.000000e+00> : vector<2000x128xf32>
    %dot_general3A_51 = tpu.matmul %max3A_32, %get3A_49, %dot_general3A_50 {dimension_numbers = #tpu.dot_dimension_numbers<[1], [0], [0], [1], [0, 0, 1, 1], [], []>, transpose_lhs_hint = false} : vector<2000x32xf32>, vector<32x128xf32>, vector<2000x128xf32> -> vector<2000x128xf32>
    %swap3A_52 = arith.constant 0 : index
    %swap3A_53 = arith.constant 0 : index
    %swap3A_54 = vector.load %arg8[%swap3A_52, %swap3A_53] : memref<2000x128xf32, #tpu.memory_space<vmem>>, vector<2000x128xf32>
    tpu.vector_store %arg8[%swap3A_52, %swap3A_53], %dot_general3A_51 {strides = array<i32>} : memref<2000x128xf32, #tpu.memory_space<vmem>>, vector<2000x128xf32>,
    return
  }
  func.func @transform_0(%arg0: i32) -> (i32, i32) {
    %c0_i32 = arith.constant 0 : i32
    %c0_i32_0 = arith.constant 0 : i32
    return %arg0, %c0_i32 : i32, i32
  }
  func.func @transform_1(%arg0: i32) -> (i32, i32) {
    %c0_i32 = arith.constant 0 : i32
    %c0_i32_0 = arith.constant 0 : i32
    return %arg0, %c0_i32 : i32, i32
  }
  func.func @transform_2(%arg0: i32) -> (i32, i32) {
    %c0_i32 = arith.constant 0 : i32
    %c0_i32_0 = arith.constant 0 : i32
    %c0_i32_1 = arith.constant 0 : i32
    return %c0_i32, %c0_i32_0 : i32, i32
  }
  func.func @transform_3(%arg0: i32) -> (i32, i32) {
    %c0_i32 = arith.constant 0 : i32
    %c0_i32_0 = arith.constant 0 : i32
    %c0_i32_1 = arith.constant 0 : i32
    return %c0_i32, %c0_i32_0 : i32, i32
  }
  func.func @transform_4(%arg0: i32) -> (i32, i32) {
    %c0_i32 = arith.constant 0 : i32
    %c0_i32_0 = arith.constant 0 : i32
    %c0_i32_1 = arith.constant 0 : i32
    return %c0_i32, %c0_i32_0 : i32, i32
  }
  func.func @transform_5(%arg0: i32) -> (i32, i32) {
    %c0_i32 = arith.constant 0 : i32
    %c0_i32_0 = arith.constant 0 : i32
    %c0_i32_1 = arith.constant 0 : i32
    return %c0_i32, %c0_i32_0 : i32, i32
  }
  func.func @transform_6(%arg0: i32) -> (i32, i32) {
    %c0_i32 = arith.constant 0 : i32
    %c0_i32_0 = arith.constant 0 : i32
    return %arg0, %c0_i32 : i32, i32
  }
  func.func @transform_7(%arg0: i32) -> (i32, i32) {
    %c0_i32 = arith.constant 0 : i32
    %c0_i32_0 = arith.constant 0 : i32
    return %arg0, %c0_i32 : i32, i32
  }
}

module attributes {stable_mosaic.version = 14 : i64} {
  func.func @_tc3_body(%arg0: i32, %arg1: memref<2000x128xf32, #tpu.memory_space<vmem>>, %arg2: memref<2000x128xf32, #tpu.memory_space<vmem>>, %arg3: memref<1x32xf32, #tpu.memory_space<vmem>>, %arg4: memref<32x128xf32, #tpu.memory_space<vmem>>, %arg5: memref<32x128xf32, #tpu.memory_space<vmem>>, %arg6: memref<2000x128xf32, #tpu.memory_space<vmem>>, %arg7: memref<2000x128xf32, #tpu.memory_space<vmem>>) attributes {dimension_semantics = [#tpu.dimension_semantics<parallel>], iteration_bounds = array<i64: 5>, scalar_prefetch = 0 : i64, scratch_operands = 0 : i64, tpu.core_type = #tpu.core_type<tc>, window_params = [{transform_indices = @transform_0, window_bounds = array<i64: 2000, 128>}, {transform_indices = @transform_1, window_bounds = array<i64: 2000, 128>}, {pipeline_mode = #tpu.pipeline_mode<synchronous>, transform_indices = @transform_2, window_bounds = array<i64: 1, 32>}, {pipeline_mode = #tpu.pipeline_mode<synchronous>, transform_indices = @transform_3, window_bounds = array<i64: 32, 128>}, {pipeline_mode = #tpu.pipeline_mode<synchronous>, transform_indices = @transform_4, window_bounds = array<i64: 32, 128>}, {transform_indices = @transform_5, window_bounds = array<i64: 2000, 128>}, {transform_indices = @transform_6, window_bounds = array<i64: 2000, 128>}]} {
    %get3A = arith.constant 0 : index
    %get3A_0 = arith.constant 0 : index
    %get3A_1 = vector.load %arg2[%get3A, %get3A_0] : memref<2000x128xf32, #tpu.memory_space<vmem>>, vector<2000x32xf32>
    %get3A_2 = arith.constant 0 : index
    %get3A_3 = arith.constant 64 : index
    %get3A_4 = vector.load %arg2[%get3A_2, %get3A_3] : memref<2000x128xf32, #tpu.memory_space<vmem>>, vector<2000x32xf32>
    %add3A = arith.addf %get3A_1, %get3A_4 : vector<2000x32xf32>
    %get3A_5 = arith.constant 0 : index
    %get3A_6 = arith.constant 32 : index
    %get3A_7 = vector.load %arg1[%get3A_5, %get3A_6] : memref<2000x128xf32, #tpu.memory_space<vmem>>, vector<2000x1xf32>
    %get3A_8 = arith.constant 0 : index
    %get3A_9 = arith.constant 0 : index
    %get3A_10 = vector.load %arg1[%get3A_8, %get3A_9] : memref<2000x128xf32, #tpu.memory_space<vmem>>, vector<2000x32xf32>
    %mul3A = vector.broadcast %get3A_7 : vector<2000x1xf32> to vector<2000x32xf32>
    %mul3A_11 = arith.mulf %add3A, %mul3A : vector<2000x32xf32>
    %add3A_12 = arith.addf %get3A_10, %mul3A_11 : vector<2000x32xf32>
    %get3A_13 = arith.constant 0 : index
    %get3A_14 = arith.constant 0 : index
    %get3A_15 = vector.load %arg3[%get3A_13, %get3A_14] : memref<1x32xf32, #tpu.memory_space<vmem>>, vector<1x32xf32>
    %add3A_16 = vector.broadcast %get3A_15 : vector<1x32xf32> to vector<2000x32xf32>
    %add3A_17 = arith.addf %add3A_12, %add3A_16 : vector<2000x32xf32>
    %max3A = arith.constant 0.000000e+00 : f32
    %max3A_18 = vector.broadcast %max3A : f32 to vector<2000x32xf32>
    %max3A_19 = arith.maximumf %add3A_17, %max3A_18 : vector<2000x32xf32>
    %get3A_20 = arith.constant 0 : index
    %get3A_21 = arith.constant 0 : index
    %get3A_22 = vector.load %arg4[%get3A_20, %get3A_21] : memref<32x128xf32, #tpu.memory_space<vmem>>, vector<32x128xf32>
    %dot_general3A = arith.constant dense<0.000000e+00> : vector<2000x128xf32>
    %dot_general3A_23 = tpu.matmul %max3A_19, %get3A_22, %dot_general3A {dimension_numbers = #tpu.dot_dimension_numbers<[1], [0], [0], [1], [0, 0, 1, 1], [], []>, transpose_lhs_hint = false} : vector<2000x32xf32>, vector<32x128xf32>, vector<2000x128xf32> -> vector<2000x128xf32>
    %iota3A = tpu.iota {dimensions = array<i32: 1>} : vector<1x128xi32>
    %eq3A = arith.constant 32 : i32
    %eq3A_24 = vector.broadcast %eq3A : i32 to vector<1x128xi32>
    %eq3A_25 = arith.cmpi eq, %iota3A, %eq3A_24 : vector<1x128xi32>
    %convert_element_type3A = arith.extui %eq3A_25 : vector<1x128xi1> to vector<1x128xi32>
    %convert_element_type3A_26 = arith.sitofp %convert_element_type3A : vector<1x128xi32> to vector<1x128xf32>
    %mul3A_27 = vector.broadcast %get3A_7 : vector<2000x1xf32> to vector<2000x128xf32>
    %mul3A_28 = vector.broadcast %convert_element_type3A_26 : vector<1x128xf32> to vector<2000x128xf32>
    %mul3A_29 = arith.mulf %mul3A_27, %mul3A_28 : vector<2000x128xf32>
    %add3A_30 = arith.addf %dot_general3A_23, %mul3A_29 : vector<2000x128xf32>
    %swap3A = arith.constant 0 : index
    %swap3A_31 = arith.constant 0 : index
    %swap3A_32 = vector.load %arg6[%swap3A, %swap3A_31] : memref<2000x128xf32, #tpu.memory_space<vmem>>, vector<2000x128xf32>
    tpu.vector_store %arg6[%swap3A, %swap3A_31], %add3A_30 {strides = array<i32>} : memref<2000x128xf32, #tpu.memory_space<vmem>>, vector<2000x128xf32>,
    %get3A_33 = arith.constant 0 : index
    %get3A_34 = arith.constant 0 : index
    %get3A_35 = vector.load %arg5[%get3A_33, %get3A_34] : memref<32x128xf32, #tpu.memory_space<vmem>>, vector<32x128xf32>
    %dot_general3A_36 = arith.constant dense<0.000000e+00> : vector<2000x128xf32>
    %dot_general3A_37 = tpu.matmul %max3A_19, %get3A_35, %dot_general3A_36 {dimension_numbers = #tpu.dot_dimension_numbers<[1], [0], [0], [1], [0, 0, 1, 1], [], []>, transpose_lhs_hint = false} : vector<2000x32xf32>, vector<32x128xf32>, vector<2000x128xf32> -> vector<2000x128xf32>
    %swap3A_38 = arith.constant 0 : index
    %swap3A_39 = arith.constant 0 : index
    %swap3A_40 = vector.load %arg7[%swap3A_38, %swap3A_39] : memref<2000x128xf32, #tpu.memory_space<vmem>>, vector<2000x128xf32>
    tpu.vector_store %arg7[%swap3A_38, %swap3A_39], %dot_general3A_37 {strides = array<i32>} : memref<2000x128xf32, #tpu.memory_space<vmem>>, vector<2000x128xf32>,
    return
  }
  func.func @transform_0(%arg0: i32) -> (i32, i32) {
    %c0_i32 = arith.constant 0 : i32
    %c0_i32_0 = arith.constant 0 : i32
    return %arg0, %c0_i32 : i32, i32
  }
  func.func @transform_1(%arg0: i32) -> (i32, i32) {
    %c0_i32 = arith.constant 0 : i32
    %c0_i32_0 = arith.constant 0 : i32
    return %arg0, %c0_i32 : i32, i32
  }
  func.func @transform_2(%arg0: i32) -> (i32, i32) {
    %c0_i32 = arith.constant 0 : i32
    %c0_i32_0 = arith.constant 0 : i32
    %c0_i32_1 = arith.constant 0 : i32
    return %c0_i32, %c0_i32_0 : i32, i32
  }
  func.func @transform_3(%arg0: i32) -> (i32, i32) {
    %c0_i32 = arith.constant 0 : i32
    %c0_i32_0 = arith.constant 0 : i32
    %c0_i32_1 = arith.constant 0 : i32
    return %c0_i32, %c0_i32_0 : i32, i32
  }
  func.func @transform_4(%arg0: i32) -> (i32, i32) {
    %c0_i32 = arith.constant 0 : i32
    %c0_i32_0 = arith.constant 0 : i32
    %c0_i32_1 = arith.constant 0 : i32
    return %c0_i32, %c0_i32_0 : i32, i32
  }
  func.func @transform_5(%arg0: i32) -> (i32, i32) {
    %c0_i32 = arith.constant 0 : i32
    %c0_i32_0 = arith.constant 0 : i32
    return %arg0, %c0_i32 : i32, i32
  }
  func.func @transform_6(%arg0: i32) -> (i32, i32) {
    %c0_i32 = arith.constant 0 : i32
    %c0_i32_0 = arith.constant 0 : i32
    return %arg0, %c0_i32 : i32, i32
  }
}

module attributes {stable_mosaic.version = 14 : i64} {
  func.func @_tc4_body(%arg0: i32, %arg1: memref<2000x128xf32, #tpu.memory_space<vmem>>, %arg2: memref<2000x128xf32, #tpu.memory_space<vmem>>, %arg3: memref<1x32xf32, #tpu.memory_space<vmem>>, %arg4: memref<2000x128xf32, #tpu.memory_space<vmem>>, %arg5: memref<16x8xf32, #tpu.memory_space<vmem>>, %arg6: memref<32x256xf32, #tpu.memory_space<vmem>>, %arg7: memref<8x256xf32, #tpu.memory_space<vmem>>, %arg8: memref<1x256xf32, #tpu.memory_space<vmem>>, %arg9: memref<256x256xf32, #tpu.memory_space<vmem>>, %arg10: memref<1x256xf32, #tpu.memory_space<vmem>>, %arg11: memref<256x4xf32, #tpu.memory_space<vmem>>, %arg12: memref<1x4xf32, #tpu.memory_space<vmem>>, %arg13: memref<16x4xf32, #tpu.memory_space<vmem>>, %arg14: memref<16x32xf32, #tpu.memory_space<vmem>>, %arg15: memref<16x1xf32, #tpu.memory_space<vmem>>) attributes {dimension_semantics = [#tpu.dimension_semantics<arbitrary>], iteration_bounds = array<i64: 5>, scalar_prefetch = 0 : i64, scratch_operands = 2 : i64, tpu.core_type = #tpu.core_type<tc>, window_params = [{transform_indices = @transform_0, window_bounds = array<i64: 2000, 128>}, {transform_indices = @transform_1, window_bounds = array<i64: 2000, 128>}, {pipeline_mode = #tpu.pipeline_mode<synchronous>, transform_indices = @transform_2, window_bounds = array<i64: 1, 32>}, {transform_indices = @transform_3, window_bounds = array<i64: 2000, 128>}, {pipeline_mode = #tpu.pipeline_mode<synchronous>, transform_indices = @transform_4, window_bounds = array<i64: 16, 8>}, {pipeline_mode = #tpu.pipeline_mode<synchronous>, transform_indices = @transform_5, window_bounds = array<i64: 32, 256>}, {pipeline_mode = #tpu.pipeline_mode<synchronous>, transform_indices = @transform_6, window_bounds = array<i64: 8, 256>}, {pipeline_mode = #tpu.pipeline_mode<synchronous>, transform_indices = @transform_7, window_bounds = array<i64: 1, 256>}, {pipeline_mode = #tpu.pipeline_mode<synchronous>, transform_indices = @transform_8, window_bounds = array<i64: 256, 256>}, {pipeline_mode = #tpu.pipeline_mode<synchronous>, transform_indices = @transform_9, window_bounds = array<i64: 1, 256>}, {pipeline_mode = #tpu.pipeline_mode<synchronous>, transform_indices = @transform_10, window_bounds = array<i64: 256, 4>}, {pipeline_mode = #tpu.pipeline_mode<synchronous>, transform_indices = @transform_11, window_bounds = array<i64: 1, 4>}, {pipeline_mode = #tpu.pipeline_mode<synchronous>, transform_indices = @transform_12, window_bounds = array<i64: 16, 4>}]} {
    %get3A = arith.constant 0 : index
    %get3A_0 = arith.constant 0 : index
    %get3A_1 = vector.load %arg2[%get3A, %get3A_0] : memref<2000x128xf32, #tpu.memory_space<vmem>>, vector<2000x32xf32>
    %get3A_2 = arith.constant 0 : index
    %get3A_3 = arith.constant 64 : index
    %get3A_4 = vector.load %arg2[%get3A_2, %get3A_3] : memref<2000x128xf32, #tpu.memory_space<vmem>>, vector<2000x32xf32>
    %add3A = arith.addf %get3A_1, %get3A_4 : vector<2000x32xf32>
    %get3A_5 = arith.constant 0 : index
    %get3A_6 = arith.constant 32 : index
    %get3A_7 = vector.load %arg1[%get3A_5, %get3A_6] : memref<2000x128xf32, #tpu.memory_space<vmem>>, vector<2000x1xf32>
    %get3A_8 = arith.constant 0 : index
    %get3A_9 = arith.constant 0 : index
    %get3A_10 = vector.load %arg1[%get3A_8, %get3A_9] : memref<2000x128xf32, #tpu.memory_space<vmem>>, vector<2000x32xf32>
    %mul3A = vector.broadcast %get3A_7 : vector<2000x1xf32> to vector<2000x32xf32>
    %mul3A_11 = arith.mulf %add3A, %mul3A : vector<2000x32xf32>
    %add3A_12 = arith.addf %get3A_10, %mul3A_11 : vector<2000x32xf32>
    %get3A_13 = arith.constant 0 : index
    %get3A_14 = arith.constant 0 : index
    %get3A_15 = vector.load %arg3[%get3A_13, %get3A_14] : memref<1x32xf32, #tpu.memory_space<vmem>>, vector<1x32xf32>
    %add3A_16 = vector.broadcast %get3A_15 : vector<1x32xf32> to vector<2000x32xf32>
    %add3A_17 = arith.addf %add3A_12, %add3A_16 : vector<2000x32xf32>
    %max3A = arith.constant 0.000000e+00 : f32
    %max3A_18 = vector.broadcast %max3A : f32 to vector<2000x32xf32>
    %max3A_19 = arith.maximumf %add3A_17, %max3A_18 : vector<2000x32xf32>
    %get3A_20 = arith.constant 0 : index
    %get3A_21 = arith.constant 0 : index
    %get3A_22 = vector.load %arg4[%get3A_20, %get3A_21] : memref<2000x128xf32, #tpu.memory_space<vmem>>, vector<2000x16xf32>
    %dot_general3A = arith.constant dense<0.000000e+00> : vector<16x32xf32>
    %dot_general3A_23 = tpu.matmul %get3A_22, %max3A_19, %dot_general3A {dimension_numbers = #tpu.dot_dimension_numbers<[0], [0], [1], [1], [0, 1, 1, 1], [], []>, transpose_lhs_hint = false} : vector<2000x16xf32>, vector<2000x32xf32>, vector<16x32xf32> -> vector<16x32xf32>
    %broadcast_in_dim3A = arith.constant 1.000000e+00 : f32
    %broadcast_in_dim3A_24 = vector.broadcast %broadcast_in_dim3A : f32 to vector<2000x1xf32>
    %dot_general3A_25 = arith.constant dense<0.000000e+00> : vector<16x1xf32>
    %dot_general3A_26 = tpu.matmul %get3A_22, %broadcast_in_dim3A_24, %dot_general3A_25 {dimension_numbers = #tpu.dot_dimension_numbers<[0], [0], [1], [1], [0, 1, 1, 1], [], []>, transpose_lhs_hint = false} : vector<2000x16xf32>, vector<2000x1xf32>, vector<16x1xf32> -> vector<16x1xf32>
    %eq3A = arith.constant 0 : i32
    %eq3A_27 = arith.cmpi eq, %arg0, %eq3A : i32
    %convert_element_type3A = arith.extui %eq3A_27 : i1 to i32
    %cond3A = arith.constant 0 : i32
    %cond3A_28 = arith.cmpi ne, %convert_element_type3A, %cond3A : i32
    scf.if %cond3A_28 {
      %swap3A = arith.constant 0 : index
      %swap3A_38 = arith.constant 0 : index
      %swap3A_39 = vector.load %arg14[%swap3A, %swap3A_38] : memref<16x32xf32, #tpu.memory_space<vmem>>, vector<16x32xf32>
      tpu.vector_store %arg14[%swap3A, %swap3A_38], %dot_general3A_23 {strides = array<i32>} : memref<16x32xf32, #tpu.memory_space<vmem>>, vector<16x32xf32>,
      %swap3A_40 = arith.constant 0 : index
      %swap3A_41 = arith.constant 0 : index
      %swap3A_42 = vector.load %arg15[%swap3A_40, %swap3A_41] : memref<16x1xf32, #tpu.memory_space<vmem>>, vector<16x1xf32>
      tpu.vector_store %arg15[%swap3A_40, %swap3A_41], %dot_general3A_26 {strides = array<i32>} : memref<16x1xf32, #tpu.memory_space<vmem>>, vector<16x1xf32>,
    } else {
    }
    %gt3A = arith.constant 0 : i32
    %gt3A_29 = arith.cmpi sgt, %arg0, %gt3A : i32
    %convert_element_type3A_30 = arith.extui %gt3A_29 : i1 to i32
    %cond3A_31 = arith.constant 0 : i32
    %cond3A_32 = arith.cmpi ne, %convert_element_type3A_30, %cond3A_31 : i32
    scf.if %cond3A_32 {
      %get3A_38 = arith.constant 0 : index
      %get3A_39 = arith.constant 0 : index
      %get3A_40 = vector.load %arg14[%get3A_38, %get3A_39] : memref<16x32xf32, #tpu.memory_space<vmem>>, vector<16x32xf32>
      %add3A_41 = arith.addf %get3A_40, %dot_general3A_23 : vector<16x32xf32>
      %swap3A = arith.constant 0 : index
      %swap3A_42 = arith.constant 0 : index
      %swap3A_43 = vector.load %arg14[%swap3A, %swap3A_42] : memref<16x32xf32, #tpu.memory_space<vmem>>, vector<16x32xf32>
      tpu.vector_store %arg14[%swap3A, %swap3A_42], %add3A_41 {strides = array<i32>} : memref<16x32xf32, #tpu.memory_space<vmem>>, vector<16x32xf32>,
      %get3A_44 = arith.constant 0 : index
      %get3A_45 = arith.constant 0 : index
      %get3A_46 = vector.load %arg15[%get3A_44, %get3A_45] : memref<16x1xf32, #tpu.memory_space<vmem>>, vector<16x1xf32>
      %add3A_47 = arith.addf %get3A_46, %dot_general3A_26 : vector<16x1xf32>
      %swap3A_48 = arith.constant 0 : index
      %swap3A_49 = arith.constant 0 : index
      %swap3A_50 = vector.load %arg15[%swap3A_48, %swap3A_49] : memref<16x1xf32, #tpu.memory_space<vmem>>, vector<16x1xf32>
      tpu.vector_store %arg15[%swap3A_48, %swap3A_49], %add3A_47 {strides = array<i32>} : memref<16x1xf32, #tpu.memory_space<vmem>>, vector<16x1xf32>,
    } else {
    }
    %eq3A_33 = arith.constant 4 : i32
    %eq3A_34 = arith.cmpi eq, %arg0, %eq3A_33 : i32
    %convert_element_type3A_35 = arith.extui %eq3A_34 : i1 to i32
    %cond3A_36 = arith.constant 0 : i32
    %cond3A_37 = arith.cmpi ne, %convert_element_type3A_35, %cond3A_36 : i32
    scf.if %cond3A_37 {
      %get3A_38 = arith.constant 0 : index
      %get3A_39 = arith.constant 0 : index
      %get3A_40 = vector.load %arg14[%get3A_38, %get3A_39] : memref<16x32xf32, #tpu.memory_space<vmem>>, vector<16x32xf32>
      %get3A_41 = arith.constant 0 : index
      %get3A_42 = arith.constant 0 : index
      %get3A_43 = vector.load %arg15[%get3A_41, %get3A_42] : memref<16x1xf32, #tpu.memory_space<vmem>>, vector<16x1xf32>
      %max3A_44 = arith.constant 1.000000e+00 : f32
      %max3A_45 = vector.broadcast %max3A_44 : f32 to vector<16x1xf32>
      %max3A_46 = arith.maximumf %get3A_43, %max3A_45 : vector<16x1xf32>
      %div3A = vector.broadcast %max3A_46 : vector<16x1xf32> to vector<16x32xf32>
      %div3A_47 = arith.divf %get3A_40, %div3A : vector<16x32xf32>
      %get3A_48 = arith.constant 0 : index
      %get3A_49 = arith.constant 0 : index
      %get3A_50 = vector.load %arg6[%get3A_48, %get3A_49] : memref<32x256xf32, #tpu.memory_space<vmem>>, vector<32x256xf32>
      %dot_general3A_51 = arith.constant dense<0.000000e+00> : vector<16x256xf32>
      %dot_general3A_52 = tpu.matmul %div3A_47, %get3A_50, %dot_general3A_51 {dimension_numbers = #tpu.dot_dimension_numbers<[1], [0], [0], [1], [0, 0, 1, 1], [], []>, transpose_lhs_hint = false} : vector<16x32xf32>, vector<32x256xf32>, vector<16x256xf32> -> vector<16x256xf32>
      %get3A_53 = arith.constant 0 : index
      %get3A_54 = arith.constant 0 : index
      %get3A_55 = vector.load %arg5[%get3A_53, %get3A_54] : memref<16x8xf32, #tpu.memory_space<vmem>>, vector<16x8xf32>
      %get3A_56 = arith.constant 0 : index
      %get3A_57 = arith.constant 0 : index
      %get3A_58 = vector.load %arg7[%get3A_56, %get3A_57] : memref<8x256xf32, #tpu.memory_space<vmem>>, vector<8x256xf32>
      %dot_general3A_59 = arith.constant dense<0.000000e+00> : vector<16x256xf32>
      %dot_general3A_60 = tpu.matmul %get3A_55, %get3A_58, %dot_general3A_59 {dimension_numbers = #tpu.dot_dimension_numbers<[1], [0], [0], [1], [0, 0, 1, 1], [], []>, transpose_lhs_hint = false} : vector<16x8xf32>, vector<8x256xf32>, vector<16x256xf32> -> vector<16x256xf32>
      %add3A_61 = arith.addf %dot_general3A_52, %dot_general3A_60 : vector<16x256xf32>
      %get3A_62 = arith.constant 0 : index
      %get3A_63 = arith.constant 0 : index
      %get3A_64 = vector.load %arg8[%get3A_62, %get3A_63] : memref<1x256xf32, #tpu.memory_space<vmem>>, vector<1x256xf32>
      %add3A_65 = vector.broadcast %get3A_64 : vector<1x256xf32> to vector<16x256xf32>
      %add3A_66 = arith.addf %add3A_61, %add3A_65 : vector<16x256xf32>
      %max3A_67 = arith.constant 0.000000e+00 : f32
      %max3A_68 = vector.broadcast %max3A_67 : f32 to vector<16x256xf32>
      %max3A_69 = arith.maximumf %add3A_66, %max3A_68 : vector<16x256xf32>
      %get3A_70 = arith.constant 0 : index
      %get3A_71 = arith.constant 0 : index
      %get3A_72 = vector.load %arg9[%get3A_70, %get3A_71] : memref<256x256xf32, #tpu.memory_space<vmem>>, vector<256x256xf32>
      %dot_general3A_73 = arith.constant dense<0.000000e+00> : vector<16x256xf32>
      %dot_general3A_74 = tpu.matmul %max3A_69, %get3A_72, %dot_general3A_73 {dimension_numbers = #tpu.dot_dimension_numbers<[1], [0], [0], [1], [0, 0, 1, 1], [], []>, transpose_lhs_hint = false} : vector<16x256xf32>, vector<256x256xf32>, vector<16x256xf32> -> vector<16x256xf32>
      %get3A_75 = arith.constant 0 : index
      %get3A_76 = arith.constant 0 : index
      %get3A_77 = vector.load %arg10[%get3A_75, %get3A_76] : memref<1x256xf32, #tpu.memory_space<vmem>>, vector<1x256xf32>
      %add3A_78 = vector.broadcast %get3A_77 : vector<1x256xf32> to vector<16x256xf32>
      %add3A_79 = arith.addf %dot_general3A_74, %add3A_78 : vector<16x256xf32>
      %max3A_80 = arith.constant 0.000000e+00 : f32
      %max3A_81 = vector.broadcast %max3A_80 : f32 to vector<16x256xf32>
      %max3A_82 = arith.maximumf %add3A_79, %max3A_81 : vector<16x256xf32>
      %get3A_83 = arith.constant 0 : index
      %get3A_84 = arith.constant 0 : index
      %get3A_85 = vector.load %arg11[%get3A_83, %get3A_84] : memref<256x4xf32, #tpu.memory_space<vmem>>, vector<256x4xf32>
      %dot_general3A_86 = arith.constant dense<0.000000e+00> : vector<16x4xf32>
      %dot_general3A_87 = tpu.matmul %max3A_82, %get3A_85, %dot_general3A_86 {dimension_numbers = #tpu.dot_dimension_numbers<[1], [0], [0], [1], [0, 0, 1, 1], [], []>, transpose_lhs_hint = false} : vector<16x256xf32>, vector<256x4xf32>, vector<16x4xf32> -> vector<16x4xf32>
      %get3A_88 = arith.constant 0 : index
      %get3A_89 = arith.constant 0 : index
      %get3A_90 = vector.load %arg12[%get3A_88, %get3A_89] : memref<1x4xf32, #tpu.memory_space<vmem>>, vector<1x4xf32>
      %add3A_91 = vector.broadcast %get3A_90 : vector<1x4xf32> to vector<16x4xf32>
      %add3A_92 = arith.addf %dot_general3A_87, %add3A_91 : vector<16x4xf32>
      %swap3A = arith.constant 0 : index
      %swap3A_93 = arith.constant 0 : index
      %swap3A_94 = vector.load %arg13[%swap3A, %swap3A_93] : memref<16x4xf32, #tpu.memory_space<vmem>>, vector<16x4xf32>
      tpu.vector_store %arg13[%swap3A, %swap3A_93], %add3A_92 {strides = array<i32>} : memref<16x4xf32, #tpu.memory_space<vmem>>, vector<16x4xf32>,
    } else {
    }
    return
  }
  func.func @transform_0(%arg0: i32) -> (i32, i32) {
    %c0_i32 = arith.constant 0 : i32
    %c0_i32_0 = arith.constant 0 : i32
    return %arg0, %c0_i32 : i32, i32
  }
  func.func @transform_1(%arg0: i32) -> (i32, i32) {
    %c0_i32 = arith.constant 0 : i32
    %c0_i32_0 = arith.constant 0 : i32
    return %arg0, %c0_i32 : i32, i32
  }
  func.func @transform_2(%arg0: i32) -> (i32, i32) {
    %c0_i32 = arith.constant 0 : i32
    %c0_i32_0 = arith.constant 0 : i32
    %c0_i32_1 = arith.constant 0 : i32
    return %c0_i32, %c0_i32_0 : i32, i32
  }
  func.func @transform_3(%arg0: i32) -> (i32, i32) {
    %c0_i32 = arith.constant 0 : i32
    %c0_i32_0 = arith.constant 0 : i32
    return %arg0, %c0_i32 : i32, i32
  }
  func.func @transform_4(%arg0: i32) -> (i32, i32) {
    %c0_i32 = arith.constant 0 : i32
    %c0_i32_0 = arith.constant 0 : i32
    %c0_i32_1 = arith.constant 0 : i32
    return %c0_i32, %c0_i32_0 : i32, i32
  }
  func.func @transform_5(%arg0: i32) -> (i32, i32) {
    %c0_i32 = arith.constant 0 : i32
    %c0_i32_0 = arith.constant 0 : i32
    %c0_i32_1 = arith.constant 0 : i32
    return %c0_i32, %c0_i32_0 : i32, i32
  }
  func.func @transform_6(%arg0: i32) -> (i32, i32) {
    %c0_i32 = arith.constant 0 : i32
    %c0_i32_0 = arith.constant 0 : i32
    %c0_i32_1 = arith.constant 0 : i32
    return %c0_i32, %c0_i32_0 : i32, i32
  }
  func.func @transform_7(%arg0: i32) -> (i32, i32) {
    %c0_i32 = arith.constant 0 : i32
    %c0_i32_0 = arith.constant 0 : i32
    %c0_i32_1 = arith.constant 0 : i32
    return %c0_i32, %c0_i32_0 : i32, i32
  }
  func.func @transform_8(%arg0: i32) -> (i32, i32) {
    %c0_i32 = arith.constant 0 : i32
    %c0_i32_0 = arith.constant 0 : i32
    %c0_i32_1 = arith.constant 0 : i32
    return %c0_i32, %c0_i32_0 : i32, i32
  }
  func.func @transform_9(%arg0: i32) -> (i32, i32) {
    %c0_i32 = arith.constant 0 : i32
    %c0_i32_0 = arith.constant 0 : i32
    %c0_i32_1 = arith.constant 0 : i32
    return %c0_i32, %c0_i32_0 : i32, i32
  }
  func.func @transform_10(%arg0: i32) -> (i32, i32) {
    %c0_i32 = arith.constant 0 : i32
    %c0_i32_0 = arith.constant 0 : i32
    %c0_i32_1 = arith.constant 0 : i32
    return %c0_i32, %c0_i32_0 : i32, i32
  }
  func.func @transform_11(%arg0: i32) -> (i32, i32) {
    %c0_i32 = arith.constant 0 : i32
    %c0_i32_0 = arith.constant 0 : i32
    %c0_i32_1 = arith.constant 0 : i32
    return %c0_i32, %c0_i32_0 : i32, i32
  }
  func.func @transform_12(%arg0: i32) -> (i32, i32) {
    %c0_i32 = arith.constant 0 : i32
    %c0_i32_0 = arith.constant 0 : i32
    %c0_i32_1 = arith.constant 0 : i32
    return %c0_i32, %c0_i32_0 : i32, i32
  }
}

</mosaic_0001>

<sc_bundles>
// kernel: kernel.12.cloned.1.call-start
scs
__scs_entry_jumppad:
0x0: {  	(pc) =	sbr.rel $0x88, $3  }
0x1: {  	(tag) =	ssettag $0x0;
	lr =	simm.s32 $0x1  }
0x2: {  	[smem:$0x3F8E] =	sst lr;
	_ =	strace $0xD0000000  }
0x3: {  	_ = 	snop  }
0x4: {  	_ = 	snop  }
0x5: {  	_ = 	snop  }
0x6: {  	_ = 	snop  }
0x7: {  	_ = 	snop  }
__scs_overlays_trampoline_lowered:
0x8: {  	[smem:$0x3F9D] =	sst s0  }
0x9: {  	[smem:$0x3F9E] =	sst s1  }
0xa: {  	[smem:$0x3F9F] =	sst s2  }
0xb: {  	[smem:$0x3FA0] =	sst s3  }
0xc: {  	[smem:$0x3FA1] =	sst s4  }
0xd: {  	[smem:$0x3FA2] =	sst s5  }
0xe: {  	[smem:$0x3FA3] =	sst s6  }
0xf: {  	[smem:$0x3FA4] =	sst s7  }
0x10: {  	[smem:$0x3FA5] =	sst s8  }
0x11: {  	[smem:$0x3FA6] =	sst s9;
	s0 =	simm.s32 @!p0 $0x0  }
0x12: {  	s1 =	sld [smem:$0x3F8C];
	s0 =	simm.s32 @p0 $0x1  }
0x13: {  	[smem:$0x3FA7] =	sst s0;
	s0 =	simm.s32 @!p1 $0x0  }
0x14: {  	s2 =	sld [smem:$0x3F8B];
	s0 =	simm.s32 @p1 $0x1  }
0x15: {  	[smem:$0x3FA8] =	sst s0;
	s0 =	simm.s32 @!p2 $0x0  }
0x16: {  	s3 =	sld [smem:$0x3FDB];
	s0 =	simm.s32 @p2 $0x1  }
0x17: {  	s4 =	simm.s32 $0x1BF5;
	[smem:$0x3FAA] =	sst s0  }
0x18: {  	s0 =	sld [smem:$0x3F8D];
	_ =	swait.ge [sflag:s4], $0x0  }
0x19: {  	s7 =	sld [smem:$0x3F8E]  }
0x1a: {  	s8 =	sadd.s32 $0xFFFFE003, lr  }
0x1b: {  	s9 =	sadd.s32 $0xFFFFFEF7, lr;
	s5 =	simm.s32 $0xFFFFFFFF;
	p2 =	slt.u32 s8, $0xFFFFF086  }
0x1c: {  	p1 =	slt.u32 s9, $0xF7A;
	s5 =	simm.s32 @!p2 $0x0  }
0x1d: {  	s5 =	simm.s32 @p1 $0x1;
	p0 =	seq.s32 s7, s2  }
0x1e: {  	s7 =	smul.u32 @!p0 $0xF7A, s2;
	p2 =	seq.s32 @!p0 s5, $0x0  }
0x1f: {  	s9 =	smul.u32 $0xF7A, s1;
	s8 =	simm.s32 @!p0 $0x1BF5;
	p2 =	por !p2, p0  }
0x20: {  	[sflag:s8] =	ssyncset.s32 @!p0 $0xFFFFF086;
	s6 =	sadd.s32 @!p0 s3, s7;
	s7 =	simm.s32 @!p0 $0x108  }
0x21: {  	s3 =	sadd.s32 s3, s9;
	s6 =	sadd.s32 @!p0 $0x88, s6;
	s7 =	simm.s32 @p2 $0x1082  }
0x22: {  	[simem:s7], [sflag:s8] =	dma.local @!p0 [hbm:s6], $0xF7A  }
0x23: {  	s9 =	sor.u32 $0xD0000000, s2;
	s6 =	simm.s32 $0x108;
	_ =	swait.ge @!p0 [sflag:s8], $0x0  }
0x24: {  	s3 =	sadd.s32 $0x88, s3;
	s6 =	simm.s32 @!p1 $0x1082;
	[sflag:s4] =	ssyncset.s32 $0xFFFFF086  }
0x25: {  	[simem:s6], [sflag:s4] =	dma.local [hbm:s3], $0xF7A  }
0x26: {  	[smem:$0x3F8E] =	sst s1;
	(tag) =	ssettag s2;
	_ =	strace s9  }
0x27: {  	s1 =	sld [smem:$0x3F9E]  }
0x28: {  	s2 =	sld [smem:$0x3F9F]  }
0x29: {  	s4 =	sld [smem:$0x3FA1]  }
0x2a: {  	p0 =	seq.s32 s5, $0x0;
	s5 =	sld [smem:$0x3FA2]  }
0x2b: {  	s6 =	sld [smem:$0x3FA3]  }
0x2c: {  	s7 =	sld [smem:$0x3FA4]  }
0x2d: {  	s3 =	simm.s32 $0x108;
	s8 =	sld [smem:$0x3FA5]  }
0x2e: {  	s3 =	simm.s32 @!p0 $0x1082;
	s9 =	sld [smem:$0x3FA6]  }
0x2f: {  	lr =	sadd.s32 s0, s3;
	s0 =	sld [smem:$0x3F9D]  }
0x30: {  	s3 =	sld [smem:$0x3FA0]  }
0x31: {  	[smem:$0x3FA9] =	sst s10  }
0x32: {  	s10 =	sld [smem:$0x3FA7];
	_ =	sdelay $0x3  }
0x33: {  	p0 =	seq.s32 s10, $0x1;
	s10 =	sld [smem:$0x3FA9];
	_ =	sdelay $0x3  }
0x34: {  	[smem:$0x3FA9] =	sst s10  }
0x35: {  	s10 =	sld [smem:$0x3FA8];
	_ =	sdelay $0x3  }
0x36: {  	p1 =	seq.s32 s10, $0x1;
	s10 =	sld [smem:$0x3FA9];
	_ =	sdelay $0x3  }
0x37: {  	[smem:$0x3FA9] =	sst s10  }
0x38: {  	s10 =	sld [smem:$0x3FAA]  }
0x39: {  	_ = 	snop;
	(pc) =	sbr.ind lr, $3  }
0x3a: {  	_ = 	snop  }
0x3b: {  	_ = 	snop  }
0x3c: {  	p2 =	seq.s32 s10, $0x1;
	s10 =	sld [smem:$0x3FA9]  }
0x3d: {  	_ =	shalt  }
0x3e: {  	_ =	shalt  }
0x3f: {  	_ =	shalt  }
0x40: {  	_ =	shalt  }
0x41: {  	_ =	shalt  }
0x42: {  	_ =	shalt  }
0x43: {  	_ =	shalt  }
0x44: {  	_ =	shalt  }
0x45: {  	_ =	shalt  }
0x46: {  	_ =	shalt  }
0x47: {  	_ =	shalt  }
0x48: {  	_ =	shalt  }
0x49: {  	_ =	shalt  }
0x4a: {  	_ =	shalt  }
0x4b: {  	_ =	shalt  }
0x4c: {  	_ =	shalt  }
0x4d: {  	_ =	shalt  }
0x4e: {  	_ =	shalt  }
0x4f: {  	_ =	shalt  }
0x50: {  	_ =	shalt  }
0x51: {  	_ =	shalt  }
0x52: {  	_ =	shalt  }
0x53: {  	_ =	shalt  }
0x54: {  	_ =	shalt  }
0x55: {  	_ =	shalt  }
0x56: {  	_ =	shalt  }
0x57: {  	_ =	shalt  }
0x58: {  	_ =	shalt  }
0x59: {  	_ =	shalt  }
0x5a: {  	_ =	shalt  }
0x5b: {  	_ =	shalt  }
0x5c: {  	_ =	shalt  }
0x5d: {  	_ =	shalt  }
0x5e: {  	_ =	shalt  }
0x5f: {  	_ =	shalt  }
0x60: {  	_ =	shalt  }
0x61: {  	_ =	shalt  }
0x62: {  	_ =	shalt  }
0x63: {  	_ =	shalt  }
0x64: {  	_ =	shalt  }
0x65: {  	_ =	shalt  }
0x66: {  	_ =	shalt  }
0x67: {  	_ =	shalt  }
0x68: {  	_ =	shalt  }
0x69: {  	_ =	shalt  }
0x6a: {  	_ =	shalt  }
0x6b: {  	_ =	shalt  }
0x6c: {  	_ =	shalt  }
0x6d: {  	_ =	shalt  }
0x6e: {  	_ =	shalt  }
0x6f: {  	_ =	shalt  }
0x70: {  	_ =	shalt  }
0x71: {  	_ =	shalt  }
0x72: {  	_ =	shalt  }
0x73: {  	_ =	shalt  }
0x74: {  	_ =	shalt  }
0x75: {  	_ =	shalt  }
0x76: {  	_ =	shalt  }
0x77: {  	_ =	shalt  }
0x78: {  	_ =	shalt  }
0x79: {  	_ =	shalt  }
0x7a: {  	_ =	shalt  }
0x7b: {  	_ =	shalt  }
0x7c: {  	_ =	shalt  }
0x7d: {  	_ =	shalt  }
0x7e: {  	_ =	shalt  }
0x7f: {  	_ =	shalt  }
0x80: {  	_ =	shalt  }
0x81: {  	_ =	shalt  }
0x82: {  	_ =	shalt  }
0x83: {  	_ =	shalt  }
0x84: {  	_ =	shalt  }
0x85: {  	_ =	shalt  }
0x86: {  	_ =	shalt  }
0x87: {  	_ =	shalt  }
.Lfunc_end0:
.L_simem_size_0:
called_computation.1_lowered:
.L_overlay_start_0:
0x88: {  	s2 =	sld [smem:$0x3FD9]  }
0x89: {  	s3 =	sld [smem:$0x3FFE];
	_ =	sdelay $0x1  }
0x8a: {  	s1 =	srdreg.scid  }
0x8b: {  	s0 =	sand.u32 $0x1, s1  }
0x8c: {  	s16 =	sshll.u32 s0, $0xA;
	s2 =	sadd.s32 s3, s2  }
0x8d: {  	s2 =	sadd.s32 s2, s16  }
0x8e: {  	[smem:$0x3FB5] =	sst s2  }
0x8f: {  	_ = 	snop  }
0x90: {  	(tm) =	ssettm $0x1  }
0x91: {  	s17 =	sld [smem:$0x3FFB];
	_ =	sdelay $0x3  }
0x92: {  	_ =	strace s17  }
0x93: {  	s2 =	sld [smem:$0x3FFC];
	_ =	sdelay $0x3  }
0x94: {  	_ =	strace s2  }
0x95: {  	s2 =	sld [smem:$0x3FFD];
	_ =	sdelay $0x3  }
0x96: {  	_ =	strace s2  }
0x97: {  	_ =	strace $0x8FFFFFFF  }
0x98: {  	s18 =	sld [smem:$0x3FDB];
	_ =	sdelay $0x1  }
0x99: {  	s19 =	simm.s32 $_scs_section_size  }
0x9a: {  	s4 =	simm.s32 $_size__tile_overlayer_lowered;
	s5 =	simm.s32 $_tile_overlayer_lowered  }
0x9b: {  	s22 =	simm.s32 $0x1BFF;
	s21 =	sshll.u32 s5, $0x1;
	s2 =	sadd.s32 s19, s18  }
0x9c: {  	s6 =	simm.s32 $0x0;
	s20 =	sshll.u32 s4, $0x1;
	s4 =	sadd.s32 s21, s2  }
0x9d: {  	[timem:s6], [sflag:s22] =	dma.local [hbm:s4], s20  }
0x9e: {  	_ =	swait.ge [sflag:s22], s20  }
0x9f: {  	s3 =	ssub.s32 $0x0, s20;
	[sflag:s22] =	ssyncset.done $0x0  }
0xa0: {  	[sflag:s22] =	ssyncadd.s32 s3;
	_ =	sdelay $0x1  }
0xa1: {  	s23 =	simm.s32 $0x1B8B  }
0xa2: {  	_ =	swait.ge [sflag:s23], $0x1  }
0xa3: {  	[sflag:s23] =	ssyncset.done $0x0  }
0xa4: {  	s25 =	simm.s32 $0x1B8E;
	s24 =	sld [smem:$0x3FFE];
	[sflag:s23] =	ssyncadd.s32 $0xFFFFFFFF  }
0xa5: {  	s26 =	simm.s32 $execute0_lowered;
	[smem:$0x3FD2] =	sst s25  }
0xa6: {  	s4 =	sshll.u32 s26, $0x1;
	_ =	strace $0x80000049;
	[dreg:$0x1] =	wrdreg $0xFFFFFFFF  }
0xa7: {  	s28 =	simm.s32 $_size_execute0_lowered;
	s2 =	sadd.s32 s2, s4;
	[dreg:$0x0] =	wrdreg $0x0  }
0xa8: {  	s4 =	sshll.u32 s28, $0x1;
	[dreg:$0x2] =	wrdreg s2  }
0xa9: {  	[dreg:$0x3] =	wrdreg s4  }
0xaa: {  	[dreg:$0x4] =	wrdreg $0xC0  }
0xab: {  	_ =	task [dreg:s6], $0x5FFFF  }
0xac: {  	[dreg:$0x1] =	wrdreg $0xFFFFFFFF  }
0xad: {  	[dreg:$0x0] =	wrdreg $0x60  }
0xae: {  	[dreg:$0x2] =	wrdreg s24  }
0xaf: {  	[dreg:$0x3] =	wrdreg $0x0  }
0xb0: {  	[dreg:$0x4] =	wrdreg $0x4F000  }
0xb1: {  	[dreg:$0x5] =	wrdreg $0x9  }
0xb2: {  	_ =	task.clear_ibuf [dreg:s6], $0x6FFFF;
	_ =	strace $0x90000049  }
0xb3: {  	s29 =	simm.s32 $0x9;
	_ =	strace $0x8000004B  }
0xb4: {  	_ =	swait.ge [sflag:s29], $0x1  }
0xb5: {  	[sflag:s29] =	ssyncadd.s32 $0xFFFFFFFF  }
0xb6: {  	_ =	strace $0x9000004B  }
0xb7: {  	_ =	sfence  }
0xb8: {  	s30 =	sld [smem:$0x0];
	_ =	sdelay $0x2  }
0xb9: {  	s31 =	sshll.u32 s1, $0xD;
	s1 =	sshrl.u32 s1, $0x2  }
0xba: {  	s3 =	sand.u32 $0x4000, s31;
	s1 =	sadd.s32 s1, s30  }
0xbb: {  	s0 =	sor.u32 s3, s0;
	s1 =	sshll.u32 s1, $0x11  }
0xbc: {  	s0 =	sor.u32 s1, s0  }
0xbd: {  	s0 =	sadd.s32 $0x8F2B, s0  }
0xbe: {  	[sflag:s0] =	ssyncadd.remote.s32 $0x1  }
0xbf: {  	_ =	sfence.sel $0xFFFF  }
0xc0: {  	[dreg:$0x0] =	wrdreg $0xFFFFFFFF;
	(pc) =	sbr.abs _section_cstart, $3  }
0xc1: {  	[dreg:$0x1] =	wrdreg $0xFFFFFFFF  }
0xc2: {  	_ =	task.clear_ibuf [dreg:s6], $0x2FFFF;
	_ =	strace $0x9FFFFFFF  }
0xc3: {  	(tm) =	ssettm $0x7FFFFFFF  }
tec
execute0_lowered:
.L_overlay_start_1:
0x0: {  	(tag) =	ssettag $0x1  }
0x1: {  	s1 =	rddreg [dreg:$0x0]  }
0x2: {  	s0 =	srdreg.scid;
	s2 =	rddreg [dreg:$0x1]  }
0x3: {  	s10 =	stileid.u32;
	s3 =	rddreg [dreg:$0x2]  }
0x4: {  	s6 =	simm.s32 $0x0;
	s26 =	simm.s32 $0x13D20;
	s28 =	simm.s32 $0x1  }
0x5: {  	s29 =	simm.s32 $0x12D20;
	s30 =	simm.s32 $0x2;
	s31 =	simm.s32 $0x3  }
0x6: {  	s16 =	simm.s32 $0x15D20;
	s4 =	sand.u32 $0x1, s0;
	s19 =	smul.u32 $0x4F00, s10  }
0x7: {  	[smem:$0x7FF] =	sst s6;
	s7 =	smul.u32 $0x2780, s10;
	s11 =	sshll.u32 s10, $0x6  }
0x8: {  	s0 =	sshll.u32 s0, $0x3;
	s6 =	sadd.s32 $0x4A100, s3;
	p0 =	seq.s32 s10, $0xF  }
0x9: {  	s5 =	sshll.u32 s4, $0x4;
	_ =	strace $0x8000004A;
	[dreg:$0x5] =	wrdreg s11  }
0xa: {  	s4 =	ssub.s32 $0x2, s4;
	s0 =	sand.u32 $0x8, s0;
	[dreg:$0x4] =	wrdreg s26  }
0xb: {  	s26 =	simm.s32 $0x11D20;
	s5 =	sor.u32 s10, s5;
	s8 =	sshrl.u32 s19, $0x3  }
0xc: {  	s9 =	sadd.s32 s7, s1;
	s21 =	sshrl.u32 s4, $0x1;
	s22 =	sadd.s32 s19, s2  }
0xd: {  	s5 =	smul.u32 $0x500, s5;
	s20 =	sadd.s32 s8, s1;
	s4 =	ssub.s32 s4, s21  }
0xe: {  	s24 =	sadd.s32 $0xDE00, s9;
	s0 =	sadd.s32 s0, s9;
	s8 =	sshrl.u32 s22, $0x3  }
0xf: {  	s21 =	simm.s32 $0xED20;
	s7 =	sadd.s32 $0x3F000, s20;
	[dreg:$0x9] =	wrdreg s24  }
0x10: {  	s22 =	simm.s32 $0x5;
	s25 =	smax.u32 s4, $0x1;
	[dreg:$0x6] =	wrdreg s7  }
0x11: {  	s0 =	sadd.s32 $0x48E00, s0;
	s20 =	simm.s32 $0x80;
	[dreg:$0xb] =	wrdreg s25  }
0x12: {  	s5 =	sadd.s32 s5, s1;
	s1 =	sadd.s32 $0x32E80, s1;
	[dreg:$0xc] =	wrdreg s0  }
0x13: {  	s24 =	simm.s32 $0x7;
	s0 =	sshrl.u32 @p0 s6, $0x3;
	[dreg:$0xa] =	wrdreg s1  }
0x14: {  	s7 =	sor.u32 $0x1C08, s11;
	s23 =	sadd.s32 $0x35000, s5;
	[dreg:$0xd] =	wrdreg s0  }
0x15: {  	s25 =	simm.s32 $0x10D20;
	s5 =	sadd.s32 $0x3E00, s5;
	[dreg:$0x7] =	wrdreg s23  }
0x16: {  	s1 =	simm.s32 $0x14D20;
	[dreg:$0x8] =	wrdreg s5;
	s5 =	sadd.s32 s19, s3  }
0x17: {  	s19 =	simm.s32 $0x8;
	s23 =	simm.s32 $0xFD20;
	s0 =	sshrl.u32 @!p0 s5, $0x3  }
0x18: {  	s5 =	simm.s32 $0x0;
	[dreg:$0xe] =	wrdreg s0;
	s0 =	simm.s32 $0x4  }
.LBB2_1:
0x19: {  	s4 =	rddreg [dreg:$0x6];
	s12 =	smov.u32 s8  }
0x1a: {  	[spmem:s8], [sflag:s7] =	dma.local [hbm:s4], $0x9E0  }
0x1b: {  	s10 =	simm.s32 $0x9D20;
	s8 =	simm.s32 $0x0;
	s6 =	rddreg [dreg:$0x7]  }
0x1c: {  	[tilespmem:s10], [sflag:$0x8] =	stream.linear.gather [hbm4b:s6+s8], $0x2800, $0x38;
	[tilespmem:$0x16D20] =	vst v63  }
0x1d: {  	s11 =	simm.s32 $0xC520;
	s9 =	rddreg [dreg:$0x8]  }
0x1e: {  	[tilespmem:s11], [sflag:$0x8] =	stream.linear.gather [hbm4b:s9+s8], $0x2800, $0x38;
	[tilespmem:$0x16D20] =	vst v63  }
0x1f: {  	s4 =	simm.s32 @p0 $0x1;
	s9 =	rddreg [dreg:$0xa]  }
0x20: {  	s6 =	simm.s32 @p0 $0x4;
	s8 =	simm.s32 @p0 $0x10;
	s11 =	rddreg [dreg:$0xd]  }
0x21: {  	[spmem:s11@s6], [sflag:s7] =	dma.strided @p0 [hbm:s9@s8], $0x820, s4, $0x4   }
0x22: {  	s4 =	simm.s32 @!p0 $0x1;
	s9 =	rddreg [dreg:$0x9]  }
0x23: {  	s6 =	simm.s32 @!p0 $0x4;
	s8 =	simm.s32 @!p0 $0x10;
	s11 =	rddreg [dreg:$0xe]  }
0x24: {  	[spmem:s11@s6], [sflag:s7] =	dma.strided @!p0 [hbm:s9@s8], $0x9E0, s4, $0x4   }
0x25: {  	_ =	swait.ge [sflag:s19], $0x9E0  }
0x26: {  	[sflag:s19] =	ssyncset.done $0x0  }
0x27: {  	[sflag:s19] =	ssyncadd.s32 $0xFFFFF620  }
0x28: {  	_ =	swait.ge [sflag:s19], $0x2800  }
0x29: {  	[sflag:s19] =	ssyncset.done $0x0  }
0x2a: {  	[sflag:s19] =	ssyncadd.s32 $0xFFFFD800  }
0x2b: {  	_ =	swait.ge [sflag:s19], $0x2800  }
0x2c: {  	[sflag:s19] =	ssyncset.done $0x0  }
0x2d: {  	s4 =	simm.s32 @p0 $0x8;
	[sflag:s19] =	ssyncadd.s32 $0xFFFFD800  }
0x2e: {  	_ =	swait.ge @p0 [sflag:s4], $0x820  }
0x2f: {  	[sflag:s4] =	ssyncset.done @p0 $0x0  }
0x30: {  	[sflag:s4] =	ssyncadd.s32 @p0 $0xFFFFF7E0;
	s4 =	simm.s32 @!p0 $0x8  }
0x31: {  	_ =	swait.ge @!p0 [sflag:s4], $0x9E0  }
0x32: {  	[sflag:s4] =	ssyncset.done @!p0 $0x0  }
0x33: {  	[sflag:s4] =	ssyncadd.s32 @!p0 $0xFFFFF620  }
0x34: {  	[bflag:$0x0] =	sbarrier.arrive $0xFFFF  }
0x35: {  	[tilespmem:s21], [sflag:$0x1] =	stream.indirect.gather [spmem:s3], $0x20, s10, s20, $0xb8;
	[tilespmem:$0x16D20] =	vst v63  }
0x36: {  	s13 =	simm.s32 $0x9DA0;
	p1 =	por $0x1, $0x1  }
0x37: {  	[tilespmem:s23], [sflag:$0x2] =	stream.indirect.gather [spmem:s3], $0x20, s13, s20, $0xb8;
	[tilespmem:$0x16D20] =	vst v63  }
0x38: {  	s14 =	simm.s32 $0x9E20;
	s4 =	simm.s32 @!p1 $0xC  }
0x39: {  	[tilespmem:s25], [sflag:$0x3] =	stream.indirect.gather [spmem:s3], $0x20, s14, s20, $0xb8;
	[tilespmem:$0x16D20] =	vst v63  }
0x3a: {  	_ =	swait.ge @!p1 [sflag:s4], $0x1000  }
0x3b: {  	[sflag:s4] =	ssyncset.done @!p1 $0x0  }
0x3c: {  	s15 =	simm.s32 $0x9EA0;
	[sflag:s4] =	ssyncadd.s32 @!p1 $0xFFFFF000  }
0x3d: {  	[tilespmem:s26], [sflag:$0x4] =	stream.indirect.gather [spmem:s3], $0x20, s15, s20, $0xb8;
	[tilespmem:$0x16D20] =	vst v63  }
0x3e: {  	_ =	swait.ge [sflag:s28], $0x1000  }
0x3f: {  	[sflag:s28] =	ssyncset.done $0x0  }
0x40: {  	s17 =	simm.s32 $0xC520;
	s6 =	simm.s32 @!p1 $0xD;
	[sflag:s28] =	ssyncadd.s32 $0xFFFFF000  }
0x41: {  	[spmem:s2] =	stream.indirect.scatter.add.f32 [tilespmem:s21], [sflag:$0x9], $0x20, s17, s20, $0xb8;
	[tilespmem:$0x16D20] =	vst v63  }
0x42: {  	_ =	swait.ge @!p1 [sflag:s6], $0x1000  }
0x43: {  	[sflag:s6] =	ssyncset.done @!p1 $0x0  }
0x44: {  	s18 =	simm.s32 $0x9F20;
	[sflag:s6] =	ssyncadd.s32 @!p1 $0xFFFFF000  }
0x45: {  	[tilespmem:s29], [sflag:$0x5] =	stream.indirect.gather [spmem:s3], $0x20, s18, s20, $0xb8;
	[tilespmem:$0x16D20] =	vst v63  }
0x46: {  	_ =	swait.ge [sflag:s30], $0x1000  }
0x47: {  	[sflag:s30] =	ssyncset.done $0x0  }
0x48: {  	s8 =	simm.s32 $0xC5A0;
	s6 =	simm.s32 @!p1 $0xE;
	[sflag:s30] =	ssyncadd.s32 $0xFFFFF000  }
0x49: {  	[spmem:s2] =	stream.indirect.scatter.add.f32 [tilespmem:s23], [sflag:$0xA], $0x20, s8, s20, $0xb8;
	[tilespmem:$0x16D20] =	vst v63  }
0x4a: {  	_ =	swait.ge @!p1 [sflag:s6], $0x1000  }
0x4b: {  	[sflag:s6] =	ssyncset.done @!p1 $0x0  }
0x4c: {  	s10 =	simm.s32 $0x9FA0;
	s9 =	rddreg [dreg:$0x4];
	[sflag:s6] =	ssyncadd.s32 @!p1 $0xFFFFF000  }
0x4d: {  	[tilespmem:s9], [sflag:$0x6] =	stream.indirect.gather [spmem:s3], $0x20, s10, s20, $0xb8;
	[tilespmem:$0x16D20] =	vst v63  }
0x4e: {  	_ =	swait.ge [sflag:s31], $0x1000  }
0x4f: {  	p2 =	por $0x1, $0x1;
	[sflag:s31] =	ssyncset.done $0x0  }
0x50: {  	s11 =	simm.s32 $0xC620;
	s6 =	simm.s32 @!p2 $0xF;
	[sflag:s31] =	ssyncadd.s32 $0xFFFFF000  }
0x51: {  	[spmem:s2] =	stream.indirect.scatter.add.f32 [tilespmem:s25], [sflag:$0xB], $0x20, s11, s20, $0xb8;
	[tilespmem:$0x16D20] =	vst v63  }
0x52: {  	_ =	swait.ge @!p2 [sflag:s6], $0x1000  }
0x53: {  	[sflag:s6] =	ssyncset.done @!p2 $0x0  }
0x54: {  	s13 =	simm.s32 $0xA020;
	[sflag:s6] =	ssyncadd.s32 @!p2 $0xFFFFF000  }
0x55: {  	[tilespmem:s1], [sflag:$0x7] =	stream.indirect.gather [spmem:s3], $0x20, s13, s20, $0xb8;
	[tilespmem:$0x16D20] =	vst v63  }
0x56: {  	_ =	swait.ge [sflag:s0], $0x1000  }
0x57: {  	[sflag:s0] =	ssyncset.done $0x0  }
0x58: {  	s14 =	simm.s32 $0xC6A0;
	s6 =	simm.s32 @!p1 $0x10;
	[sflag:s0] =	ssyncadd.s32 $0xFFFFF000  }
0x59: {  	[spmem:s2] =	stream.indirect.scatter.add.f32 [tilespmem:s26], [sflag:$0xC], $0x20, s14, s20, $0xb8;
	[tilespmem:$0x16D20] =	vst v63  }
0x5a: {  	_ =	swait.ge @!p1 [sflag:s6], $0x1000  }
0x5b: {  	[sflag:s6] =	ssyncset.done @!p1 $0x0  }
0x5c: {  	s15 =	simm.s32 $0xA0A0;
	[sflag:s6] =	ssyncadd.s32 @!p1 $0xFFFFF000  }
0x5d: {  	[tilespmem:s16], [sflag:$0x8] =	stream.indirect.gather [spmem:s3], $0x20, s15, s20, $0xb8;
	[tilespmem:$0x16D20] =	vst v63  }
0x5e: {  	_ =	swait.ge [sflag:s22], $0x1000  }
0x5f: {  	p1 =	por $0x0, $0x0;
	[sflag:s22] =	ssyncset.done $0x0  }
0x60: {  	s17 =	simm.s32 $0xC720;
	s6 =	simm.s32 @p1 $0x6;
	[sflag:s22] =	ssyncadd.s32 $0xFFFFF000  }
0x61: {  	[spmem:s2] =	stream.indirect.scatter.add.f32 [tilespmem:s29], [sflag:$0xD], $0x20, s17, s20, $0xb8;
	[tilespmem:$0x16D20] =	vst v63  }
0x62: {  	_ =	swait.ge @p1 [sflag:s6], $0x1000  }
0x63: {  	s4 =	simm.s32 @p1 $0xC7A0;
	s8 =	simm.s32 @p1 $0x80;
	[sflag:s6] =	ssyncset.done @p1 $0x0  }
0x64: {  	s17 =	simm.s32 @p1 $0x13D20;
	[sflag:s6] =	ssyncadd.s32 @p1 $0xFFFFF000;
	s6 =	simm.s32 @!p1 $0x9  }
0x65: {  	[spmem:s2] =	stream.indirect.scatter.add.f32 @p1 [tilespmem:s17], [sflag:$0xE], $0x20, s4, s8, $0xb8;
	[tilespmem:$0x16D20] =	vst v63  }
0x66: {  	_ =	swait.ge @!p1 [sflag:s6], $0x1000  }
0x67: {  	s4 =	simm.s32 @!p1 $0xA120;
	s8 =	simm.s32 @!p1 $0x80;
	[sflag:s6] =	ssyncset.done @!p1 $0x0  }
0x68: {  	s17 =	simm.s32 @!p1 $0xED20;
	[sflag:s6] =	ssyncadd.s32 @!p1 $0xFFFFF000;
	s6 =	simm.s32 @!p1 $0x6  }
0x69: {  	[tilespmem:s17], [sflag:$0x1] =	stream.indirect.gather @!p1 [spmem:s3], $0x20, s4, s8, $0xb8;
	[tilespmem:$0x16D20] =	vst v63  }
0x6a: {  	_ =	swait.ge @!p1 [sflag:s6], $0x1000  }
0x6b: {  	s4 =	simm.s32 @!p1 $0xC7A0;
	[sflag:s6] =	ssyncset.done @!p1 $0x0  }
0x6c: {  	s17 =	simm.s32 @!p1 $0x13D20;
	[sflag:s6] =	ssyncadd.s32 @!p1 $0xFFFFF000;
	s6 =	simm.s32 @!p1 $0xA  }
0x6d: {  	[spmem:s2] =	stream.indirect.scatter.add.f32 @!p1 [tilespmem:s17], [sflag:$0xE], $0x20, s4, s8, $0xb8;
	[tilespmem:$0x16D20] =	vst v63  }
0x6e: {  	_ =	swait.ge @!p1 [sflag:s6], $0x1000  }
0x6f: {  	[sflag:s6] =	ssyncset.done @!p1 $0x0  }
0x70: {  	s4 =	simm.s32 @!p1 $0xA1A0;
	s17 =	simm.s32 @!p1 $0xFD20;
	[sflag:s6] =	ssyncadd.s32 @!p1 $0xFFFFF000  }
0x71: {  	[tilespmem:s17], [sflag:$0x2] =	stream.indirect.gather @!p1 [spmem:s3], $0x20, s4, s8, $0xb8;
	[tilespmem:$0x16D20] =	vst v63  }
0x72: {  	_ =	swait.ge [sflag:s24], $0x1000  }
0x73: {  	[sflag:s24] =	ssyncset.done $0x0  }
0x74: {  	s18 =	simm.s32 $0xC820;
	s6 =	simm.s32 @!p1 $0xB;
	[sflag:s24] =	ssyncadd.s32 $0xFFFFF000  }
0x75: {  	[spmem:s2] =	stream.indirect.scatter.add.f32 [tilespmem:s1], [sflag:$0xF], $0x20, s18, s20, $0xb8;
	[tilespmem:$0x16D20] =	vst v63  }
0x76: {  	p2 =	por $0x0, $0x0;
	_ =	swait.ge @!p1 [sflag:s6], $0x1000  }
0x77: {  	s4 =	simm.s32 @!p1 $0xA220;
	s17 =	simm.s32 @!p1 $0x10D20;
	[sflag:s6] =	ssyncset.done @!p1 $0x0  }
0x78: {  	s18 =	simm.s32 $0xB;
	[sflag:s6] =	ssyncadd.s32 @!p1 $0xFFFFF000;
	s6 =	simm.s32 $0xC8A0  }
0x79: {  	[tilespmem:s17], [sflag:$0x3] =	stream.indirect.gather @!p1 [spmem:s3], $0x20, s4, s8, $0xb8;
	[tilespmem:$0x16D20] =	vst v63  }
0x7a: {  	s17 =	simm.s32 $0x1000;
	s4 =	simm.s32 $0x2000;
	_ =	swait.ge [sflag:s19], $0x1000  }
.LBB2_2:
0x7b: {  	[sflag:s19] =	ssyncset.done $0x0  }
0x7c: {  	s9 =	simm.s32 @!p2 $0xC;
	[sflag:s19] =	ssyncadd.s32 $0xFFFFF000  }
0x7d: {  	[spmem:s2] =	stream.indirect.scatter.add.f32 [tilespmem:s16], [sflag:$0x10], $0x20, s6, s20, $0xb8;
	[tilespmem:$0x16D20] =	vst v63  }
0x7e: {  	_ =	swait.ge @!p2 [sflag:s9], $0x1000  }
0x7f: {  	s6 =	sshra.s32 s17, $0x2;
	[sflag:s9] =	ssyncset.done @!p2 $0x0  }
0x80: {  	s10 =	sadd.s32 $0x9EA0, s6;
	[sflag:s9] =	ssyncadd.s32 @!p2 $0xFFFFF000  }
0x81: {  	[tilespmem:s26], [sflag:$0x4] =	stream.indirect.gather [spmem:s3], $0x20, s10, s20, $0xb8;
	[tilespmem:$0x16D20] =	vst v63  }
0x82: {  	_ =	swait.ge [sflag:s28], $0x1000  }
0x83: {  	[sflag:s28] =	ssyncset.done $0x0  }
0x84: {  	s15 =	sadd.s32 $0xC520, s6;
	s10 =	simm.s32 @!p2 $0xD;
	[sflag:s28] =	ssyncadd.s32 $0xFFFFF000  }
0x85: {  	[spmem:s2] =	stream.indirect.scatter.add.f32 [tilespmem:s21], [sflag:$0x9], $0x20, s15, s20, $0xb8;
	[tilespmem:$0x16D20] =	vst v63  }
0x86: {  	_ =	swait.ge @!p2 [sflag:s10], $0x1000  }
0x87: {  	[sflag:s10] =	ssyncset.done @!p2 $0x0  }
0x88: {  	s11 =	sadd.s32 $0x9F20, s6;
	[sflag:s10] =	ssyncadd.s32 @!p2 $0xFFFFF000  }
0x89: {  	[tilespmem:s29], [sflag:$0x5] =	stream.indirect.gather [spmem:s3], $0x20, s11, s20, $0xb8;
	[tilespmem:$0x16D20] =	vst v63  }
0x8a: {  	_ =	swait.ge [sflag:s30], $0x1000  }
0x8b: {  	[sflag:s30] =	ssyncset.done $0x0  }
0x8c: {  	s13 =	sadd.s32 $0xC5A0, s6;
	s10 =	simm.s32 @!p2 $0xE;
	[sflag:s30] =	ssyncadd.s32 $0xFFFFF000  }
0x8d: {  	[spmem:s2] =	stream.indirect.scatter.add.f32 [tilespmem:s23], [sflag:$0xA], $0x20, s13, s20, $0xb8;
	[tilespmem:$0x16D20] =	vst v63  }
0x8e: {  	_ =	swait.ge @!p2 [sflag:s10], $0x1000  }
0x8f: {  	[sflag:s10] =	ssyncset.done @!p2 $0x0  }
0x90: {  	s15 =	sadd.s32 $0x9FA0, s6;
	s14 =	rddreg [dreg:$0x4];
	[sflag:s10] =	ssyncadd.s32 @!p2 $0xFFFFF000  }
0x91: {  	[tilespmem:s14], [sflag:$0x6] =	stream.indirect.gather [spmem:s3], $0x20, s15, s20, $0xb8;
	[tilespmem:$0x16D20] =	vst v63  }
0x92: {  	_ =	swait.ge [sflag:s31], $0x1000  }
0x93: {  	p3 =	slt.u32 s18, $0x5;
	[sflag:s31] =	ssyncset.done $0x0  }
0x94: {  	s11 =	sadd.s32 $0xC620, s6;
	s10 =	simm.s32 @!p3 $0xF;
	[sflag:s31] =	ssyncadd.s32 $0xFFFFF000  }
0x95: {  	[spmem:s2] =	stream.indirect.scatter.add.f32 [tilespmem:s25], [sflag:$0xB], $0x20, s11, s20, $0xb8;
	[tilespmem:$0x16D20] =	vst v63  }
0x96: {  	_ =	swait.ge @!p3 [sflag:s10], $0x1000  }
0x97: {  	[sflag:s10] =	ssyncset.done @!p3 $0x0  }
0x98: {  	s13 =	sadd.s32 $0xA020, s6;
	[sflag:s10] =	ssyncadd.s32 @!p3 $0xFFFFF000  }
0x99: {  	[tilespmem:s1], [sflag:$0x7] =	stream.indirect.gather [spmem:s3], $0x20, s13, s20, $0xb8;
	[tilespmem:$0x16D20] =	vst v63  }
0x9a: {  	_ =	swait.ge [sflag:s0], $0x1000  }
0x9b: {  	[sflag:s0] =	ssyncset.done $0x0  }
0x9c: {  	s14 =	sadd.s32 $0xC6A0, s6;
	s10 =	simm.s32 @!p2 $0x10;
	[sflag:s0] =	ssyncadd.s32 $0xFFFFF000  }
0x9d: {  	[spmem:s2] =	stream.indirect.scatter.add.f32 [tilespmem:s26], [sflag:$0xC], $0x20, s14, s20, $0xb8;
	[tilespmem:$0x16D20] =	vst v63  }
0x9e: {  	_ =	swait.ge @!p2 [sflag:s10], $0x1000  }
0x9f: {  	[sflag:s10] =	ssyncset.done @!p2 $0x0  }
0xa0: {  	s15 =	sadd.s32 $0xA0A0, s6;
	[sflag:s10] =	ssyncadd.s32 @!p2 $0xFFFFF000  }
0xa1: {  	[tilespmem:s16], [sflag:$0x8] =	stream.indirect.gather [spmem:s3], $0x20, s15, s20, $0xb8;
	[tilespmem:$0x16D20] =	vst v63  }
0xa2: {  	_ =	swait.ge [sflag:s22], $0x1000  }
0xa3: {  	s11 =	sadd.s32 $0xC720, s6;
	p2 =	seq.s32 s17, $0x9000;
	[sflag:s22] =	ssyncset.done $0x0  }
0xa4: {  	s10 =	simm.s32 @p2 $0x6;
	s15 =	sshra.s32 @p2 s17, $0x2;
	[sflag:s22] =	ssyncadd.s32 $0xFFFFF000  }
0xa5: {  	[spmem:s2] =	stream.indirect.scatter.add.f32 [tilespmem:s29], [sflag:$0xD], $0x20, s11, s20, $0xb8;
	[tilespmem:$0x16D20] =	vst v63  }
0xa6: {  	s9 =	sadd.s32 @p2 $0xC7A0, s15;
	_ =	swait.ge @p2 [sflag:s10], $0x1000  }
0xa7: {  	s15 =	sshra.s32 @!p2 s17, $0x2;
	s17 =	simm.s32 @p2 $0x80;
	[sflag:s10] =	ssyncset.done @p2 $0x0  }
0xa8: {  	s11 =	simm.s32 @p2 $0x13D20;
	[sflag:s10] =	ssyncadd.s32 @p2 $0xFFFFF000;
	s10 =	simm.s32 @!p2 $0x9  }
0xa9: {  	[spmem:s2] =	stream.indirect.scatter.add.f32 @p2 [tilespmem:s11], [sflag:$0xE], $0x20, s9, s17, $0xb8;
	[tilespmem:$0x16D20] =	vst v63  }
0xaa: {  	_ =	swait.ge @!p2 [sflag:s10], $0x1000  }
0xab: {  	s14 =	simm.s32 @!p2 $0x80;
	s13 =	sadd.s32 @!p2 $0xA120, s15;
	[sflag:s10] =	ssyncset.done @!p2 $0x0  }
0xac: {  	s17 =	simm.s32 @!p2 $0xED20;
	[sflag:s10] =	ssyncadd.s32 @!p2 $0xFFFFF000;
	s10 =	simm.s32 @!p2 $0x6  }
0xad: {  	[tilespmem:s17], [sflag:$0x1] =	stream.indirect.gather @!p2 [spmem:s3], $0x20, s13, s14, $0xb8;
	[tilespmem:$0x16D20] =	vst v63  }
0xae: {  	s8 =	smov.u32 s4;
	_ =	swait.ge @!p2 [sflag:s10], $0x1000  }
0xaf: {  	s9 =	sadd.s32 @!p2 $0xC7A0, s15;
	s17 =	smov.u32 s8;
	[sflag:s10] =	ssyncset.done @!p2 $0x0  }
0xb0: {  	s8 =	simm.s32 @!p2 $0x13D20;
	[sflag:s10] =	ssyncadd.s32 @!p2 $0xFFFFF000;
	s10 =	simm.s32 @!p2 $0xA  }
0xb1: {  	[spmem:s2] =	stream.indirect.scatter.add.f32 @!p2 [tilespmem:s8], [sflag:$0xE], $0x20, s9, s14, $0xb8;
	[tilespmem:$0x16D20] =	vst v63  }
0xb2: {  	_ =	swait.ge @!p2 [sflag:s10], $0x1000  }
0xb3: {  	[sflag:s10] =	ssyncset.done @!p2 $0x0  }
0xb4: {  	s11 =	sadd.s32 @!p2 $0xA1A0, s15;
	s8 =	simm.s32 @!p2 $0xFD20;
	[sflag:s10] =	ssyncadd.s32 @!p2 $0xFFFFF000  }
0xb5: {  	[tilespmem:s8], [sflag:$0x2] =	stream.indirect.gather @!p2 [spmem:s3], $0x20, s11, s14, $0xb8;
	[tilespmem:$0x16D20] =	vst v63  }
0xb6: {  	s4 =	sadd.s32 $0x1000, s4;
	_ =	swait.ge [sflag:s24], $0x1000  }
0xb7: {  	p1 =	sne.s32 s4, $0xA000;
	[sflag:s24] =	ssyncset.done $0x0  }
0xb8: {  	s13 =	sadd.s32 $0xC820, s6;
	s9 =	simm.s32 @!p2 $0xB;
	[sflag:s24] =	ssyncadd.s32 $0xFFFFF000  }
0xb9: {  	[spmem:s2] =	stream.indirect.scatter.add.f32 [tilespmem:s1], [sflag:$0xF], $0x20, s13, s20, $0xb8;
	[tilespmem:$0x16D20] =	vst v63  }
.Ltmp0:
0xba: {  	_ =	swait.ge @!p2 [sflag:s9], $0x1000;
	(pc) =	sbr.rel @p1 .LBB2_2-.Ltmp0, $4  }
0xbb: {  	s18 =	sadd.s32 $0x8, s18;
	[sflag:s9] =	ssyncset.done @!p2 $0x0  }
0xbc: {  	s15 =	sadd.s32 @!p2 $0xA220, s15;
	s8 =	simm.s32 @!p2 $0x10D20;
	[sflag:s9] =	ssyncadd.s32 @!p2 $0xFFFFF000  }
0xbd: {  	[tilespmem:s8], [sflag:$0x3] =	stream.indirect.gather @!p2 [spmem:s3], $0x20, s15, s14, $0xb8;
	[tilespmem:$0x16D20] =	vst v63  }
0xbe: {  	s6 =	sadd.s32 $0xC8A0, s6;
	p2 =	seq.s32 s17, $0x0;
	_ =	swait.ge [sflag:s19], $0x1000  }
0xbf: {  	[sflag:s19] =	ssyncset.done $0x0  }
0xc0: {  	s8 =	simm.s32 @!p2 $0xC;
	[sflag:s19] =	ssyncadd.s32 $0xFFFFF000  }
0xc1: {  	[spmem:s2] =	stream.indirect.scatter.add.f32 [tilespmem:s16], [sflag:$0x10], $0x20, s6, s20, $0xb8;
	[tilespmem:$0x16D20] =	vst v63  }
0xc2: {  	_ =	swait.ge @!p2 [sflag:s8], $0x1000  }
0xc3: {  	s4 =	sshra.s32 s17, $0x2;
	[sflag:s8] =	ssyncset.done @!p2 $0x0  }
0xc4: {  	s9 =	sadd.s32 $0x9EA0, s4;
	[sflag:s8] =	ssyncadd.s32 @!p2 $0xFFFFF000  }
0xc5: {  	[tilespmem:s26], [sflag:$0x4] =	stream.indirect.gather [spmem:s3], $0x20, s9, s20, $0xb8;
	[tilespmem:$0x16D20] =	vst v63  }
0xc6: {  	_ =	swait.ge [sflag:s28], $0x1000  }
0xc7: {  	[sflag:s28] =	ssyncset.done $0x0  }
0xc8: {  	s10 =	sadd.s32 $0xC520, s4;
	s8 =	simm.s32 @!p2 $0xD;
	[sflag:s28] =	ssyncadd.s32 $0xFFFFF000  }
0xc9: {  	[spmem:s2] =	stream.indirect.scatter.add.f32 [tilespmem:s21], [sflag:$0x9], $0x20, s10, s20, $0xb8;
	[tilespmem:$0x16D20] =	vst v63  }
0xca: {  	_ =	swait.ge @!p2 [sflag:s8], $0x1000  }
0xcb: {  	[sflag:s8] =	ssyncset.done @!p2 $0x0  }
0xcc: {  	s11 =	sadd.s32 $0x9F20, s4;
	[sflag:s8] =	ssyncadd.s32 @!p2 $0xFFFFF000  }
0xcd: {  	[tilespmem:s29], [sflag:$0x5] =	stream.indirect.gather [spmem:s3], $0x20, s11, s20, $0xb8;
	[tilespmem:$0x16D20] =	vst v63  }
0xce: {  	_ =	swait.ge [sflag:s30], $0x1000  }
0xcf: {  	[sflag:s30] =	ssyncset.done $0x0  }
0xd0: {  	s13 =	sadd.s32 $0xC5A0, s4;
	s8 =	simm.s32 @!p2 $0xE;
	[sflag:s30] =	ssyncadd.s32 $0xFFFFF000  }
0xd1: {  	[spmem:s2] =	stream.indirect.scatter.add.f32 [tilespmem:s23], [sflag:$0xA], $0x20, s13, s20, $0xb8;
	[tilespmem:$0x16D20] =	vst v63  }
0xd2: {  	_ =	swait.ge @!p2 [sflag:s8], $0x1000  }
0xd3: {  	[sflag:s8] =	ssyncset.done @!p2 $0x0  }
0xd4: {  	s15 =	sadd.s32 $0x9FA0, s4;
	s14 =	rddreg [dreg:$0x4];
	[sflag:s8] =	ssyncadd.s32 @!p2 $0xFFFFF000  }
0xd5: {  	[tilespmem:s14], [sflag:$0x6] =	stream.indirect.gather [spmem:s3], $0x20, s15, s20, $0xb8;
	[tilespmem:$0x16D20] =	vst v63  }
0xd6: {  	_ =	swait.ge [sflag:s31], $0x1000  }
0xd7: {  	p1 =	slt.u32 s18, $0x5;
	[sflag:s31] =	ssyncset.done $0x0  }
0xd8: {  	s9 =	sadd.s32 $0xC620, s4;
	s8 =	simm.s32 @!p1 $0xF;
	[sflag:s31] =	ssyncadd.s32 $0xFFFFF000  }
0xd9: {  	[spmem:s2] =	stream.indirect.scatter.add.f32 [tilespmem:s25], [sflag:$0xB], $0x20, s9, s20, $0xb8;
	[tilespmem:$0x16D20] =	vst v63  }
0xda: {  	_ =	swait.ge @!p1 [sflag:s8], $0x1000  }
0xdb: {  	[sflag:s8] =	ssyncset.done @!p1 $0x0  }
0xdc: {  	s10 =	sadd.s32 $0xA020, s4;
	[sflag:s8] =	ssyncadd.s32 @!p1 $0xFFFFF000  }
0xdd: {  	[tilespmem:s1], [sflag:$0x7] =	stream.indirect.gather [spmem:s3], $0x20, s10, s20, $0xb8;
	[tilespmem:$0x16D20] =	vst v63  }
0xde: {  	_ =	swait.ge [sflag:s0], $0x1000  }
0xdf: {  	[sflag:s0] =	ssyncset.done $0x0  }
0xe0: {  	s11 =	sadd.s32 $0xC6A0, s4;
	s8 =	simm.s32 @!p2 $0x10;
	[sflag:s0] =	ssyncadd.s32 $0xFFFFF000  }
0xe1: {  	[spmem:s2] =	stream.indirect.scatter.add.f32 [tilespmem:s26], [sflag:$0xC], $0x20, s11, s20, $0xb8;
	[tilespmem:$0x16D20] =	vst v63  }
0xe2: {  	_ =	swait.ge @!p2 [sflag:s8], $0x1000  }
0xe3: {  	[sflag:s8] =	ssyncset.done @!p2 $0x0  }
0xe4: {  	s13 =	sadd.s32 $0xA0A0, s4;
	[sflag:s8] =	ssyncadd.s32 @!p2 $0xFFFFF000  }
0xe5: {  	[tilespmem:s16], [sflag:$0x8] =	stream.indirect.gather [spmem:s3], $0x20, s13, s20, $0xb8;
	[tilespmem:$0x16D20] =	vst v63  }
0xe6: {  	_ =	swait.ge [sflag:s22], $0x1000  }
0xe7: {  	p1 =	seq.s32 s17, $0x9000;
	[sflag:s22] =	ssyncset.done $0x0  }
0xe8: {  	s14 =	sadd.s32 $0xC720, s4;
	s8 =	simm.s32 @p1 $0x6;
	[sflag:s22] =	ssyncadd.s32 $0xFFFFF000  }
0xe9: {  	[spmem:s2] =	stream.indirect.scatter.add.f32 [tilespmem:s29], [sflag:$0xD], $0x20, s14, s20, $0xb8;
	[tilespmem:$0x16D20] =	vst v63  }
0xea: {  	_ =	swait.ge @p1 [sflag:s8], $0x1000  }
0xeb: {  	s6 =	sshra.s32 @p1 s17, $0x2;
	s9 =	simm.s32 @p1 $0x80;
	[sflag:s8] =	ssyncset.done @p1 $0x0  }
0xec: {  	s6 =	sadd.s32 @p1 $0xC7A0, s6;
	[sflag:s8] =	ssyncadd.s32 @p1 $0xFFFFF000;
	s8 =	simm.s32 @p1 $0x13D20  }
0xed: {  	[spmem:s2] =	stream.indirect.scatter.add.f32 @p1 [tilespmem:s8], [sflag:$0xE], $0x20, s6, s9, $0xb8;
	[tilespmem:$0x16D20] =	vst v63  }
0xee: {  	s6 =	simm.s32 @!p1 $0x9  }
0xef: {  	_ =	swait.ge @!p1 [sflag:s6], $0x1000  }
0xf0: {  	s10 =	simm.s32 @!p1 $0x80;
	s8 =	sshra.s32 @!p1 s17, $0x2;
	[sflag:s6] =	ssyncset.done @!p1 $0x0  }
0xf1: {  	s9 =	sadd.s32 @!p1 $0xA120, s8;
	[sflag:s6] =	ssyncadd.s32 @!p1 $0xFFFFF000;
	s6 =	simm.s32 @!p1 $0xED20  }
0xf2: {  	[tilespmem:s6], [sflag:$0x1] =	stream.indirect.gather @!p1 [spmem:s3], $0x20, s9, s10, $0xb8;
	[tilespmem:$0x16D20] =	vst v63  }
0xf3: {  	s6 =	simm.s32 @!p1 $0x6  }
0xf4: {  	_ =	swait.ge @!p1 [sflag:s6], $0x1000  }
0xf5: {  	[sflag:s6] =	ssyncset.done @!p1 $0x0  }
0xf6: {  	s9 =	sadd.s32 @!p1 $0xC7A0, s8;
	[sflag:s6] =	ssyncadd.s32 @!p1 $0xFFFFF000;
	s6 =	simm.s32 @!p1 $0x13D20  }
0xf7: {  	[spmem:s2] =	stream.indirect.scatter.add.f32 @!p1 [tilespmem:s6], [sflag:$0xE], $0x20, s9, s10, $0xb8;
	[tilespmem:$0x16D20] =	vst v63  }
0xf8: {  	s6 =	simm.s32 @!p1 $0xA  }
0xf9: {  	_ =	swait.ge @!p1 [sflag:s6], $0x1000  }
0xfa: {  	[sflag:s6] =	ssyncset.done @!p1 $0x0  }
0xfb: {  	s9 =	sadd.s32 @!p1 $0xA1A0, s8;
	[sflag:s6] =	ssyncadd.s32 @!p1 $0xFFFFF000;
	s6 =	simm.s32 @!p1 $0xFD20  }
0xfc: {  	[tilespmem:s6], [sflag:$0x2] =	stream.indirect.gather @!p1 [spmem:s3], $0x20, s9, s10, $0xb8;
	[tilespmem:$0x16D20] =	vst v63  }
0xfd: {  	_ =	swait.ge [sflag:s24], $0x1000  }
0xfe: {  	[sflag:s24] =	ssyncset.done $0x0  }
0xff: {  	s15 =	sadd.s32 $0xC820, s4;
	s6 =	simm.s32 @!p1 $0xB;
	[sflag:s24] =	ssyncadd.s32 $0xFFFFF000  }
0x100: {  	[spmem:s2] =	stream.indirect.scatter.add.f32 [tilespmem:s1], [sflag:$0xF], $0x20, s15, s20, $0xb8;
	[tilespmem:$0x16D20] =	vst v63  }
0x101: {  	_ =	swait.ge @!p1 [sflag:s6], $0x1000  }
0x102: {  	[sflag:s6] =	ssyncset.done @!p1 $0x0  }
0x103: {  	s8 =	sadd.s32 @!p1 $0xA220, s8;
	[sflag:s6] =	ssyncadd.s32 @!p1 $0xFFFFF000;
	s6 =	simm.s32 @!p1 $0x10D20  }
0x104: {  	[tilespmem:s6], [sflag:$0x3] =	stream.indirect.gather @!p1 [spmem:s3], $0x20, s8, s10, $0xb8;
	[tilespmem:$0x16D20] =	vst v63  }
0x105: {  	_ =	swait.ge [sflag:s19], $0x1000  }
0x106: {  	[sflag:s19] =	ssyncset.done $0x0  }
0x107: {  	s4 =	sadd.s32 $0xC8A0, s4;
	s17 =	simm.s32 $0x9;
	[sflag:s19] =	ssyncadd.s32 $0xFFFFF000  }
0x108: {  	[spmem:s2] =	stream.indirect.scatter.add.f32 [tilespmem:s16], [sflag:$0x10], $0x20, s4, s20, $0xb8;
	[tilespmem:$0x16D20] =	vst v63  }
0x109: {  	_ =	swait.ge [sflag:s17], $0x1000  }
0x10a: {  	[sflag:s17] =	ssyncset.done $0x0  }
0x10b: {  	s18 =	simm.s32 $0xA;
	[sflag:s17] =	ssyncadd.s32 $0xFFFFF000  }
0x10c: {  	_ =	swait.ge [sflag:s18], $0x1000  }
0x10d: {  	[sflag:s18] =	ssyncset.done $0x0  }
0x10e: {  	s6 =	simm.s32 $0xB;
	[sflag:s18] =	ssyncadd.s32 $0xFFFFF000  }
0x10f: {  	_ =	swait.ge [sflag:s6], $0x1000  }
0x110: {  	[sflag:s6] =	ssyncset.done $0x0  }
0x111: {  	s8 =	simm.s32 $0xC;
	[sflag:s6] =	ssyncadd.s32 $0xFFFFF000  }
0x112: {  	_ =	swait.ge [sflag:s8], $0x1000  }
0x113: {  	[sflag:s8] =	ssyncset.done $0x0  }
0x114: {  	s9 =	simm.s32 $0xD;
	[sflag:s8] =	ssyncadd.s32 $0xFFFFF000  }
0x115: {  	_ =	swait.ge [sflag:s9], $0x1000  }
0x116: {  	[sflag:s9] =	ssyncset.done $0x0  }
0x117: {  	s10 =	simm.s32 $0xE;
	[sflag:s9] =	ssyncadd.s32 $0xFFFFF000  }
0x118: {  	_ =	swait.ge [sflag:s10], $0x1000  }
0x119: {  	[sflag:s10] =	ssyncset.done $0x0  }
0x11a: {  	s11 =	simm.s32 $0xF;
	[sflag:s10] =	ssyncadd.s32 $0xFFFFF000  }
0x11b: {  	_ =	swait.ge [sflag:s11], $0x1000  }
0x11c: {  	[sflag:s11] =	ssyncset.done $0x0  }
0x11d: {  	s13 =	simm.s32 $0x10;
	[sflag:s11] =	ssyncadd.s32 $0xFFFFF000  }
0x11e: {  	_ =	swait.ge [sflag:s13], $0x1000  }
0x11f: {  	[sflag:s13] =	ssyncset.done $0x0  }
0x120: {  	[sflag:s13] =	ssyncadd.s32 $0xFFFFF000  }
0x121: {  	[bflag:$0x0] =	sbarrier.arrive $0xFFFF  }
0x122: {  	s14 =	rddreg [dreg:$0x5]  }
0x123: {  	s17 =	simm.s32 $0x11;
	s15 =	rddreg [dreg:$0xc];
	s4 =	sor.u32 $0x1C11, s14  }
0x124: {  	[hbm:s15@s13], [sflag:s4] =	dma.strided [spmem:s12@s0], $0x9E0, s28, $0x4   }
0x125: {  	_ =	swait.ge [sflag:s17], $0x9E0  }
0x126: {  	s5 =	sadd.s32 $0x1, s5;
	s18 =	rddreg [dreg:$0xb]  }
0x127: {  	p1 =	sne.s32 s5, s18  }
.Ltmp1:
0x128: {  	_ = 	snop;
	(pc) =	sbr.rel @p1 .LBB2_1-.Ltmp1, $3  }
0x129: {  	_ =	sdelay $0x1  }
0x12a: {  	[sflag:s17] =	ssyncset.done $0x0  }
0x12b: {  	s8 =	smov.u32 s12;
	[sflag:s17] =	ssyncadd.s32 $0xFFFFF620  }
0x12c: {  	_ =	sfence.sel $0x180000  }
0x12d: {  	[bflag:$0x0] =	sbarrier.arrive $0xFFFF  }
0x12e: {  	_ =	strace $0x9000004A  }
0x12f: {  	s0 =	stileid.u32;
	[bflag:$0x2] =	sbarrier.arrive $0xFFFF  }
0x130: {  	p0 =	sne.s32 s0, $0x0;
	s0 =	rddreg [dreg:$0x3]  }
0x131: {  	s0 =	sadd.s32 @!p0 $0x100000, s0  }
0x132: {  	[sflag:s0] =	ssyncadd.tile.s32 @!p0 $0x1;
	_ =	shalt  }
.Lfunc_end2:
_tile_overlayer_lowered:
.L_overlay_start_2:
0x133: {  	(tag) =	ssettag $0x2  }
0x134: {  	s0 =	rddreg [dreg:$0x0];
	s2 =	stileid.u32  }
0x135: {  	s1 =	rddreg [dreg:$0x1];
	p0 =	sne.s32 s2, $0x0  }
0x136: {  	s3 =	rddreg [dreg:$0x2];
	[bflag:$0x3] =	sbarrier.arrive $0xFFFF;
	s2 =	simm.s32 @!p0 $0x1C11  }
0x137: {  	[timem:s3], [sflag:s2] =	dma.local @!p0 [hbm:s0], s1  }
0x138: {  	s0 =	simm.s32 @!p0 $0x11  }
0x139: {  	_ =	swait.ge @!p0 [sflag:s0], s1  }
0x13a: {  	s1 =	ssub.s32 @!p0 $0x0, s1;
	[sflag:s0] =	ssyncset.done @!p0 $0x0  }
0x13b: {  	[sflag:s0] =	ssyncadd.s32 @!p0 s1  }
0x13c: {  	[bflag:$0x3] =	sbarrier.arrive $0xFFFF  }
0x13d: {  	_ =	shalt  }

// kernel: kernel.15.cloned.1.call-start
scs
__scs_entry_jumppad:
0x0: {  	(pc) =	sbr.rel $0x88, $3  }
0x1: {  	(tag) =	ssettag $0x0;
	lr =	simm.s32 $0x1  }
0x2: {  	[smem:$0x3F8E] =	sst lr;
	_ =	strace $0xD0000000  }
0x3: {  	_ = 	snop  }
0x4: {  	_ = 	snop  }
0x5: {  	_ = 	snop  }
0x6: {  	_ = 	snop  }
0x7: {  	_ = 	snop  }
__scs_overlays_trampoline_lowered:
0x8: {  	[smem:$0x3F9D] =	sst s0  }
0x9: {  	[smem:$0x3F9E] =	sst s1  }
0xa: {  	[smem:$0x3F9F] =	sst s2  }
0xb: {  	[smem:$0x3FA0] =	sst s3  }
0xc: {  	[smem:$0x3FA1] =	sst s4  }
0xd: {  	[smem:$0x3FA2] =	sst s5  }
0xe: {  	[smem:$0x3FA3] =	sst s6  }
0xf: {  	[smem:$0x3FA4] =	sst s7  }
0x10: {  	[smem:$0x3FA5] =	sst s8  }
0x11: {  	[smem:$0x3FA6] =	sst s9;
	s0 =	simm.s32 @!p0 $0x0  }
0x12: {  	s1 =	sld [smem:$0x3F8C];
	s0 =	simm.s32 @p0 $0x1  }
0x13: {  	[smem:$0x3FA7] =	sst s0;
	s0 =	simm.s32 @!p1 $0x0  }
0x14: {  	s2 =	sld [smem:$0x3F8B];
	s0 =	simm.s32 @p1 $0x1  }
0x15: {  	[smem:$0x3FA8] =	sst s0;
	s0 =	simm.s32 @!p2 $0x0  }
0x16: {  	s3 =	sld [smem:$0x3FDB];
	s0 =	simm.s32 @p2 $0x1  }
0x17: {  	s4 =	simm.s32 $0x1BF5;
	[smem:$0x3FAA] =	sst s0  }
0x18: {  	s0 =	sld [smem:$0x3F8D];
	_ =	swait.ge [sflag:s4], $0x0  }
0x19: {  	s7 =	sld [smem:$0x3F8E]  }
0x1a: {  	s8 =	sadd.s32 $0xFFFFE003, lr  }
0x1b: {  	s9 =	sadd.s32 $0xFFFFFEF7, lr;
	s5 =	simm.s32 $0xFFFFFFFF;
	p2 =	slt.u32 s8, $0xFFFFF086  }
0x1c: {  	p1 =	slt.u32 s9, $0xF7A;
	s5 =	simm.s32 @!p2 $0x0  }
0x1d: {  	s5 =	simm.s32 @p1 $0x1;
	p0 =	seq.s32 s7, s2  }
0x1e: {  	s7 =	smul.u32 @!p0 $0xF7A, s2;
	p2 =	seq.s32 @!p0 s5, $0x0  }
0x1f: {  	s9 =	smul.u32 $0xF7A, s1;
	s8 =	simm.s32 @!p0 $0x1BF5;
	p2 =	por !p2, p0  }
0x20: {  	[sflag:s8] =	ssyncset.s32 @!p0 $0xFFFFF086;
	s6 =	sadd.s32 @!p0 s3, s7;
	s7 =	simm.s32 @!p0 $0x108  }
0x21: {  	s3 =	sadd.s32 s3, s9;
	s6 =	sadd.s32 @!p0 $0x88, s6;
	s7 =	simm.s32 @p2 $0x1082  }
0x22: {  	[simem:s7], [sflag:s8] =	dma.local @!p0 [hbm:s6], $0xF7A  }
0x23: {  	s9 =	sor.u32 $0xD0000000, s2;
	s6 =	simm.s32 $0x108;
	_ =	swait.ge @!p0 [sflag:s8], $0x0  }
0x24: {  	s3 =	sadd.s32 $0x88, s3;
	s6 =	simm.s32 @!p1 $0x1082;
	[sflag:s4] =	ssyncset.s32 $0xFFFFF086  }
0x25: {  	[simem:s6], [sflag:s4] =	dma.local [hbm:s3], $0xF7A  }
0x26: {  	[smem:$0x3F8E] =	sst s1;
	(tag) =	ssettag s2;
	_ =	strace s9  }
0x27: {  	s1 =	sld [smem:$0x3F9E]  }
0x28: {  	s2 =	sld [smem:$0x3F9F]  }
0x29: {  	s4 =	sld [smem:$0x3FA1]  }
0x2a: {  	p0 =	seq.s32 s5, $0x0;
	s5 =	sld [smem:$0x3FA2]  }
0x2b: {  	s6 =	sld [smem:$0x3FA3]  }
0x2c: {  	s7 =	sld [smem:$0x3FA4]  }
0x2d: {  	s3 =	simm.s32 $0x108;
	s8 =	sld [smem:$0x3FA5]  }
0x2e: {  	s3 =	simm.s32 @!p0 $0x1082;
	s9 =	sld [smem:$0x3FA6]  }
0x2f: {  	lr =	sadd.s32 s0, s3;
	s0 =	sld [smem:$0x3F9D]  }
0x30: {  	s3 =	sld [smem:$0x3FA0]  }
0x31: {  	[smem:$0x3FA9] =	sst s10  }
0x32: {  	s10 =	sld [smem:$0x3FA7];
	_ =	sdelay $0x3  }
0x33: {  	p0 =	seq.s32 s10, $0x1;
	s10 =	sld [smem:$0x3FA9];
	_ =	sdelay $0x3  }
0x34: {  	[smem:$0x3FA9] =	sst s10  }
0x35: {  	s10 =	sld [smem:$0x3FA8];
	_ =	sdelay $0x3  }
0x36: {  	p1 =	seq.s32 s10, $0x1;
	s10 =	sld [smem:$0x3FA9];
	_ =	sdelay $0x3  }
0x37: {  	[smem:$0x3FA9] =	sst s10  }
0x38: {  	s10 =	sld [smem:$0x3FAA]  }
0x39: {  	_ = 	snop;
	(pc) =	sbr.ind lr, $3  }
0x3a: {  	_ = 	snop  }
0x3b: {  	_ = 	snop  }
0x3c: {  	p2 =	seq.s32 s10, $0x1;
	s10 =	sld [smem:$0x3FA9]  }
0x3d: {  	_ =	shalt  }
0x3e: {  	_ =	shalt  }
0x3f: {  	_ =	shalt  }
0x40: {  	_ =	shalt  }
0x41: {  	_ =	shalt  }
0x42: {  	_ =	shalt  }
0x43: {  	_ =	shalt  }
0x44: {  	_ =	shalt  }
0x45: {  	_ =	shalt  }
0x46: {  	_ =	shalt  }
0x47: {  	_ =	shalt  }
0x48: {  	_ =	shalt  }
0x49: {  	_ =	shalt  }
0x4a: {  	_ =	shalt  }
0x4b: {  	_ =	shalt  }
0x4c: {  	_ =	shalt  }
0x4d: {  	_ =	shalt  }
0x4e: {  	_ =	shalt  }
0x4f: {  	_ =	shalt  }
0x50: {  	_ =	shalt  }
0x51: {  	_ =	shalt  }
0x52: {  	_ =	shalt  }
0x53: {  	_ =	shalt  }
0x54: {  	_ =	shalt  }
0x55: {  	_ =	shalt  }
0x56: {  	_ =	shalt  }
0x57: {  	_ =	shalt  }
0x58: {  	_ =	shalt  }
0x59: {  	_ =	shalt  }
0x5a: {  	_ =	shalt  }
0x5b: {  	_ =	shalt  }
0x5c: {  	_ =	shalt  }
0x5d: {  	_ =	shalt  }
0x5e: {  	_ =	shalt  }
0x5f: {  	_ =	shalt  }
0x60: {  	_ =	shalt  }
0x61: {  	_ =	shalt  }
0x62: {  	_ =	shalt  }
0x63: {  	_ =	shalt  }
0x64: {  	_ =	shalt  }
0x65: {  	_ =	shalt  }
0x66: {  	_ =	shalt  }
0x67: {  	_ =	shalt  }
0x68: {  	_ =	shalt  }
0x69: {  	_ =	shalt  }
0x6a: {  	_ =	shalt  }
0x6b: {  	_ =	shalt  }
0x6c: {  	_ =	shalt  }
0x6d: {  	_ =	shalt  }
0x6e: {  	_ =	shalt  }
0x6f: {  	_ =	shalt  }
0x70: {  	_ =	shalt  }
0x71: {  	_ =	shalt  }
0x72: {  	_ =	shalt  }
0x73: {  	_ =	shalt  }
0x74: {  	_ =	shalt  }
0x75: {  	_ =	shalt  }
0x76: {  	_ =	shalt  }
0x77: {  	_ =	shalt  }
0x78: {  	_ =	shalt  }
0x79: {  	_ =	shalt  }
0x7a: {  	_ =	shalt  }
0x7b: {  	_ =	shalt  }
0x7c: {  	_ =	shalt  }
0x7d: {  	_ =	shalt  }
0x7e: {  	_ =	shalt  }
0x7f: {  	_ =	shalt  }
0x80: {  	_ =	shalt  }
0x81: {  	_ =	shalt  }
0x82: {  	_ =	shalt  }
0x83: {  	_ =	shalt  }
0x84: {  	_ =	shalt  }
0x85: {  	_ =	shalt  }
0x86: {  	_ =	shalt  }
0x87: {  	_ =	shalt  }
.Lfunc_end0:
.L_simem_size_0:
called_computation.2_lowered:
.L_overlay_start_0:
0x88: {  	s2 =	sld [smem:$0x3FD9]  }
0x89: {  	s3 =	sld [smem:$0x3FFE];
	_ =	sdelay $0x1  }
0x8a: {  	s1 =	srdreg.scid  }
0x8b: {  	s0 =	sand.u32 $0x1, s1  }
0x8c: {  	s16 =	sshll.u32 s0, $0xA;
	s2 =	sadd.s32 s3, s2  }
0x8d: {  	s2 =	sadd.s32 s2, s16  }
0x8e: {  	[smem:$0x3FB5] =	sst s2  }
0x8f: {  	_ = 	snop  }
0x90: {  	(tm) =	ssettm $0x1  }
0x91: {  	s17 =	sld [smem:$0x3FFB];
	_ =	sdelay $0x3  }
0x92: {  	_ =	strace s17  }
0x93: {  	s2 =	sld [smem:$0x3FFC];
	_ =	sdelay $0x3  }
0x94: {  	_ =	strace s2  }
0x95: {  	s2 =	sld [smem:$0x3FFD];
	_ =	sdelay $0x3  }
0x96: {  	_ =	strace s2  }
0x97: {  	_ =	strace $0x8FFFFFFF  }
0x98: {  	s18 =	sld [smem:$0x3FDB];
	_ =	sdelay $0x1  }
0x99: {  	s19 =	simm.s32 $_scs_section_size  }
0x9a: {  	s4 =	simm.s32 $_size__tile_overlayer_lowered;
	s5 =	simm.s32 $_tile_overlayer_lowered  }
0x9b: {  	s22 =	simm.s32 $0x1BFF;
	s21 =	sshll.u32 s5, $0x1;
	s2 =	sadd.s32 s19, s18  }
0x9c: {  	s6 =	simm.s32 $0x0;
	s20 =	sshll.u32 s4, $0x1;
	s4 =	sadd.s32 s21, s2  }
0x9d: {  	[timem:s6], [sflag:s22] =	dma.local [hbm:s4], s20  }
0x9e: {  	_ =	swait.ge [sflag:s22], s20  }
0x9f: {  	s3 =	ssub.s32 $0x0, s20;
	[sflag:s22] =	ssyncset.done $0x0  }
0xa0: {  	[sflag:s22] =	ssyncadd.s32 s3;
	_ =	sdelay $0x1  }
0xa1: {  	s23 =	simm.s32 $0x1B8B  }
0xa2: {  	_ =	swait.ge [sflag:s23], $0x1  }
0xa3: {  	[sflag:s23] =	ssyncset.done $0x0  }
0xa4: {  	s25 =	simm.s32 $0x1B8E;
	s24 =	sld [smem:$0x3FFE];
	[sflag:s23] =	ssyncadd.s32 $0xFFFFFFFF  }
0xa5: {  	s26 =	simm.s32 $execute0_lowered;
	[smem:$0x3FD2] =	sst s25  }
0xa6: {  	s4 =	sshll.u32 s26, $0x1;
	_ =	strace $0x8000004C;
	[dreg:$0x1] =	wrdreg $0xFFFFFFFF  }
0xa7: {  	s28 =	simm.s32 $_size_execute0_lowered;
	s2 =	sadd.s32 s2, s4;
	[dreg:$0x0] =	wrdreg $0x0  }
0xa8: {  	s4 =	sshll.u32 s28, $0x1;
	[dreg:$0x2] =	wrdreg s2  }
0xa9: {  	[dreg:$0x3] =	wrdreg s4  }
0xaa: {  	[dreg:$0x4] =	wrdreg $0xC0  }
0xab: {  	_ =	task [dreg:s6], $0x5FFFF  }
0xac: {  	[dreg:$0x1] =	wrdreg $0xFFFFFFFF  }
0xad: {  	[dreg:$0x0] =	wrdreg $0x60  }
0xae: {  	[dreg:$0x2] =	wrdreg s24  }
0xaf: {  	[dreg:$0x3] =	wrdreg $0x0  }
0xb0: {  	[dreg:$0x4] =	wrdreg $0x4F000  }
0xb1: {  	[dreg:$0x5] =	wrdreg $0x9  }
0xb2: {  	_ =	task.clear_ibuf [dreg:s6], $0x6FFFF;
	_ =	strace $0x9000004C  }
0xb3: {  	s29 =	simm.s32 $0x9;
	_ =	strace $0x8000004E  }
0xb4: {  	_ =	swait.ge [sflag:s29], $0x1  }
0xb5: {  	[sflag:s29] =	ssyncadd.s32 $0xFFFFFFFF  }
0xb6: {  	_ =	strace $0x9000004E  }
0xb7: {  	_ =	sfence  }
0xb8: {  	s30 =	sld [smem:$0x0];
	_ =	sdelay $0x2  }
0xb9: {  	s31 =	sshll.u32 s1, $0xD;
	s1 =	sshrl.u32 s1, $0x2  }
0xba: {  	s3 =	sand.u32 $0x4000, s31;
	s1 =	sadd.s32 s1, s30  }
0xbb: {  	s0 =	sor.u32 s3, s0;
	s1 =	sshll.u32 s1, $0x11  }
0xbc: {  	s0 =	sor.u32 s1, s0  }
0xbd: {  	s0 =	sadd.s32 $0x8F2B, s0  }
0xbe: {  	[sflag:s0] =	ssyncadd.remote.s32 $0x1  }
0xbf: {  	_ =	sfence.sel $0xFFFF  }
0xc0: {  	[dreg:$0x0] =	wrdreg $0xFFFFFFFF;
	(pc) =	sbr.abs _section_cstart, $3  }
0xc1: {  	[dreg:$0x1] =	wrdreg $0xFFFFFFFF  }
0xc2: {  	_ =	task.clear_ibuf [dreg:s6], $0x2FFFF;
	_ =	strace $0x9FFFFFFF  }
0xc3: {  	(tm) =	ssettm $0x7FFFFFFF  }
tec
execute0_lowered:
.L_overlay_start_1:
0x0: {  	(tag) =	ssettag $0x1  }
0x1: {  	s1 =	rddreg [dreg:$0x0]  }
0x2: {  	s0 =	srdreg.scid;
	s2 =	rddreg [dreg:$0x1]  }
0x3: {  	s10 =	stileid.u32;
	s3 =	rddreg [dreg:$0x2]  }
0x4: {  	s6 =	simm.s32 $0x0;
	s26 =	simm.s32 $0x13D20;
	s28 =	simm.s32 $0x1  }
0x5: {  	s29 =	simm.s32 $0x12D20;
	s30 =	simm.s32 $0x2;
	s31 =	simm.s32 $0x3  }
0x6: {  	s16 =	simm.s32 $0x15D20;
	s4 =	sand.u32 $0x1, s0;
	s19 =	smul.u32 $0x4F00, s10  }
0x7: {  	[smem:$0x7FF] =	sst s6;
	s7 =	smul.u32 $0x2780, s10;
	s11 =	sshll.u32 s10, $0x6  }
0x8: {  	s0 =	sshll.u32 s0, $0x3;
	s6 =	sadd.s32 $0x4A100, s3;
	p0 =	seq.s32 s10, $0xF  }
0x9: {  	s5 =	sshll.u32 s4, $0x4;
	_ =	strace $0x8000004D;
	[dreg:$0x5] =	wrdreg s11  }
0xa: {  	s4 =	ssub.s32 $0x2, s4;
	s0 =	sand.u32 $0x8, s0;
	[dreg:$0x4] =	wrdreg s26  }
0xb: {  	s26 =	simm.s32 $0x11D20;
	s5 =	sor.u32 s10, s5;
	s8 =	sshrl.u32 s19, $0x3  }
0xc: {  	s9 =	sadd.s32 s7, s1;
	s21 =	sshrl.u32 s4, $0x1;
	s22 =	sadd.s32 s19, s2  }
0xd: {  	s5 =	smul.u32 $0x500, s5;
	s20 =	sadd.s32 s8, s1;
	s4 =	ssub.s32 s4, s21  }
0xe: {  	s24 =	sadd.s32 $0xDE00, s9;
	s0 =	sadd.s32 s0, s9;
	s8 =	sshrl.u32 s22, $0x3  }
0xf: {  	s21 =	simm.s32 $0xED20;
	s7 =	sadd.s32 $0x3F000, s20;
	[dreg:$0x9] =	wrdreg s24  }
0x10: {  	s22 =	simm.s32 $0x5;
	s25 =	smax.u32 s4, $0x1;
	[dreg:$0x6] =	wrdreg s7  }
0x11: {  	s0 =	sadd.s32 $0x48E00, s0;
	s20 =	simm.s32 $0x80;
	[dreg:$0xb] =	wrdreg s25  }
0x12: {  	s5 =	sadd.s32 s5, s1;
	s1 =	sadd.s32 $0x32E80, s1;
	[dreg:$0xc] =	wrdreg s0  }
0x13: {  	s24 =	simm.s32 $0x7;
	s0 =	sshrl.u32 @p0 s6, $0x3;
	[dreg:$0xa] =	wrdreg s1  }
0x14: {  	s7 =	sor.u32 $0x1C08, s11;
	s23 =	sadd.s32 $0x35000, s5;
	[dreg:$0xd] =	wrdreg s0  }
0x15: {  	s25 =	simm.s32 $0x10D20;
	s5 =	sadd.s32 $0x3E00, s5;
	[dreg:$0x7] =	wrdreg s23  }
0x16: {  	s1 =	simm.s32 $0x14D20;
	[dreg:$0x8] =	wrdreg s5;
	s5 =	sadd.s32 s19, s3  }
0x17: {  	s19 =	simm.s32 $0x8;
	s23 =	simm.s32 $0xFD20;
	s0 =	sshrl.u32 @!p0 s5, $0x3  }
0x18: {  	s5 =	simm.s32 $0x0;
	[dreg:$0xe] =	wrdreg s0;
	s0 =	simm.s32 $0x4  }
.LBB2_1:
0x19: {  	s4 =	rddreg [dreg:$0x6];
	s12 =	smov.u32 s8  }
0x1a: {  	[spmem:s8], [sflag:s7] =	dma.local [hbm:s4], $0x9E0  }
0x1b: {  	s10 =	simm.s32 $0x9D20;
	s8 =	simm.s32 $0x0;
	s6 =	rddreg [dreg:$0x7]  }
0x1c: {  	[tilespmem:s10], [sflag:$0x8] =	stream.linear.gather [hbm4b:s6+s8], $0x2800, $0x38;
	[tilespmem:$0x16D20] =	vst v63  }
0x1d: {  	s11 =	simm.s32 $0xC520;
	s9 =	rddreg [dreg:$0x8]  }
0x1e: {  	[tilespmem:s11], [sflag:$0x8] =	stream.linear.gather [hbm4b:s9+s8], $0x2800, $0x38;
	[tilespmem:$0x16D20] =	vst v63  }
0x1f: {  	s4 =	simm.s32 @p0 $0x1;
	s9 =	rddreg [dreg:$0xa]  }
0x20: {  	s6 =	simm.s32 @p0 $0x4;
	s8 =	simm.s32 @p0 $0x10;
	s11 =	rddreg [dreg:$0xd]  }
0x21: {  	[spmem:s11@s6], [sflag:s7] =	dma.strided @p0 [hbm:s9@s8], $0x820, s4, $0x4   }
0x22: {  	s4 =	simm.s32 @!p0 $0x1;
	s9 =	rddreg [dreg:$0x9]  }
0x23: {  	s6 =	simm.s32 @!p0 $0x4;
	s8 =	simm.s32 @!p0 $0x10;
	s11 =	rddreg [dreg:$0xe]  }
0x24: {  	[spmem:s11@s6], [sflag:s7] =	dma.strided @!p0 [hbm:s9@s8], $0x9E0, s4, $0x4   }
0x25: {  	_ =	swait.ge [sflag:s19], $0x9E0  }
0x26: {  	[sflag:s19] =	ssyncset.done $0x0  }
0x27: {  	[sflag:s19] =	ssyncadd.s32 $0xFFFFF620  }
0x28: {  	_ =	swait.ge [sflag:s19], $0x2800  }
0x29: {  	[sflag:s19] =	ssyncset.done $0x0  }
0x2a: {  	[sflag:s19] =	ssyncadd.s32 $0xFFFFD800  }
0x2b: {  	_ =	swait.ge [sflag:s19], $0x2800  }
0x2c: {  	[sflag:s19] =	ssyncset.done $0x0  }
0x2d: {  	s4 =	simm.s32 @p0 $0x8;
	[sflag:s19] =	ssyncadd.s32 $0xFFFFD800  }
0x2e: {  	_ =	swait.ge @p0 [sflag:s4], $0x820  }
0x2f: {  	[sflag:s4] =	ssyncset.done @p0 $0x0  }
0x30: {  	[sflag:s4] =	ssyncadd.s32 @p0 $0xFFFFF7E0;
	s4 =	simm.s32 @!p0 $0x8  }
0x31: {  	_ =	swait.ge @!p0 [sflag:s4], $0x9E0  }
0x32: {  	[sflag:s4] =	ssyncset.done @!p0 $0x0  }
0x33: {  	[sflag:s4] =	ssyncadd.s32 @!p0 $0xFFFFF620  }
0x34: {  	[bflag:$0x0] =	sbarrier.arrive $0xFFFF  }
0x35: {  	[tilespmem:s21], [sflag:$0x1] =	stream.indirect.gather [spmem:s3], $0x20, s10, s20, $0xb8;
	[tilespmem:$0x16D20] =	vst v63  }
0x36: {  	s13 =	simm.s32 $0x9DA0;
	p1 =	por $0x1, $0x1  }
0x37: {  	[tilespmem:s23], [sflag:$0x2] =	stream.indirect.gather [spmem:s3], $0x20, s13, s20, $0xb8;
	[tilespmem:$0x16D20] =	vst v63  }
0x38: {  	s14 =	simm.s32 $0x9E20;
	s4 =	simm.s32 @!p1 $0xC  }
0x39: {  	[tilespmem:s25], [sflag:$0x3] =	stream.indirect.gather [spmem:s3], $0x20, s14, s20, $0xb8;
	[tilespmem:$0x16D20] =	vst v63  }
0x3a: {  	_ =	swait.ge @!p1 [sflag:s4], $0x1000  }
0x3b: {  	[sflag:s4] =	ssyncset.done @!p1 $0x0  }
0x3c: {  	s15 =	simm.s32 $0x9EA0;
	[sflag:s4] =	ssyncadd.s32 @!p1 $0xFFFFF000  }
0x3d: {  	[tilespmem:s26], [sflag:$0x4] =	stream.indirect.gather [spmem:s3], $0x20, s15, s20, $0xb8;
	[tilespmem:$0x16D20] =	vst v63  }
0x3e: {  	_ =	swait.ge [sflag:s28], $0x1000  }
0x3f: {  	[sflag:s28] =	ssyncset.done $0x0  }
0x40: {  	s17 =	simm.s32 $0xC520;
	s6 =	simm.s32 @!p1 $0xD;
	[sflag:s28] =	ssyncadd.s32 $0xFFFFF000  }
0x41: {  	[spmem:s2] =	stream.indirect.scatter.add.f32 [tilespmem:s21], [sflag:$0x9], $0x20, s17, s20, $0xb8;
	[tilespmem:$0x16D20] =	vst v63  }
0x42: {  	_ =	swait.ge @!p1 [sflag:s6], $0x1000  }
0x43: {  	[sflag:s6] =	ssyncset.done @!p1 $0x0  }
0x44: {  	s18 =	simm.s32 $0x9F20;
	[sflag:s6] =	ssyncadd.s32 @!p1 $0xFFFFF000  }
0x45: {  	[tilespmem:s29], [sflag:$0x5] =	stream.indirect.gather [spmem:s3], $0x20, s18, s20, $0xb8;
	[tilespmem:$0x16D20] =	vst v63  }
0x46: {  	_ =	swait.ge [sflag:s30], $0x1000  }
0x47: {  	[sflag:s30] =	ssyncset.done $0x0  }
0x48: {  	s8 =	simm.s32 $0xC5A0;
	s6 =	simm.s32 @!p1 $0xE;
	[sflag:s30] =	ssyncadd.s32 $0xFFFFF000  }
0x49: {  	[spmem:s2] =	stream.indirect.scatter.add.f32 [tilespmem:s23], [sflag:$0xA], $0x20, s8, s20, $0xb8;
	[tilespmem:$0x16D20] =	vst v63  }
0x4a: {  	_ =	swait.ge @!p1 [sflag:s6], $0x1000  }
0x4b: {  	[sflag:s6] =	ssyncset.done @!p1 $0x0  }
0x4c: {  	s10 =	simm.s32 $0x9FA0;
	s9 =	rddreg [dreg:$0x4];
	[sflag:s6] =	ssyncadd.s32 @!p1 $0xFFFFF000  }
0x4d: {  	[tilespmem:s9], [sflag:$0x6] =	stream.indirect.gather [spmem:s3], $0x20, s10, s20, $0xb8;
	[tilespmem:$0x16D20] =	vst v63  }
0x4e: {  	_ =	swait.ge [sflag:s31], $0x1000  }
0x4f: {  	p2 =	por $0x1, $0x1;
	[sflag:s31] =	ssyncset.done $0x0  }
0x50: {  	s11 =	simm.s32 $0xC620;
	s6 =	simm.s32 @!p2 $0xF;
	[sflag:s31] =	ssyncadd.s32 $0xFFFFF000  }
0x51: {  	[spmem:s2] =	stream.indirect.scatter.add.f32 [tilespmem:s25], [sflag:$0xB], $0x20, s11, s20, $0xb8;
	[tilespmem:$0x16D20] =	vst v63  }
0x52: {  	_ =	swait.ge @!p2 [sflag:s6], $0x1000  }
0x53: {  	[sflag:s6] =	ssyncset.done @!p2 $0x0  }
0x54: {  	s13 =	simm.s32 $0xA020;
	[sflag:s6] =	ssyncadd.s32 @!p2 $0xFFFFF000  }
0x55: {  	[tilespmem:s1], [sflag:$0x7] =	stream.indirect.gather [spmem:s3], $0x20, s13, s20, $0xb8;
	[tilespmem:$0x16D20] =	vst v63  }
0x56: {  	_ =	swait.ge [sflag:s0], $0x1000  }
0x57: {  	[sflag:s0] =	ssyncset.done $0x0  }
0x58: {  	s14 =	simm.s32 $0xC6A0;
	s6 =	simm.s32 @!p1 $0x10;
	[sflag:s0] =	ssyncadd.s32 $0xFFFFF000  }
0x59: {  	[spmem:s2] =	stream.indirect.scatter.add.f32 [tilespmem:s26], [sflag:$0xC], $0x20, s14, s20, $0xb8;
	[tilespmem:$0x16D20] =	vst v63  }
0x5a: {  	_ =	swait.ge @!p1 [sflag:s6], $0x1000  }
0x5b: {  	[sflag:s6] =	ssyncset.done @!p1 $0x0  }
0x5c: {  	s15 =	simm.s32 $0xA0A0;
	[sflag:s6] =	ssyncadd.s32 @!p1 $0xFFFFF000  }
0x5d: {  	[tilespmem:s16], [sflag:$0x8] =	stream.indirect.gather [spmem:s3], $0x20, s15, s20, $0xb8;
	[tilespmem:$0x16D20] =	vst v63  }
0x5e: {  	_ =	swait.ge [sflag:s22], $0x1000  }
0x5f: {  	p1 =	por $0x0, $0x0;
	[sflag:s22] =	ssyncset.done $0x0  }
0x60: {  	s17 =	simm.s32 $0xC720;
	s6 =	simm.s32 @p1 $0x6;
	[sflag:s22] =	ssyncadd.s32 $0xFFFFF000  }
0x61: {  	[spmem:s2] =	stream.indirect.scatter.add.f32 [tilespmem:s29], [sflag:$0xD], $0x20, s17, s20, $0xb8;
	[tilespmem:$0x16D20] =	vst v63  }
0x62: {  	_ =	swait.ge @p1 [sflag:s6], $0x1000  }
0x63: {  	s4 =	simm.s32 @p1 $0xC7A0;
	s8 =	simm.s32 @p1 $0x80;
	[sflag:s6] =	ssyncset.done @p1 $0x0  }
0x64: {  	s17 =	simm.s32 @p1 $0x13D20;
	[sflag:s6] =	ssyncadd.s32 @p1 $0xFFFFF000;
	s6 =	simm.s32 @!p1 $0x9  }
0x65: {  	[spmem:s2] =	stream.indirect.scatter.add.f32 @p1 [tilespmem:s17], [sflag:$0xE], $0x20, s4, s8, $0xb8;
	[tilespmem:$0x16D20] =	vst v63  }
0x66: {  	_ =	swait.ge @!p1 [sflag:s6], $0x1000  }
0x67: {  	s4 =	simm.s32 @!p1 $0xA120;
	s8 =	simm.s32 @!p1 $0x80;
	[sflag:s6] =	ssyncset.done @!p1 $0x0  }
0x68: {  	s17 =	simm.s32 @!p1 $0xED20;
	[sflag:s6] =	ssyncadd.s32 @!p1 $0xFFFFF000;
	s6 =	simm.s32 @!p1 $0x6  }
0x69: {  	[tilespmem:s17], [sflag:$0x1] =	stream.indirect.gather @!p1 [spmem:s3], $0x20, s4, s8, $0xb8;
	[tilespmem:$0x16D20] =	vst v63  }
0x6a: {  	_ =	swait.ge @!p1 [sflag:s6], $0x1000  }
0x6b: {  	s4 =	simm.s32 @!p1 $0xC7A0;
	[sflag:s6] =	ssyncset.done @!p1 $0x0  }
0x6c: {  	s17 =	simm.s32 @!p1 $0x13D20;
	[sflag:s6] =	ssyncadd.s32 @!p1 $0xFFFFF000;
	s6 =	simm.s32 @!p1 $0xA  }
0x6d: {  	[spmem:s2] =	stream.indirect.scatter.add.f32 @!p1 [tilespmem:s17], [sflag:$0xE], $0x20, s4, s8, $0xb8;
	[tilespmem:$0x16D20] =	vst v63  }
0x6e: {  	_ =	swait.ge @!p1 [sflag:s6], $0x1000  }
0x6f: {  	[sflag:s6] =	ssyncset.done @!p1 $0x0  }
0x70: {  	s4 =	simm.s32 @!p1 $0xA1A0;
	s17 =	simm.s32 @!p1 $0xFD20;
	[sflag:s6] =	ssyncadd.s32 @!p1 $0xFFFFF000  }
0x71: {  	[tilespmem:s17], [sflag:$0x2] =	stream.indirect.gather @!p1 [spmem:s3], $0x20, s4, s8, $0xb8;
	[tilespmem:$0x16D20] =	vst v63  }
0x72: {  	_ =	swait.ge [sflag:s24], $0x1000  }
0x73: {  	[sflag:s24] =	ssyncset.done $0x0  }
0x74: {  	s18 =	simm.s32 $0xC820;
	s6 =	simm.s32 @!p1 $0xB;
	[sflag:s24] =	ssyncadd.s32 $0xFFFFF000  }
0x75: {  	[spmem:s2] =	stream.indirect.scatter.add.f32 [tilespmem:s1], [sflag:$0xF], $0x20, s18, s20, $0xb8;
	[tilespmem:$0x16D20] =	vst v63  }
0x76: {  	p2 =	por $0x0, $0x0;
	_ =	swait.ge @!p1 [sflag:s6], $0x1000  }
0x77: {  	s4 =	simm.s32 @!p1 $0xA220;
	s17 =	simm.s32 @!p1 $0x10D20;
	[sflag:s6] =	ssyncset.done @!p1 $0x0  }
0x78: {  	s18 =	simm.s32 $0xB;
	[sflag:s6] =	ssyncadd.s32 @!p1 $0xFFFFF000;
	s6 =	simm.s32 $0xC8A0  }
0x79: {  	[tilespmem:s17], [sflag:$0x3] =	stream.indirect.gather @!p1 [spmem:s3], $0x20, s4, s8, $0xb8;
	[tilespmem:$0x16D20] =	vst v63  }
0x7a: {  	s17 =	simm.s32 $0x1000;
	s4 =	simm.s32 $0x2000;
	_ =	swait.ge [sflag:s19], $0x1000  }
.LBB2_2:
0x7b: {  	[sflag:s19] =	ssyncset.done $0x0  }
0x7c: {  	s9 =	simm.s32 @!p2 $0xC;
	[sflag:s19] =	ssyncadd.s32 $0xFFFFF000  }
0x7d: {  	[spmem:s2] =	stream.indirect.scatter.add.f32 [tilespmem:s16], [sflag:$0x10], $0x20, s6, s20, $0xb8;
	[tilespmem:$0x16D20] =	vst v63  }
0x7e: {  	_ =	swait.ge @!p2 [sflag:s9], $0x1000  }
0x7f: {  	s6 =	sshra.s32 s17, $0x2;
	[sflag:s9] =	ssyncset.done @!p2 $0x0  }
0x80: {  	s10 =	sadd.s32 $0x9EA0, s6;
	[sflag:s9] =	ssyncadd.s32 @!p2 $0xFFFFF000  }
0x81: {  	[tilespmem:s26], [sflag:$0x4] =	stream.indirect.gather [spmem:s3], $0x20, s10, s20, $0xb8;
	[tilespmem:$0x16D20] =	vst v63  }
0x82: {  	_ =	swait.ge [sflag:s28], $0x1000  }
0x83: {  	[sflag:s28] =	ssyncset.done $0x0  }
0x84: {  	s15 =	sadd.s32 $0xC520, s6;
	s10 =	simm.s32 @!p2 $0xD;
	[sflag:s28] =	ssyncadd.s32 $0xFFFFF000  }
0x85: {  	[spmem:s2] =	stream.indirect.scatter.add.f32 [tilespmem:s21], [sflag:$0x9], $0x20, s15, s20, $0xb8;
	[tilespmem:$0x16D20] =	vst v63  }
0x86: {  	_ =	swait.ge @!p2 [sflag:s10], $0x1000  }
0x87: {  	[sflag:s10] =	ssyncset.done @!p2 $0x0  }
0x88: {  	s11 =	sadd.s32 $0x9F20, s6;
	[sflag:s10] =	ssyncadd.s32 @!p2 $0xFFFFF000  }
0x89: {  	[tilespmem:s29], [sflag:$0x5] =	stream.indirect.gather [spmem:s3], $0x20, s11, s20, $0xb8;
	[tilespmem:$0x16D20] =	vst v63  }
0x8a: {  	_ =	swait.ge [sflag:s30], $0x1000  }
0x8b: {  	[sflag:s30] =	ssyncset.done $0x0  }
0x8c: {  	s13 =	sadd.s32 $0xC5A0, s6;
	s10 =	simm.s32 @!p2 $0xE;
	[sflag:s30] =	ssyncadd.s32 $0xFFFFF000  }
0x8d: {  	[spmem:s2] =	stream.indirect.scatter.add.f32 [tilespmem:s23], [sflag:$0xA], $0x20, s13, s20, $0xb8;
	[tilespmem:$0x16D20] =	vst v63  }
0x8e: {  	_ =	swait.ge @!p2 [sflag:s10], $0x1000  }
0x8f: {  	[sflag:s10] =	ssyncset.done @!p2 $0x0  }
0x90: {  	s15 =	sadd.s32 $0x9FA0, s6;
	s14 =	rddreg [dreg:$0x4];
	[sflag:s10] =	ssyncadd.s32 @!p2 $0xFFFFF000  }
0x91: {  	[tilespmem:s14], [sflag:$0x6] =	stream.indirect.gather [spmem:s3], $0x20, s15, s20, $0xb8;
	[tilespmem:$0x16D20] =	vst v63  }
0x92: {  	_ =	swait.ge [sflag:s31], $0x1000  }
0x93: {  	p3 =	slt.u32 s18, $0x5;
	[sflag:s31] =	ssyncset.done $0x0  }
0x94: {  	s11 =	sadd.s32 $0xC620, s6;
	s10 =	simm.s32 @!p3 $0xF;
	[sflag:s31] =	ssyncadd.s32 $0xFFFFF000  }
0x95: {  	[spmem:s2] =	stream.indirect.scatter.add.f32 [tilespmem:s25], [sflag:$0xB], $0x20, s11, s20, $0xb8;
	[tilespmem:$0x16D20] =	vst v63  }
0x96: {  	_ =	swait.ge @!p3 [sflag:s10], $0x1000  }
0x97: {  	[sflag:s10] =	ssyncset.done @!p3 $0x0  }
0x98: {  	s13 =	sadd.s32 $0xA020, s6;
	[sflag:s10] =	ssyncadd.s32 @!p3 $0xFFFFF000  }
0x99: {  	[tilespmem:s1], [sflag:$0x7] =	stream.indirect.gather [spmem:s3], $0x20, s13, s20, $0xb8;
	[tilespmem:$0x16D20] =	vst v63  }
0x9a: {  	_ =	swait.ge [sflag:s0], $0x1000  }
0x9b: {  	[sflag:s0] =	ssyncset.done $0x0  }
0x9c: {  	s14 =	sadd.s32 $0xC6A0, s6;
	s10 =	simm.s32 @!p2 $0x10;
	[sflag:s0] =	ssyncadd.s32 $0xFFFFF000  }
0x9d: {  	[spmem:s2] =	stream.indirect.scatter.add.f32 [tilespmem:s26], [sflag:$0xC], $0x20, s14, s20, $0xb8;
	[tilespmem:$0x16D20] =	vst v63  }
0x9e: {  	_ =	swait.ge @!p2 [sflag:s10], $0x1000  }
0x9f: {  	[sflag:s10] =	ssyncset.done @!p2 $0x0  }
0xa0: {  	s15 =	sadd.s32 $0xA0A0, s6;
	[sflag:s10] =	ssyncadd.s32 @!p2 $0xFFFFF000  }
0xa1: {  	[tilespmem:s16], [sflag:$0x8] =	stream.indirect.gather [spmem:s3], $0x20, s15, s20, $0xb8;
	[tilespmem:$0x16D20] =	vst v63  }
0xa2: {  	_ =	swait.ge [sflag:s22], $0x1000  }
0xa3: {  	s11 =	sadd.s32 $0xC720, s6;
	p2 =	seq.s32 s17, $0x9000;
	[sflag:s22] =	ssyncset.done $0x0  }
0xa4: {  	s10 =	simm.s32 @p2 $0x6;
	s15 =	sshra.s32 @p2 s17, $0x2;
	[sflag:s22] =	ssyncadd.s32 $0xFFFFF000  }
0xa5: {  	[spmem:s2] =	stream.indirect.scatter.add.f32 [tilespmem:s29], [sflag:$0xD], $0x20, s11, s20, $0xb8;
	[tilespmem:$0x16D20] =	vst v63  }
0xa6: {  	s9 =	sadd.s32 @p2 $0xC7A0, s15;
	_ =	swait.ge @p2 [sflag:s10], $0x1000  }
0xa7: {  	s15 =	sshra.s32 @!p2 s17, $0x2;
	s17 =	simm.s32 @p2 $0x80;
	[sflag:s10] =	ssyncset.done @p2 $0x0  }
0xa8: {  	s11 =	simm.s32 @p2 $0x13D20;
	[sflag:s10] =	ssyncadd.s32 @p2 $0xFFFFF000;
	s10 =	simm.s32 @!p2 $0x9  }
0xa9: {  	[spmem:s2] =	stream.indirect.scatter.add.f32 @p2 [tilespmem:s11], [sflag:$0xE], $0x20, s9, s17, $0xb8;
	[tilespmem:$0x16D20] =	vst v63  }
0xaa: {  	_ =	swait.ge @!p2 [sflag:s10], $0x1000  }
0xab: {  	s14 =	simm.s32 @!p2 $0x80;
	s13 =	sadd.s32 @!p2 $0xA120, s15;
	[sflag:s10] =	ssyncset.done @!p2 $0x0  }
0xac: {  	s17 =	simm.s32 @!p2 $0xED20;
	[sflag:s10] =	ssyncadd.s32 @!p2 $0xFFFFF000;
	s10 =	simm.s32 @!p2 $0x6  }
0xad: {  	[tilespmem:s17], [sflag:$0x1] =	stream.indirect.gather @!p2 [spmem:s3], $0x20, s13, s14, $0xb8;
	[tilespmem:$0x16D20] =	vst v63  }
0xae: {  	s8 =	smov.u32 s4;
	_ =	swait.ge @!p2 [sflag:s10], $0x1000  }
0xaf: {  	s9 =	sadd.s32 @!p2 $0xC7A0, s15;
	s17 =	smov.u32 s8;
	[sflag:s10] =	ssyncset.done @!p2 $0x0  }
0xb0: {  	s8 =	simm.s32 @!p2 $0x13D20;
	[sflag:s10] =	ssyncadd.s32 @!p2 $0xFFFFF000;
	s10 =	simm.s32 @!p2 $0xA  }
0xb1: {  	[spmem:s2] =	stream.indirect.scatter.add.f32 @!p2 [tilespmem:s8], [sflag:$0xE], $0x20, s9, s14, $0xb8;
	[tilespmem:$0x16D20] =	vst v63  }
0xb2: {  	_ =	swait.ge @!p2 [sflag:s10], $0x1000  }
0xb3: {  	[sflag:s10] =	ssyncset.done @!p2 $0x0  }
0xb4: {  	s11 =	sadd.s32 @!p2 $0xA1A0, s15;
	s8 =	simm.s32 @!p2 $0xFD20;
	[sflag:s10] =	ssyncadd.s32 @!p2 $0xFFFFF000  }
0xb5: {  	[tilespmem:s8], [sflag:$0x2] =	stream.indirect.gather @!p2 [spmem:s3], $0x20, s11, s14, $0xb8;
	[tilespmem:$0x16D20] =	vst v63  }
0xb6: {  	s4 =	sadd.s32 $0x1000, s4;
	_ =	swait.ge [sflag:s24], $0x1000  }
0xb7: {  	p1 =	sne.s32 s4, $0xA000;
	[sflag:s24] =	ssyncset.done $0x0  }
0xb8: {  	s13 =	sadd.s32 $0xC820, s6;
	s9 =	simm.s32 @!p2 $0xB;
	[sflag:s24] =	ssyncadd.s32 $0xFFFFF000  }
0xb9: {  	[spmem:s2] =	stream.indirect.scatter.add.f32 [tilespmem:s1], [sflag:$0xF], $0x20, s13, s20, $0xb8;
	[tilespmem:$0x16D20] =	vst v63  }
.Ltmp0:
0xba: {  	_ =	swait.ge @!p2 [sflag:s9], $0x1000;
	(pc) =	sbr.rel @p1 .LBB2_2-.Ltmp0, $4  }
0xbb: {  	s18 =	sadd.s32 $0x8, s18;
	[sflag:s9] =	ssyncset.done @!p2 $0x0  }
0xbc: {  	s15 =	sadd.s32 @!p2 $0xA220, s15;
	s8 =	simm.s32 @!p2 $0x10D20;
	[sflag:s9] =	ssyncadd.s32 @!p2 $0xFFFFF000  }
0xbd: {  	[tilespmem:s8], [sflag:$0x3] =	stream.indirect.gather @!p2 [spmem:s3], $0x20, s15, s14, $0xb8;
	[tilespmem:$0x16D20] =	vst v63  }
0xbe: {  	s6 =	sadd.s32 $0xC8A0, s6;
	p2 =	seq.s32 s17, $0x0;
	_ =	swait.ge [sflag:s19], $0x1000  }
0xbf: {  	[sflag:s19] =	ssyncset.done $0x0  }
0xc0: {  	s8 =	simm.s32 @!p2 $0xC;
	[sflag:s19] =	ssyncadd.s32 $0xFFFFF000  }
0xc1: {  	[spmem:s2] =	stream.indirect.scatter.add.f32 [tilespmem:s16], [sflag:$0x10], $0x20, s6, s20, $0xb8;
	[tilespmem:$0x16D20] =	vst v63  }
0xc2: {  	_ =	swait.ge @!p2 [sflag:s8], $0x1000  }
0xc3: {  	s4 =	sshra.s32 s17, $0x2;
	[sflag:s8] =	ssyncset.done @!p2 $0x0  }
0xc4: {  	s9 =	sadd.s32 $0x9EA0, s4;
	[sflag:s8] =	ssyncadd.s32 @!p2 $0xFFFFF000  }
0xc5: {  	[tilespmem:s26], [sflag:$0x4] =	stream.indirect.gather [spmem:s3], $0x20, s9, s20, $0xb8;
	[tilespmem:$0x16D20] =	vst v63  }
0xc6: {  	_ =	swait.ge [sflag:s28], $0x1000  }
0xc7: {  	[sflag:s28] =	ssyncset.done $0x0  }
0xc8: {  	s10 =	sadd.s32 $0xC520, s4;
	s8 =	simm.s32 @!p2 $0xD;
	[sflag:s28] =	ssyncadd.s32 $0xFFFFF000  }
0xc9: {  	[spmem:s2] =	stream.indirect.scatter.add.f32 [tilespmem:s21], [sflag:$0x9], $0x20, s10, s20, $0xb8;
	[tilespmem:$0x16D20] =	vst v63  }
0xca: {  	_ =	swait.ge @!p2 [sflag:s8], $0x1000  }
0xcb: {  	[sflag:s8] =	ssyncset.done @!p2 $0x0  }
0xcc: {  	s11 =	sadd.s32 $0x9F20, s4;
	[sflag:s8] =	ssyncadd.s32 @!p2 $0xFFFFF000  }
0xcd: {  	[tilespmem:s29], [sflag:$0x5] =	stream.indirect.gather [spmem:s3], $0x20, s11, s20, $0xb8;
	[tilespmem:$0x16D20] =	vst v63  }
0xce: {  	_ =	swait.ge [sflag:s30], $0x1000  }
0xcf: {  	[sflag:s30] =	ssyncset.done $0x0  }
0xd0: {  	s13 =	sadd.s32 $0xC5A0, s4;
	s8 =	simm.s32 @!p2 $0xE;
	[sflag:s30] =	ssyncadd.s32 $0xFFFFF000  }
0xd1: {  	[spmem:s2] =	stream.indirect.scatter.add.f32 [tilespmem:s23], [sflag:$0xA], $0x20, s13, s20, $0xb8;
	[tilespmem:$0x16D20] =	vst v63  }
0xd2: {  	_ =	swait.ge @!p2 [sflag:s8], $0x1000  }
0xd3: {  	[sflag:s8] =	ssyncset.done @!p2 $0x0  }
0xd4: {  	s15 =	sadd.s32 $0x9FA0, s4;
	s14 =	rddreg [dreg:$0x4];
	[sflag:s8] =	ssyncadd.s32 @!p2 $0xFFFFF000  }
0xd5: {  	[tilespmem:s14], [sflag:$0x6] =	stream.indirect.gather [spmem:s3], $0x20, s15, s20, $0xb8;
	[tilespmem:$0x16D20] =	vst v63  }
0xd6: {  	_ =	swait.ge [sflag:s31], $0x1000  }
0xd7: {  	p1 =	slt.u32 s18, $0x5;
	[sflag:s31] =	ssyncset.done $0x0  }
0xd8: {  	s9 =	sadd.s32 $0xC620, s4;
	s8 =	simm.s32 @!p1 $0xF;
	[sflag:s31] =	ssyncadd.s32 $0xFFFFF000  }
0xd9: {  	[spmem:s2] =	stream.indirect.scatter.add.f32 [tilespmem:s25], [sflag:$0xB], $0x20, s9, s20, $0xb8;
	[tilespmem:$0x16D20] =	vst v63  }
0xda: {  	_ =	swait.ge @!p1 [sflag:s8], $0x1000  }
0xdb: {  	[sflag:s8] =	ssyncset.done @!p1 $0x0  }
0xdc: {  	s10 =	sadd.s32 $0xA020, s4;
	[sflag:s8] =	ssyncadd.s32 @!p1 $0xFFFFF000  }
0xdd: {  	[tilespmem:s1], [sflag:$0x7] =	stream.indirect.gather [spmem:s3], $0x20, s10, s20, $0xb8;
	[tilespmem:$0x16D20] =	vst v63  }
0xde: {  	_ =	swait.ge [sflag:s0], $0x1000  }
0xdf: {  	[sflag:s0] =	ssyncset.done $0x0  }
0xe0: {  	s11 =	sadd.s32 $0xC6A0, s4;
	s8 =	simm.s32 @!p2 $0x10;
	[sflag:s0] =	ssyncadd.s32 $0xFFFFF000  }
0xe1: {  	[spmem:s2] =	stream.indirect.scatter.add.f32 [tilespmem:s26], [sflag:$0xC], $0x20, s11, s20, $0xb8;
	[tilespmem:$0x16D20] =	vst v63  }
0xe2: {  	_ =	swait.ge @!p2 [sflag:s8], $0x1000  }
0xe3: {  	[sflag:s8] =	ssyncset.done @!p2 $0x0  }
0xe4: {  	s13 =	sadd.s32 $0xA0A0, s4;
	[sflag:s8] =	ssyncadd.s32 @!p2 $0xFFFFF000  }
0xe5: {  	[tilespmem:s16], [sflag:$0x8] =	stream.indirect.gather [spmem:s3], $0x20, s13, s20, $0xb8;
	[tilespmem:$0x16D20] =	vst v63  }
0xe6: {  	_ =	swait.ge [sflag:s22], $0x1000  }
0xe7: {  	p1 =	seq.s32 s17, $0x9000;
	[sflag:s22] =	ssyncset.done $0x0  }
0xe8: {  	s14 =	sadd.s32 $0xC720, s4;
	s8 =	simm.s32 @p1 $0x6;
	[sflag:s22] =	ssyncadd.s32 $0xFFFFF000  }
0xe9: {  	[spmem:s2] =	stream.indirect.scatter.add.f32 [tilespmem:s29], [sflag:$0xD], $0x20, s14, s20, $0xb8;
	[tilespmem:$0x16D20] =	vst v63  }
0xea: {  	_ =	swait.ge @p1 [sflag:s8], $0x1000  }
0xeb: {  	s6 =	sshra.s32 @p1 s17, $0x2;
	s9 =	simm.s32 @p1 $0x80;
	[sflag:s8] =	ssyncset.done @p1 $0x0  }
0xec: {  	s6 =	sadd.s32 @p1 $0xC7A0, s6;
	[sflag:s8] =	ssyncadd.s32 @p1 $0xFFFFF000;
	s8 =	simm.s32 @p1 $0x13D20  }
0xed: {  	[spmem:s2] =	stream.indirect.scatter.add.f32 @p1 [tilespmem:s8], [sflag:$0xE], $0x20, s6, s9, $0xb8;
	[tilespmem:$0x16D20] =	vst v63  }
0xee: {  	s6 =	simm.s32 @!p1 $0x9  }
0xef: {  	_ =	swait.ge @!p1 [sflag:s6], $0x1000  }
0xf0: {  	s10 =	simm.s32 @!p1 $0x80;
	s8 =	sshra.s32 @!p1 s17, $0x2;
	[sflag:s6] =	ssyncset.done @!p1 $0x0  }
0xf1: {  	s9 =	sadd.s32 @!p1 $0xA120, s8;
	[sflag:s6] =	ssyncadd.s32 @!p1 $0xFFFFF000;
	s6 =	simm.s32 @!p1 $0xED20  }
0xf2: {  	[tilespmem:s6], [sflag:$0x1] =	stream.indirect.gather @!p1 [spmem:s3], $0x20, s9, s10, $0xb8;
	[tilespmem:$0x16D20] =	vst v63  }
0xf3: {  	s6 =	simm.s32 @!p1 $0x6  }
0xf4: {  	_ =	swait.ge @!p1 [sflag:s6], $0x1000  }
0xf5: {  	[sflag:s6] =	ssyncset.done @!p1 $0x0  }
0xf6: {  	s9 =	sadd.s32 @!p1 $0xC7A0, s8;
	[sflag:s6] =	ssyncadd.s32 @!p1 $0xFFFFF000;
	s6 =	simm.s32 @!p1 $0x13D20  }
0xf7: {  	[spmem:s2] =	stream.indirect.scatter.add.f32 @!p1 [tilespmem:s6], [sflag:$0xE], $0x20, s9, s10, $0xb8;
	[tilespmem:$0x16D20] =	vst v63  }
0xf8: {  	s6 =	simm.s32 @!p1 $0xA  }
0xf9: {  	_ =	swait.ge @!p1 [sflag:s6], $0x1000  }
0xfa: {  	[sflag:s6] =	ssyncset.done @!p1 $0x0  }
0xfb: {  	s9 =	sadd.s32 @!p1 $0xA1A0, s8;
	[sflag:s6] =	ssyncadd.s32 @!p1 $0xFFFFF000;
	s6 =	simm.s32 @!p1 $0xFD20  }
0xfc: {  	[tilespmem:s6], [sflag:$0x2] =	stream.indirect.gather @!p1 [spmem:s3], $0x20, s9, s10, $0xb8;
	[tilespmem:$0x16D20] =	vst v63  }
0xfd: {  	_ =	swait.ge [sflag:s24], $0x1000  }
0xfe: {  	[sflag:s24] =	ssyncset.done $0x0  }
0xff: {  	s15 =	sadd.s32 $0xC820, s4;
	s6 =	simm.s32 @!p1 $0xB;
	[sflag:s24] =	ssyncadd.s32 $0xFFFFF000  }
0x100: {  	[spmem:s2] =	stream.indirect.scatter.add.f32 [tilespmem:s1], [sflag:$0xF], $0x20, s15, s20, $0xb8;
	[tilespmem:$0x16D20] =	vst v63  }
0x101: {  	_ =	swait.ge @!p1 [sflag:s6], $0x1000  }
0x102: {  	[sflag:s6] =	ssyncset.done @!p1 $0x0  }
0x103: {  	s8 =	sadd.s32 @!p1 $0xA220, s8;
	[sflag:s6] =	ssyncadd.s32 @!p1 $0xFFFFF000;
	s6 =	simm.s32 @!p1 $0x10D20  }
0x104: {  	[tilespmem:s6], [sflag:$0x3] =	stream.indirect.gather @!p1 [spmem:s3], $0x20, s8, s10, $0xb8;
	[tilespmem:$0x16D20] =	vst v63  }
0x105: {  	_ =	swait.ge [sflag:s19], $0x1000  }
0x106: {  	[sflag:s19] =	ssyncset.done $0x0  }
0x107: {  	s4 =	sadd.s32 $0xC8A0, s4;
	s17 =	simm.s32 $0x9;
	[sflag:s19] =	ssyncadd.s32 $0xFFFFF000  }
0x108: {  	[spmem:s2] =	stream.indirect.scatter.add.f32 [tilespmem:s16], [sflag:$0x10], $0x20, s4, s20, $0xb8;
	[tilespmem:$0x16D20] =	vst v63  }
0x109: {  	_ =	swait.ge [sflag:s17], $0x1000  }
0x10a: {  	[sflag:s17] =	ssyncset.done $0x0  }
0x10b: {  	s18 =	simm.s32 $0xA;
	[sflag:s17] =	ssyncadd.s32 $0xFFFFF000  }
0x10c: {  	_ =	swait.ge [sflag:s18], $0x1000  }
0x10d: {  	[sflag:s18] =	ssyncset.done $0x0  }
0x10e: {  	s6 =	simm.s32 $0xB;
	[sflag:s18] =	ssyncadd.s32 $0xFFFFF000  }
0x10f: {  	_ =	swait.ge [sflag:s6], $0x1000  }
0x110: {  	[sflag:s6] =	ssyncset.done $0x0  }
0x111: {  	s8 =	simm.s32 $0xC;
	[sflag:s6] =	ssyncadd.s32 $0xFFFFF000  }
0x112: {  	_ =	swait.ge [sflag:s8], $0x1000  }
0x113: {  	[sflag:s8] =	ssyncset.done $0x0  }
0x114: {  	s9 =	simm.s32 $0xD;
	[sflag:s8] =	ssyncadd.s32 $0xFFFFF000  }
0x115: {  	_ =	swait.ge [sflag:s9], $0x1000  }
0x116: {  	[sflag:s9] =	ssyncset.done $0x0  }
0x117: {  	s10 =	simm.s32 $0xE;
	[sflag:s9] =	ssyncadd.s32 $0xFFFFF000  }
0x118: {  	_ =	swait.ge [sflag:s10], $0x1000  }
0x119: {  	[sflag:s10] =	ssyncset.done $0x0  }
0x11a: {  	s11 =	simm.s32 $0xF;
	[sflag:s10] =	ssyncadd.s32 $0xFFFFF000  }
0x11b: {  	_ =	swait.ge [sflag:s11], $0x1000  }
0x11c: {  	[sflag:s11] =	ssyncset.done $0x0  }
0x11d: {  	s13 =	simm.s32 $0x10;
	[sflag:s11] =	ssyncadd.s32 $0xFFFFF000  }
0x11e: {  	_ =	swait.ge [sflag:s13], $0x1000  }
0x11f: {  	[sflag:s13] =	ssyncset.done $0x0  }
0x120: {  	[sflag:s13] =	ssyncadd.s32 $0xFFFFF000  }
0x121: {  	[bflag:$0x0] =	sbarrier.arrive $0xFFFF  }
0x122: {  	s14 =	rddreg [dreg:$0x5]  }
0x123: {  	s17 =	simm.s32 $0x11;
	s15 =	rddreg [dreg:$0xc];
	s4 =	sor.u32 $0x1C11, s14  }
0x124: {  	[hbm:s15@s13], [sflag:s4] =	dma.strided [spmem:s12@s0], $0x9E0, s28, $0x4   }
0x125: {  	_ =	swait.ge [sflag:s17], $0x9E0  }
0x126: {  	s5 =	sadd.s32 $0x1, s5;
	s18 =	rddreg [dreg:$0xb]  }
0x127: {  	p1 =	sne.s32 s5, s18  }
.Ltmp1:
0x128: {  	_ = 	snop;
	(pc) =	sbr.rel @p1 .LBB2_1-.Ltmp1, $3  }
0x129: {  	_ =	sdelay $0x1  }
0x12a: {  	[sflag:s17] =	ssyncset.done $0x0  }
0x12b: {  	s8 =	smov.u32 s12;
	[sflag:s17] =	ssyncadd.s32 $0xFFFFF620  }
0x12c: {  	_ =	sfence.sel $0x180000  }
0x12d: {  	[bflag:$0x0] =	sbarrier.arrive $0xFFFF  }
0x12e: {  	_ =	strace $0x9000004D  }
0x12f: {  	s0 =	stileid.u32;
	[bflag:$0x2] =	sbarrier.arrive $0xFFFF  }
0x130: {  	p0 =	sne.s32 s0, $0x0;
	s0 =	rddreg [dreg:$0x3]  }
0x131: {  	s0 =	sadd.s32 @!p0 $0x100000, s0  }
0x132: {  	[sflag:s0] =	ssyncadd.tile.s32 @!p0 $0x1;
	_ =	shalt  }
.Lfunc_end2:
_tile_overlayer_lowered:
.L_overlay_start_2:
0x133: {  	(tag) =	ssettag $0x2  }
0x134: {  	s0 =	rddreg [dreg:$0x0];
	s2 =	stileid.u32  }
0x135: {  	s1 =	rddreg [dreg:$0x1];
	p0 =	sne.s32 s2, $0x0  }
0x136: {  	s3 =	rddreg [dreg:$0x2];
	[bflag:$0x3] =	sbarrier.arrive $0xFFFF;
	s2 =	simm.s32 @!p0 $0x1C11  }
0x137: {  	[timem:s3], [sflag:s2] =	dma.local @!p0 [hbm:s0], s1  }
0x138: {  	s0 =	simm.s32 @!p0 $0x11  }
0x139: {  	_ =	swait.ge @!p0 [sflag:s0], s1  }
0x13a: {  	s1 =	ssub.s32 @!p0 $0x0, s1;
	[sflag:s0] =	ssyncset.done @!p0 $0x0  }
0x13b: {  	[sflag:s0] =	ssyncadd.s32 @!p0 s1  }
0x13c: {  	[bflag:$0x3] =	sbarrier.arrive $0xFFFF  }
0x13d: {  	_ =	shalt  }

// kernel: kernel.9.cloned.1.call-start
scs
__scs_entry_jumppad:
0x0: {  	(pc) =	sbr.rel $0x88, $3  }
0x1: {  	(tag) =	ssettag $0x0;
	lr =	simm.s32 $0x1  }
0x2: {  	[smem:$0x3F8E] =	sst lr;
	_ =	strace $0xD0000000  }
0x3: {  	_ = 	snop  }
0x4: {  	_ = 	snop  }
0x5: {  	_ = 	snop  }
0x6: {  	_ = 	snop  }
0x7: {  	_ = 	snop  }
__scs_overlays_trampoline_lowered:
0x8: {  	[smem:$0x3F9D] =	sst s0  }
0x9: {  	[smem:$0x3F9E] =	sst s1  }
0xa: {  	[smem:$0x3F9F] =	sst s2  }
0xb: {  	[smem:$0x3FA0] =	sst s3  }
0xc: {  	[smem:$0x3FA1] =	sst s4  }
0xd: {  	[smem:$0x3FA2] =	sst s5  }
0xe: {  	[smem:$0x3FA3] =	sst s6  }
0xf: {  	[smem:$0x3FA4] =	sst s7  }
0x10: {  	[smem:$0x3FA5] =	sst s8  }
0x11: {  	[smem:$0x3FA6] =	sst s9;
	s0 =	simm.s32 @!p0 $0x0  }
0x12: {  	s1 =	sld [smem:$0x3F8C];
	s0 =	simm.s32 @p0 $0x1  }
0x13: {  	[smem:$0x3FA7] =	sst s0;
	s0 =	simm.s32 @!p1 $0x0  }
0x14: {  	s2 =	sld [smem:$0x3F8B];
	s0 =	simm.s32 @p1 $0x1  }
0x15: {  	[smem:$0x3FA8] =	sst s0;
	s0 =	simm.s32 @!p2 $0x0  }
0x16: {  	s3 =	sld [smem:$0x3FDB];
	s0 =	simm.s32 @p2 $0x1  }
0x17: {  	s4 =	simm.s32 $0x1BF5;
	[smem:$0x3FAA] =	sst s0  }
0x18: {  	s0 =	sld [smem:$0x3F8D];
	_ =	swait.ge [sflag:s4], $0x0  }
0x19: {  	s7 =	sld [smem:$0x3F8E]  }
0x1a: {  	s8 =	sadd.s32 $0xFFFFE003, lr  }
0x1b: {  	s9 =	sadd.s32 $0xFFFFFEF7, lr;
	s5 =	simm.s32 $0xFFFFFFFF;
	p2 =	slt.u32 s8, $0xFFFFF086  }
0x1c: {  	p1 =	slt.u32 s9, $0xF7A;
	s5 =	simm.s32 @!p2 $0x0  }
0x1d: {  	s5 =	simm.s32 @p1 $0x1;
	p0 =	seq.s32 s7, s2  }
0x1e: {  	s7 =	smul.u32 @!p0 $0xF7A, s2;
	p2 =	seq.s32 @!p0 s5, $0x0  }
0x1f: {  	s9 =	smul.u32 $0xF7A, s1;
	s8 =	simm.s32 @!p0 $0x1BF5;
	p2 =	por !p2, p0  }
0x20: {  	[sflag:s8] =	ssyncset.s32 @!p0 $0xFFFFF086;
	s6 =	sadd.s32 @!p0 s3, s7;
	s7 =	simm.s32 @!p0 $0x108  }
0x21: {  	s3 =	sadd.s32 s3, s9;
	s6 =	sadd.s32 @!p0 $0x88, s6;
	s7 =	simm.s32 @p2 $0x1082  }
0x22: {  	[simem:s7], [sflag:s8] =	dma.local @!p0 [hbm:s6], $0xF7A  }
0x23: {  	s9 =	sor.u32 $0xD0000000, s2;
	s6 =	simm.s32 $0x108;
	_ =	swait.ge @!p0 [sflag:s8], $0x0  }
0x24: {  	s3 =	sadd.s32 $0x88, s3;
	s6 =	simm.s32 @!p1 $0x1082;
	[sflag:s4] =	ssyncset.s32 $0xFFFFF086  }
0x25: {  	[simem:s6], [sflag:s4] =	dma.local [hbm:s3], $0xF7A  }
0x26: {  	[smem:$0x3F8E] =	sst s1;
	(tag) =	ssettag s2;
	_ =	strace s9  }
0x27: {  	s1 =	sld [smem:$0x3F9E]  }
0x28: {  	s2 =	sld [smem:$0x3F9F]  }
0x29: {  	s4 =	sld [smem:$0x3FA1]  }
0x2a: {  	p0 =	seq.s32 s5, $0x0;
	s5 =	sld [smem:$0x3FA2]  }
0x2b: {  	s6 =	sld [smem:$0x3FA3]  }
0x2c: {  	s7 =	sld [smem:$0x3FA4]  }
0x2d: {  	s3 =	simm.s32 $0x108;
	s8 =	sld [smem:$0x3FA5]  }
0x2e: {  	s3 =	simm.s32 @!p0 $0x1082;
	s9 =	sld [smem:$0x3FA6]  }
0x2f: {  	lr =	sadd.s32 s0, s3;
	s0 =	sld [smem:$0x3F9D]  }
0x30: {  	s3 =	sld [smem:$0x3FA0]  }
0x31: {  	[smem:$0x3FA9] =	sst s10  }
0x32: {  	s10 =	sld [smem:$0x3FA7];
	_ =	sdelay $0x3  }
0x33: {  	p0 =	seq.s32 s10, $0x1;
	s10 =	sld [smem:$0x3FA9];
	_ =	sdelay $0x3  }
0x34: {  	[smem:$0x3FA9] =	sst s10  }
0x35: {  	s10 =	sld [smem:$0x3FA8];
	_ =	sdelay $0x3  }
0x36: {  	p1 =	seq.s32 s10, $0x1;
	s10 =	sld [smem:$0x3FA9];
	_ =	sdelay $0x3  }
0x37: {  	[smem:$0x3FA9] =	sst s10  }
0x38: {  	s10 =	sld [smem:$0x3FAA]  }
0x39: {  	_ = 	snop;
	(pc) =	sbr.ind lr, $3  }
0x3a: {  	_ = 	snop  }
0x3b: {  	_ = 	snop  }
0x3c: {  	p2 =	seq.s32 s10, $0x1;
	s10 =	sld [smem:$0x3FA9]  }
0x3d: {  	_ =	shalt  }
0x3e: {  	_ =	shalt  }
0x3f: {  	_ =	shalt  }
0x40: {  	_ =	shalt  }
0x41: {  	_ =	shalt  }
0x42: {  	_ =	shalt  }
0x43: {  	_ =	shalt  }
0x44: {  	_ =	shalt  }
0x45: {  	_ =	shalt  }
0x46: {  	_ =	shalt  }
0x47: {  	_ =	shalt  }
0x48: {  	_ =	shalt  }
0x49: {  	_ =	shalt  }
0x4a: {  	_ =	shalt  }
0x4b: {  	_ =	shalt  }
0x4c: {  	_ =	shalt  }
0x4d: {  	_ =	shalt  }
0x4e: {  	_ =	shalt  }
0x4f: {  	_ =	shalt  }
0x50: {  	_ =	shalt  }
0x51: {  	_ =	shalt  }
0x52: {  	_ =	shalt  }
0x53: {  	_ =	shalt  }
0x54: {  	_ =	shalt  }
0x55: {  	_ =	shalt  }
0x56: {  	_ =	shalt  }
0x57: {  	_ =	shalt  }
0x58: {  	_ =	shalt  }
0x59: {  	_ =	shalt  }
0x5a: {  	_ =	shalt  }
0x5b: {  	_ =	shalt  }
0x5c: {  	_ =	shalt  }
0x5d: {  	_ =	shalt  }
0x5e: {  	_ =	shalt  }
0x5f: {  	_ =	shalt  }
0x60: {  	_ =	shalt  }
0x61: {  	_ =	shalt  }
0x62: {  	_ =	shalt  }
0x63: {  	_ =	shalt  }
0x64: {  	_ =	shalt  }
0x65: {  	_ =	shalt  }
0x66: {  	_ =	shalt  }
0x67: {  	_ =	shalt  }
0x68: {  	_ =	shalt  }
0x69: {  	_ =	shalt  }
0x6a: {  	_ =	shalt  }
0x6b: {  	_ =	shalt  }
0x6c: {  	_ =	shalt  }
0x6d: {  	_ =	shalt  }
0x6e: {  	_ =	shalt  }
0x6f: {  	_ =	shalt  }
0x70: {  	_ =	shalt  }
0x71: {  	_ =	shalt  }
0x72: {  	_ =	shalt  }
0x73: {  	_ =	shalt  }
0x74: {  	_ =	shalt  }
0x75: {  	_ =	shalt  }
0x76: {  	_ =	shalt  }
0x77: {  	_ =	shalt  }
0x78: {  	_ =	shalt  }
0x79: {  	_ =	shalt  }
0x7a: {  	_ =	shalt  }
0x7b: {  	_ =	shalt  }
0x7c: {  	_ =	shalt  }
0x7d: {  	_ =	shalt  }
0x7e: {  	_ =	shalt  }
0x7f: {  	_ =	shalt  }
0x80: {  	_ =	shalt  }
0x81: {  	_ =	shalt  }
0x82: {  	_ =	shalt  }
0x83: {  	_ =	shalt  }
0x84: {  	_ =	shalt  }
0x85: {  	_ =	shalt  }
0x86: {  	_ =	shalt  }
0x87: {  	_ =	shalt  }
.Lfunc_end0:
.L_simem_size_0:
called_computation_lowered:
.L_overlay_start_0:
0x88: {  	s2 =	sld [smem:$0x3FD9]  }
0x89: {  	s3 =	sld [smem:$0x3FFE];
	_ =	sdelay $0x1  }
0x8a: {  	s1 =	srdreg.scid  }
0x8b: {  	s0 =	sand.u32 $0x1, s1  }
0x8c: {  	s16 =	sshll.u32 s0, $0xA;
	s2 =	sadd.s32 s3, s2  }
0x8d: {  	s2 =	sadd.s32 s2, s16  }
0x8e: {  	[smem:$0x3FB5] =	sst s2  }
0x8f: {  	_ = 	snop  }
0x90: {  	(tm) =	ssettm $0x1  }
0x91: {  	s17 =	sld [smem:$0x3FFB];
	_ =	sdelay $0x3  }
0x92: {  	_ =	strace s17  }
0x93: {  	s2 =	sld [smem:$0x3FFC];
	_ =	sdelay $0x3  }
0x94: {  	_ =	strace s2  }
0x95: {  	s2 =	sld [smem:$0x3FFD];
	_ =	sdelay $0x3  }
0x96: {  	_ =	strace s2  }
0x97: {  	_ =	strace $0x8FFFFFFF  }
0x98: {  	s18 =	sld [smem:$0x3FDB];
	_ =	sdelay $0x1  }
0x99: {  	s19 =	simm.s32 $_scs_section_size  }
0x9a: {  	s4 =	simm.s32 $_size__tile_overlayer_lowered;
	s5 =	simm.s32 $_tile_overlayer_lowered  }
0x9b: {  	s22 =	simm.s32 $0x1BFF;
	s21 =	sshll.u32 s5, $0x1;
	s2 =	sadd.s32 s19, s18  }
0x9c: {  	s6 =	simm.s32 $0x0;
	s20 =	sshll.u32 s4, $0x1;
	s4 =	sadd.s32 s21, s2  }
0x9d: {  	[timem:s6], [sflag:s22] =	dma.local [hbm:s4], s20  }
0x9e: {  	_ =	swait.ge [sflag:s22], s20  }
0x9f: {  	s3 =	ssub.s32 $0x0, s20;
	[sflag:s22] =	ssyncset.done $0x0  }
0xa0: {  	[sflag:s22] =	ssyncadd.s32 s3;
	_ =	sdelay $0x1  }
0xa1: {  	s23 =	simm.s32 $0x1B8B  }
0xa2: {  	_ =	swait.ge [sflag:s23], $0x1  }
0xa3: {  	[sflag:s23] =	ssyncset.done $0x0  }
0xa4: {  	s25 =	simm.s32 $0x1B8E;
	s24 =	sld [smem:$0x3FFE];
	[sflag:s23] =	ssyncadd.s32 $0xFFFFFFFF  }
0xa5: {  	s26 =	simm.s32 $execute0_lowered;
	[smem:$0x3FD2] =	sst s25  }
0xa6: {  	s4 =	sshll.u32 s26, $0x1;
	_ =	strace $0x80000046;
	[dreg:$0x1] =	wrdreg $0xFFFFFFFF  }
0xa7: {  	s28 =	simm.s32 $_size_execute0_lowered;
	s2 =	sadd.s32 s2, s4;
	[dreg:$0x0] =	wrdreg $0x0  }
0xa8: {  	s4 =	sshll.u32 s28, $0x1;
	[dreg:$0x2] =	wrdreg s2  }
0xa9: {  	[dreg:$0x3] =	wrdreg s4  }
0xaa: {  	[dreg:$0x4] =	wrdreg $0xC0  }
0xab: {  	_ =	task [dreg:s6], $0x5FFFF  }
0xac: {  	[dreg:$0x1] =	wrdreg $0xFFFFFFFF  }
0xad: {  	[dreg:$0x0] =	wrdreg $0x60  }
0xae: {  	[dreg:$0x2] =	wrdreg s24  }
0xaf: {  	[dreg:$0x3] =	wrdreg $0x0  }
0xb0: {  	[dreg:$0x4] =	wrdreg $0x62C00  }
0xb1: {  	[dreg:$0x5] =	wrdreg $0x4F000  }
0xb2: {  	[dreg:$0x6] =	wrdreg $0x9  }
0xb3: {  	_ =	task.clear_ibuf [dreg:s6], $0x7FFFF;
	_ =	strace $0x90000046  }
0xb4: {  	s29 =	simm.s32 $0x9;
	_ =	strace $0x80000048  }
0xb5: {  	_ =	swait.ge [sflag:s29], $0x1  }
0xb6: {  	[sflag:s29] =	ssyncadd.s32 $0xFFFFFFFF  }
0xb7: {  	_ =	strace $0x90000048  }
0xb8: {  	_ =	sfence  }
0xb9: {  	s30 =	sld [smem:$0x0];
	_ =	sdelay $0x2  }
0xba: {  	s31 =	sshll.u32 s1, $0xD;
	s1 =	sshrl.u32 s1, $0x2  }
0xbb: {  	s3 =	sand.u32 $0x4000, s31;
	s1 =	sadd.s32 s1, s30  }
0xbc: {  	s0 =	sor.u32 s3, s0;
	s1 =	sshll.u32 s1, $0x11  }
0xbd: {  	s0 =	sor.u32 s1, s0  }
0xbe: {  	s0 =	sadd.s32 $0x8F2B, s0  }
0xbf: {  	[sflag:s0] =	ssyncadd.remote.s32 $0x1  }
0xc0: {  	_ =	sfence.sel $0xFFFF  }
0xc1: {  	[dreg:$0x0] =	wrdreg $0xFFFFFFFF;
	(pc) =	sbr.abs _section_cstart, $3  }
0xc2: {  	[dreg:$0x1] =	wrdreg $0xFFFFFFFF  }
0xc3: {  	_ =	task.clear_ibuf [dreg:s6], $0x2FFFF;
	_ =	strace $0x9FFFFFFF  }
0xc4: {  	(tm) =	ssettm $0x7FFFFFFF  }
0xc5: {  	_ =	shalt  }
tec
execute0_lowered:
.L_overlay_start_1:
0x0: {  	(tag) =	ssettag $0x1  }
0x1: {  	s0 =	srdreg.scid;
	s2 =	rddreg [dreg:$0x0]  }
0x2: {  	s1 =	rddreg [dreg:$0x1];
	s13 =	stileid.u32  }
0x3: {  	s3 =	rddreg [dreg:$0x2];
	s7 =	simm.s32 $0x0;
	s26 =	simm.s32 $0x150E0  }
0x4: {  	s28 =	simm.s32 $0x8;
	s29 =	simm.s32 $0x80;
	s30 =	simm.s32 $0x110E0  }
0x5: {  	s31 =	simm.s32 $0x130E0;
	s0 =	sand.u32 $0x1, s0;
	s6 =	smul.u32 $0x2780, s13  }
0x6: {  	[smem:$0x7FF] =	sst s7;
	s19 =	smul.u32 $0x4F00, s13;
	s11 =	sadd.s32 $0x48E00, s2  }
0x7: {  	s12 =	sadd.s32 $0x49000, s2;
	s14 =	sshll.u32 s13, $0x6;
	s24 =	sadd.s32 $0x32E80, s2  }
0x8: {  	s4 =	sshll.u32 s0, $0x4;
	s10 =	ssub.s32 $0x2, s0;
	s22 =	sor.u32 $0x1C08, s14  }
0x9: {  	p0 =	seq.s32 s0, $0x1;
	s5 =	sor.u32 s13, s4;
	s4 =	rddreg [dreg:$0x3]  }
0xa: {  	s0 =	simm.s32 $0xC;
	_ =	strace $0x80000047;
	[dreg:$0x6] =	wrdreg s11  }
0xb: {  	s8 =	sadd.s32 s6, s2;
	s9 =	sshrl.u32 s19, $0x3;
	[dreg:$0x7] =	wrdreg s14  }
0xc: {  	s20 =	sshrl.u32 s10, $0x1;
	s21 =	sadd.s32 s19, s1;
	[dreg:$0x9] =	wrdreg s22  }
0xd: {  	[dreg:$0xd] =	wrdreg s24;
	s7 =	sshrl.u32 s19, $0x2;
	s0 =	simm.s32 @!p0 $0x4  }
0xe: {  	s24 =	simm.s32 $0x1;
	[dreg:$0x5] =	wrdreg s26;
	s26 =	simm.s32 $0x180E0  }
0xf: {  	s11 =	simm.s32 $0x160E0;
	s14 =	simm.s32 $0x7;
	s5 =	smul.u32 $0x500, s5  }
0x10: {  	s9 =	sadd.s32 s9, s2;
	s10 =	ssub.s32 s10, s20;
	s8 =	sadd.s32 $0xDE00, s8  }
0x11: {  	s7 =	sadd.s32 s7, s4;
	s0 =	sadd.s32 s0, s12;
	s15 =	sshrl.u32 s21, $0x3  }
0x12: {  	s20 =	simm.s32 $0x100E0;
	s21 =	simm.s32 $0x120E0;
	[dreg:$0xc] =	wrdreg s8  }
0x13: {  	s9 =	sadd.s32 $0x3F000, s9;
	s8 =	sadd.s32 $0x4A100, s3;
	[dreg:$0xe] =	wrdreg s7  }
0x14: {  	s7 =	smov.u32 s12;
	s25 =	smax.u32 s10, $0x1;
	[dreg:$0x12] =	wrdreg s15  }
0x15: {  	s0 =	sadd.s32 s6, s0;
	s10 =	simm.s32 $0x3;
	[dreg:$0x8] =	wrdreg s9  }
0x16: {  	s12 =	simm.s32 $0x170E0;
	s5 =	sadd.s32 s5, s2;
	[dreg:$0xf] =	wrdreg s25  }
0x17: {  	s2 =	sadd.s32 $0x49008, s2;
	[dreg:$0x11] =	wrdreg s0;
	s25 =	simm.s32 $0x4  }
0x18: {  	s23 =	sadd.s32 $0x35000, s5;
	s5 =	sadd.s32 $0x3E00, s5;
	s7 =	smov.u32 @p0 s2  }
0x19: {  	p0 =	seq.s32 s13, $0xF;
	s13 =	simm.s32 $0x5;
	[dreg:$0xa] =	wrdreg s23  }
0x1a: {  	[dreg:$0xb] =	wrdreg s5;
	s5 =	sadd.s32 s19, s3;
	s2 =	sadd.s32 s6, s7  }
0x1b: {  	s0 =	sshrl.u32 @p0 s8, $0x3;
	s6 =	simm.s32 $0x2;
	[dreg:$0x10] =	wrdreg s2  }
0x1c: {  	s7 =	simm.s32 $0x0;
	[dreg:$0x13] =	wrdreg s0;
	s2 =	sshrl.u32 @!p0 s5, $0x3  }
0x1d: {  	s0 =	simm.s32 $0x140E0;
	s5 =	simm.s32 $0x11;
	[dreg:$0x14] =	wrdreg s2  }
.LBB2_1:
0x1e: {  	[dreg:$0x15] =	wrdreg s7  }
0x1f: {  	s9 =	rddreg [dreg:$0x8]  }
0x20: {  	s16 =	rddreg [dreg:$0x9]  }
0x21: {  	[spmem:s15], [sflag:s16] =	dma.local [hbm:s9], $0x9E0  }
0x22: {  	s8 =	rddreg [dreg:$0xa]  }
0x23: {  	s2 =	simm.s32 $0x0;
	s18 =	simm.s32 $0xB0E0;
	s15 =	rddreg [dreg:$0xb]  }
0x24: {  	[tilespmem:s18], [sflag:$0x8] =	stream.linear.gather [hbm4b:s8+s2], $0x2800, $0x38;
	[tilespmem:$0x184E0] =	vst v63  }
0x25: {  	s7 =	simm.s32 @p0 $0x1;
	s17 =	rddreg [dreg:$0xd];
	s8 =	simm.s32 $0xD8E0  }
0x26: {  	[tilespmem:s8], [sflag:$0x8] =	stream.linear.gather [hbm4b:s15+s2], $0x2800, $0x38;
	[tilespmem:$0x184E0] =	vst v63  }
0x27: {  	s19 =	rddreg [dreg:$0x13];
	s8 =	simm.s32 @p0 $0x4;
	s15 =	simm.s32 @p0 $0x10  }
0x28: {  	[spmem:s19@s8], [sflag:s16] =	dma.strided @p0 [hbm:s17@s15], $0x820, s7, $0x4   }
0x29: {  	s7 =	simm.s32 @!p0 $0x1;
	s17 =	rddreg [dreg:$0xc]  }
0x2a: {  	s8 =	simm.s32 @!p0 $0x4;
	s15 =	simm.s32 @!p0 $0x10;
	s19 =	rddreg [dreg:$0x14]  }
0x2b: {  	[spmem:s19@s8], [sflag:s16] =	dma.strided @!p0 [hbm:s17@s15], $0x9E0, s7, $0x4   }
0x2c: {  	s7 =	rddreg [dreg:$0xe]  }
0x2d: {  	s7 =	sshrl.u32 s7, $0x3  }
0x2e: {  	[dreg:$0x16] =	wrdreg s7  }
0x2f: {  	[spmem:s7@s24], [sflag:s16] =	dma.strided [hbm:s9@s25], $0x278, s24, $0x1   }
0x30: {  	s7 =	rddreg [dreg:$0x6]  }
0x31: {  	[tilespmem:s26], [sflag:$0x8] =	stream.linear.gather [hbm4b:s7+s2], $0x400, $0x38;
	[tilespmem:$0x184E0] =	vst v63  }
0x32: {  	_ =	swait.ge [sflag:s28], $0x9E0  }
0x33: {  	[sflag:s28] =	ssyncset.done $0x0  }
0x34: {  	[sflag:s28] =	ssyncadd.s32 $0xFFFFF620  }
0x35: {  	_ =	swait.ge [sflag:s28], $0x2800  }
0x36: {  	[sflag:s28] =	ssyncset.done $0x0  }
0x37: {  	[sflag:s28] =	ssyncadd.s32 $0xFFFFD800  }
0x38: {  	_ =	swait.ge [sflag:s28], $0x2800  }
0x39: {  	[sflag:s28] =	ssyncset.done $0x0  }
0x3a: {  	[sflag:s28] =	ssyncadd.s32 $0xFFFFD800  }
0x3b: {  	_ =	swait.ge [sflag:s28], $0x278  }
0x3c: {  	[sflag:s28] =	ssyncset.done $0x0  }
0x3d: {  	[sflag:s28] =	ssyncadd.s32 $0xFFFFFD88  }
0x3e: {  	_ =	swait.ge [sflag:s28], $0x400  }
0x3f: {  	[sflag:s28] =	ssyncset.done $0x0  }
0x40: {  	s7 =	simm.s32 @p0 $0x8;
	[sflag:s28] =	ssyncadd.s32 $0xFFFFFC00  }
0x41: {  	_ =	swait.ge @p0 [sflag:s7], $0x820  }
0x42: {  	[sflag:s7] =	ssyncset.done @p0 $0x0  }
0x43: {  	[sflag:s7] =	ssyncadd.s32 @p0 $0xFFFFF7E0;
	s7 =	simm.s32 @!p0 $0x8  }
0x44: {  	_ =	swait.ge @!p0 [sflag:s7], $0x9E0  }
0x45: {  	[sflag:s7] =	ssyncset.done @!p0 $0x0  }
0x46: {  	[sflag:s7] =	ssyncadd.s32 @!p0 $0xFFFFF620  }
0x47: {  	p1 =	por $0x1, $0x1;
	[bflag:$0x0] =	sbarrier.arrive $0xFFFF  }
0x48: {  	[tilespmem:s20], [sflag:$0x1] =	stream.indirect.gather [spmem:s3], $0x20, s18, s29, $0xb8;
	[tilespmem:$0x184E0] =	vst v63  }
0x49: {  	p1 =	por p1, p1;
	s17 =	simm.s32 $0xB160  }
0x4a: {  	[tilespmem:s30], [sflag:$0x2] =	stream.indirect.gather [spmem:s3], $0x20, s17, s29, $0xb8;
	[tilespmem:$0x184E0] =	vst v63  }
0x4b: {  	s7 =	simm.s32 @!p1 $0xC;
	s18 =	simm.s32 $0xB1E0  }
0x4c: {  	[tilespmem:s21], [sflag:$0x3] =	stream.indirect.gather [spmem:s3], $0x20, s18, s29, $0xb8;
	[tilespmem:$0x184E0] =	vst v63  }
0x4d: {  	_ =	swait.ge @!p1 [sflag:s7], $0x1000  }
0x4e: {  	[sflag:s7] =	ssyncset.done @!p1 $0x0  }
0x4f: {  	s19 =	simm.s32 $0xB260;
	[sflag:s7] =	ssyncadd.s32 @!p1 $0xFFFFF000  }
0x50: {  	[tilespmem:s31], [sflag:$0x4] =	stream.indirect.gather [spmem:s3], $0x20, s19, s29, $0xb8;
	[tilespmem:$0x184E0] =	vst v63  }
0x51: {  	_ =	swait.ge [sflag:s24], $0x1000  }
0x52: {  	[sflag:s24] =	ssyncset.done $0x0  }
0x53: {  	s22 =	simm.s32 $0xD8E0;
	[sflag:s24] =	ssyncadd.s32 $0xFFFFF000  }
0x54: {  	[spmem:s1] =	stream.indirect.scatter.add.f32 [tilespmem:s20], [sflag:$0x9], $0x20, s22, s29, $0xb8;
	[tilespmem:$0x184E0] =	vst v63  }
0x55: {  	s8 =	simm.s32 @!p1 $0xD  }
0x56: {  	[spmem:s4] =	stream.indirect.scatter.add.f32 [tilespmem:s26], [sflag:$0x11], $0x8, s22, s29, $0xb8;
	[tilespmem:$0x184E0] =	vst v63  }
0x57: {  	_ =	swait.ge @!p1 [sflag:s8], $0x1000  }
0x58: {  	[sflag:s8] =	ssyncset.done @!p1 $0x0  }
0x59: {  	s23 =	simm.s32 $0xB2E0;
	[sflag:s8] =	ssyncadd.s32 @!p1 $0xFFFFF000  }
0x5a: {  	[tilespmem:s0], [sflag:$0x5] =	stream.indirect.gather [spmem:s3], $0x20, s23, s29, $0xb8;
	[tilespmem:$0x184E0] =	vst v63  }
0x5b: {  	_ =	swait.ge [sflag:s6], $0x1000  }
0x5c: {  	[sflag:s6] =	ssyncset.done $0x0  }
0x5d: {  	s2 =	simm.s32 $0xD960;
	[sflag:s6] =	ssyncadd.s32 $0xFFFFF000  }
0x5e: {  	[spmem:s1] =	stream.indirect.scatter.add.f32 [tilespmem:s30], [sflag:$0xA], $0x20, s2, s29, $0xb8;
	[tilespmem:$0x184E0] =	vst v63  }
0x5f: {  	s8 =	simm.s32 @!p1 $0xE  }
0x60: {  	[spmem:s4] =	stream.indirect.scatter.add.f32 [tilespmem:s26], [sflag:$0x11], $0x8, s2, s29, $0xb8;
	[tilespmem:$0x184E0] =	vst v63  }
0x61: {  	_ =	swait.ge @!p1 [sflag:s8], $0x1000  }
0x62: {  	[sflag:s8] =	ssyncset.done @!p1 $0x0  }
0x63: {  	s15 =	simm.s32 $0xB360;
	s9 =	rddreg [dreg:$0x5];
	[sflag:s8] =	ssyncadd.s32 @!p1 $0xFFFFF000  }
0x64: {  	[tilespmem:s9], [sflag:$0x6] =	stream.indirect.gather [spmem:s3], $0x20, s15, s29, $0xb8;
	[tilespmem:$0x184E0] =	vst v63  }
0x65: {  	_ =	swait.ge [sflag:s10], $0x1000  }
0x66: {  	[sflag:s10] =	ssyncset.done $0x0  }
0x67: {  	p2 =	por $0x1, $0x1;
	s16 =	simm.s32 $0xD9E0;
	[sflag:s10] =	ssyncadd.s32 $0xFFFFF000  }
0x68: {  	[spmem:s1] =	stream.indirect.scatter.add.f32 [tilespmem:s21], [sflag:$0xB], $0x20, s16, s29, $0xb8;
	[tilespmem:$0x184E0] =	vst v63  }
0x69: {  	s7 =	simm.s32 @!p2 $0xF  }
0x6a: {  	[spmem:s4] =	stream.indirect.scatter.add.f32 [tilespmem:s26], [sflag:$0x11], $0x8, s16, s29, $0xb8;
	[tilespmem:$0x184E0] =	vst v63  }
0x6b: {  	_ =	swait.ge @!p2 [sflag:s7], $0x1000  }
0x6c: {  	[sflag:s7] =	ssyncset.done @!p2 $0x0  }
0x6d: {  	s17 =	simm.s32 $0xB3E0;
	[sflag:s7] =	ssyncadd.s32 @!p2 $0xFFFFF000  }
0x6e: {  	[tilespmem:s11], [sflag:$0x7] =	stream.indirect.gather [spmem:s3], $0x20, s17, s29, $0xb8;
	[tilespmem:$0x184E0] =	vst v63  }
0x6f: {  	_ =	swait.ge [sflag:s25], $0x1000  }
0x70: {  	[sflag:s25] =	ssyncset.done $0x0  }
0x71: {  	s18 =	simm.s32 $0xDA60;
	[sflag:s25] =	ssyncadd.s32 $0xFFFFF000  }
0x72: {  	[spmem:s1] =	stream.indirect.scatter.add.f32 [tilespmem:s31], [sflag:$0xC], $0x20, s18, s29, $0xb8;
	[tilespmem:$0x184E0] =	vst v63  }
0x73: {  	s8 =	simm.s32 @!p1 $0x10  }
0x74: {  	[spmem:s4] =	stream.indirect.scatter.add.f32 [tilespmem:s26], [sflag:$0x11], $0x8, s18, s29, $0xb8;
	[tilespmem:$0x184E0] =	vst v63  }
0x75: {  	_ =	swait.ge @!p1 [sflag:s8], $0x1000  }
0x76: {  	[sflag:s8] =	ssyncset.done @!p1 $0x0  }
0x77: {  	s19 =	simm.s32 $0xB460;
	[sflag:s8] =	ssyncadd.s32 @!p1 $0xFFFFF000  }
0x78: {  	[tilespmem:s12], [sflag:$0x8] =	stream.indirect.gather [spmem:s3], $0x20, s19, s29, $0xb8;
	[tilespmem:$0x184E0] =	vst v63  }
0x79: {  	_ =	swait.ge [sflag:s13], $0x1000  }
0x7a: {  	[sflag:s13] =	ssyncset.done $0x0  }
0x7b: {  	s22 =	simm.s32 $0xDAE0;
	p1 =	por $0x0, $0x0;
	[sflag:s13] =	ssyncadd.s32 $0xFFFFF000  }
0x7c: {  	[spmem:s1] =	stream.indirect.scatter.add.f32 [tilespmem:s0], [sflag:$0xD], $0x20, s22, s29, $0xb8;
	[tilespmem:$0x184E0] =	vst v63  }
0x7d: {  	s8 =	simm.s32 @p1 $0x6  }
0x7e: {  	[spmem:s4] =	stream.indirect.scatter.add.f32 [tilespmem:s26], [sflag:$0x11], $0x8, s22, s29, $0xb8;
	[tilespmem:$0x184E0] =	vst v63  }
0x7f: {  	_ =	swait.ge @p1 [sflag:s8], $0x1000  }
0x80: {  	s7 =	simm.s32 @p1 $0x150E0;
	[sflag:s8] =	ssyncset.done @p1 $0x0  }
0x81: {  	s16 =	simm.s32 @p1 $0xDB60;
	s18 =	simm.s32 @p1 $0x80;
	[sflag:s8] =	ssyncadd.s32 @p1 $0xFFFFF000  }
0x82: {  	[spmem:s1] =	stream.indirect.scatter.add.f32 @p1 [tilespmem:s7], [sflag:$0xE], $0x20, s16, s18, $0xb8;
	[tilespmem:$0x184E0] =	vst v63  }
0x83: {  	s8 =	simm.s32 @!p1 $0x9;
	s7 =	simm.s32 @p1 $0x180E0  }
0x84: {  	[spmem:s4] =	stream.indirect.scatter.add.f32 @p1 [tilespmem:s7], [sflag:$0x11], $0x8, s16, s18, $0xb8;
	[tilespmem:$0x184E0] =	vst v63  }
0x85: {  	_ =	swait.ge @!p1 [sflag:s8], $0x1000  }
0x86: {  	s7 =	simm.s32 @!p1 $0xB4E0;
	s16 =	simm.s32 @!p1 $0x80;
	[sflag:s8] =	ssyncset.done @!p1 $0x0  }
0x87: {  	s18 =	simm.s32 @!p1 $0x100E0;
	[sflag:s8] =	ssyncadd.s32 @!p1 $0xFFFFF000;
	s8 =	simm.s32 @!p1 $0x6  }
0x88: {  	[tilespmem:s18], [sflag:$0x1] =	stream.indirect.gather @!p1 [spmem:s3], $0x20, s7, s16, $0xb8;
	[tilespmem:$0x184E0] =	vst v63  }
0x89: {  	_ =	swait.ge @!p1 [sflag:s8], $0x1000  }
0x8a: {  	[sflag:s8] =	ssyncset.done @!p1 $0x0  }
0x8b: {  	s7 =	simm.s32 @!p1 $0xDB60;
	s18 =	simm.s32 @!p1 $0x150E0;
	[sflag:s8] =	ssyncadd.s32 @!p1 $0xFFFFF000  }
0x8c: {  	[spmem:s1] =	stream.indirect.scatter.add.f32 @!p1 [tilespmem:s18], [sflag:$0xE], $0x20, s7, s16, $0xb8;
	[tilespmem:$0x184E0] =	vst v63  }
0x8d: {  	s8 =	simm.s32 @!p1 $0x180E0;
	s18 =	simm.s32 @!p1 $0xA  }
0x8e: {  	[spmem:s4] =	stream.indirect.scatter.add.f32 @!p1 [tilespmem:s8], [sflag:$0x11], $0x8, s7, s16, $0xb8;
	[tilespmem:$0x184E0] =	vst v63  }
0x8f: {  	_ =	swait.ge @!p1 [sflag:s18], $0x1000  }
0x90: {  	[sflag:s18] =	ssyncset.done @!p1 $0x0  }
0x91: {  	s7 =	simm.s32 @!p1 $0xB560;
	s8 =	simm.s32 @!p1 $0x110E0;
	[sflag:s18] =	ssyncadd.s32 @!p1 $0xFFFFF000  }
0x92: {  	[tilespmem:s8], [sflag:$0x2] =	stream.indirect.gather @!p1 [spmem:s3], $0x20, s7, s16, $0xb8;
	[tilespmem:$0x184E0] =	vst v63  }
0x93: {  	_ =	swait.ge [sflag:s14], $0x1000  }
0x94: {  	[sflag:s14] =	ssyncset.done $0x0  }
0x95: {  	s23 =	simm.s32 $0xDBE0;
	[sflag:s14] =	ssyncadd.s32 $0xFFFFF000  }
0x96: {  	[spmem:s1] =	stream.indirect.scatter.add.f32 [tilespmem:s11], [sflag:$0xF], $0x20, s23, s29, $0xb8;
	[tilespmem:$0x184E0] =	vst v63  }
0x97: {  	s8 =	simm.s32 @!p1 $0xB  }
0x98: {  	[spmem:s4] =	stream.indirect.scatter.add.f32 [tilespmem:s26], [sflag:$0x11], $0x8, s23, s29, $0xb8;
	[tilespmem:$0x184E0] =	vst v63  }
0x99: {  	_ =	swait.ge @!p1 [sflag:s8], $0x1000  }
0x9a: {  	[sflag:s8] =	ssyncset.done @!p1 $0x0  }
0x9b: {  	s18 =	simm.s32 @!p1 $0x120E0;
	s7 =	simm.s32 @!p1 $0xB5E0;
	[sflag:s8] =	ssyncadd.s32 @!p1 $0xFFFFF000  }
0x9c: {  	[tilespmem:s18], [sflag:$0x3] =	stream.indirect.gather @!p1 [spmem:s3], $0x20, s7, s16, $0xb8;
	[tilespmem:$0x184E0] =	vst v63  }
0x9d: {  	p6 =	por $0x0, $0x0;
	s22 =	simm.s32 $0xDC60;
	_ =	swait.ge [sflag:s28], $0x1000  }
0x9e: {  	s7 =	simm.s32 $0x1000;
	s18 =	simm.s32 $0x2000;
	[sflag:s28] =	ssyncset.done $0x0  }
0x9f: {  	p1 =	por p6, p6;
	s16 =	simm.s32 $0xB;
	[sflag:s28] =	ssyncadd.s32 $0xFFFFF000  }
0xa0: {  	[spmem:s1] =	stream.indirect.scatter.add.f32 [tilespmem:s12], [sflag:$0x10], $0x20, s22, s29, $0xb8;
	[tilespmem:$0x184E0] =	vst v63  }
.LBB2_2:
0xa1: {  	s19 =	simm.s32 @!p1 $0xC  }
0xa2: {  	[spmem:s4] =	stream.indirect.scatter.add.f32 [tilespmem:s26], [sflag:$0x11], $0x8, s22, s29, $0xb8;
	[tilespmem:$0x184E0] =	vst v63  }
0xa3: {  	_ =	swait.ge @!p1 [sflag:s19], $0x1000  }
0xa4: {  	s22 =	sshra.s32 s7, $0x2;
	[sflag:s19] =	ssyncset.done @!p1 $0x0  }
0xa5: {  	s23 =	sadd.s32 $0xB260, s22;
	[sflag:s19] =	ssyncadd.s32 @!p1 $0xFFFFF000  }
0xa6: {  	[tilespmem:s31], [sflag:$0x4] =	stream.indirect.gather [spmem:s3], $0x20, s23, s29, $0xb8;
	[tilespmem:$0x184E0] =	vst v63  }
0xa7: {  	_ =	swait.ge [sflag:s24], $0x1000  }
0xa8: {  	[sflag:s24] =	ssyncset.done $0x0  }
0xa9: {  	s2 =	sadd.s32 $0xD8E0, s22;
	[sflag:s24] =	ssyncadd.s32 $0xFFFFF000  }
0xaa: {  	[spmem:s1] =	stream.indirect.scatter.add.f32 [tilespmem:s20], [sflag:$0x9], $0x20, s2, s29, $0xb8;
	[tilespmem:$0x184E0] =	vst v63  }
0xab: {  	s23 =	simm.s32 @!p1 $0xD  }
0xac: {  	[spmem:s4] =	stream.indirect.scatter.add.f32 [tilespmem:s26], [sflag:$0x11], $0x8, s2, s29, $0xb8;
	[tilespmem:$0x184E0] =	vst v63  }
0xad: {  	_ =	swait.ge @!p1 [sflag:s23], $0x1000  }
0xae: {  	[sflag:s23] =	ssyncset.done @!p1 $0x0  }
0xaf: {  	s9 =	sadd.s32 $0xB2E0, s22;
	[sflag:s23] =	ssyncadd.s32 @!p1 $0xFFFFF000  }
0xb0: {  	[tilespmem:s0], [sflag:$0x5] =	stream.indirect.gather [spmem:s3], $0x20, s9, s29, $0xb8;
	[tilespmem:$0x184E0] =	vst v63  }
0xb1: {  	_ =	swait.ge [sflag:s6], $0x1000  }
0xb2: {  	[sflag:s6] =	ssyncset.done $0x0  }
0xb3: {  	s15 =	sadd.s32 $0xD960, s22;
	[sflag:s6] =	ssyncadd.s32 $0xFFFFF000  }
0xb4: {  	[spmem:s1] =	stream.indirect.scatter.add.f32 [tilespmem:s30], [sflag:$0xA], $0x20, s15, s29, $0xb8;
	[tilespmem:$0x184E0] =	vst v63  }
0xb5: {  	s23 =	simm.s32 @!p1 $0xE  }
0xb6: {  	[spmem:s4] =	stream.indirect.scatter.add.f32 [tilespmem:s26], [sflag:$0x11], $0x8, s15, s29, $0xb8;
	[tilespmem:$0x184E0] =	vst v63  }
0xb7: {  	_ =	swait.ge @!p1 [sflag:s23], $0x1000  }
0xb8: {  	[sflag:s23] =	ssyncset.done @!p1 $0x0  }
0xb9: {  	s20 =	sadd.s32 $0xB360, s22;
	s17 =	rddreg [dreg:$0x5];
	[sflag:s23] =	ssyncadd.s32 @!p1 $0xFFFFF000  }
0xba: {  	[tilespmem:s17], [sflag:$0x6] =	stream.indirect.gather [spmem:s3], $0x20, s20, s29, $0xb8;
	[tilespmem:$0x184E0] =	vst v63  }
0xbb: {  	_ =	swait.ge [sflag:s10], $0x1000  }
0xbc: {  	[sflag:s10] =	ssyncset.done $0x0  }
0xbd: {  	p4 =	slt.u32 s16, $0x5;
	s2 =	sadd.s32 $0xD9E0, s22;
	[sflag:s10] =	ssyncadd.s32 $0xFFFFF000  }
0xbe: {  	[spmem:s1] =	stream.indirect.scatter.add.f32 [tilespmem:s21], [sflag:$0xB], $0x20, s2, s29, $0xb8;
	[tilespmem:$0x184E0] =	vst v63  }
0xbf: {  	s19 =	simm.s32 @!p4 $0xF  }
0xc0: {  	[spmem:s4] =	stream.indirect.scatter.add.f32 [tilespmem:s26], [sflag:$0x11], $0x8, s2, s29, $0xb8;
	[tilespmem:$0x184E0] =	vst v63  }
0xc1: {  	_ =	swait.ge @!p4 [sflag:s19], $0x1000  }
0xc2: {  	[sflag:s19] =	ssyncset.done @!p4 $0x0  }
0xc3: {  	s9 =	sadd.s32 $0xB3E0, s22;
	[sflag:s19] =	ssyncadd.s32 @!p4 $0xFFFFF000  }
0xc4: {  	[tilespmem:s11], [sflag:$0x7] =	stream.indirect.gather [spmem:s3], $0x20, s9, s29, $0xb8;
	[tilespmem:$0x184E0] =	vst v63  }
0xc5: {  	_ =	swait.ge [sflag:s25], $0x1000  }
0xc6: {  	[sflag:s25] =	ssyncset.done $0x0  }
0xc7: {  	s15 =	sadd.s32 $0xDA60, s22;
	[sflag:s25] =	ssyncadd.s32 $0xFFFFF000  }
0xc8: {  	[spmem:s1] =	stream.indirect.scatter.add.f32 [tilespmem:s31], [sflag:$0xC], $0x20, s15, s29, $0xb8;
	[tilespmem:$0x184E0] =	vst v63  }
0xc9: {  	s23 =	simm.s32 @!p1 $0x10  }
0xca: {  	[spmem:s4] =	stream.indirect.scatter.add.f32 [tilespmem:s26], [sflag:$0x11], $0x8, s15, s29, $0xb8;
	[tilespmem:$0x184E0] =	vst v63  }
0xcb: {  	_ =	swait.ge @!p1 [sflag:s23], $0x1000  }
0xcc: {  	[sflag:s23] =	ssyncset.done @!p1 $0x0  }
0xcd: {  	s17 =	sadd.s32 $0xB460, s22;
	[sflag:s23] =	ssyncadd.s32 @!p1 $0xFFFFF000  }
0xce: {  	[tilespmem:s12], [sflag:$0x8] =	stream.indirect.gather [spmem:s3], $0x20, s17, s29, $0xb8;
	[tilespmem:$0x184E0] =	vst v63  }
0xcf: {  	_ =	swait.ge [sflag:s13], $0x1000  }
0xd0: {  	p3 =	seq.s32 s18, $0x0;
	s20 =	sadd.s32 $0xDAE0, s22;
	[sflag:s13] =	ssyncset.done $0x0  }
0xd1: {  	p1 =	por p3, p3;
	p3 =	seq.s32 s7, $0x9000;
	[sflag:s13] =	ssyncadd.s32 $0xFFFFF000  }
0xd2: {  	[spmem:s1] =	stream.indirect.scatter.add.f32 [tilespmem:s0], [sflag:$0xD], $0x20, s20, s29, $0xb8;
	[tilespmem:$0x184E0] =	vst v63  }
0xd3: {  	s23 =	simm.s32 @p3 $0x6  }
0xd4: {  	[spmem:s4] =	stream.indirect.scatter.add.f32 [tilespmem:s26], [sflag:$0x11], $0x8, s20, s29, $0xb8;
	[tilespmem:$0x184E0] =	vst v63  }
0xd5: {  	s17 =	sshra.s32 @p3 s7, $0x2;
	_ =	swait.ge @p3 [sflag:s23], $0x1000  }
0xd6: {  	s15 =	sshra.s32 @!p3 s7, $0x2;
	s7 =	simm.s32 @p3 $0x150E0;
	[sflag:s23] =	ssyncset.done @p3 $0x0  }
0xd7: {  	s9 =	simm.s32 @p3 $0x80;
	s17 =	sadd.s32 @p3 $0xDB60, s17;
	[sflag:s23] =	ssyncadd.s32 @p3 $0xFFFFF000  }
0xd8: {  	[spmem:s1] =	stream.indirect.scatter.add.f32 @p3 [tilespmem:s7], [sflag:$0xE], $0x20, s17, s9, $0xb8;
	[tilespmem:$0x184E0] =	vst v63  }
0xd9: {  	s30 =	simm.s32 @!p3 $0x9;
	s23 =	simm.s32 @p3 $0x180E0  }
0xda: {  	[spmem:s4] =	stream.indirect.scatter.add.f32 @p3 [tilespmem:s23], [sflag:$0x11], $0x8, s17, s9, $0xb8;
	[tilespmem:$0x184E0] =	vst v63  }
0xdb: {  	s8 =	smov.u32 s18;
	s19 =	sadd.s32 @!p3 $0xB4E0, s15;
	_ =	swait.ge @!p3 [sflag:s30], $0x1000  }
0xdc: {  	s7 =	smov.u32 s8;
	s8 =	simm.s32 @!p3 $0x80;
	[sflag:s30] =	ssyncset.done @!p3 $0x0  }
0xdd: {  	s9 =	simm.s32 @!p3 $0x100E0;
	s17 =	simm.s32 @!p3 $0x6;
	[sflag:s30] =	ssyncadd.s32 @!p3 $0xFFFFF000  }
0xde: {  	[tilespmem:s9], [sflag:$0x1] =	stream.indirect.gather @!p3 [spmem:s3], $0x20, s19, s8, $0xb8;
	[tilespmem:$0x184E0] =	vst v63  }
0xdf: {  	_ =	swait.ge @!p3 [sflag:s17], $0x1000  }
0xe0: {  	s2 =	sadd.s32 @!p3 $0xB5E0, s15;
	s20 =	sadd.s32 @!p3 $0xB560, s15;
	[sflag:s17] =	ssyncset.done @!p3 $0x0  }
0xe1: {  	s9 =	sadd.s32 @!p3 $0xDB60, s15;
	s15 =	simm.s32 @!p3 $0x150E0;
	[sflag:s17] =	ssyncadd.s32 @!p3 $0xFFFFF000  }
0xe2: {  	[spmem:s1] =	stream.indirect.scatter.add.f32 @!p3 [tilespmem:s15], [sflag:$0xE], $0x20, s9, s8, $0xb8;
	[tilespmem:$0x184E0] =	vst v63  }
0xe3: {  	s17 =	simm.s32 @!p3 $0x180E0;
	s15 =	simm.s32 @!p3 $0xA  }
0xe4: {  	[spmem:s4] =	stream.indirect.scatter.add.f32 @!p3 [tilespmem:s17], [sflag:$0x11], $0x8, s9, s8, $0xb8;
	[tilespmem:$0x184E0] =	vst v63  }
0xe5: {  	_ =	swait.ge @!p3 [sflag:s15], $0x1000  }
0xe6: {  	[sflag:s15] =	ssyncset.done @!p3 $0x0  }
0xe7: {  	s9 =	simm.s32 @!p3 $0x110E0;
	[sflag:s15] =	ssyncadd.s32 @!p3 $0xFFFFF000  }
0xe8: {  	[tilespmem:s9], [sflag:$0x2] =	stream.indirect.gather @!p3 [spmem:s3], $0x20, s20, s8, $0xb8;
	[tilespmem:$0x184E0] =	vst v63  }
0xe9: {  	_ =	swait.ge [sflag:s14], $0x1000  }
0xea: {  	[sflag:s14] =	ssyncset.done $0x0  }
0xeb: {  	s23 =	sadd.s32 $0xDBE0, s22;
	[sflag:s14] =	ssyncadd.s32 $0xFFFFF000  }
0xec: {  	[spmem:s1] =	stream.indirect.scatter.add.f32 [tilespmem:s11], [sflag:$0xF], $0x20, s23, s29, $0xb8;
	[tilespmem:$0x184E0] =	vst v63  }
0xed: {  	s15 =	simm.s32 @!p3 $0xB  }
0xee: {  	[spmem:s4] =	stream.indirect.scatter.add.f32 [tilespmem:s26], [sflag:$0x11], $0x8, s23, s29, $0xb8;
	[tilespmem:$0x184E0] =	vst v63  }
0xef: {  	_ =	swait.ge @!p3 [sflag:s15], $0x1000  }
0xf0: {  	s18 =	sadd.s32 $0x1000, s18;
	[sflag:s15] =	ssyncset.done @!p3 $0x0  }
0xf1: {  	p2 =	sne.s32 s18, $0xA000;
	s9 =	simm.s32 @!p3 $0x120E0;
	[sflag:s15] =	ssyncadd.s32 @!p3 $0xFFFFF000  }
0xf2: {  	[tilespmem:s9], [sflag:$0x3] =	stream.indirect.gather @!p3 [spmem:s3], $0x20, s2, s8, $0xb8;
	[tilespmem:$0x184E0] =	vst v63  }
.Ltmp0:
0xf3: {  	_ = 	snop;
	(pc) =	sbr.rel @p2 .LBB2_2-.Ltmp0, $4  }
0xf4: {  	_ =	swait.ge [sflag:s28], $0x1000  }
0xf5: {  	s16 =	sadd.s32 $0x8, s16;
	s22 =	sadd.s32 $0xDC60, s22;
	[sflag:s28] =	ssyncset.done $0x0  }
0xf6: {  	s30 =	simm.s32 $0x110E0;
	s20 =	simm.s32 $0x100E0;
	[sflag:s28] =	ssyncadd.s32 $0xFFFFF000  }
0xf7: {  	[spmem:s1] =	stream.indirect.scatter.add.f32 [tilespmem:s12], [sflag:$0x10], $0x20, s22, s29, $0xb8;
	[tilespmem:$0x184E0] =	vst v63  }
0xf8: {  	s2 =	simm.s32 @!p1 $0xC  }
0xf9: {  	[spmem:s4] =	stream.indirect.scatter.add.f32 [tilespmem:s26], [sflag:$0x11], $0x8, s22, s29, $0xb8;
	[tilespmem:$0x184E0] =	vst v63  }
0xfa: {  	_ =	swait.ge @!p1 [sflag:s2], $0x1000  }
0xfb: {  	s8 =	sshra.s32 s7, $0x2;
	[sflag:s2] =	ssyncset.done @!p1 $0x0  }
0xfc: {  	s15 =	sadd.s32 $0xB260, s8;
	[sflag:s2] =	ssyncadd.s32 @!p1 $0xFFFFF000  }
0xfd: {  	[tilespmem:s31], [sflag:$0x4] =	stream.indirect.gather [spmem:s3], $0x20, s15, s29, $0xb8;
	[tilespmem:$0x184E0] =	vst v63  }
0xfe: {  	_ =	swait.ge [sflag:s24], $0x1000  }
0xff: {  	[sflag:s24] =	ssyncset.done $0x0  }
0x100: {  	s17 =	sadd.s32 $0xD8E0, s8;
	[sflag:s24] =	ssyncadd.s32 $0xFFFFF000  }
0x101: {  	[spmem:s1] =	stream.indirect.scatter.add.f32 [tilespmem:s20], [sflag:$0x9], $0x20, s17, s29, $0xb8;
	[tilespmem:$0x184E0] =	vst v63  }
0x102: {  	s9 =	simm.s32 @!p1 $0xD  }
0x103: {  	[spmem:s4] =	stream.indirect.scatter.add.f32 [tilespmem:s26], [sflag:$0x11], $0x8, s17, s29, $0xb8;
	[tilespmem:$0x184E0] =	vst v63  }
0x104: {  	_ =	swait.ge @!p1 [sflag:s9], $0x1000  }
0x105: {  	[sflag:s9] =	ssyncset.done @!p1 $0x0  }
0x106: {  	s18 =	sadd.s32 $0xB2E0, s8;
	[sflag:s9] =	ssyncadd.s32 @!p1 $0xFFFFF000  }
0x107: {  	[tilespmem:s0], [sflag:$0x5] =	stream.indirect.gather [spmem:s3], $0x20, s18, s29, $0xb8;
	[tilespmem:$0x184E0] =	vst v63  }
0x108: {  	_ =	swait.ge [sflag:s6], $0x1000  }
0x109: {  	[sflag:s6] =	ssyncset.done $0x0  }
0x10a: {  	s19 =	sadd.s32 $0xD960, s8;
	[sflag:s6] =	ssyncadd.s32 $0xFFFFF000  }
0x10b: {  	[spmem:s1] =	stream.indirect.scatter.add.f32 [tilespmem:s30], [sflag:$0xA], $0x20, s19, s29, $0xb8;
	[tilespmem:$0x184E0] =	vst v63  }
0x10c: {  	s9 =	simm.s32 @!p1 $0xE  }
0x10d: {  	[spmem:s4] =	stream.indirect.scatter.add.f32 [tilespmem:s26], [sflag:$0x11], $0x8, s19, s29, $0xb8;
	[tilespmem:$0x184E0] =	vst v63  }
0x10e: {  	_ =	swait.ge @!p1 [sflag:s9], $0x1000  }
0x10f: {  	[sflag:s9] =	ssyncset.done @!p1 $0x0  }
0x110: {  	s23 =	sadd.s32 $0xB360, s8;
	s22 =	rddreg [dreg:$0x5];
	[sflag:s9] =	ssyncadd.s32 @!p1 $0xFFFFF000  }
0x111: {  	[tilespmem:s22], [sflag:$0x6] =	stream.indirect.gather [spmem:s3], $0x20, s23, s29, $0xb8;
	[tilespmem:$0x184E0] =	vst v63  }
0x112: {  	_ =	swait.ge [sflag:s10], $0x1000  }
0x113: {  	[sflag:s10] =	ssyncset.done $0x0  }
0x114: {  	p2 =	slt.u32 s16, $0x5;
	s15 =	sadd.s32 $0xD9E0, s8;
	[sflag:s10] =	ssyncadd.s32 $0xFFFFF000  }
0x115: {  	[spmem:s1] =	stream.indirect.scatter.add.f32 [tilespmem:s21], [sflag:$0xB], $0x20, s15, s29, $0xb8;
	[tilespmem:$0x184E0] =	vst v63  }
0x116: {  	s2 =	simm.s32 @!p2 $0xF  }
0x117: {  	[spmem:s4] =	stream.indirect.scatter.add.f32 [tilespmem:s26], [sflag:$0x11], $0x8, s15, s29, $0xb8;
	[tilespmem:$0x184E0] =	vst v63  }
0x118: {  	_ =	swait.ge @!p2 [sflag:s2], $0x1000  }
0x119: {  	[sflag:s2] =	ssyncset.done @!p2 $0x0  }
0x11a: {  	s17 =	sadd.s32 $0xB3E0, s8;
	[sflag:s2] =	ssyncadd.s32 @!p2 $0xFFFFF000  }
0x11b: {  	[tilespmem:s11], [sflag:$0x7] =	stream.indirect.gather [spmem:s3], $0x20, s17, s29, $0xb8;
	[tilespmem:$0x184E0] =	vst v63  }
0x11c: {  	_ =	swait.ge [sflag:s25], $0x1000  }
0x11d: {  	[sflag:s25] =	ssyncset.done $0x0  }
0x11e: {  	s18 =	sadd.s32 $0xDA60, s8;
	[sflag:s25] =	ssyncadd.s32 $0xFFFFF000  }
0x11f: {  	[spmem:s1] =	stream.indirect.scatter.add.f32 [tilespmem:s31], [sflag:$0xC], $0x20, s18, s29, $0xb8;
	[tilespmem:$0x184E0] =	vst v63  }
0x120: {  	s9 =	simm.s32 @!p1 $0x10  }
0x121: {  	[spmem:s4] =	stream.indirect.scatter.add.f32 [tilespmem:s26], [sflag:$0x11], $0x8, s18, s29, $0xb8;
	[tilespmem:$0x184E0] =	vst v63  }
0x122: {  	_ =	swait.ge @!p1 [sflag:s9], $0x1000  }
0x123: {  	[sflag:s9] =	ssyncset.done @!p1 $0x0  }
0x124: {  	s19 =	sadd.s32 $0xB460, s8;
	[sflag:s9] =	ssyncadd.s32 @!p1 $0xFFFFF000  }
0x125: {  	[tilespmem:s12], [sflag:$0x8] =	stream.indirect.gather [spmem:s3], $0x20, s19, s29, $0xb8;
	[tilespmem:$0x184E0] =	vst v63  }
0x126: {  	_ =	swait.ge [sflag:s13], $0x1000  }
0x127: {  	[sflag:s13] =	ssyncset.done $0x0  }
0x128: {  	s22 =	sadd.s32 $0xDAE0, s8;
	p1 =	seq.s32 s7, $0x9000;
	[sflag:s13] =	ssyncadd.s32 $0xFFFFF000  }
0x129: {  	[spmem:s1] =	stream.indirect.scatter.add.f32 [tilespmem:s0], [sflag:$0xD], $0x20, s22, s29, $0xb8;
	[tilespmem:$0x184E0] =	vst v63  }
0x12a: {  	s9 =	simm.s32 @p1 $0x6  }
0x12b: {  	[spmem:s4] =	stream.indirect.scatter.add.f32 [tilespmem:s26], [sflag:$0x11], $0x8, s22, s29, $0xb8;
	[tilespmem:$0x184E0] =	vst v63  }
0x12c: {  	_ =	swait.ge @p1 [sflag:s9], $0x1000  }
0x12d: {  	s2 =	sshra.s32 @p1 s7, $0x2;
	s15 =	simm.s32 @p1 $0x150E0;
	[sflag:s9] =	ssyncset.done @p1 $0x0  }
0x12e: {  	s2 =	sadd.s32 @p1 $0xDB60, s2;
	[sflag:s9] =	ssyncadd.s32 @p1 $0xFFFFF000;
	s9 =	simm.s32 @p1 $0x80  }
0x12f: {  	[spmem:s1] =	stream.indirect.scatter.add.f32 @p1 [tilespmem:s15], [sflag:$0xE], $0x20, s2, s9, $0xb8;
	[tilespmem:$0x184E0] =	vst v63  }
0x130: {  	s15 =	simm.s32 @p1 $0x180E0  }
0x131: {  	[spmem:s4] =	stream.indirect.scatter.add.f32 @p1 [tilespmem:s15], [sflag:$0x11], $0x8, s2, s9, $0xb8;
	[tilespmem:$0x184E0] =	vst v63  }
0x132: {  	s2 =	simm.s32 @!p1 $0x9  }
0x133: {  	s7 =	sshra.s32 @!p1 s7, $0x2;
	_ =	swait.ge @!p1 [sflag:s2], $0x1000  }
0x134: {  	s9 =	sadd.s32 @!p1 $0xB4E0, s7;
	[sflag:s2] =	ssyncset.done @!p1 $0x0  }
0x135: {  	s15 =	simm.s32 @!p1 $0x80;
	[sflag:s2] =	ssyncadd.s32 @!p1 $0xFFFFF000;
	s2 =	simm.s32 @!p1 $0x100E0  }
0x136: {  	[tilespmem:s2], [sflag:$0x1] =	stream.indirect.gather @!p1 [spmem:s3], $0x20, s9, s15, $0xb8;
	[tilespmem:$0x184E0] =	vst v63  }
0x137: {  	s2 =	simm.s32 @!p1 $0x6  }
0x138: {  	_ =	swait.ge @!p1 [sflag:s2], $0x1000  }
0x139: {  	[sflag:s2] =	ssyncset.done @!p1 $0x0  }
0x13a: {  	s9 =	sadd.s32 @!p1 $0xDB60, s7;
	[sflag:s2] =	ssyncadd.s32 @!p1 $0xFFFFF000;
	s2 =	simm.s32 @!p1 $0x150E0  }
0x13b: {  	[spmem:s1] =	stream.indirect.scatter.add.f32 @!p1 [tilespmem:s2], [sflag:$0xE], $0x20, s9, s15, $0xb8;
	[tilespmem:$0x184E0] =	vst v63  }
0x13c: {  	s2 =	simm.s32 @!p1 $0x180E0  }
0x13d: {  	[spmem:s4] =	stream.indirect.scatter.add.f32 @!p1 [tilespmem:s2], [sflag:$0x11], $0x8, s9, s15, $0xb8;
	[tilespmem:$0x184E0] =	vst v63  }
0x13e: {  	s2 =	simm.s32 @!p1 $0xA  }
0x13f: {  	_ =	swait.ge @!p1 [sflag:s2], $0x1000  }
0x140: {  	[sflag:s2] =	ssyncset.done @!p1 $0x0  }
0x141: {  	s9 =	sadd.s32 @!p1 $0xB560, s7;
	[sflag:s2] =	ssyncadd.s32 @!p1 $0xFFFFF000;
	s2 =	simm.s32 @!p1 $0x110E0  }
0x142: {  	[tilespmem:s2], [sflag:$0x2] =	stream.indirect.gather @!p1 [spmem:s3], $0x20, s9, s15, $0xb8;
	[tilespmem:$0x184E0] =	vst v63  }
0x143: {  	_ =	swait.ge [sflag:s14], $0x1000  }
0x144: {  	[sflag:s14] =	ssyncset.done $0x0  }
0x145: {  	s23 =	sadd.s32 $0xDBE0, s8;
	[sflag:s14] =	ssyncadd.s32 $0xFFFFF000  }
0x146: {  	[spmem:s1] =	stream.indirect.scatter.add.f32 [tilespmem:s11], [sflag:$0xF], $0x20, s23, s29, $0xb8;
	[tilespmem:$0x184E0] =	vst v63  }
0x147: {  	s2 =	simm.s32 @!p1 $0xB  }
0x148: {  	[spmem:s4] =	stream.indirect.scatter.add.f32 [tilespmem:s26], [sflag:$0x11], $0x8, s23, s29, $0xb8;
	[tilespmem:$0x184E0] =	vst v63  }
0x149: {  	_ =	swait.ge @!p1 [sflag:s2], $0x1000  }
0x14a: {  	[sflag:s2] =	ssyncset.done @!p1 $0x0  }
0x14b: {  	s7 =	sadd.s32 @!p1 $0xB5E0, s7;
	[sflag:s2] =	ssyncadd.s32 @!p1 $0xFFFFF000;
	s2 =	simm.s32 @!p1 $0x120E0  }
0x14c: {  	[tilespmem:s2], [sflag:$0x3] =	stream.indirect.gather @!p1 [spmem:s3], $0x20, s7, s15, $0xb8;
	[tilespmem:$0x184E0] =	vst v63  }
0x14d: {  	_ =	swait.ge [sflag:s28], $0x1000  }
0x14e: {  	[sflag:s28] =	ssyncset.done $0x0  }
0x14f: {  	s9 =	sadd.s32 $0xDC60, s8;
	[sflag:s28] =	ssyncadd.s32 $0xFFFFF000  }
0x150: {  	[spmem:s1] =	stream.indirect.scatter.add.f32 [tilespmem:s12], [sflag:$0x10], $0x20, s9, s29, $0xb8;
	[tilespmem:$0x184E0] =	vst v63  }
0x151: {  	s15 =	simm.s32 $0x9  }
0x152: {  	[spmem:s4] =	stream.indirect.scatter.add.f32 [tilespmem:s26], [sflag:$0x11], $0x8, s9, s29, $0xb8;
	[tilespmem:$0x184E0] =	vst v63  }
0x153: {  	_ =	swait.ge [sflag:s15], $0x1000  }
0x154: {  	[sflag:s15] =	ssyncset.done $0x0  }
0x155: {  	s16 =	simm.s32 $0xA;
	[sflag:s15] =	ssyncadd.s32 $0xFFFFF000  }
0x156: {  	_ =	swait.ge [sflag:s16], $0x1000  }
0x157: {  	[sflag:s16] =	ssyncset.done $0x0  }
0x158: {  	s17 =	simm.s32 $0xB;
	[sflag:s16] =	ssyncadd.s32 $0xFFFFF000  }
0x159: {  	_ =	swait.ge [sflag:s17], $0x1000  }
0x15a: {  	[sflag:s17] =	ssyncset.done $0x0  }
0x15b: {  	s18 =	simm.s32 $0xC;
	[sflag:s17] =	ssyncadd.s32 $0xFFFFF000  }
0x15c: {  	_ =	swait.ge [sflag:s18], $0x1000  }
0x15d: {  	[sflag:s18] =	ssyncset.done $0x0  }
0x15e: {  	s19 =	simm.s32 $0xD;
	[sflag:s18] =	ssyncadd.s32 $0xFFFFF000  }
0x15f: {  	_ =	swait.ge [sflag:s19], $0x1000  }
0x160: {  	[sflag:s19] =	ssyncset.done $0x0  }
0x161: {  	s22 =	simm.s32 $0xE;
	[sflag:s19] =	ssyncadd.s32 $0xFFFFF000  }
0x162: {  	_ =	swait.ge [sflag:s22], $0x1000  }
0x163: {  	[sflag:s22] =	ssyncset.done $0x0  }
0x164: {  	s23 =	simm.s32 $0xF;
	[sflag:s22] =	ssyncadd.s32 $0xFFFFF000  }
0x165: {  	_ =	swait.ge [sflag:s23], $0x1000  }
0x166: {  	[sflag:s23] =	ssyncset.done $0x0  }
0x167: {  	s8 =	simm.s32 $0x10;
	[sflag:s23] =	ssyncadd.s32 $0xFFFFF000  }
0x168: {  	_ =	swait.ge [sflag:s8], $0x1000  }
0x169: {  	[sflag:s8] =	ssyncset.done $0x0  }
0x16a: {  	[sflag:s8] =	ssyncadd.s32 $0xFFFFF000  }
0x16b: {  	_ =	swait.ge [sflag:s5], $0x400  }
0x16c: {  	s7 =	simm.s32 $0x4F;
	[sflag:s5] =	ssyncset.done $0x0  }
.LBB2_4:
0x16d: {  	p1 =	sne.s32 s7, $0x1;
	s7 =	sadd.s32 $0xFFFFFFFF, s7;
	[sflag:s5] =	ssyncadd.s32 $0xFFFFFC00  }
.Ltmp1:
0x16e: {  	(pc) =	sbr.rel @p1 .LBB2_4-.Ltmp1, $3  }
0x16f: {  	_ =	sdelay $0x1  }
0x170: {  	_ =	swait.ge [sflag:s5], $0x400  }
0x171: {  	[sflag:s5] =	ssyncset.done $0x0  }
0x172: {  	[sflag:s5] =	ssyncadd.s32 $0xFFFFFC00  }
0x173: {  	[bflag:$0x0] =	sbarrier.arrive $0xFFFF  }
0x174: {  	s2 =	rddreg [dreg:$0x7]  }
0x175: {  	s7 =	rddreg [dreg:$0x10]  }
0x176: {  	s9 =	simm.s32 $0x12;
	s15 =	rddreg [dreg:$0x12];
	s2 =	sor.u32 $0x1C12, s2  }
0x177: {  	[hbm:s7@s8], [sflag:s2] =	dma.strided [spmem:s15@s25], $0x9E0, s24, $0x4   }
0x178: {  	_ =	swait.ge [sflag:s9], $0x9E0  }
0x179: {  	[sflag:s9] =	ssyncset.done $0x0;
	s19 =	rddreg [dreg:$0x11]  }
0x17a: {  	s16 =	rddreg [dreg:$0x16];
	[sflag:s9] =	ssyncadd.s32 $0xFFFFF620  }
0x17b: {  	[hbm:s19@s8], [sflag:s2] =	dma.strided [spmem:s16@s24], $0x278, s24, $0x1   }
0x17c: {  	_ =	swait.ge [sflag:s9], $0x278  }
0x17d: {  	s22 =	rddreg [dreg:$0x15]  }
0x17e: {  	s23 =	rddreg [dreg:$0xf];
	s7 =	sadd.s32 $0x1, s22  }
0x17f: {  	p1 =	sne.s32 s7, s23  }
.Ltmp2:
0x180: {  	_ = 	snop;
	(pc) =	sbr.rel @p1 .LBB2_1-.Ltmp2, $3  }
0x181: {  	_ =	sdelay $0x1  }
0x182: {  	[sflag:s9] =	ssyncset.done $0x0  }
0x183: {  	[sflag:s9] =	ssyncadd.s32 $0xFFFFFD88  }
0x184: {  	_ =	sfence.sel $0x180000  }
0x185: {  	[bflag:$0x0] =	sbarrier.arrive $0xFFFF  }
0x186: {  	_ =	strace $0x90000047  }
0x187: {  	s0 =	stileid.u32;
	[bflag:$0x2] =	sbarrier.arrive $0xFFFF  }
0x188: {  	p0 =	sne.s32 s0, $0x0;
	s0 =	rddreg [dreg:$0x4]  }
0x189: {  	s0 =	sadd.s32 @!p0 $0x100000, s0  }
0x18a: {  	[sflag:s0] =	ssyncadd.tile.s32 @!p0 $0x1;
	_ =	shalt  }
.Lfunc_end2:
_tile_overlayer_lowered:
.L_overlay_start_2:
0x18b: {  	(tag) =	ssettag $0x2  }
0x18c: {  	s0 =	rddreg [dreg:$0x0];
	s2 =	stileid.u32  }
0x18d: {  	s1 =	rddreg [dreg:$0x1];
	p0 =	sne.s32 s2, $0x0  }
0x18e: {  	s3 =	rddreg [dreg:$0x2];
	[bflag:$0x3] =	sbarrier.arrive $0xFFFF;
	s2 =	simm.s32 @!p0 $0x1C12  }
0x18f: {  	[timem:s3], [sflag:s2] =	dma.local @!p0 [hbm:s0], s1  }
0x190: {  	s0 =	simm.s32 @!p0 $0x12  }
0x191: {  	_ =	swait.ge @!p0 [sflag:s0], s1  }
0x192: {  	s1 =	ssub.s32 @!p0 $0x0, s1;
	[sflag:s0] =	ssyncset.done @!p0 $0x0  }
0x193: {  	[sflag:s0] =	ssyncadd.s32 @!p0 s1  }
0x194: {  	[bflag:$0x3] =	sbarrier.arrive $0xFFFF  }
0x195: {  	_ =	shalt  }

</sc_bundles>
